<compile_context>
chip_gen: v7x
topology: tpu7x:2x2x1
jax: 0.10.2.dev20260603
libtpu: 0.0.44.dev20260713+nightly
codegen_flags: <defaults>
</compile_context>

<pallas_src>
import functools

import jax
import jax.numpy as jnp
from jax import lax
from jax.experimental import pallas as pl
from jax.experimental.pallas import tpu as pltpu
from jax.experimental.pallas import tpu_sc as plsc

BUCKETS = 100000
D = 16
B = 16384
NC = 2
NS = 16
NW = NC * NS
BPW = B // NW
CHUNK = 128
NCHUNK = BPW // CHUNK
ROWS_PER_SUPER = 128 // D
SUPER = BUCKETS // ROWS_PER_SUPER
NBLK = (BUCKETS + 127) // 128
BLK_PER_W = (NBLK + NW - 1) // NW

_SC_PARAMS = pltpu.CompilerParams(
    needs_layout_passes=False, use_tc_tiling_on_sc=True,
    disable_bounds_checks=True)
_MESH = dict(core_axis_name="c", subcore_axis_name="s")


@functools.partial(
    pl.kernel,
    out_type=(jax.ShapeDtypeStruct((SUPER, 128), jnp.float32),
              jax.ShapeDtypeStruct((SUPER, 128), jnp.float32)),
    mesh=plsc.VectorSubcoreMesh(**_MESH),
    compiler_params=_SC_PARAMS,
    scratch_types=[
        pltpu.VMEM((D, 128), jnp.float32),
        pltpu.VMEM((D, 128), jnp.float32),
    ],
)
def _transpose_sc(ut_hbm, it_hbm, su_hbm, st_hbm, vab, vo):
    wid = lax.axis_index("s") * NC + lax.axis_index("c")
    iot = lax.iota(jnp.int32, D)
    nfull = BUCKETS // 128

    def block(i, carry):
        j = jnp.minimum(wid + NW * i, nfull - 1)
        c0 = pl.multiple_of(j * 128, 128)
        rows0 = pl.multiple_of(j * D, 8)
        for src, dst in ((ut_hbm, su_hbm), (it_hbm, st_hbm)):
            pltpu.sync_copy(src.at[pl.ds(0, D), pl.ds(c0, 128)], vab)
            for rr in range(D):
                for r8 in range(ROWS_PER_SUPER):
                    c = rr * ROWS_PER_SUPER + r8
                    y = plsc.load_gather(vab, [iot, jnp.full((D,), c, jnp.int32)])
                    vo[rr, pl.ds(r8 * D, D)] = y
            pltpu.sync_copy(vo, dst.at[pl.ds(rows0, D), :])
        return carry

    lax.fori_loop(0, BLK_PER_W, block, 0)

    @pl.when(wid == 0)
    def _tail():
        tvalid = (BUCKETS - nfull * 128) // ROWS_PER_SUPER
        tc0 = pl.multiple_of(jnp.int32(nfull) * 128, 128)
        trows = pl.multiple_of(jnp.int32(nfull) * D, 8)
        for src, dst in ((ut_hbm, su_hbm), (it_hbm, st_hbm)):
            pltpu.sync_copy(src.at[pl.ds(0, D), pl.ds(tc0, 128)], vab)
            for rr in range(tvalid):
                for r8 in range(ROWS_PER_SUPER):
                    c = rr * ROWS_PER_SUPER + r8
                    y = plsc.load_gather(vab, [iot, jnp.full((D,), c, jnp.int32)])
                    vo[rr, pl.ds(r8 * D, D)] = y
            pltpu.sync_copy(vo.at[pl.ds(0, tvalid), :],
                            dst.at[pl.ds(trows, tvalid), :])


@functools.partial(
    pl.kernel,
    out_type=jax.ShapeDtypeStruct((B,), jnp.float32),
    mesh=plsc.VectorSubcoreMesh(**_MESH),
    compiler_params=_SC_PARAMS,
    scratch_types=[
        pltpu.VMEM((BPW,), jnp.int32),
        pltpu.VMEM((BPW,), jnp.int32),
        pltpu.VMEM((BPW,), jnp.int32),
        pltpu.VMEM((BPW,), jnp.int32),
        pltpu.VMEM((CHUNK, 128), jnp.float32),
        pltpu.VMEM((CHUNK, 128), jnp.float32),
        pltpu.VMEM((CHUNK, 128), jnp.float32),
        pltpu.VMEM((CHUNK, 128), jnp.float32),
        pltpu.VMEM((BPW,), jnp.float32),
        pltpu.VMEM((D,), jnp.float32),
        pltpu.VMEM((D,), jnp.float32),
        pltpu.SemaphoreType.DMA,
        pltpu.SemaphoreType.DMA,
    ],
)
def _fm_sc(uid_hbm, tid_hbm, utab_hbm, itab_hbm, w_hbm, b_hbm, out_hbm,
           idx_u, idx_t, gu, gt, ub0, ub1, tb0, tb1, out_v, w_v, b_v,
           sem0, sem1):
    wid = lax.axis_index("s") * NC + lax.axis_index("c")
    base = wid * BPW

    pltpu.sync_copy(uid_hbm.at[pl.ds(base, BPW)], idx_u)
    pltpu.sync_copy(tid_hbm.at[pl.ds(base, BPW)], idx_t)
    pltpu.sync_copy(w_hbm, w_v)
    pltpu.sync_copy(b_hbm, b_v)

    def prep(k, carry):
        s = pl.ds(k * D, D)
        gu[s] = lax.shift_right_logical(idx_u[s], 3)
        gt[s] = lax.shift_right_logical(idx_t[s], 3)
        return carry

    lax.fori_loop(0, BPW // D, prep, 0)

    ubufs = (ub0, ub1)
    tbufs = (tb0, tb1)
    sems = (sem0, sem1)

    def fire(j):
        s = pl.ds(j * CHUNK, CHUNK)
        hu = pltpu.async_copy(utab_hbm.at[gu.at[s]], ubufs[j % 2], sems[j % 2])
        ht = pltpu.async_copy(itab_hbm.at[gt.at[s]], tbufs[j % 2], sems[j % 2])
        return hu, ht

    w = w_v[...]
    bb = b_v[...]
    iot = lax.iota(jnp.int32, D)

    handles = fire(0)
    for j in range(NCHUNK):
        nxt = fire(j + 1) if j + 1 < NCHUNK else None
        handles[0].wait()
        handles[1].wait()
        ubuf, tbuf = ubufs[j % 2], tbufs[j % 2]

        def group(g, carry):
            rows = g * D + iot
            s = pl.ds(j * CHUNK + g * D, D)
            cu = lax.shift_left(idx_u[s] & 7, 4)
            ct = lax.shift_left(idx_t[s] & 7, 4)
            acc = jnp.zeros((D,), jnp.float32)
            for d in range(D):
                u = plsc.load_gather(ubuf, [rows, cu + d])
                t = plsc.load_gather(tbuf, [rows, ct + d])
                acc = acc + u * t
            z = acc * w + bb
            out_v[s] = 1.0 / (1.0 + jnp.exp(-z))
            return carry

        lax.fori_loop(0, CHUNK // D, group, 0)
        handles = nxt

    pltpu.sync_copy(out_v, out_hbm.at[pl.ds(base, BPW)])


def kernel(f_uid, f_tid, user_table, item_table, W, b):
    uid = f_uid.astype(jnp.int32)
    tid = f_tid.astype(jnp.int32)
    wvec = jnp.broadcast_to(W.astype(jnp.float32).reshape(()), (D,))
    bvec = jnp.broadcast_to(b.astype(jnp.float32).reshape(()), (D,))
    su, st = _transpose_sc(user_table.T, item_table.T)
    y = _fm_sc(uid, tid, su, st, wvec, bvec)
    return y.reshape(B, 1)

# --- scband reference (transcript-rebuilt; emitter-appended) ---
"""Pipeline reference for scband-fm-model-21827023798779 (READ-ONLY COPY).

The authoritative reference and input builder live on the scoring server;
editing this copy changes nothing except your own understanding.
"""

import jax, jax.numpy as jnp
import numpy as np

BUCKET_SIZE = 100000
EMBED_DIM = 16
BATCH = 16384

def setup_inputs(seed: int = 0) -> dict:
    key = jax.random.key(seed)
    k1, k2, k3, k4, k5, k6 = jax.random.split(key, 6)
    f_uid = jax.random.randint(k1, (BATCH,), 0, BUCKET_SIZE, dtype=jnp.int64) if jax.config.jax_enable_x64 else jax.random.randint(k1, (BATCH,), 0, BUCKET_SIZE, dtype=jnp.int32)
    f_tid = jax.random.randint(k2, (BATCH,), 0, BUCKET_SIZE, dtype=jnp.int64) if jax.config.jax_enable_x64 else jax.random.randint(k2, (BATCH,), 0, BUCKET_SIZE, dtype=jnp.int32)
    user_table = jax.random.normal(k3, (BUCKET_SIZE, EMBED_DIM), dtype=jnp.float32) * 0.05
    item_table = jax.random.normal(k4, (BUCKET_SIZE, EMBED_DIM), dtype=jnp.float32) * 0.05
    W = jax.random.normal(k5, (1, 1), dtype=jnp.float32)
    b = jnp.zeros((1,), dtype=jnp.float32)
    return {"f_uid": f_uid, "f_tid": f_tid, "user_table": user_table, "item_table": item_table, "W": W, "b": b}

def reference(f_uid, f_tid, user_table, item_table, W, b):
    # embedding lookups (DenseFeatures with embedding_column -> gather by hashed id)
    yu = jnp.take(user_table, f_uid, axis=0)  # [B, D]
    yt = jnp.take(item_table, f_tid, axis=0)  # [B, D]
    # Dot(axes=(1,1)) -> elementwise product summed over embedding dim
    y_uxt = jnp.sum(yu * yt, axis=1, keepdims=True)  # [B, 1]
    # Dense(1, sigmoid)
    y = jax.nn.sigmoid(y_uxt @ W + b)  # [B, 1]
    return y

if __name__ == "__main__":
    import jax
    _d = setup_inputs()
    print(jax.jit(kernel)(*tuple(_d.values())))

</pallas_src>

<mosaic_0001>
#map = affine_map<(d0, d1) -> (0)>
#map1 = affine_map<(d0, d1) -> (0, 0)>
module attributes {stable_mosaic.version = 14 : i64} {
  func.func @_fm_sc(%arg0: i32, %arg1: i32, %arg2: memref<16384xi32, #tpu.memory_space<hbm>>, %arg3: memref<16384xi32, #tpu.memory_space<hbm>>, %arg4: memref<12500x128xf32, #tpu.memory_space<hbm>>, %arg5: memref<12500x128xf32, #tpu.memory_space<hbm>>, %arg6: memref<16xf32, #tpu.memory_space<hbm>>, %arg7: memref<16xf32, #tpu.memory_space<hbm>>, %arg8: memref<16384xf32, #tpu.memory_space<hbm>>, %arg9: memref<512xi32, #tpu.memory_space<vmem>>, %arg10: memref<512xi32, #tpu.memory_space<vmem>>, %arg11: memref<512xi32, #tpu.memory_space<vmem>>, %arg12: memref<512xi32, #tpu.memory_space<vmem>>, %arg13: memref<128x128xf32, #tpu.memory_space<vmem>>, %arg14: memref<128x128xf32, #tpu.memory_space<vmem>>, %arg15: memref<128x128xf32, #tpu.memory_space<vmem>>, %arg16: memref<128x128xf32, #tpu.memory_space<vmem>>, %arg17: memref<512xf32, #tpu.memory_space<vmem>>, %arg18: memref<16xf32, #tpu.memory_space<vmem>>, %arg19: memref<16xf32, #tpu.memory_space<vmem>>, %arg20: memref<!tpu.dma_semaphore, #tpu.memory_space<semaphore_mem>>, %arg21: memref<!tpu.dma_semaphore, #tpu.memory_space<semaphore_mem>>) attributes {dimension_semantics = [#tpu.dimension_semantics<core_parallel>, #tpu.dimension_semantics<subcore_parallel>], iteration_bounds = array<i64: 2, 16>, scalar_prefetch = 0 : i64, scratch_operands = 13 : i64, tpu.core_type = #tpu.core_type<sc_vector_subcore>, window_params = [{transform_indices = #map}, {transform_indices = #map}, {transform_indices = #map1}, {transform_indices = #map1}, {transform_indices = #map}, {transform_indices = #map}, {transform_indices = #map}]} {
    %mul3A = arith.constant 2 : i32
    %mul3A_0 = arith.muli %arg1, %mul3A : i32
    %add3A = arith.addi %mul3A_0, %arg0 : i32
    %mul3A_1 = arith.constant 512 : i32
    %mul3A_2 = arith.muli %add3A, %mul3A_1 : i32
    "tpu.region"() ({
      %run_scoped3A = tpu.sem_alloc : memref<!tpu.dma_semaphore, #tpu.memory_space<semaphore_mem>>
      %dma_start3A_113 = tpu.memref_slice %arg2[%mul3A_2] : memref<16384xi32, #tpu.memory_space<hbm>> -> memref<512xi32, #tpu.memory_space<hbm>>
      %dma_start3A_114 = tpu.memref_slice %arg2[%mul3A_2] : memref<16384xi32, #tpu.memory_space<hbm>> -> memref<512xi32, #tpu.memory_space<hbm>>
      tpu.enqueue_dma source(%dma_start3A_114 : memref<512xi32, #tpu.memory_space<hbm>>) target(%arg9 : memref<512xi32, #tpu.memory_space<vmem>>) target_semaphore(%run_scoped3A : memref<!tpu.dma_semaphore, #tpu.memory_space<semaphore_mem>>)
      %dma_wait3A_115 = tpu.memref_slice %arg2[%mul3A_2] : memref<16384xi32, #tpu.memory_space<hbm>> -> memref<512xi32, #tpu.memory_space<hbm>>
      %dma_wait3A_116 = tpu.memref_slice %arg2[%mul3A_2] : memref<16384xi32, #tpu.memory_space<hbm>> -> memref<512xi32, #tpu.memory_space<hbm>>
      tpu.wait_dma2 semaphore(%run_scoped3A : memref<!tpu.dma_semaphore, #tpu.memory_space<semaphore_mem>>) src(%dma_wait3A_116 : memref<512xi32, #tpu.memory_space<hbm>>) dst(%arg9 : memref<512xi32, #tpu.memory_space<vmem>>)
      tpu.yield
    }) : () -> ()
    "tpu.region"() ({
      %run_scoped3A = tpu.sem_alloc : memref<!tpu.dma_semaphore, #tpu.memory_space<semaphore_mem>>
      %dma_start3A_113 = tpu.memref_slice %arg3[%mul3A_2] : memref<16384xi32, #tpu.memory_space<hbm>> -> memref<512xi32, #tpu.memory_space<hbm>>
      %dma_start3A_114 = tpu.memref_slice %arg3[%mul3A_2] : memref<16384xi32, #tpu.memory_space<hbm>> -> memref<512xi32, #tpu.memory_space<hbm>>
      tpu.enqueue_dma source(%dma_start3A_114 : memref<512xi32, #tpu.memory_space<hbm>>) target(%arg10 : memref<512xi32, #tpu.memory_space<vmem>>) target_semaphore(%run_scoped3A : memref<!tpu.dma_semaphore, #tpu.memory_space<semaphore_mem>>)
      %dma_wait3A_115 = tpu.memref_slice %arg3[%mul3A_2] : memref<16384xi32, #tpu.memory_space<hbm>> -> memref<512xi32, #tpu.memory_space<hbm>>
      %dma_wait3A_116 = tpu.memref_slice %arg3[%mul3A_2] : memref<16384xi32, #tpu.memory_space<hbm>> -> memref<512xi32, #tpu.memory_space<hbm>>
      tpu.wait_dma2 semaphore(%run_scoped3A : memref<!tpu.dma_semaphore, #tpu.memory_space<semaphore_mem>>) src(%dma_wait3A_116 : memref<512xi32, #tpu.memory_space<hbm>>) dst(%arg10 : memref<512xi32, #tpu.memory_space<vmem>>)
      tpu.yield
    }) : () -> ()
    "tpu.region"() ({
      %run_scoped3A = tpu.sem_alloc : memref<!tpu.dma_semaphore, #tpu.memory_space<semaphore_mem>>
      tpu.enqueue_dma source(%arg6 : memref<16xf32, #tpu.memory_space<hbm>>) target(%arg18 : memref<16xf32, #tpu.memory_space<vmem>>) target_semaphore(%run_scoped3A : memref<!tpu.dma_semaphore, #tpu.memory_space<semaphore_mem>>)
      tpu.wait_dma2 semaphore(%run_scoped3A : memref<!tpu.dma_semaphore, #tpu.memory_space<semaphore_mem>>) src(%arg6 : memref<16xf32, #tpu.memory_space<hbm>>) dst(%arg18 : memref<16xf32, #tpu.memory_space<vmem>>)
      tpu.yield
    }) : () -> ()
    "tpu.region"() ({
      %run_scoped3A = tpu.sem_alloc : memref<!tpu.dma_semaphore, #tpu.memory_space<semaphore_mem>>
      tpu.enqueue_dma source(%arg7 : memref<16xf32, #tpu.memory_space<hbm>>) target(%arg19 : memref<16xf32, #tpu.memory_space<vmem>>) target_semaphore(%run_scoped3A : memref<!tpu.dma_semaphore, #tpu.memory_space<semaphore_mem>>)
      tpu.wait_dma2 semaphore(%run_scoped3A : memref<!tpu.dma_semaphore, #tpu.memory_space<semaphore_mem>>) src(%arg7 : memref<16xf32, #tpu.memory_space<hbm>>) dst(%arg19 : memref<16xf32, #tpu.memory_space<vmem>>)
      tpu.yield
    }) : () -> ()
    %scan3A = arith.constant 0 : i32
    %scan3A_3 = arith.constant 0 : i32
    %scan3A_4 = arith.constant 32 : i32
    %scan3A_5 = arith.addi %scan3A_3, %scan3A_4 : i32
    %scan3A_6 = arith.constant 1 : i32
    scf.for %scan3A_113 = %scan3A_3 to %scan3A_5 step %scan3A_6  : i32 {
      %mul3A_114 = arith.constant 16 : i32
      %mul3A_115 = arith.muli %scan3A_113, %mul3A_114 : i32
      %get3A_116 = arith.index_cast %mul3A_115 : i32 to index
      %get3A_117 = tpu.vector_load %arg9[%get3A_116] {strides = array<i32>} : memref<512xi32, #tpu.memory_space<vmem>>, vector<16xi32>,
      %shift_right_logical3A = arith.constant 3 : i32
      %shift_right_logical3A_118 = vector.broadcast %shift_right_logical3A : i32 to vector<16xi32>
      %shift_right_logical3A_119 = arith.shrui %get3A_117, %shift_right_logical3A_118 : vector<16xi32>
      %swap3A = arith.index_cast %mul3A_115 : i32 to index
      %swap3A_120 = tpu.vector_load %arg11[%swap3A] {strides = array<i32>} : memref<512xi32, #tpu.memory_space<vmem>>, vector<16xi32>,
      tpu.vector_store %arg11[%swap3A], %shift_right_logical3A_119 {strides = array<i32>} : memref<512xi32, #tpu.memory_space<vmem>>, vector<16xi32>,
      %get3A_121 = arith.index_cast %mul3A_115 : i32 to index
      %get3A_122 = tpu.vector_load %arg10[%get3A_121] {strides = array<i32>} : memref<512xi32, #tpu.memory_space<vmem>>, vector<16xi32>,
      %shift_right_logical3A_123 = arith.constant 3 : i32
      %shift_right_logical3A_124 = vector.broadcast %shift_right_logical3A_123 : i32 to vector<16xi32>
      %shift_right_logical3A_125 = arith.shrui %get3A_122, %shift_right_logical3A_124 : vector<16xi32>
      %swap3A_126 = arith.index_cast %mul3A_115 : i32 to index
      %swap3A_127 = tpu.vector_load %arg12[%swap3A_126] {strides = array<i32>} : memref<512xi32, #tpu.memory_space<vmem>>, vector<16xi32>,
      tpu.vector_store %arg12[%swap3A_126], %shift_right_logical3A_125 {strides = array<i32>} : memref<512xi32, #tpu.memory_space<vmem>>, vector<16xi32>,
    }
    %scan3A_7 = arith.constant 32 : i32
    %get3A = arith.constant 0 : index
    %get3A_8 = tpu.vector_load %arg18[%get3A] {strides = array<i32>} : memref<16xf32, #tpu.memory_space<vmem>>, vector<16xf32>,
    %get3A_9 = arith.constant 0 : index
    %get3A_10 = tpu.vector_load %arg19[%get3A_9] {strides = array<i32>} : memref<16xf32, #tpu.memory_space<vmem>>, vector<16xf32>,
    %iota3A = tpu.iota {dimensions = array<i32: 0>} : vector<16xi32>
    %dma_start3A = arith.constant 0 : i32
    %dma_start3A_11 = tpu.memref_slice %arg11[%dma_start3A] : memref<512xi32, #tpu.memory_space<vmem>> -> memref<128xi32, #tpu.memory_space<vmem>>
    %dma_start3A_12 = arith.constant 0 : i32
    %dma_start3A_13 = arith.constant 0 : i32
    %dma_start3A_14 = tpu.memref_slice %arg4[%dma_start3A_12, %dma_start3A_13] : memref<12500x128xf32, #tpu.memory_space<hbm>> -> memref<12500x128xf32, #tpu.memory_space<hbm>>
    tpu.enqueue_indirect_dma source(%dma_start3A_14 : memref<12500x128xf32, #tpu.memory_space<hbm>>) target(%arg13 : memref<128x128xf32, #tpu.memory_space<vmem>>) offsets(%dma_start3A_11 : memref<128xi32, #tpu.memory_space<vmem>>) semaphore(%arg20 : memref<!tpu.dma_semaphore, #tpu.memory_space<semaphore_mem>>)
    %dma_start3A_15 = arith.constant 0 : i32
    %dma_start3A_16 = tpu.memref_slice %arg12[%dma_start3A_15] : memref<512xi32, #tpu.memory_space<vmem>> -> memref<128xi32, #tpu.memory_space<vmem>>
    %dma_start3A_17 = arith.constant 0 : i32
    %dma_start3A_18 = arith.constant 0 : i32
    %dma_start3A_19 = tpu.memref_slice %arg5[%dma_start3A_17, %dma_start3A_18] : memref<12500x128xf32, #tpu.memory_space<hbm>> -> memref<12500x128xf32, #tpu.memory_space<hbm>>
    tpu.enqueue_indirect_dma source(%dma_start3A_19 : memref<12500x128xf32, #tpu.memory_space<hbm>>) target(%arg15 : memref<128x128xf32, #tpu.memory_space<vmem>>) offsets(%dma_start3A_16 : memref<128xi32, #tpu.memory_space<vmem>>) semaphore(%arg20 : memref<!tpu.dma_semaphore, #tpu.memory_space<semaphore_mem>>)
    %dma_start3A_20 = arith.constant 128 : i32
    %dma_start3A_21 = tpu.memref_slice %arg11[%dma_start3A_20] : memref<512xi32, #tpu.memory_space<vmem>> -> memref<128xi32, #tpu.memory_space<vmem>>
    %dma_start3A_22 = arith.constant 0 : i32
    %dma_start3A_23 = arith.constant 0 : i32
    %dma_start3A_24 = tpu.memref_slice %arg4[%dma_start3A_22, %dma_start3A_23] : memref<12500x128xf32, #tpu.memory_space<hbm>> -> memref<12500x128xf32, #tpu.memory_space<hbm>>
    tpu.enqueue_indirect_dma source(%dma_start3A_24 : memref<12500x128xf32, #tpu.memory_space<hbm>>) target(%arg14 : memref<128x128xf32, #tpu.memory_space<vmem>>) offsets(%dma_start3A_21 : memref<128xi32, #tpu.memory_space<vmem>>) semaphore(%arg21 : memref<!tpu.dma_semaphore, #tpu.memory_space<semaphore_mem>>)
    %dma_start3A_25 = arith.constant 128 : i32
    %dma_start3A_26 = tpu.memref_slice %arg12[%dma_start3A_25] : memref<512xi32, #tpu.memory_space<vmem>> -> memref<128xi32, #tpu.memory_space<vmem>>
    %dma_start3A_27 = arith.constant 0 : i32
    %dma_start3A_28 = arith.constant 0 : i32
    %dma_start3A_29 = tpu.memref_slice %arg5[%dma_start3A_27, %dma_start3A_28] : memref<12500x128xf32, #tpu.memory_space<hbm>> -> memref<12500x128xf32, #tpu.memory_space<hbm>>
    tpu.enqueue_indirect_dma source(%dma_start3A_29 : memref<12500x128xf32, #tpu.memory_space<hbm>>) target(%arg16 : memref<128x128xf32, #tpu.memory_space<vmem>>) offsets(%dma_start3A_26 : memref<128xi32, #tpu.memory_space<vmem>>) semaphore(%arg21 : memref<!tpu.dma_semaphore, #tpu.memory_space<semaphore_mem>>)
    %dma_wait3A = arith.constant 0 : i32
    %dma_wait3A_30 = tpu.memref_slice %arg11[%dma_wait3A] : memref<512xi32, #tpu.memory_space<vmem>> -> memref<128xi32, #tpu.memory_space<vmem>>
    %dma_wait3A_31 = arith.constant 0 : i32
    %dma_wait3A_32 = arith.constant 0 : i32
    %dma_wait3A_33 = tpu.memref_slice %arg4[%dma_wait3A_31, %dma_wait3A_32] : memref<12500x128xf32, #tpu.memory_space<hbm>> -> memref<12500x128xf32, #tpu.memory_space<hbm>>
    tpu.wait_indirect_dma semaphore(%arg20 : memref<!tpu.dma_semaphore, #tpu.memory_space<semaphore_mem>>) src(%dma_wait3A_33 : memref<12500x128xf32, #tpu.memory_space<hbm>>) dst(%arg13 : memref<128x128xf32, #tpu.memory_space<vmem>>)
    %dma_wait3A_34 = arith.constant 0 : i32
    %dma_wait3A_35 = tpu.memref_slice %arg12[%dma_wait3A_34] : memref<512xi32, #tpu.memory_space<vmem>> -> memref<128xi32, #tpu.memory_space<vmem>>
    %dma_wait3A_36 = arith.constant 0 : i32
    %dma_wait3A_37 = arith.constant 0 : i32
    %dma_wait3A_38 = tpu.memref_slice %arg5[%dma_wait3A_36, %dma_wait3A_37] : memref<12500x128xf32, #tpu.memory_space<hbm>> -> memref<12500x128xf32, #tpu.memory_space<hbm>>
    tpu.wait_indirect_dma semaphore(%arg20 : memref<!tpu.dma_semaphore, #tpu.memory_space<semaphore_mem>>) src(%dma_wait3A_38 : memref<12500x128xf32, #tpu.memory_space<hbm>>) dst(%arg15 : memref<128x128xf32, #tpu.memory_space<vmem>>)
    %scan3A_39 = arith.constant 0 : i32
    %scan3A_40 = arith.constant 0 : i32
    %scan3A_41 = arith.constant 8 : i32
    %scan3A_42 = arith.addi %scan3A_40, %scan3A_41 : i32
    %scan3A_43 = arith.constant 1 : i32
    scf.for %scan3A_113 = %scan3A_40 to %scan3A_42 step %scan3A_43  : i32 {
      %mul3A_114 = arith.constant 16 : i32
      %mul3A_115 = arith.muli %scan3A_113, %mul3A_114 : i32
      %add3A_116 = vector.broadcast %mul3A_115 : i32 to vector<16xi32>
      %add3A_117 = arith.addi %add3A_116, %iota3A : vector<16xi32>
      %mul3A_118 = arith.constant 16 : i32
      %mul3A_119 = arith.muli %scan3A_113, %mul3A_118 : i32
      %add3A_120 = arith.constant 0 : i32
      %add3A_121 = arith.addi %add3A_120, %mul3A_119 : i32
      %get3A_122 = arith.index_cast %add3A_121 : i32 to index
      %get3A_123 = tpu.vector_load %arg9[%get3A_122] {strides = array<i32>} : memref<512xi32, #tpu.memory_space<vmem>>, vector<16xi32>,
      %and3A = arith.constant 7 : i32
      %and3A_124 = vector.broadcast %and3A : i32 to vector<16xi32>
      %and3A_125 = arith.andi %get3A_123, %and3A_124 : vector<16xi32>
      %shift_left3A = arith.constant 4 : i32
      %shift_left3A_126 = vector.broadcast %shift_left3A : i32 to vector<16xi32>
      %shift_left3A_127 = arith.shli %and3A_125, %shift_left3A_126 : vector<16xi32>
      %get3A_128 = arith.index_cast %add3A_121 : i32 to index
      %get3A_129 = tpu.vector_load %arg10[%get3A_128] {strides = array<i32>} : memref<512xi32, #tpu.memory_space<vmem>>, vector<16xi32>,
      %and3A_130 = arith.constant 7 : i32
      %and3A_131 = vector.broadcast %and3A_130 : i32 to vector<16xi32>
      %and3A_132 = arith.andi %get3A_129, %and3A_131 : vector<16xi32>
      %shift_left3A_133 = arith.constant 4 : i32
      %shift_left3A_134 = vector.broadcast %shift_left3A_133 : i32 to vector<16xi32>
      %shift_left3A_135 = arith.shli %and3A_132, %shift_left3A_134 : vector<16xi32>
      %broadcast_in_dim3A = arith.constant 0.000000e+00 : f32
      %broadcast_in_dim3A_136 = vector.broadcast %broadcast_in_dim3A : f32 to vector<16xf32>
      %add3A_137 = arith.constant 0 : i32
      %add3A_138 = vector.broadcast %add3A_137 : i32 to vector<16xi32>
      %add3A_139 = arith.addi %shift_left3A_127, %add3A_138 : vector<16xi32>
      %gather3A = tpu.vector_load_idx %arg13[%add3A_117, %add3A_139] : memref<128x128xf32, #tpu.memory_space<vmem>>[vector<16xi32>, vector<16xi32>], vector<16xf32>,
      %add3A_140 = arith.constant 0 : i32
      %add3A_141 = vector.broadcast %add3A_140 : i32 to vector<16xi32>
      %add3A_142 = arith.addi %shift_left3A_135, %add3A_141 : vector<16xi32>
      %gather3A_143 = tpu.vector_load_idx %arg15[%add3A_117, %add3A_142] : memref<128x128xf32, #tpu.memory_space<vmem>>[vector<16xi32>, vector<16xi32>], vector<16xf32>,
      %mul3A_144 = arith.mulf %gather3A, %gather3A_143 : vector<16xf32>
      %add3A_145 = arith.addf %broadcast_in_dim3A_136, %mul3A_144 : vector<16xf32>
      %add3A_146 = arith.constant 1 : i32
      %add3A_147 = vector.broadcast %add3A_146 : i32 to vector<16xi32>
      %add3A_148 = arith.addi %shift_left3A_127, %add3A_147 : vector<16xi32>
      %gather3A_149 = tpu.vector_load_idx %arg13[%add3A_117, %add3A_148] : memref<128x128xf32, #tpu.memory_space<vmem>>[vector<16xi32>, vector<16xi32>], vector<16xf32>,
      %add3A_150 = arith.constant 1 : i32
      %add3A_151 = vector.broadcast %add3A_150 : i32 to vector<16xi32>
      %add3A_152 = arith.addi %shift_left3A_135, %add3A_151 : vector<16xi32>
      %gather3A_153 = tpu.vector_load_idx %arg15[%add3A_117, %add3A_152] : memref<128x128xf32, #tpu.memory_space<vmem>>[vector<16xi32>, vector<16xi32>], vector<16xf32>,
      %mul3A_154 = arith.mulf %gather3A_149, %gather3A_153 : vector<16xf32>
      %add3A_155 = arith.addf %add3A_145, %mul3A_154 : vector<16xf32>
      %add3A_156 = arith.constant 2 : i32
      %add3A_157 = vector.broadcast %add3A_156 : i32 to vector<16xi32>
      %add3A_158 = arith.addi %shift_left3A_127, %add3A_157 : vector<16xi32>
      %gather3A_159 = tpu.vector_load_idx %arg13[%add3A_117, %add3A_158] : memref<128x128xf32, #tpu.memory_space<vmem>>[vector<16xi32>, vector<16xi32>], vector<16xf32>,
      %add3A_160 = arith.constant 2 : i32
      %add3A_161 = vector.broadcast %add3A_160 : i32 to vector<16xi32>
      %add3A_162 = arith.addi %shift_left3A_135, %add3A_161 : vector<16xi32>
      %gather3A_163 = tpu.vector_load_idx %arg15[%add3A_117, %add3A_162] : memref<128x128xf32, #tpu.memory_space<vmem>>[vector<16xi32>, vector<16xi32>], vector<16xf32>,
      %mul3A_164 = arith.mulf %gather3A_159, %gather3A_163 : vector<16xf32>
      %add3A_165 = arith.addf %add3A_155, %mul3A_164 : vector<16xf32>
      %add3A_166 = arith.constant 3 : i32
      %add3A_167 = vector.broadcast %add3A_166 : i32 to vector<16xi32>
      %add3A_168 = arith.addi %shift_left3A_127, %add3A_167 : vector<16xi32>
      %gather3A_169 = tpu.vector_load_idx %arg13[%add3A_117, %add3A_168] : memref<128x128xf32, #tpu.memory_space<vmem>>[vector<16xi32>, vector<16xi32>], vector<16xf32>,
      %add3A_170 = arith.constant 3 : i32
      %add3A_171 = vector.broadcast %add3A_170 : i32 to vector<16xi32>
      %add3A_172 = arith.addi %shift_left3A_135, %add3A_171 : vector<16xi32>
      %gather3A_173 = tpu.vector_load_idx %arg15[%add3A_117, %add3A_172] : memref<128x128xf32, #tpu.memory_space<vmem>>[vector<16xi32>, vector<16xi32>], vector<16xf32>,
      %mul3A_174 = arith.mulf %gather3A_169, %gather3A_173 : vector<16xf32>
      %add3A_175 = arith.addf %add3A_165, %mul3A_174 : vector<16xf32>
      %add3A_176 = arith.constant 4 : i32
      %add3A_177 = vector.broadcast %add3A_176 : i32 to vector<16xi32>
      %add3A_178 = arith.addi %shift_left3A_127, %add3A_177 : vector<16xi32>
      %gather3A_179 = tpu.vector_load_idx %arg13[%add3A_117, %add3A_178] : memref<128x128xf32, #tpu.memory_space<vmem>>[vector<16xi32>, vector<16xi32>], vector<16xf32>,
      %add3A_180 = arith.constant 4 : i32
      %add3A_181 = vector.broadcast %add3A_180 : i32 to vector<16xi32>
      %add3A_182 = arith.addi %shift_left3A_135, %add3A_181 : vector<16xi32>
      %gather3A_183 = tpu.vector_load_idx %arg15[%add3A_117, %add3A_182] : memref<128x128xf32, #tpu.memory_space<vmem>>[vector<16xi32>, vector<16xi32>], vector<16xf32>,
      %mul3A_184 = arith.mulf %gather3A_179, %gather3A_183 : vector<16xf32>
      %add3A_185 = arith.addf %add3A_175, %mul3A_184 : vector<16xf32>
      %add3A_186 = arith.constant 5 : i32
      %add3A_187 = vector.broadcast %add3A_186 : i32 to vector<16xi32>
      %add3A_188 = arith.addi %shift_left3A_127, %add3A_187 : vector<16xi32>
      %gather3A_189 = tpu.vector_load_idx %arg13[%add3A_117, %add3A_188] : memref<128x128xf32, #tpu.memory_space<vmem>>[vector<16xi32>, vector<16xi32>], vector<16xf32>,
      %add3A_190 = arith.constant 5 : i32
      %add3A_191 = vector.broadcast %add3A_190 : i32 to vector<16xi32>
      %add3A_192 = arith.addi %shift_left3A_135, %add3A_191 : vector<16xi32>
      %gather3A_193 = tpu.vector_load_idx %arg15[%add3A_117, %add3A_192] : memref<128x128xf32, #tpu.memory_space<vmem>>[vector<16xi32>, vector<16xi32>], vector<16xf32>,
      %mul3A_194 = arith.mulf %gather3A_189, %gather3A_193 : vector<16xf32>
      %add3A_195 = arith.addf %add3A_185, %mul3A_194 : vector<16xf32>
      %add3A_196 = arith.constant 6 : i32
      %add3A_197 = vector.broadcast %add3A_196 : i32 to vector<16xi32>
      %add3A_198 = arith.addi %shift_left3A_127, %add3A_197 : vector<16xi32>
      %gather3A_199 = tpu.vector_load_idx %arg13[%add3A_117, %add3A_198] : memref<128x128xf32, #tpu.memory_space<vmem>>[vector<16xi32>, vector<16xi32>], vector<16xf32>,
      %add3A_200 = arith.constant 6 : i32
      %add3A_201 = vector.broadcast %add3A_200 : i32 to vector<16xi32>
      %add3A_202 = arith.addi %shift_left3A_135, %add3A_201 : vector<16xi32>
      %gather3A_203 = tpu.vector_load_idx %arg15[%add3A_117, %add3A_202] : memref<128x128xf32, #tpu.memory_space<vmem>>[vector<16xi32>, vector<16xi32>], vector<16xf32>,
      %mul3A_204 = arith.mulf %gather3A_199, %gather3A_203 : vector<16xf32>
      %add3A_205 = arith.addf %add3A_195, %mul3A_204 : vector<16xf32>
      %add3A_206 = arith.constant 7 : i32
      %add3A_207 = vector.broadcast %add3A_206 : i32 to vector<16xi32>
      %add3A_208 = arith.addi %shift_left3A_127, %add3A_207 : vector<16xi32>
      %gather3A_209 = tpu.vector_load_idx %arg13[%add3A_117, %add3A_208] : memref<128x128xf32, #tpu.memory_space<vmem>>[vector<16xi32>, vector<16xi32>], vector<16xf32>,
      %add3A_210 = arith.constant 7 : i32
      %add3A_211 = vector.broadcast %add3A_210 : i32 to vector<16xi32>
      %add3A_212 = arith.addi %shift_left3A_135, %add3A_211 : vector<16xi32>
      %gather3A_213 = tpu.vector_load_idx %arg15[%add3A_117, %add3A_212] : memref<128x128xf32, #tpu.memory_space<vmem>>[vector<16xi32>, vector<16xi32>], vector<16xf32>,
      %mul3A_214 = arith.mulf %gather3A_209, %gather3A_213 : vector<16xf32>
      %add3A_215 = arith.addf %add3A_205, %mul3A_214 : vector<16xf32>
      %add3A_216 = arith.constant 8 : i32
      %add3A_217 = vector.broadcast %add3A_216 : i32 to vector<16xi32>
      %add3A_218 = arith.addi %shift_left3A_127, %add3A_217 : vector<16xi32>
      %gather3A_219 = tpu.vector_load_idx %arg13[%add3A_117, %add3A_218] : memref<128x128xf32, #tpu.memory_space<vmem>>[vector<16xi32>, vector<16xi32>], vector<16xf32>,
      %add3A_220 = arith.constant 8 : i32
      %add3A_221 = vector.broadcast %add3A_220 : i32 to vector<16xi32>
      %add3A_222 = arith.addi %shift_left3A_135, %add3A_221 : vector<16xi32>
      %gather3A_223 = tpu.vector_load_idx %arg15[%add3A_117, %add3A_222] : memref<128x128xf32, #tpu.memory_space<vmem>>[vector<16xi32>, vector<16xi32>], vector<16xf32>,
      %mul3A_224 = arith.mulf %gather3A_219, %gather3A_223 : vector<16xf32>
      %add3A_225 = arith.addf %add3A_215, %mul3A_224 : vector<16xf32>
      %add3A_226 = arith.constant 9 : i32
      %add3A_227 = vector.broadcast %add3A_226 : i32 to vector<16xi32>
      %add3A_228 = arith.addi %shift_left3A_127, %add3A_227 : vector<16xi32>
      %gather3A_229 = tpu.vector_load_idx %arg13[%add3A_117, %add3A_228] : memref<128x128xf32, #tpu.memory_space<vmem>>[vector<16xi32>, vector<16xi32>], vector<16xf32>,
      %add3A_230 = arith.constant 9 : i32
      %add3A_231 = vector.broadcast %add3A_230 : i32 to vector<16xi32>
      %add3A_232 = arith.addi %shift_left3A_135, %add3A_231 : vector<16xi32>
      %gather3A_233 = tpu.vector_load_idx %arg15[%add3A_117, %add3A_232] : memref<128x128xf32, #tpu.memory_space<vmem>>[vector<16xi32>, vector<16xi32>], vector<16xf32>,
      %mul3A_234 = arith.mulf %gather3A_229, %gather3A_233 : vector<16xf32>
      %add3A_235 = arith.addf %add3A_225, %mul3A_234 : vector<16xf32>
      %add3A_236 = arith.constant 10 : i32
      %add3A_237 = vector.broadcast %add3A_236 : i32 to vector<16xi32>
      %add3A_238 = arith.addi %shift_left3A_127, %add3A_237 : vector<16xi32>
      %gather3A_239 = tpu.vector_load_idx %arg13[%add3A_117, %add3A_238] : memref<128x128xf32, #tpu.memory_space<vmem>>[vector<16xi32>, vector<16xi32>], vector<16xf32>,
      %add3A_240 = arith.constant 10 : i32
      %add3A_241 = vector.broadcast %add3A_240 : i32 to vector<16xi32>
      %add3A_242 = arith.addi %shift_left3A_135, %add3A_241 : vector<16xi32>
      %gather3A_243 = tpu.vector_load_idx %arg15[%add3A_117, %add3A_242] : memref<128x128xf32, #tpu.memory_space<vmem>>[vector<16xi32>, vector<16xi32>], vector<16xf32>,
      %mul3A_244 = arith.mulf %gather3A_239, %gather3A_243 : vector<16xf32>
      %add3A_245 = arith.addf %add3A_235, %mul3A_244 : vector<16xf32>
      %add3A_246 = arith.constant 11 : i32
      %add3A_247 = vector.broadcast %add3A_246 : i32 to vector<16xi32>
      %add3A_248 = arith.addi %shift_left3A_127, %add3A_247 : vector<16xi32>
      %gather3A_249 = tpu.vector_load_idx %arg13[%add3A_117, %add3A_248] : memref<128x128xf32, #tpu.memory_space<vmem>>[vector<16xi32>, vector<16xi32>], vector<16xf32>,
      %add3A_250 = arith.constant 11 : i32
      %add3A_251 = vector.broadcast %add3A_250 : i32 to vector<16xi32>
      %add3A_252 = arith.addi %shift_left3A_135, %add3A_251 : vector<16xi32>
      %gather3A_253 = tpu.vector_load_idx %arg15[%add3A_117, %add3A_252] : memref<128x128xf32, #tpu.memory_space<vmem>>[vector<16xi32>, vector<16xi32>], vector<16xf32>,
      %mul3A_254 = arith.mulf %gather3A_249, %gather3A_253 : vector<16xf32>
      %add3A_255 = arith.addf %add3A_245, %mul3A_254 : vector<16xf32>
      %add3A_256 = arith.constant 12 : i32
      %add3A_257 = vector.broadcast %add3A_256 : i32 to vector<16xi32>
      %add3A_258 = arith.addi %shift_left3A_127, %add3A_257 : vector<16xi32>
      %gather3A_259 = tpu.vector_load_idx %arg13[%add3A_117, %add3A_258] : memref<128x128xf32, #tpu.memory_space<vmem>>[vector<16xi32>, vector<16xi32>], vector<16xf32>,
      %add3A_260 = arith.constant 12 : i32
      %add3A_261 = vector.broadcast %add3A_260 : i32 to vector<16xi32>
      %add3A_262 = arith.addi %shift_left3A_135, %add3A_261 : vector<16xi32>
      %gather3A_263 = tpu.vector_load_idx %arg15[%add3A_117, %add3A_262] : memref<128x128xf32, #tpu.memory_space<vmem>>[vector<16xi32>, vector<16xi32>], vector<16xf32>,
      %mul3A_264 = arith.mulf %gather3A_259, %gather3A_263 : vector<16xf32>
      %add3A_265 = arith.addf %add3A_255, %mul3A_264 : vector<16xf32>
      %add3A_266 = arith.constant 13 : i32
      %add3A_267 = vector.broadcast %add3A_266 : i32 to vector<16xi32>
      %add3A_268 = arith.addi %shift_left3A_127, %add3A_267 : vector<16xi32>
      %gather3A_269 = tpu.vector_load_idx %arg13[%add3A_117, %add3A_268] : memref<128x128xf32, #tpu.memory_space<vmem>>[vector<16xi32>, vector<16xi32>], vector<16xf32>,
      %add3A_270 = arith.constant 13 : i32
      %add3A_271 = vector.broadcast %add3A_270 : i32 to vector<16xi32>
      %add3A_272 = arith.addi %shift_left3A_135, %add3A_271 : vector<16xi32>
      %gather3A_273 = tpu.vector_load_idx %arg15[%add3A_117, %add3A_272] : memref<128x128xf32, #tpu.memory_space<vmem>>[vector<16xi32>, vector<16xi32>], vector<16xf32>,
      %mul3A_274 = arith.mulf %gather3A_269, %gather3A_273 : vector<16xf32>
      %add3A_275 = arith.addf %add3A_265, %mul3A_274 : vector<16xf32>
      %add3A_276 = arith.constant 14 : i32
      %add3A_277 = vector.broadcast %add3A_276 : i32 to vector<16xi32>
      %add3A_278 = arith.addi %shift_left3A_127, %add3A_277 : vector<16xi32>
      %gather3A_279 = tpu.vector_load_idx %arg13[%add3A_117, %add3A_278] : memref<128x128xf32, #tpu.memory_space<vmem>>[vector<16xi32>, vector<16xi32>], vector<16xf32>,
      %add3A_280 = arith.constant 14 : i32
      %add3A_281 = vector.broadcast %add3A_280 : i32 to vector<16xi32>
      %add3A_282 = arith.addi %shift_left3A_135, %add3A_281 : vector<16xi32>
      %gather3A_283 = tpu.vector_load_idx %arg15[%add3A_117, %add3A_282] : memref<128x128xf32, #tpu.memory_space<vmem>>[vector<16xi32>, vector<16xi32>], vector<16xf32>,
      %mul3A_284 = arith.mulf %gather3A_279, %gather3A_283 : vector<16xf32>
      %add3A_285 = arith.addf %add3A_275, %mul3A_284 : vector<16xf32>
      %add3A_286 = arith.constant 15 : i32
      %add3A_287 = vector.broadcast %add3A_286 : i32 to vector<16xi32>
      %add3A_288 = arith.addi %shift_left3A_127, %add3A_287 : vector<16xi32>
      %gather3A_289 = tpu.vector_load_idx %arg13[%add3A_117, %add3A_288] : memref<128x128xf32, #tpu.memory_space<vmem>>[vector<16xi32>, vector<16xi32>], vector<16xf32>,
      %add3A_290 = arith.constant 15 : i32
      %add3A_291 = vector.broadcast %add3A_290 : i32 to vector<16xi32>
      %add3A_292 = arith.addi %shift_left3A_135, %add3A_291 : vector<16xi32>
      %gather3A_293 = tpu.vector_load_idx %arg15[%add3A_117, %add3A_292] : memref<128x128xf32, #tpu.memory_space<vmem>>[vector<16xi32>, vector<16xi32>], vector<16xf32>,
      %mul3A_294 = arith.mulf %gather3A_289, %gather3A_293 : vector<16xf32>
      %add3A_295 = arith.addf %add3A_285, %mul3A_294 : vector<16xf32>
      %mul3A_296 = arith.mulf %add3A_295, %get3A_8 : vector<16xf32>
      %add3A_297 = arith.addf %mul3A_296, %get3A_10 : vector<16xf32>
      %neg3A = arith.constant 0.000000e+00 : f32
      %neg3A_298 = vector.broadcast %neg3A : f32 to vector<16xf32>
      %neg3A_299 = arith.subf %neg3A_298, %add3A_297 : vector<16xf32>
      %exp3A = math.exp %neg3A_299 : vector<16xf32>
      %add3A_300 = arith.constant 1.000000e+00 : f32
      %add3A_301 = vector.broadcast %add3A_300 : f32 to vector<16xf32>
      %add3A_302 = arith.addf %add3A_301, %exp3A : vector<16xf32>
      %div3A = arith.constant 1.000000e+00 : f32
      %div3A_303 = vector.broadcast %div3A : f32 to vector<16xf32>
      %div3A_304 = arith.divf %div3A_303, %add3A_302 : vector<16xf32>
      %swap3A = arith.index_cast %add3A_121 : i32 to index
      %swap3A_305 = tpu.vector_load %arg17[%swap3A] {strides = array<i32>} : memref<512xf32, #tpu.memory_space<vmem>>, vector<16xf32>,
      tpu.vector_store %arg17[%swap3A], %div3A_304 {strides = array<i32>} : memref<512xf32, #tpu.memory_space<vmem>>, vector<16xf32>,
    }
    %scan3A_44 = arith.constant 8 : i32
    %dma_start3A_45 = arith.constant 256 : i32
    %dma_start3A_46 = tpu.memref_slice %arg11[%dma_start3A_45] : memref<512xi32, #tpu.memory_space<vmem>> -> memref<128xi32, #tpu.memory_space<vmem>>
    %dma_start3A_47 = arith.constant 0 : i32
    %dma_start3A_48 = arith.constant 0 : i32
    %dma_start3A_49 = tpu.memref_slice %arg4[%dma_start3A_47, %dma_start3A_48] : memref<12500x128xf32, #tpu.memory_space<hbm>> -> memref<12500x128xf32, #tpu.memory_space<hbm>>
    tpu.enqueue_indirect_dma source(%dma_start3A_49 : memref<12500x128xf32, #tpu.memory_space<hbm>>) target(%arg13 : memref<128x128xf32, #tpu.memory_space<vmem>>) offsets(%dma_start3A_46 : memref<128xi32, #tpu.memory_space<vmem>>) semaphore(%arg20 : memref<!tpu.dma_semaphore, #tpu.memory_space<semaphore_mem>>)
    %dma_start3A_50 = arith.constant 256 : i32
    %dma_start3A_51 = tpu.memref_slice %arg12[%dma_start3A_50] : memref<512xi32, #tpu.memory_space<vmem>> -> memref<128xi32, #tpu.memory_space<vmem>>
    %dma_start3A_52 = arith.constant 0 : i32
    %dma_start3A_53 = arith.constant 0 : i32
    %dma_start3A_54 = tpu.memref_slice %arg5[%dma_start3A_52, %dma_start3A_53] : memref<12500x128xf32, #tpu.memory_space<hbm>> -> memref<12500x128xf32, #tpu.memory_space<hbm>>
    tpu.enqueue_indirect_dma source(%dma_start3A_54 : memref<12500x128xf32, #tpu.memory_space<hbm>>) target(%arg15 : memref<128x128xf32, #tpu.memory_space<vmem>>) offsets(%dma_start3A_51 : memref<128xi32, #tpu.memory_space<vmem>>) semaphore(%arg20 : memref<!tpu.dma_semaphore, #tpu.memory_space<semaphore_mem>>)
    %dma_wait3A_55 = arith.constant 128 : i32
    %dma_wait3A_56 = tpu.memref_slice %arg11[%dma_wait3A_55] : memref<512xi32, #tpu.memory_space<vmem>> -> memref<128xi32, #tpu.memory_space<vmem>>
    %dma_wait3A_57 = arith.constant 0 : i32
    %dma_wait3A_58 = arith.constant 0 : i32
    %dma_wait3A_59 = tpu.memref_slice %arg4[%dma_wait3A_57, %dma_wait3A_58] : memref<12500x128xf32, #tpu.memory_space<hbm>> -> memref<12500x128xf32, #tpu.memory_space<hbm>>
    tpu.wait_indirect_dma semaphore(%arg21 : memref<!tpu.dma_semaphore, #tpu.memory_space<semaphore_mem>>) src(%dma_wait3A_59 : memref<12500x128xf32, #tpu.memory_space<hbm>>) dst(%arg14 : memref<128x128xf32, #tpu.memory_space<vmem>>)
    %dma_wait3A_60 = arith.constant 128 : i32
    %dma_wait3A_61 = tpu.memref_slice %arg12[%dma_wait3A_60] : memref<512xi32, #tpu.memory_space<vmem>> -> memref<128xi32, #tpu.memory_space<vmem>>
    %dma_wait3A_62 = arith.constant 0 : i32
    %dma_wait3A_63 = arith.constant 0 : i32
    %dma_wait3A_64 = tpu.memref_slice %arg5[%dma_wait3A_62, %dma_wait3A_63] : memref<12500x128xf32, #tpu.memory_space<hbm>> -> memref<12500x128xf32, #tpu.memory_space<hbm>>
    tpu.wait_indirect_dma semaphore(%arg21 : memref<!tpu.dma_semaphore, #tpu.memory_space<semaphore_mem>>) src(%dma_wait3A_64 : memref<12500x128xf32, #tpu.memory_space<hbm>>) dst(%arg16 : memref<128x128xf32, #tpu.memory_space<vmem>>)
    %scan3A_65 = arith.constant 0 : i32
    %scan3A_66 = arith.constant 0 : i32
    %scan3A_67 = arith.constant 8 : i32
    %scan3A_68 = arith.addi %scan3A_66, %scan3A_67 : i32
    %scan3A_69 = arith.constant 1 : i32
    scf.for %scan3A_113 = %scan3A_66 to %scan3A_68 step %scan3A_69  : i32 {
      %mul3A_114 = arith.constant 16 : i32
      %mul3A_115 = arith.muli %scan3A_113, %mul3A_114 : i32
      %add3A_116 = vector.broadcast %mul3A_115 : i32 to vector<16xi32>
      %add3A_117 = arith.addi %add3A_116, %iota3A : vector<16xi32>
      %mul3A_118 = arith.constant 16 : i32
      %mul3A_119 = arith.muli %scan3A_113, %mul3A_118 : i32
      %add3A_120 = arith.constant 128 : i32
      %add3A_121 = arith.addi %add3A_120, %mul3A_119 : i32
      %get3A_122 = arith.index_cast %add3A_121 : i32 to index
      %get3A_123 = tpu.vector_load %arg9[%get3A_122] {strides = array<i32>} : memref<512xi32, #tpu.memory_space<vmem>>, vector<16xi32>,
      %and3A = arith.constant 7 : i32
      %and3A_124 = vector.broadcast %and3A : i32 to vector<16xi32>
      %and3A_125 = arith.andi %get3A_123, %and3A_124 : vector<16xi32>
      %shift_left3A = arith.constant 4 : i32
      %shift_left3A_126 = vector.broadcast %shift_left3A : i32 to vector<16xi32>
      %shift_left3A_127 = arith.shli %and3A_125, %shift_left3A_126 : vector<16xi32>
      %get3A_128 = arith.index_cast %add3A_121 : i32 to index
      %get3A_129 = tpu.vector_load %arg10[%get3A_128] {strides = array<i32>} : memref<512xi32, #tpu.memory_space<vmem>>, vector<16xi32>,
      %and3A_130 = arith.constant 7 : i32
      %and3A_131 = vector.broadcast %and3A_130 : i32 to vector<16xi32>
      %and3A_132 = arith.andi %get3A_129, %and3A_131 : vector<16xi32>
      %shift_left3A_133 = arith.constant 4 : i32
      %shift_left3A_134 = vector.broadcast %shift_left3A_133 : i32 to vector<16xi32>
      %shift_left3A_135 = arith.shli %and3A_132, %shift_left3A_134 : vector<16xi32>
      %broadcast_in_dim3A = arith.constant 0.000000e+00 : f32
      %broadcast_in_dim3A_136 = vector.broadcast %broadcast_in_dim3A : f32 to vector<16xf32>
      %add3A_137 = arith.constant 0 : i32
      %add3A_138 = vector.broadcast %add3A_137 : i32 to vector<16xi32>
      %add3A_139 = arith.addi %shift_left3A_127, %add3A_138 : vector<16xi32>
      %gather3A = tpu.vector_load_idx %arg14[%add3A_117, %add3A_139] : memref<128x128xf32, #tpu.memory_space<vmem>>[vector<16xi32>, vector<16xi32>], vector<16xf32>,
      %add3A_140 = arith.constant 0 : i32
      %add3A_141 = vector.broadcast %add3A_140 : i32 to vector<16xi32>
      %add3A_142 = arith.addi %shift_left3A_135, %add3A_141 : vector<16xi32>
      %gather3A_143 = tpu.vector_load_idx %arg16[%add3A_117, %add3A_142] : memref<128x128xf32, #tpu.memory_space<vmem>>[vector<16xi32>, vector<16xi32>], vector<16xf32>,
      %mul3A_144 = arith.mulf %gather3A, %gather3A_143 : vector<16xf32>
      %add3A_145 = arith.addf %broadcast_in_dim3A_136, %mul3A_144 : vector<16xf32>
      %add3A_146 = arith.constant 1 : i32
      %add3A_147 = vector.broadcast %add3A_146 : i32 to vector<16xi32>
      %add3A_148 = arith.addi %shift_left3A_127, %add3A_147 : vector<16xi32>
      %gather3A_149 = tpu.vector_load_idx %arg14[%add3A_117, %add3A_148] : memref<128x128xf32, #tpu.memory_space<vmem>>[vector<16xi32>, vector<16xi32>], vector<16xf32>,
      %add3A_150 = arith.constant 1 : i32
      %add3A_151 = vector.broadcast %add3A_150 : i32 to vector<16xi32>
      %add3A_152 = arith.addi %shift_left3A_135, %add3A_151 : vector<16xi32>
      %gather3A_153 = tpu.vector_load_idx %arg16[%add3A_117, %add3A_152] : memref<128x128xf32, #tpu.memory_space<vmem>>[vector<16xi32>, vector<16xi32>], vector<16xf32>,
      %mul3A_154 = arith.mulf %gather3A_149, %gather3A_153 : vector<16xf32>
      %add3A_155 = arith.addf %add3A_145, %mul3A_154 : vector<16xf32>
      %add3A_156 = arith.constant 2 : i32
      %add3A_157 = vector.broadcast %add3A_156 : i32 to vector<16xi32>
      %add3A_158 = arith.addi %shift_left3A_127, %add3A_157 : vector<16xi32>
      %gather3A_159 = tpu.vector_load_idx %arg14[%add3A_117, %add3A_158] : memref<128x128xf32, #tpu.memory_space<vmem>>[vector<16xi32>, vector<16xi32>], vector<16xf32>,
      %add3A_160 = arith.constant 2 : i32
      %add3A_161 = vector.broadcast %add3A_160 : i32 to vector<16xi32>
      %add3A_162 = arith.addi %shift_left3A_135, %add3A_161 : vector<16xi32>
      %gather3A_163 = tpu.vector_load_idx %arg16[%add3A_117, %add3A_162] : memref<128x128xf32, #tpu.memory_space<vmem>>[vector<16xi32>, vector<16xi32>], vector<16xf32>,
      %mul3A_164 = arith.mulf %gather3A_159, %gather3A_163 : vector<16xf32>
      %add3A_165 = arith.addf %add3A_155, %mul3A_164 : vector<16xf32>
      %add3A_166 = arith.constant 3 : i32
      %add3A_167 = vector.broadcast %add3A_166 : i32 to vector<16xi32>
      %add3A_168 = arith.addi %shift_left3A_127, %add3A_167 : vector<16xi32>
      %gather3A_169 = tpu.vector_load_idx %arg14[%add3A_117, %add3A_168] : memref<128x128xf32, #tpu.memory_space<vmem>>[vector<16xi32>, vector<16xi32>], vector<16xf32>,
      %add3A_170 = arith.constant 3 : i32
      %add3A_171 = vector.broadcast %add3A_170 : i32 to vector<16xi32>
      %add3A_172 = arith.addi %shift_left3A_135, %add3A_171 : vector<16xi32>
      %gather3A_173 = tpu.vector_load_idx %arg16[%add3A_117, %add3A_172] : memref<128x128xf32, #tpu.memory_space<vmem>>[vector<16xi32>, vector<16xi32>], vector<16xf32>,
      %mul3A_174 = arith.mulf %gather3A_169, %gather3A_173 : vector<16xf32>
      %add3A_175 = arith.addf %add3A_165, %mul3A_174 : vector<16xf32>
      %add3A_176 = arith.constant 4 : i32
      %add3A_177 = vector.broadcast %add3A_176 : i32 to vector<16xi32>
      %add3A_178 = arith.addi %shift_left3A_127, %add3A_177 : vector<16xi32>
      %gather3A_179 = tpu.vector_load_idx %arg14[%add3A_117, %add3A_178] : memref<128x128xf32, #tpu.memory_space<vmem>>[vector<16xi32>, vector<16xi32>], vector<16xf32>,
      %add3A_180 = arith.constant 4 : i32
      %add3A_181 = vector.broadcast %add3A_180 : i32 to vector<16xi32>
      %add3A_182 = arith.addi %shift_left3A_135, %add3A_181 : vector<16xi32>
      %gather3A_183 = tpu.vector_load_idx %arg16[%add3A_117, %add3A_182] : memref<128x128xf32, #tpu.memory_space<vmem>>[vector<16xi32>, vector<16xi32>], vector<16xf32>,
      %mul3A_184 = arith.mulf %gather3A_179, %gather3A_183 : vector<16xf32>
      %add3A_185 = arith.addf %add3A_175, %mul3A_184 : vector<16xf32>
      %add3A_186 = arith.constant 5 : i32
      %add3A_187 = vector.broadcast %add3A_186 : i32 to vector<16xi32>
      %add3A_188 = arith.addi %shift_left3A_127, %add3A_187 : vector<16xi32>
      %gather3A_189 = tpu.vector_load_idx %arg14[%add3A_117, %add3A_188] : memref<128x128xf32, #tpu.memory_space<vmem>>[vector<16xi32>, vector<16xi32>], vector<16xf32>,
      %add3A_190 = arith.constant 5 : i32
      %add3A_191 = vector.broadcast %add3A_190 : i32 to vector<16xi32>
      %add3A_192 = arith.addi %shift_left3A_135, %add3A_191 : vector<16xi32>
      %gather3A_193 = tpu.vector_load_idx %arg16[%add3A_117, %add3A_192] : memref<128x128xf32, #tpu.memory_space<vmem>>[vector<16xi32>, vector<16xi32>], vector<16xf32>,
      %mul3A_194 = arith.mulf %gather3A_189, %gather3A_193 : vector<16xf32>
      %add3A_195 = arith.addf %add3A_185, %mul3A_194 : vector<16xf32>
      %add3A_196 = arith.constant 6 : i32
      %add3A_197 = vector.broadcast %add3A_196 : i32 to vector<16xi32>
      %add3A_198 = arith.addi %shift_left3A_127, %add3A_197 : vector<16xi32>
      %gather3A_199 = tpu.vector_load_idx %arg14[%add3A_117, %add3A_198] : memref<128x128xf32, #tpu.memory_space<vmem>>[vector<16xi32>, vector<16xi32>], vector<16xf32>,
      %add3A_200 = arith.constant 6 : i32
      %add3A_201 = vector.broadcast %add3A_200 : i32 to vector<16xi32>
      %add3A_202 = arith.addi %shift_left3A_135, %add3A_201 : vector<16xi32>
      %gather3A_203 = tpu.vector_load_idx %arg16[%add3A_117, %add3A_202] : memref<128x128xf32, #tpu.memory_space<vmem>>[vector<16xi32>, vector<16xi32>], vector<16xf32>,
      %mul3A_204 = arith.mulf %gather3A_199, %gather3A_203 : vector<16xf32>
      %add3A_205 = arith.addf %add3A_195, %mul3A_204 : vector<16xf32>
      %add3A_206 = arith.constant 7 : i32
      %add3A_207 = vector.broadcast %add3A_206 : i32 to vector<16xi32>
      %add3A_208 = arith.addi %shift_left3A_127, %add3A_207 : vector<16xi32>
      %gather3A_209 = tpu.vector_load_idx %arg14[%add3A_117, %add3A_208] : memref<128x128xf32, #tpu.memory_space<vmem>>[vector<16xi32>, vector<16xi32>], vector<16xf32>,
      %add3A_210 = arith.constant 7 : i32
      %add3A_211 = vector.broadcast %add3A_210 : i32 to vector<16xi32>
      %add3A_212 = arith.addi %shift_left3A_135, %add3A_211 : vector<16xi32>
      %gather3A_213 = tpu.vector_load_idx %arg16[%add3A_117, %add3A_212] : memref<128x128xf32, #tpu.memory_space<vmem>>[vector<16xi32>, vector<16xi32>], vector<16xf32>,
      %mul3A_214 = arith.mulf %gather3A_209, %gather3A_213 : vector<16xf32>
      %add3A_215 = arith.addf %add3A_205, %mul3A_214 : vector<16xf32>
      %add3A_216 = arith.constant 8 : i32
      %add3A_217 = vector.broadcast %add3A_216 : i32 to vector<16xi32>
      %add3A_218 = arith.addi %shift_left3A_127, %add3A_217 : vector<16xi32>
      %gather3A_219 = tpu.vector_load_idx %arg14[%add3A_117, %add3A_218] : memref<128x128xf32, #tpu.memory_space<vmem>>[vector<16xi32>, vector<16xi32>], vector<16xf32>,
      %add3A_220 = arith.constant 8 : i32
      %add3A_221 = vector.broadcast %add3A_220 : i32 to vector<16xi32>
      %add3A_222 = arith.addi %shift_left3A_135, %add3A_221 : vector<16xi32>
      %gather3A_223 = tpu.vector_load_idx %arg16[%add3A_117, %add3A_222] : memref<128x128xf32, #tpu.memory_space<vmem>>[vector<16xi32>, vector<16xi32>], vector<16xf32>,
      %mul3A_224 = arith.mulf %gather3A_219, %gather3A_223 : vector<16xf32>
      %add3A_225 = arith.addf %add3A_215, %mul3A_224 : vector<16xf32>
      %add3A_226 = arith.constant 9 : i32
      %add3A_227 = vector.broadcast %add3A_226 : i32 to vector<16xi32>
      %add3A_228 = arith.addi %shift_left3A_127, %add3A_227 : vector<16xi32>
      %gather3A_229 = tpu.vector_load_idx %arg14[%add3A_117, %add3A_228] : memref<128x128xf32, #tpu.memory_space<vmem>>[vector<16xi32>, vector<16xi32>], vector<16xf32>,
      %add3A_230 = arith.constant 9 : i32
      %add3A_231 = vector.broadcast %add3A_230 : i32 to vector<16xi32>
      %add3A_232 = arith.addi %shift_left3A_135, %add3A_231 : vector<16xi32>
      %gather3A_233 = tpu.vector_load_idx %arg16[%add3A_117, %add3A_232] : memref<128x128xf32, #tpu.memory_space<vmem>>[vector<16xi32>, vector<16xi32>], vector<16xf32>,
      %mul3A_234 = arith.mulf %gather3A_229, %gather3A_233 : vector<16xf32>
      %add3A_235 = arith.addf %add3A_225, %mul3A_234 : vector<16xf32>
      %add3A_236 = arith.constant 10 : i32
      %add3A_237 = vector.broadcast %add3A_236 : i32 to vector<16xi32>
      %add3A_238 = arith.addi %shift_left3A_127, %add3A_237 : vector<16xi32>
      %gather3A_239 = tpu.vector_load_idx %arg14[%add3A_117, %add3A_238] : memref<128x128xf32, #tpu.memory_space<vmem>>[vector<16xi32>, vector<16xi32>], vector<16xf32>,
      %add3A_240 = arith.constant 10 : i32
      %add3A_241 = vector.broadcast %add3A_240 : i32 to vector<16xi32>
      %add3A_242 = arith.addi %shift_left3A_135, %add3A_241 : vector<16xi32>
      %gather3A_243 = tpu.vector_load_idx %arg16[%add3A_117, %add3A_242] : memref<128x128xf32, #tpu.memory_space<vmem>>[vector<16xi32>, vector<16xi32>], vector<16xf32>,
      %mul3A_244 = arith.mulf %gather3A_239, %gather3A_243 : vector<16xf32>
      %add3A_245 = arith.addf %add3A_235, %mul3A_244 : vector<16xf32>
      %add3A_246 = arith.constant 11 : i32
      %add3A_247 = vector.broadcast %add3A_246 : i32 to vector<16xi32>
      %add3A_248 = arith.addi %shift_left3A_127, %add3A_247 : vector<16xi32>
      %gather3A_249 = tpu.vector_load_idx %arg14[%add3A_117, %add3A_248] : memref<128x128xf32, #tpu.memory_space<vmem>>[vector<16xi32>, vector<16xi32>], vector<16xf32>,
      %add3A_250 = arith.constant 11 : i32
      %add3A_251 = vector.broadcast %add3A_250 : i32 to vector<16xi32>
      %add3A_252 = arith.addi %shift_left3A_135, %add3A_251 : vector<16xi32>
      %gather3A_253 = tpu.vector_load_idx %arg16[%add3A_117, %add3A_252] : memref<128x128xf32, #tpu.memory_space<vmem>>[vector<16xi32>, vector<16xi32>], vector<16xf32>,
      %mul3A_254 = arith.mulf %gather3A_249, %gather3A_253 : vector<16xf32>
      %add3A_255 = arith.addf %add3A_245, %mul3A_254 : vector<16xf32>
      %add3A_256 = arith.constant 12 : i32
      %add3A_257 = vector.broadcast %add3A_256 : i32 to vector<16xi32>
      %add3A_258 = arith.addi %shift_left3A_127, %add3A_257 : vector<16xi32>
      %gather3A_259 = tpu.vector_load_idx %arg14[%add3A_117, %add3A_258] : memref<128x128xf32, #tpu.memory_space<vmem>>[vector<16xi32>, vector<16xi32>], vector<16xf32>,
      %add3A_260 = arith.constant 12 : i32
      %add3A_261 = vector.broadcast %add3A_260 : i32 to vector<16xi32>
      %add3A_262 = arith.addi %shift_left3A_135, %add3A_261 : vector<16xi32>
      %gather3A_263 = tpu.vector_load_idx %arg16[%add3A_117, %add3A_262] : memref<128x128xf32, #tpu.memory_space<vmem>>[vector<16xi32>, vector<16xi32>], vector<16xf32>,
      %mul3A_264 = arith.mulf %gather3A_259, %gather3A_263 : vector<16xf32>
      %add3A_265 = arith.addf %add3A_255, %mul3A_264 : vector<16xf32>
      %add3A_266 = arith.constant 13 : i32
      %add3A_267 = vector.broadcast %add3A_266 : i32 to vector<16xi32>
      %add3A_268 = arith.addi %shift_left3A_127, %add3A_267 : vector<16xi32>
      %gather3A_269 = tpu.vector_load_idx %arg14[%add3A_117, %add3A_268] : memref<128x128xf32, #tpu.memory_space<vmem>>[vector<16xi32>, vector<16xi32>], vector<16xf32>,
      %add3A_270 = arith.constant 13 : i32
      %add3A_271 = vector.broadcast %add3A_270 : i32 to vector<16xi32>
      %add3A_272 = arith.addi %shift_left3A_135, %add3A_271 : vector<16xi32>
      %gather3A_273 = tpu.vector_load_idx %arg16[%add3A_117, %add3A_272] : memref<128x128xf32, #tpu.memory_space<vmem>>[vector<16xi32>, vector<16xi32>], vector<16xf32>,
      %mul3A_274 = arith.mulf %gather3A_269, %gather3A_273 : vector<16xf32>
      %add3A_275 = arith.addf %add3A_265, %mul3A_274 : vector<16xf32>
      %add3A_276 = arith.constant 14 : i32
      %add3A_277 = vector.broadcast %add3A_276 : i32 to vector<16xi32>
      %add3A_278 = arith.addi %shift_left3A_127, %add3A_277 : vector<16xi32>
      %gather3A_279 = tpu.vector_load_idx %arg14[%add3A_117, %add3A_278] : memref<128x128xf32, #tpu.memory_space<vmem>>[vector<16xi32>, vector<16xi32>], vector<16xf32>,
      %add3A_280 = arith.constant 14 : i32
      %add3A_281 = vector.broadcast %add3A_280 : i32 to vector<16xi32>
      %add3A_282 = arith.addi %shift_left3A_135, %add3A_281 : vector<16xi32>
      %gather3A_283 = tpu.vector_load_idx %arg16[%add3A_117, %add3A_282] : memref<128x128xf32, #tpu.memory_space<vmem>>[vector<16xi32>, vector<16xi32>], vector<16xf32>,
      %mul3A_284 = arith.mulf %gather3A_279, %gather3A_283 : vector<16xf32>
      %add3A_285 = arith.addf %add3A_275, %mul3A_284 : vector<16xf32>
      %add3A_286 = arith.constant 15 : i32
      %add3A_287 = vector.broadcast %add3A_286 : i32 to vector<16xi32>
      %add3A_288 = arith.addi %shift_left3A_127, %add3A_287 : vector<16xi32>
      %gather3A_289 = tpu.vector_load_idx %arg14[%add3A_117, %add3A_288] : memref<128x128xf32, #tpu.memory_space<vmem>>[vector<16xi32>, vector<16xi32>], vector<16xf32>,
      %add3A_290 = arith.constant 15 : i32
      %add3A_291 = vector.broadcast %add3A_290 : i32 to vector<16xi32>
      %add3A_292 = arith.addi %shift_left3A_135, %add3A_291 : vector<16xi32>
      %gather3A_293 = tpu.vector_load_idx %arg16[%add3A_117, %add3A_292] : memref<128x128xf32, #tpu.memory_space<vmem>>[vector<16xi32>, vector<16xi32>], vector<16xf32>,
      %mul3A_294 = arith.mulf %gather3A_289, %gather3A_293 : vector<16xf32>
      %add3A_295 = arith.addf %add3A_285, %mul3A_294 : vector<16xf32>
      %mul3A_296 = arith.mulf %add3A_295, %get3A_8 : vector<16xf32>
      %add3A_297 = arith.addf %mul3A_296, %get3A_10 : vector<16xf32>
      %neg3A = arith.constant 0.000000e+00 : f32
      %neg3A_298 = vector.broadcast %neg3A : f32 to vector<16xf32>
      %neg3A_299 = arith.subf %neg3A_298, %add3A_297 : vector<16xf32>
      %exp3A = math.exp %neg3A_299 : vector<16xf32>
      %add3A_300 = arith.constant 1.000000e+00 : f32
      %add3A_301 = vector.broadcast %add3A_300 : f32 to vector<16xf32>
      %add3A_302 = arith.addf %add3A_301, %exp3A : vector<16xf32>
      %div3A = arith.constant 1.000000e+00 : f32
      %div3A_303 = vector.broadcast %div3A : f32 to vector<16xf32>
      %div3A_304 = arith.divf %div3A_303, %add3A_302 : vector<16xf32>
      %swap3A = arith.index_cast %add3A_121 : i32 to index
      %swap3A_305 = tpu.vector_load %arg17[%swap3A] {strides = array<i32>} : memref<512xf32, #tpu.memory_space<vmem>>, vector<16xf32>,
      tpu.vector_store %arg17[%swap3A], %div3A_304 {strides = array<i32>} : memref<512xf32, #tpu.memory_space<vmem>>, vector<16xf32>,
    }
    %scan3A_70 = arith.constant 8 : i32
    %dma_start3A_71 = arith.constant 384 : i32
    %dma_start3A_72 = tpu.memref_slice %arg11[%dma_start3A_71] : memref<512xi32, #tpu.memory_space<vmem>> -> memref<128xi32, #tpu.memory_space<vmem>>
    %dma_start3A_73 = arith.constant 0 : i32
    %dma_start3A_74 = arith.constant 0 : i32
    %dma_start3A_75 = tpu.memref_slice %arg4[%dma_start3A_73, %dma_start3A_74] : memref<12500x128xf32, #tpu.memory_space<hbm>> -> memref<12500x128xf32, #tpu.memory_space<hbm>>
    tpu.enqueue_indirect_dma source(%dma_start3A_75 : memref<12500x128xf32, #tpu.memory_space<hbm>>) target(%arg14 : memref<128x128xf32, #tpu.memory_space<vmem>>) offsets(%dma_start3A_72 : memref<128xi32, #tpu.memory_space<vmem>>) semaphore(%arg21 : memref<!tpu.dma_semaphore, #tpu.memory_space<semaphore_mem>>)
    %dma_start3A_76 = arith.constant 384 : i32
    %dma_start3A_77 = tpu.memref_slice %arg12[%dma_start3A_76] : memref<512xi32, #tpu.memory_space<vmem>> -> memref<128xi32, #tpu.memory_space<vmem>>
    %dma_start3A_78 = arith.constant 0 : i32
    %dma_start3A_79 = arith.constant 0 : i32
    %dma_start3A_80 = tpu.memref_slice %arg5[%dma_start3A_78, %dma_start3A_79] : memref<12500x128xf32, #tpu.memory_space<hbm>> -> memref<12500x128xf32, #tpu.memory_space<hbm>>
    tpu.enqueue_indirect_dma source(%dma_start3A_80 : memref<12500x128xf32, #tpu.memory_space<hbm>>) target(%arg16 : memref<128x128xf32, #tpu.memory_space<vmem>>) offsets(%dma_start3A_77 : memref<128xi32, #tpu.memory_space<vmem>>) semaphore(%arg21 : memref<!tpu.dma_semaphore, #tpu.memory_space<semaphore_mem>>)
    %dma_wait3A_81 = arith.constant 256 : i32
    %dma_wait3A_82 = tpu.memref_slice %arg11[%dma_wait3A_81] : memref<512xi32, #tpu.memory_space<vmem>> -> memref<128xi32, #tpu.memory_space<vmem>>
    %dma_wait3A_83 = arith.constant 0 : i32
    %dma_wait3A_84 = arith.constant 0 : i32
    %dma_wait3A_85 = tpu.memref_slice %arg4[%dma_wait3A_83, %dma_wait3A_84] : memref<12500x128xf32, #tpu.memory_space<hbm>> -> memref<12500x128xf32, #tpu.memory_space<hbm>>
    tpu.wait_indirect_dma semaphore(%arg20 : memref<!tpu.dma_semaphore, #tpu.memory_space<semaphore_mem>>) src(%dma_wait3A_85 : memref<12500x128xf32, #tpu.memory_space<hbm>>) dst(%arg13 : memref<128x128xf32, #tpu.memory_space<vmem>>)
    %dma_wait3A_86 = arith.constant 256 : i32
    %dma_wait3A_87 = tpu.memref_slice %arg12[%dma_wait3A_86] : memref<512xi32, #tpu.memory_space<vmem>> -> memref<128xi32, #tpu.memory_space<vmem>>
    %dma_wait3A_88 = arith.constant 0 : i32
    %dma_wait3A_89 = arith.constant 0 : i32
    %dma_wait3A_90 = tpu.memref_slice %arg5[%dma_wait3A_88, %dma_wait3A_89] : memref<12500x128xf32, #tpu.memory_space<hbm>> -> memref<12500x128xf32, #tpu.memory_space<hbm>>
    tpu.wait_indirect_dma semaphore(%arg20 : memref<!tpu.dma_semaphore, #tpu.memory_space<semaphore_mem>>) src(%dma_wait3A_90 : memref<12500x128xf32, #tpu.memory_space<hbm>>) dst(%arg15 : memref<128x128xf32, #tpu.memory_space<vmem>>)
    %scan3A_91 = arith.constant 0 : i32
    %scan3A_92 = arith.constant 0 : i32
    %scan3A_93 = arith.constant 8 : i32
    %scan3A_94 = arith.addi %scan3A_92, %scan3A_93 : i32
    %scan3A_95 = arith.constant 1 : i32
    scf.for %scan3A_113 = %scan3A_92 to %scan3A_94 step %scan3A_95  : i32 {
      %mul3A_114 = arith.constant 16 : i32
      %mul3A_115 = arith.muli %scan3A_113, %mul3A_114 : i32
      %add3A_116 = vector.broadcast %mul3A_115 : i32 to vector<16xi32>
      %add3A_117 = arith.addi %add3A_116, %iota3A : vector<16xi32>
      %mul3A_118 = arith.constant 16 : i32
      %mul3A_119 = arith.muli %scan3A_113, %mul3A_118 : i32
      %add3A_120 = arith.constant 256 : i32
      %add3A_121 = arith.addi %add3A_120, %mul3A_119 : i32
      %get3A_122 = arith.index_cast %add3A_121 : i32 to index
      %get3A_123 = tpu.vector_load %arg9[%get3A_122] {strides = array<i32>} : memref<512xi32, #tpu.memory_space<vmem>>, vector<16xi32>,
      %and3A = arith.constant 7 : i32
      %and3A_124 = vector.broadcast %and3A : i32 to vector<16xi32>
      %and3A_125 = arith.andi %get3A_123, %and3A_124 : vector<16xi32>
      %shift_left3A = arith.constant 4 : i32
      %shift_left3A_126 = vector.broadcast %shift_left3A : i32 to vector<16xi32>
      %shift_left3A_127 = arith.shli %and3A_125, %shift_left3A_126 : vector<16xi32>
      %get3A_128 = arith.index_cast %add3A_121 : i32 to index
      %get3A_129 = tpu.vector_load %arg10[%get3A_128] {strides = array<i32>} : memref<512xi32, #tpu.memory_space<vmem>>, vector<16xi32>,
      %and3A_130 = arith.constant 7 : i32
      %and3A_131 = vector.broadcast %and3A_130 : i32 to vector<16xi32>
      %and3A_132 = arith.andi %get3A_129, %and3A_131 : vector<16xi32>
      %shift_left3A_133 = arith.constant 4 : i32
      %shift_left3A_134 = vector.broadcast %shift_left3A_133 : i32 to vector<16xi32>
      %shift_left3A_135 = arith.shli %and3A_132, %shift_left3A_134 : vector<16xi32>
      %broadcast_in_dim3A = arith.constant 0.000000e+00 : f32
      %broadcast_in_dim3A_136 = vector.broadcast %broadcast_in_dim3A : f32 to vector<16xf32>
      %add3A_137 = arith.constant 0 : i32
      %add3A_138 = vector.broadcast %add3A_137 : i32 to vector<16xi32>
      %add3A_139 = arith.addi %shift_left3A_127, %add3A_138 : vector<16xi32>
      %gather3A = tpu.vector_load_idx %arg13[%add3A_117, %add3A_139] : memref<128x128xf32, #tpu.memory_space<vmem>>[vector<16xi32>, vector<16xi32>], vector<16xf32>,
      %add3A_140 = arith.constant 0 : i32
      %add3A_141 = vector.broadcast %add3A_140 : i32 to vector<16xi32>
      %add3A_142 = arith.addi %shift_left3A_135, %add3A_141 : vector<16xi32>
      %gather3A_143 = tpu.vector_load_idx %arg15[%add3A_117, %add3A_142] : memref<128x128xf32, #tpu.memory_space<vmem>>[vector<16xi32>, vector<16xi32>], vector<16xf32>,
      %mul3A_144 = arith.mulf %gather3A, %gather3A_143 : vector<16xf32>
      %add3A_145 = arith.addf %broadcast_in_dim3A_136, %mul3A_144 : vector<16xf32>
      %add3A_146 = arith.constant 1 : i32
      %add3A_147 = vector.broadcast %add3A_146 : i32 to vector<16xi32>
      %add3A_148 = arith.addi %shift_left3A_127, %add3A_147 : vector<16xi32>
      %gather3A_149 = tpu.vector_load_idx %arg13[%add3A_117, %add3A_148] : memref<128x128xf32, #tpu.memory_space<vmem>>[vector<16xi32>, vector<16xi32>], vector<16xf32>,
      %add3A_150 = arith.constant 1 : i32
      %add3A_151 = vector.broadcast %add3A_150 : i32 to vector<16xi32>
      %add3A_152 = arith.addi %shift_left3A_135, %add3A_151 : vector<16xi32>
      %gather3A_153 = tpu.vector_load_idx %arg15[%add3A_117, %add3A_152] : memref<128x128xf32, #tpu.memory_space<vmem>>[vector<16xi32>, vector<16xi32>], vector<16xf32>,
      %mul3A_154 = arith.mulf %gather3A_149, %gather3A_153 : vector<16xf32>
      %add3A_155 = arith.addf %add3A_145, %mul3A_154 : vector<16xf32>
      %add3A_156 = arith.constant 2 : i32
      %add3A_157 = vector.broadcast %add3A_156 : i32 to vector<16xi32>
      %add3A_158 = arith.addi %shift_left3A_127, %add3A_157 : vector<16xi32>
      %gather3A_159 = tpu.vector_load_idx %arg13[%add3A_117, %add3A_158] : memref<128x128xf32, #tpu.memory_space<vmem>>[vector<16xi32>, vector<16xi32>], vector<16xf32>,
      %add3A_160 = arith.constant 2 : i32
      %add3A_161 = vector.broadcast %add3A_160 : i32 to vector<16xi32>
      %add3A_162 = arith.addi %shift_left3A_135, %add3A_161 : vector<16xi32>
      %gather3A_163 = tpu.vector_load_idx %arg15[%add3A_117, %add3A_162] : memref<128x128xf32, #tpu.memory_space<vmem>>[vector<16xi32>, vector<16xi32>], vector<16xf32>,
      %mul3A_164 = arith.mulf %gather3A_159, %gather3A_163 : vector<16xf32>
      %add3A_165 = arith.addf %add3A_155, %mul3A_164 : vector<16xf32>
      %add3A_166 = arith.constant 3 : i32
      %add3A_167 = vector.broadcast %add3A_166 : i32 to vector<16xi32>
      %add3A_168 = arith.addi %shift_left3A_127, %add3A_167 : vector<16xi32>
      %gather3A_169 = tpu.vector_load_idx %arg13[%add3A_117, %add3A_168] : memref<128x128xf32, #tpu.memory_space<vmem>>[vector<16xi32>, vector<16xi32>], vector<16xf32>,
      %add3A_170 = arith.constant 3 : i32
      %add3A_171 = vector.broadcast %add3A_170 : i32 to vector<16xi32>
      %add3A_172 = arith.addi %shift_left3A_135, %add3A_171 : vector<16xi32>
      %gather3A_173 = tpu.vector_load_idx %arg15[%add3A_117, %add3A_172] : memref<128x128xf32, #tpu.memory_space<vmem>>[vector<16xi32>, vector<16xi32>], vector<16xf32>,
      %mul3A_174 = arith.mulf %gather3A_169, %gather3A_173 : vector<16xf32>
      %add3A_175 = arith.addf %add3A_165, %mul3A_174 : vector<16xf32>
      %add3A_176 = arith.constant 4 : i32
      %add3A_177 = vector.broadcast %add3A_176 : i32 to vector<16xi32>
      %add3A_178 = arith.addi %shift_left3A_127, %add3A_177 : vector<16xi32>
      %gather3A_179 = tpu.vector_load_idx %arg13[%add3A_117, %add3A_178] : memref<128x128xf32, #tpu.memory_space<vmem>>[vector<16xi32>, vector<16xi32>], vector<16xf32>,
      %add3A_180 = arith.constant 4 : i32
      %add3A_181 = vector.broadcast %add3A_180 : i32 to vector<16xi32>
      %add3A_182 = arith.addi %shift_left3A_135, %add3A_181 : vector<16xi32>
      %gather3A_183 = tpu.vector_load_idx %arg15[%add3A_117, %add3A_182] : memref<128x128xf32, #tpu.memory_space<vmem>>[vector<16xi32>, vector<16xi32>], vector<16xf32>,
      %mul3A_184 = arith.mulf %gather3A_179, %gather3A_183 : vector<16xf32>
      %add3A_185 = arith.addf %add3A_175, %mul3A_184 : vector<16xf32>
      %add3A_186 = arith.constant 5 : i32
      %add3A_187 = vector.broadcast %add3A_186 : i32 to vector<16xi32>
      %add3A_188 = arith.addi %shift_left3A_127, %add3A_187 : vector<16xi32>
      %gather3A_189 = tpu.vector_load_idx %arg13[%add3A_117, %add3A_188] : memref<128x128xf32, #tpu.memory_space<vmem>>[vector<16xi32>, vector<16xi32>], vector<16xf32>,
      %add3A_190 = arith.constant 5 : i32
      %add3A_191 = vector.broadcast %add3A_190 : i32 to vector<16xi32>
      %add3A_192 = arith.addi %shift_left3A_135, %add3A_191 : vector<16xi32>
      %gather3A_193 = tpu.vector_load_idx %arg15[%add3A_117, %add3A_192] : memref<128x128xf32, #tpu.memory_space<vmem>>[vector<16xi32>, vector<16xi32>], vector<16xf32>,
      %mul3A_194 = arith.mulf %gather3A_189, %gather3A_193 : vector<16xf32>
      %add3A_195 = arith.addf %add3A_185, %mul3A_194 : vector<16xf32>
      %add3A_196 = arith.constant 6 : i32
      %add3A_197 = vector.broadcast %add3A_196 : i32 to vector<16xi32>
      %add3A_198 = arith.addi %shift_left3A_127, %add3A_197 : vector<16xi32>
      %gather3A_199 = tpu.vector_load_idx %arg13[%add3A_117, %add3A_198] : memref<128x128xf32, #tpu.memory_space<vmem>>[vector<16xi32>, vector<16xi32>], vector<16xf32>,
      %add3A_200 = arith.constant 6 : i32
      %add3A_201 = vector.broadcast %add3A_200 : i32 to vector<16xi32>
      %add3A_202 = arith.addi %shift_left3A_135, %add3A_201 : vector<16xi32>
      %gather3A_203 = tpu.vector_load_idx %arg15[%add3A_117, %add3A_202] : memref<128x128xf32, #tpu.memory_space<vmem>>[vector<16xi32>, vector<16xi32>], vector<16xf32>,
      %mul3A_204 = arith.mulf %gather3A_199, %gather3A_203 : vector<16xf32>
      %add3A_205 = arith.addf %add3A_195, %mul3A_204 : vector<16xf32>
      %add3A_206 = arith.constant 7 : i32
      %add3A_207 = vector.broadcast %add3A_206 : i32 to vector<16xi32>
      %add3A_208 = arith.addi %shift_left3A_127, %add3A_207 : vector<16xi32>
      %gather3A_209 = tpu.vector_load_idx %arg13[%add3A_117, %add3A_208] : memref<128x128xf32, #tpu.memory_space<vmem>>[vector<16xi32>, vector<16xi32>], vector<16xf32>,
      %add3A_210 = arith.constant 7 : i32
      %add3A_211 = vector.broadcast %add3A_210 : i32 to vector<16xi32>
      %add3A_212 = arith.addi %shift_left3A_135, %add3A_211 : vector<16xi32>
      %gather3A_213 = tpu.vector_load_idx %arg15[%add3A_117, %add3A_212] : memref<128x128xf32, #tpu.memory_space<vmem>>[vector<16xi32>, vector<16xi32>], vector<16xf32>,
      %mul3A_214 = arith.mulf %gather3A_209, %gather3A_213 : vector<16xf32>
      %add3A_215 = arith.addf %add3A_205, %mul3A_214 : vector<16xf32>
      %add3A_216 = arith.constant 8 : i32
      %add3A_217 = vector.broadcast %add3A_216 : i32 to vector<16xi32>
      %add3A_218 = arith.addi %shift_left3A_127, %add3A_217 : vector<16xi32>
      %gather3A_219 = tpu.vector_load_idx %arg13[%add3A_117, %add3A_218] : memref<128x128xf32, #tpu.memory_space<vmem>>[vector<16xi32>, vector<16xi32>], vector<16xf32>,
      %add3A_220 = arith.constant 8 : i32
      %add3A_221 = vector.broadcast %add3A_220 : i32 to vector<16xi32>
      %add3A_222 = arith.addi %shift_left3A_135, %add3A_221 : vector<16xi32>
      %gather3A_223 = tpu.vector_load_idx %arg15[%add3A_117, %add3A_222] : memref<128x128xf32, #tpu.memory_space<vmem>>[vector<16xi32>, vector<16xi32>], vector<16xf32>,
      %mul3A_224 = arith.mulf %gather3A_219, %gather3A_223 : vector<16xf32>
      %add3A_225 = arith.addf %add3A_215, %mul3A_224 : vector<16xf32>
      %add3A_226 = arith.constant 9 : i32
      %add3A_227 = vector.broadcast %add3A_226 : i32 to vector<16xi32>
      %add3A_228 = arith.addi %shift_left3A_127, %add3A_227 : vector<16xi32>
      %gather3A_229 = tpu.vector_load_idx %arg13[%add3A_117, %add3A_228] : memref<128x128xf32, #tpu.memory_space<vmem>>[vector<16xi32>, vector<16xi32>], vector<16xf32>,
      %add3A_230 = arith.constant 9 : i32
      %add3A_231 = vector.broadcast %add3A_230 : i32 to vector<16xi32>
      %add3A_232 = arith.addi %shift_left3A_135, %add3A_231 : vector<16xi32>
      %gather3A_233 = tpu.vector_load_idx %arg15[%add3A_117, %add3A_232] : memref<128x128xf32, #tpu.memory_space<vmem>>[vector<16xi32>, vector<16xi32>], vector<16xf32>,
      %mul3A_234 = arith.mulf %gather3A_229, %gather3A_233 : vector<16xf32>
      %add3A_235 = arith.addf %add3A_225, %mul3A_234 : vector<16xf32>
      %add3A_236 = arith.constant 10 : i32
      %add3A_237 = vector.broadcast %add3A_236 : i32 to vector<16xi32>
      %add3A_238 = arith.addi %shift_left3A_127, %add3A_237 : vector<16xi32>
      %gather3A_239 = tpu.vector_load_idx %arg13[%add3A_117, %add3A_238] : memref<128x128xf32, #tpu.memory_space<vmem>>[vector<16xi32>, vector<16xi32>], vector<16xf32>,
      %add3A_240 = arith.constant 10 : i32
      %add3A_241 = vector.broadcast %add3A_240 : i32 to vector<16xi32>
      %add3A_242 = arith.addi %shift_left3A_135, %add3A_241 : vector<16xi32>
      %gather3A_243 = tpu.vector_load_idx %arg15[%add3A_117, %add3A_242] : memref<128x128xf32, #tpu.memory_space<vmem>>[vector<16xi32>, vector<16xi32>], vector<16xf32>,
      %mul3A_244 = arith.mulf %gather3A_239, %gather3A_243 : vector<16xf32>
      %add3A_245 = arith.addf %add3A_235, %mul3A_244 : vector<16xf32>
      %add3A_246 = arith.constant 11 : i32
      %add3A_247 = vector.broadcast %add3A_246 : i32 to vector<16xi32>
      %add3A_248 = arith.addi %shift_left3A_127, %add3A_247 : vector<16xi32>
      %gather3A_249 = tpu.vector_load_idx %arg13[%add3A_117, %add3A_248] : memref<128x128xf32, #tpu.memory_space<vmem>>[vector<16xi32>, vector<16xi32>], vector<16xf32>,
      %add3A_250 = arith.constant 11 : i32
      %add3A_251 = vector.broadcast %add3A_250 : i32 to vector<16xi32>
      %add3A_252 = arith.addi %shift_left3A_135, %add3A_251 : vector<16xi32>
      %gather3A_253 = tpu.vector_load_idx %arg15[%add3A_117, %add3A_252] : memref<128x128xf32, #tpu.memory_space<vmem>>[vector<16xi32>, vector<16xi32>], vector<16xf32>,
      %mul3A_254 = arith.mulf %gather3A_249, %gather3A_253 : vector<16xf32>
      %add3A_255 = arith.addf %add3A_245, %mul3A_254 : vector<16xf32>
      %add3A_256 = arith.constant 12 : i32
      %add3A_257 = vector.broadcast %add3A_256 : i32 to vector<16xi32>
      %add3A_258 = arith.addi %shift_left3A_127, %add3A_257 : vector<16xi32>
      %gather3A_259 = tpu.vector_load_idx %arg13[%add3A_117, %add3A_258] : memref<128x128xf32, #tpu.memory_space<vmem>>[vector<16xi32>, vector<16xi32>], vector<16xf32>,
      %add3A_260 = arith.constant 12 : i32
      %add3A_261 = vector.broadcast %add3A_260 : i32 to vector<16xi32>
      %add3A_262 = arith.addi %shift_left3A_135, %add3A_261 : vector<16xi32>
      %gather3A_263 = tpu.vector_load_idx %arg15[%add3A_117, %add3A_262] : memref<128x128xf32, #tpu.memory_space<vmem>>[vector<16xi32>, vector<16xi32>], vector<16xf32>,
      %mul3A_264 = arith.mulf %gather3A_259, %gather3A_263 : vector<16xf32>
      %add3A_265 = arith.addf %add3A_255, %mul3A_264 : vector<16xf32>
      %add3A_266 = arith.constant 13 : i32
      %add3A_267 = vector.broadcast %add3A_266 : i32 to vector<16xi32>
      %add3A_268 = arith.addi %shift_left3A_127, %add3A_267 : vector<16xi32>
      %gather3A_269 = tpu.vector_load_idx %arg13[%add3A_117, %add3A_268] : memref<128x128xf32, #tpu.memory_space<vmem>>[vector<16xi32>, vector<16xi32>], vector<16xf32>,
      %add3A_270 = arith.constant 13 : i32
      %add3A_271 = vector.broadcast %add3A_270 : i32 to vector<16xi32>
      %add3A_272 = arith.addi %shift_left3A_135, %add3A_271 : vector<16xi32>
      %gather3A_273 = tpu.vector_load_idx %arg15[%add3A_117, %add3A_272] : memref<128x128xf32, #tpu.memory_space<vmem>>[vector<16xi32>, vector<16xi32>], vector<16xf32>,
      %mul3A_274 = arith.mulf %gather3A_269, %gather3A_273 : vector<16xf32>
      %add3A_275 = arith.addf %add3A_265, %mul3A_274 : vector<16xf32>
      %add3A_276 = arith.constant 14 : i32
      %add3A_277 = vector.broadcast %add3A_276 : i32 to vector<16xi32>
      %add3A_278 = arith.addi %shift_left3A_127, %add3A_277 : vector<16xi32>
      %gather3A_279 = tpu.vector_load_idx %arg13[%add3A_117, %add3A_278] : memref<128x128xf32, #tpu.memory_space<vmem>>[vector<16xi32>, vector<16xi32>], vector<16xf32>,
      %add3A_280 = arith.constant 14 : i32
      %add3A_281 = vector.broadcast %add3A_280 : i32 to vector<16xi32>
      %add3A_282 = arith.addi %shift_left3A_135, %add3A_281 : vector<16xi32>
      %gather3A_283 = tpu.vector_load_idx %arg15[%add3A_117, %add3A_282] : memref<128x128xf32, #tpu.memory_space<vmem>>[vector<16xi32>, vector<16xi32>], vector<16xf32>,
      %mul3A_284 = arith.mulf %gather3A_279, %gather3A_283 : vector<16xf32>
      %add3A_285 = arith.addf %add3A_275, %mul3A_284 : vector<16xf32>
      %add3A_286 = arith.constant 15 : i32
      %add3A_287 = vector.broadcast %add3A_286 : i32 to vector<16xi32>
      %add3A_288 = arith.addi %shift_left3A_127, %add3A_287 : vector<16xi32>
      %gather3A_289 = tpu.vector_load_idx %arg13[%add3A_117, %add3A_288] : memref<128x128xf32, #tpu.memory_space<vmem>>[vector<16xi32>, vector<16xi32>], vector<16xf32>,
      %add3A_290 = arith.constant 15 : i32
      %add3A_291 = vector.broadcast %add3A_290 : i32 to vector<16xi32>
      %add3A_292 = arith.addi %shift_left3A_135, %add3A_291 : vector<16xi32>
      %gather3A_293 = tpu.vector_load_idx %arg15[%add3A_117, %add3A_292] : memref<128x128xf32, #tpu.memory_space<vmem>>[vector<16xi32>, vector<16xi32>], vector<16xf32>,
      %mul3A_294 = arith.mulf %gather3A_289, %gather3A_293 : vector<16xf32>
      %add3A_295 = arith.addf %add3A_285, %mul3A_294 : vector<16xf32>
      %mul3A_296 = arith.mulf %add3A_295, %get3A_8 : vector<16xf32>
      %add3A_297 = arith.addf %mul3A_296, %get3A_10 : vector<16xf32>
      %neg3A = arith.constant 0.000000e+00 : f32
      %neg3A_298 = vector.broadcast %neg3A : f32 to vector<16xf32>
      %neg3A_299 = arith.subf %neg3A_298, %add3A_297 : vector<16xf32>
      %exp3A = math.exp %neg3A_299 : vector<16xf32>
      %add3A_300 = arith.constant 1.000000e+00 : f32
      %add3A_301 = vector.broadcast %add3A_300 : f32 to vector<16xf32>
      %add3A_302 = arith.addf %add3A_301, %exp3A : vector<16xf32>
      %div3A = arith.constant 1.000000e+00 : f32
      %div3A_303 = vector.broadcast %div3A : f32 to vector<16xf32>
      %div3A_304 = arith.divf %div3A_303, %add3A_302 : vector<16xf32>
      %swap3A = arith.index_cast %add3A_121 : i32 to index
      %swap3A_305 = tpu.vector_load %arg17[%swap3A] {strides = array<i32>} : memref<512xf32, #tpu.memory_space<vmem>>, vector<16xf32>,
      tpu.vector_store %arg17[%swap3A], %div3A_304 {strides = array<i32>} : memref<512xf32, #tpu.memory_space<vmem>>, vector<16xf32>,
    }
    %scan3A_96 = arith.constant 8 : i32
    %dma_wait3A_97 = arith.constant 384 : i32
    %dma_wait3A_98 = tpu.memref_slice %arg11[%dma_wait3A_97] : memref<512xi32, #tpu.memory_space<vmem>> -> memref<128xi32, #tpu.memory_space<vmem>>
    %dma_wait3A_99 = arith.constant 0 : i32
    %dma_wait3A_100 = arith.constant 0 : i32
    %dma_wait3A_101 = tpu.memref_slice %arg4[%dma_wait3A_99, %dma_wait3A_100] : memref<12500x128xf32, #tpu.memory_space<hbm>> -> memref<12500x128xf32, #tpu.memory_space<hbm>>
    tpu.wait_indirect_dma semaphore(%arg21 : memref<!tpu.dma_semaphore, #tpu.memory_space<semaphore_mem>>) src(%dma_wait3A_101 : memref<12500x128xf32, #tpu.memory_space<hbm>>) dst(%arg14 : memref<128x128xf32, #tpu.memory_space<vmem>>)
    %dma_wait3A_102 = arith.constant 384 : i32
    %dma_wait3A_103 = tpu.memref_slice %arg12[%dma_wait3A_102] : memref<512xi32, #tpu.memory_space<vmem>> -> memref<128xi32, #tpu.memory_space<vmem>>
    %dma_wait3A_104 = arith.constant 0 : i32
    %dma_wait3A_105 = arith.constant 0 : i32
    %dma_wait3A_106 = tpu.memref_slice %arg5[%dma_wait3A_104, %dma_wait3A_105] : memref<12500x128xf32, #tpu.memory_space<hbm>> -> memref<12500x128xf32, #tpu.memory_space<hbm>>
    tpu.wait_indirect_dma semaphore(%arg21 : memref<!tpu.dma_semaphore, #tpu.memory_space<semaphore_mem>>) src(%dma_wait3A_106 : memref<12500x128xf32, #tpu.memory_space<hbm>>) dst(%arg16 : memref<128x128xf32, #tpu.memory_space<vmem>>)
    %scan3A_107 = arith.constant 0 : i32
    %scan3A_108 = arith.constant 0 : i32
    %scan3A_109 = arith.constant 8 : i32
    %scan3A_110 = arith.addi %scan3A_108, %scan3A_109 : i32
    %scan3A_111 = arith.constant 1 : i32
    scf.for %scan3A_113 = %scan3A_108 to %scan3A_110 step %scan3A_111  : i32 {
      %mul3A_114 = arith.constant 16 : i32
      %mul3A_115 = arith.muli %scan3A_113, %mul3A_114 : i32
      %add3A_116 = vector.broadcast %mul3A_115 : i32 to vector<16xi32>
      %add3A_117 = arith.addi %add3A_116, %iota3A : vector<16xi32>
      %mul3A_118 = arith.constant 16 : i32
      %mul3A_119 = arith.muli %scan3A_113, %mul3A_118 : i32
      %add3A_120 = arith.constant 384 : i32
      %add3A_121 = arith.addi %add3A_120, %mul3A_119 : i32
      %get3A_122 = arith.index_cast %add3A_121 : i32 to index
      %get3A_123 = tpu.vector_load %arg9[%get3A_122] {strides = array<i32>} : memref<512xi32, #tpu.memory_space<vmem>>, vector<16xi32>,
      %and3A = arith.constant 7 : i32
      %and3A_124 = vector.broadcast %and3A : i32 to vector<16xi32>
      %and3A_125 = arith.andi %get3A_123, %and3A_124 : vector<16xi32>
      %shift_left3A = arith.constant 4 : i32
      %shift_left3A_126 = vector.broadcast %shift_left3A : i32 to vector<16xi32>
      %shift_left3A_127 = arith.shli %and3A_125, %shift_left3A_126 : vector<16xi32>
      %get3A_128 = arith.index_cast %add3A_121 : i32 to index
      %get3A_129 = tpu.vector_load %arg10[%get3A_128] {strides = array<i32>} : memref<512xi32, #tpu.memory_space<vmem>>, vector<16xi32>,
      %and3A_130 = arith.constant 7 : i32
      %and3A_131 = vector.broadcast %and3A_130 : i32 to vector<16xi32>
      %and3A_132 = arith.andi %get3A_129, %and3A_131 : vector<16xi32>
      %shift_left3A_133 = arith.constant 4 : i32
      %shift_left3A_134 = vector.broadcast %shift_left3A_133 : i32 to vector<16xi32>
      %shift_left3A_135 = arith.shli %and3A_132, %shift_left3A_134 : vector<16xi32>
      %broadcast_in_dim3A = arith.constant 0.000000e+00 : f32
      %broadcast_in_dim3A_136 = vector.broadcast %broadcast_in_dim3A : f32 to vector<16xf32>
      %add3A_137 = arith.constant 0 : i32
      %add3A_138 = vector.broadcast %add3A_137 : i32 to vector<16xi32>
      %add3A_139 = arith.addi %shift_left3A_127, %add3A_138 : vector<16xi32>
      %gather3A = tpu.vector_load_idx %arg14[%add3A_117, %add3A_139] : memref<128x128xf32, #tpu.memory_space<vmem>>[vector<16xi32>, vector<16xi32>], vector<16xf32>,
      %add3A_140 = arith.constant 0 : i32
      %add3A_141 = vector.broadcast %add3A_140 : i32 to vector<16xi32>
      %add3A_142 = arith.addi %shift_left3A_135, %add3A_141 : vector<16xi32>
      %gather3A_143 = tpu.vector_load_idx %arg16[%add3A_117, %add3A_142] : memref<128x128xf32, #tpu.memory_space<vmem>>[vector<16xi32>, vector<16xi32>], vector<16xf32>,
      %mul3A_144 = arith.mulf %gather3A, %gather3A_143 : vector<16xf32>
      %add3A_145 = arith.addf %broadcast_in_dim3A_136, %mul3A_144 : vector<16xf32>
      %add3A_146 = arith.constant 1 : i32
      %add3A_147 = vector.broadcast %add3A_146 : i32 to vector<16xi32>
      %add3A_148 = arith.addi %shift_left3A_127, %add3A_147 : vector<16xi32>
      %gather3A_149 = tpu.vector_load_idx %arg14[%add3A_117, %add3A_148] : memref<128x128xf32, #tpu.memory_space<vmem>>[vector<16xi32>, vector<16xi32>], vector<16xf32>,
      %add3A_150 = arith.constant 1 : i32
      %add3A_151 = vector.broadcast %add3A_150 : i32 to vector<16xi32>
      %add3A_152 = arith.addi %shift_left3A_135, %add3A_151 : vector<16xi32>
      %gather3A_153 = tpu.vector_load_idx %arg16[%add3A_117, %add3A_152] : memref<128x128xf32, #tpu.memory_space<vmem>>[vector<16xi32>, vector<16xi32>], vector<16xf32>,
      %mul3A_154 = arith.mulf %gather3A_149, %gather3A_153 : vector<16xf32>
      %add3A_155 = arith.addf %add3A_145, %mul3A_154 : vector<16xf32>
      %add3A_156 = arith.constant 2 : i32
      %add3A_157 = vector.broadcast %add3A_156 : i32 to vector<16xi32>
      %add3A_158 = arith.addi %shift_left3A_127, %add3A_157 : vector<16xi32>
      %gather3A_159 = tpu.vector_load_idx %arg14[%add3A_117, %add3A_158] : memref<128x128xf32, #tpu.memory_space<vmem>>[vector<16xi32>, vector<16xi32>], vector<16xf32>,
      %add3A_160 = arith.constant 2 : i32
      %add3A_161 = vector.broadcast %add3A_160 : i32 to vector<16xi32>
      %add3A_162 = arith.addi %shift_left3A_135, %add3A_161 : vector<16xi32>
      %gather3A_163 = tpu.vector_load_idx %arg16[%add3A_117, %add3A_162] : memref<128x128xf32, #tpu.memory_space<vmem>>[vector<16xi32>, vector<16xi32>], vector<16xf32>,
      %mul3A_164 = arith.mulf %gather3A_159, %gather3A_163 : vector<16xf32>
      %add3A_165 = arith.addf %add3A_155, %mul3A_164 : vector<16xf32>
      %add3A_166 = arith.constant 3 : i32
      %add3A_167 = vector.broadcast %add3A_166 : i32 to vector<16xi32>
      %add3A_168 = arith.addi %shift_left3A_127, %add3A_167 : vector<16xi32>
      %gather3A_169 = tpu.vector_load_idx %arg14[%add3A_117, %add3A_168] : memref<128x128xf32, #tpu.memory_space<vmem>>[vector<16xi32>, vector<16xi32>], vector<16xf32>,
      %add3A_170 = arith.constant 3 : i32
      %add3A_171 = vector.broadcast %add3A_170 : i32 to vector<16xi32>
      %add3A_172 = arith.addi %shift_left3A_135, %add3A_171 : vector<16xi32>
      %gather3A_173 = tpu.vector_load_idx %arg16[%add3A_117, %add3A_172] : memref<128x128xf32, #tpu.memory_space<vmem>>[vector<16xi32>, vector<16xi32>], vector<16xf32>,
      %mul3A_174 = arith.mulf %gather3A_169, %gather3A_173 : vector<16xf32>
      %add3A_175 = arith.addf %add3A_165, %mul3A_174 : vector<16xf32>
      %add3A_176 = arith.constant 4 : i32
      %add3A_177 = vector.broadcast %add3A_176 : i32 to vector<16xi32>
      %add3A_178 = arith.addi %shift_left3A_127, %add3A_177 : vector<16xi32>
      %gather3A_179 = tpu.vector_load_idx %arg14[%add3A_117, %add3A_178] : memref<128x128xf32, #tpu.memory_space<vmem>>[vector<16xi32>, vector<16xi32>], vector<16xf32>,
      %add3A_180 = arith.constant 4 : i32
      %add3A_181 = vector.broadcast %add3A_180 : i32 to vector<16xi32>
      %add3A_182 = arith.addi %shift_left3A_135, %add3A_181 : vector<16xi32>
      %gather3A_183 = tpu.vector_load_idx %arg16[%add3A_117, %add3A_182] : memref<128x128xf32, #tpu.memory_space<vmem>>[vector<16xi32>, vector<16xi32>], vector<16xf32>,
      %mul3A_184 = arith.mulf %gather3A_179, %gather3A_183 : vector<16xf32>
      %add3A_185 = arith.addf %add3A_175, %mul3A_184 : vector<16xf32>
      %add3A_186 = arith.constant 5 : i32
      %add3A_187 = vector.broadcast %add3A_186 : i32 to vector<16xi32>
      %add3A_188 = arith.addi %shift_left3A_127, %add3A_187 : vector<16xi32>
      %gather3A_189 = tpu.vector_load_idx %arg14[%add3A_117, %add3A_188] : memref<128x128xf32, #tpu.memory_space<vmem>>[vector<16xi32>, vector<16xi32>], vector<16xf32>,
      %add3A_190 = arith.constant 5 : i32
      %add3A_191 = vector.broadcast %add3A_190 : i32 to vector<16xi32>
      %add3A_192 = arith.addi %shift_left3A_135, %add3A_191 : vector<16xi32>
      %gather3A_193 = tpu.vector_load_idx %arg16[%add3A_117, %add3A_192] : memref<128x128xf32, #tpu.memory_space<vmem>>[vector<16xi32>, vector<16xi32>], vector<16xf32>,
      %mul3A_194 = arith.mulf %gather3A_189, %gather3A_193 : vector<16xf32>
      %add3A_195 = arith.addf %add3A_185, %mul3A_194 : vector<16xf32>
      %add3A_196 = arith.constant 6 : i32
      %add3A_197 = vector.broadcast %add3A_196 : i32 to vector<16xi32>
      %add3A_198 = arith.addi %shift_left3A_127, %add3A_197 : vector<16xi32>
      %gather3A_199 = tpu.vector_load_idx %arg14[%add3A_117, %add3A_198] : memref<128x128xf32, #tpu.memory_space<vmem>>[vector<16xi32>, vector<16xi32>], vector<16xf32>,
      %add3A_200 = arith.constant 6 : i32
      %add3A_201 = vector.broadcast %add3A_200 : i32 to vector<16xi32>
      %add3A_202 = arith.addi %shift_left3A_135, %add3A_201 : vector<16xi32>
      %gather3A_203 = tpu.vector_load_idx %arg16[%add3A_117, %add3A_202] : memref<128x128xf32, #tpu.memory_space<vmem>>[vector<16xi32>, vector<16xi32>], vector<16xf32>,
      %mul3A_204 = arith.mulf %gather3A_199, %gather3A_203 : vector<16xf32>
      %add3A_205 = arith.addf %add3A_195, %mul3A_204 : vector<16xf32>
      %add3A_206 = arith.constant 7 : i32
      %add3A_207 = vector.broadcast %add3A_206 : i32 to vector<16xi32>
      %add3A_208 = arith.addi %shift_left3A_127, %add3A_207 : vector<16xi32>
      %gather3A_209 = tpu.vector_load_idx %arg14[%add3A_117, %add3A_208] : memref<128x128xf32, #tpu.memory_space<vmem>>[vector<16xi32>, vector<16xi32>], vector<16xf32>,
      %add3A_210 = arith.constant 7 : i32
      %add3A_211 = vector.broadcast %add3A_210 : i32 to vector<16xi32>
      %add3A_212 = arith.addi %shift_left3A_135, %add3A_211 : vector<16xi32>
      %gather3A_213 = tpu.vector_load_idx %arg16[%add3A_117, %add3A_212] : memref<128x128xf32, #tpu.memory_space<vmem>>[vector<16xi32>, vector<16xi32>], vector<16xf32>,
      %mul3A_214 = arith.mulf %gather3A_209, %gather3A_213 : vector<16xf32>
      %add3A_215 = arith.addf %add3A_205, %mul3A_214 : vector<16xf32>
      %add3A_216 = arith.constant 8 : i32
      %add3A_217 = vector.broadcast %add3A_216 : i32 to vector<16xi32>
      %add3A_218 = arith.addi %shift_left3A_127, %add3A_217 : vector<16xi32>
      %gather3A_219 = tpu.vector_load_idx %arg14[%add3A_117, %add3A_218] : memref<128x128xf32, #tpu.memory_space<vmem>>[vector<16xi32>, vector<16xi32>], vector<16xf32>,
      %add3A_220 = arith.constant 8 : i32
      %add3A_221 = vector.broadcast %add3A_220 : i32 to vector<16xi32>
      %add3A_222 = arith.addi %shift_left3A_135, %add3A_221 : vector<16xi32>
      %gather3A_223 = tpu.vector_load_idx %arg16[%add3A_117, %add3A_222] : memref<128x128xf32, #tpu.memory_space<vmem>>[vector<16xi32>, vector<16xi32>], vector<16xf32>,
      %mul3A_224 = arith.mulf %gather3A_219, %gather3A_223 : vector<16xf32>
      %add3A_225 = arith.addf %add3A_215, %mul3A_224 : vector<16xf32>
      %add3A_226 = arith.constant 9 : i32
      %add3A_227 = vector.broadcast %add3A_226 : i32 to vector<16xi32>
      %add3A_228 = arith.addi %shift_left3A_127, %add3A_227 : vector<16xi32>
      %gather3A_229 = tpu.vector_load_idx %arg14[%add3A_117, %add3A_228] : memref<128x128xf32, #tpu.memory_space<vmem>>[vector<16xi32>, vector<16xi32>], vector<16xf32>,
      %add3A_230 = arith.constant 9 : i32
      %add3A_231 = vector.broadcast %add3A_230 : i32 to vector<16xi32>
      %add3A_232 = arith.addi %shift_left3A_135, %add3A_231 : vector<16xi32>
      %gather3A_233 = tpu.vector_load_idx %arg16[%add3A_117, %add3A_232] : memref<128x128xf32, #tpu.memory_space<vmem>>[vector<16xi32>, vector<16xi32>], vector<16xf32>,
      %mul3A_234 = arith.mulf %gather3A_229, %gather3A_233 : vector<16xf32>
      %add3A_235 = arith.addf %add3A_225, %mul3A_234 : vector<16xf32>
      %add3A_236 = arith.constant 10 : i32
      %add3A_237 = vector.broadcast %add3A_236 : i32 to vector<16xi32>
      %add3A_238 = arith.addi %shift_left3A_127, %add3A_237 : vector<16xi32>
      %gather3A_239 = tpu.vector_load_idx %arg14[%add3A_117, %add3A_238] : memref<128x128xf32, #tpu.memory_space<vmem>>[vector<16xi32>, vector<16xi32>], vector<16xf32>,
      %add3A_240 = arith.constant 10 : i32
      %add3A_241 = vector.broadcast %add3A_240 : i32 to vector<16xi32>
      %add3A_242 = arith.addi %shift_left3A_135, %add3A_241 : vector<16xi32>
      %gather3A_243 = tpu.vector_load_idx %arg16[%add3A_117, %add3A_242] : memref<128x128xf32, #tpu.memory_space<vmem>>[vector<16xi32>, vector<16xi32>], vector<16xf32>,
      %mul3A_244 = arith.mulf %gather3A_239, %gather3A_243 : vector<16xf32>
      %add3A_245 = arith.addf %add3A_235, %mul3A_244 : vector<16xf32>
      %add3A_246 = arith.constant 11 : i32
      %add3A_247 = vector.broadcast %add3A_246 : i32 to vector<16xi32>
      %add3A_248 = arith.addi %shift_left3A_127, %add3A_247 : vector<16xi32>
      %gather3A_249 = tpu.vector_load_idx %arg14[%add3A_117, %add3A_248] : memref<128x128xf32, #tpu.memory_space<vmem>>[vector<16xi32>, vector<16xi32>], vector<16xf32>,
      %add3A_250 = arith.constant 11 : i32
      %add3A_251 = vector.broadcast %add3A_250 : i32 to vector<16xi32>
      %add3A_252 = arith.addi %shift_left3A_135, %add3A_251 : vector<16xi32>
      %gather3A_253 = tpu.vector_load_idx %arg16[%add3A_117, %add3A_252] : memref<128x128xf32, #tpu.memory_space<vmem>>[vector<16xi32>, vector<16xi32>], vector<16xf32>,
      %mul3A_254 = arith.mulf %gather3A_249, %gather3A_253 : vector<16xf32>
      %add3A_255 = arith.addf %add3A_245, %mul3A_254 : vector<16xf32>
      %add3A_256 = arith.constant 12 : i32
      %add3A_257 = vector.broadcast %add3A_256 : i32 to vector<16xi32>
      %add3A_258 = arith.addi %shift_left3A_127, %add3A_257 : vector<16xi32>
      %gather3A_259 = tpu.vector_load_idx %arg14[%add3A_117, %add3A_258] : memref<128x128xf32, #tpu.memory_space<vmem>>[vector<16xi32>, vector<16xi32>], vector<16xf32>,
      %add3A_260 = arith.constant 12 : i32
      %add3A_261 = vector.broadcast %add3A_260 : i32 to vector<16xi32>
      %add3A_262 = arith.addi %shift_left3A_135, %add3A_261 : vector<16xi32>
      %gather3A_263 = tpu.vector_load_idx %arg16[%add3A_117, %add3A_262] : memref<128x128xf32, #tpu.memory_space<vmem>>[vector<16xi32>, vector<16xi32>], vector<16xf32>,
      %mul3A_264 = arith.mulf %gather3A_259, %gather3A_263 : vector<16xf32>
      %add3A_265 = arith.addf %add3A_255, %mul3A_264 : vector<16xf32>
      %add3A_266 = arith.constant 13 : i32
      %add3A_267 = vector.broadcast %add3A_266 : i32 to vector<16xi32>
      %add3A_268 = arith.addi %shift_left3A_127, %add3A_267 : vector<16xi32>
      %gather3A_269 = tpu.vector_load_idx %arg14[%add3A_117, %add3A_268] : memref<128x128xf32, #tpu.memory_space<vmem>>[vector<16xi32>, vector<16xi32>], vector<16xf32>,
      %add3A_270 = arith.constant 13 : i32
      %add3A_271 = vector.broadcast %add3A_270 : i32 to vector<16xi32>
      %add3A_272 = arith.addi %shift_left3A_135, %add3A_271 : vector<16xi32>
      %gather3A_273 = tpu.vector_load_idx %arg16[%add3A_117, %add3A_272] : memref<128x128xf32, #tpu.memory_space<vmem>>[vector<16xi32>, vector<16xi32>], vector<16xf32>,
      %mul3A_274 = arith.mulf %gather3A_269, %gather3A_273 : vector<16xf32>
      %add3A_275 = arith.addf %add3A_265, %mul3A_274 : vector<16xf32>
      %add3A_276 = arith.constant 14 : i32
      %add3A_277 = vector.broadcast %add3A_276 : i32 to vector<16xi32>
      %add3A_278 = arith.addi %shift_left3A_127, %add3A_277 : vector<16xi32>
      %gather3A_279 = tpu.vector_load_idx %arg14[%add3A_117, %add3A_278] : memref<128x128xf32, #tpu.memory_space<vmem>>[vector<16xi32>, vector<16xi32>], vector<16xf32>,
      %add3A_280 = arith.constant 14 : i32
      %add3A_281 = vector.broadcast %add3A_280 : i32 to vector<16xi32>
      %add3A_282 = arith.addi %shift_left3A_135, %add3A_281 : vector<16xi32>
      %gather3A_283 = tpu.vector_load_idx %arg16[%add3A_117, %add3A_282] : memref<128x128xf32, #tpu.memory_space<vmem>>[vector<16xi32>, vector<16xi32>], vector<16xf32>,
      %mul3A_284 = arith.mulf %gather3A_279, %gather3A_283 : vector<16xf32>
      %add3A_285 = arith.addf %add3A_275, %mul3A_284 : vector<16xf32>
      %add3A_286 = arith.constant 15 : i32
      %add3A_287 = vector.broadcast %add3A_286 : i32 to vector<16xi32>
      %add3A_288 = arith.addi %shift_left3A_127, %add3A_287 : vector<16xi32>
      %gather3A_289 = tpu.vector_load_idx %arg14[%add3A_117, %add3A_288] : memref<128x128xf32, #tpu.memory_space<vmem>>[vector<16xi32>, vector<16xi32>], vector<16xf32>,
      %add3A_290 = arith.constant 15 : i32
      %add3A_291 = vector.broadcast %add3A_290 : i32 to vector<16xi32>
      %add3A_292 = arith.addi %shift_left3A_135, %add3A_291 : vector<16xi32>
      %gather3A_293 = tpu.vector_load_idx %arg16[%add3A_117, %add3A_292] : memref<128x128xf32, #tpu.memory_space<vmem>>[vector<16xi32>, vector<16xi32>], vector<16xf32>,
      %mul3A_294 = arith.mulf %gather3A_289, %gather3A_293 : vector<16xf32>
      %add3A_295 = arith.addf %add3A_285, %mul3A_294 : vector<16xf32>
      %mul3A_296 = arith.mulf %add3A_295, %get3A_8 : vector<16xf32>
      %add3A_297 = arith.addf %mul3A_296, %get3A_10 : vector<16xf32>
      %neg3A = arith.constant 0.000000e+00 : f32
      %neg3A_298 = vector.broadcast %neg3A : f32 to vector<16xf32>
      %neg3A_299 = arith.subf %neg3A_298, %add3A_297 : vector<16xf32>
      %exp3A = math.exp %neg3A_299 : vector<16xf32>
      %add3A_300 = arith.constant 1.000000e+00 : f32
      %add3A_301 = vector.broadcast %add3A_300 : f32 to vector<16xf32>
      %add3A_302 = arith.addf %add3A_301, %exp3A : vector<16xf32>
      %div3A = arith.constant 1.000000e+00 : f32
      %div3A_303 = vector.broadcast %div3A : f32 to vector<16xf32>
      %div3A_304 = arith.divf %div3A_303, %add3A_302 : vector<16xf32>
      %swap3A = arith.index_cast %add3A_121 : i32 to index
      %swap3A_305 = tpu.vector_load %arg17[%swap3A] {strides = array<i32>} : memref<512xf32, #tpu.memory_space<vmem>>, vector<16xf32>,
      tpu.vector_store %arg17[%swap3A], %div3A_304 {strides = array<i32>} : memref<512xf32, #tpu.memory_space<vmem>>, vector<16xf32>,
    }
    %scan3A_112 = arith.constant 8 : i32
    "tpu.region"() ({
      %run_scoped3A = tpu.sem_alloc : memref<!tpu.dma_semaphore, #tpu.memory_space<semaphore_mem>>
      %dma_start3A_113 = tpu.memref_slice %arg8[%mul3A_2] : memref<16384xf32, #tpu.memory_space<hbm>> -> memref<512xf32, #tpu.memory_space<hbm>>
      %dma_start3A_114 = tpu.memref_slice %arg8[%mul3A_2] : memref<16384xf32, #tpu.memory_space<hbm>> -> memref<512xf32, #tpu.memory_space<hbm>>
      tpu.enqueue_dma source(%arg17 : memref<512xf32, #tpu.memory_space<vmem>>) target(%dma_start3A_114 : memref<512xf32, #tpu.memory_space<hbm>>) target_semaphore(%run_scoped3A : memref<!tpu.dma_semaphore, #tpu.memory_space<semaphore_mem>>)
      %dma_wait3A_115 = tpu.memref_slice %arg8[%mul3A_2] : memref<16384xf32, #tpu.memory_space<hbm>> -> memref<512xf32, #tpu.memory_space<hbm>>
      %dma_wait3A_116 = tpu.memref_slice %arg8[%mul3A_2] : memref<16384xf32, #tpu.memory_space<hbm>> -> memref<512xf32, #tpu.memory_space<hbm>>
      tpu.wait_dma2 semaphore(%run_scoped3A : memref<!tpu.dma_semaphore, #tpu.memory_space<semaphore_mem>>) src(%arg17 : memref<512xf32, #tpu.memory_space<vmem>>) dst(%dma_wait3A_116 : memref<512xf32, #tpu.memory_space<hbm>>)
      tpu.yield
    }) : () -> ()
    return
  }
}

#map = affine_map<(d0, d1) -> (0, 0)>
module attributes {stable_mosaic.version = 14 : i64} {
  func.func @_transpose_sc(%arg0: i32, %arg1: i32, %arg2: memref<16x100000xf32, #tpu.memory_space<hbm>>, %arg3: memref<16x100000xf32, #tpu.memory_space<hbm>>, %arg4: memref<12500x128xf32, #tpu.memory_space<hbm>>, %arg5: memref<12500x128xf32, #tpu.memory_space<hbm>>, %arg6: memref<16x128xf32, #tpu.memory_space<vmem>>, %arg7: memref<16x128xf32, #tpu.memory_space<vmem>>) attributes {dimension_semantics = [#tpu.dimension_semantics<core_parallel>, #tpu.dimension_semantics<subcore_parallel>], iteration_bounds = array<i64: 2, 16>, scalar_prefetch = 0 : i64, scratch_operands = 2 : i64, tpu.core_type = #tpu.core_type<sc_vector_subcore>, window_params = [{transform_indices = #map}, {transform_indices = #map}, {transform_indices = #map}, {transform_indices = #map}]} {
    %mul3A = arith.constant 2 : i32
    %mul3A_0 = arith.muli %arg1, %mul3A : i32
    %add3A = arith.addi %mul3A_0, %arg0 : i32
    %iota3A = tpu.iota {dimensions = array<i32: 0>} : vector<16xi32>
    %scan3A = arith.constant 0 : i32
    %scan3A_1 = arith.constant 0 : i32
    %scan3A_2 = arith.constant 25 : i32
    %scan3A_3 = arith.addi %scan3A_1, %scan3A_2 : i32
    %scan3A_4 = arith.constant 1 : i32
    scf.for %scan3A_8 = %scan3A_1 to %scan3A_3 step %scan3A_4  : i32 {
      %mul3A_9 = arith.constant 32 : i32
      %mul3A_10 = arith.muli %mul3A_9, %scan3A_8 : i32
      %add3A_11 = arith.addi %add3A, %mul3A_10 : i32
      %min3A = arith.constant 780 : i32
      %min3A_12 = arith.minsi %add3A_11, %min3A : i32
      %mul3A_13 = arith.constant 128 : i32
      %mul3A_14 = arith.muli %min3A_12, %mul3A_13 : i32
      %multiple_of3A = tpu.assume_multiple %mul3A_14, 128 : i32
      %mul3A_15 = arith.constant 16 : i32
      %mul3A_16 = arith.muli %min3A_12, %mul3A_15 : i32
      %multiple_of3A_17 = tpu.assume_multiple %mul3A_16, 8 : i32
      "tpu.region"() ({
        %run_scoped3A = tpu.sem_alloc : memref<!tpu.dma_semaphore, #tpu.memory_space<semaphore_mem>>
        %dma_start3A = arith.constant 0 : i32
        %dma_start3A_1807 = tpu.memref_slice %arg2[%dma_start3A, %multiple_of3A] : memref<16x100000xf32, #tpu.memory_space<hbm>> -> memref<16x128xf32, #tpu.memory_space<hbm>>
        %dma_start3A_1808 = arith.constant 0 : i32
        %dma_start3A_1809 = tpu.memref_slice %arg2[%dma_start3A_1808, %multiple_of3A] : memref<16x100000xf32, #tpu.memory_space<hbm>> -> memref<16x128xf32, #tpu.memory_space<hbm>>
        tpu.enqueue_dma source(%dma_start3A_1809 : memref<16x128xf32, #tpu.memory_space<hbm>>) target(%arg6 : memref<16x128xf32, #tpu.memory_space<vmem>>) target_semaphore(%run_scoped3A : memref<!tpu.dma_semaphore, #tpu.memory_space<semaphore_mem>>)
        %dma_wait3A = arith.constant 0 : i32
        %dma_wait3A_1810 = tpu.memref_slice %arg2[%dma_wait3A, %multiple_of3A] : memref<16x100000xf32, #tpu.memory_space<hbm>> -> memref<16x128xf32, #tpu.memory_space<hbm>>
        %dma_wait3A_1811 = arith.constant 0 : i32
        %dma_wait3A_1812 = tpu.memref_slice %arg2[%dma_wait3A_1811, %multiple_of3A] : memref<16x100000xf32, #tpu.memory_space<hbm>> -> memref<16x128xf32, #tpu.memory_space<hbm>>
        tpu.wait_dma2 semaphore(%run_scoped3A : memref<!tpu.dma_semaphore, #tpu.memory_space<semaphore_mem>>) src(%dma_wait3A_1812 : memref<16x128xf32, #tpu.memory_space<hbm>>) dst(%arg6 : memref<16x128xf32, #tpu.memory_space<vmem>>)
        tpu.yield
      }) : () -> ()
      %broadcast_in_dim3A = arith.constant 0 : i32
      %broadcast_in_dim3A_18 = vector.broadcast %broadcast_in_dim3A : i32 to vector<16xi32>
      %gather3A = tpu.vector_load_idx %arg6[%iota3A, %broadcast_in_dim3A_18] : memref<16x128xf32, #tpu.memory_space<vmem>>[vector<16xi32>, vector<16xi32>], vector<16xf32>,
      %swap3A = arith.constant 0 : i32
      %swap3A_19 = arith.index_cast %swap3A : i32 to index
      %swap3A_20 = arith.constant 0 : index
      %swap3A_21 = tpu.vector_load %arg7[%swap3A_19, %swap3A_20] {strides = array<i32>} : memref<16x128xf32, #tpu.memory_space<vmem>>, vector<16xf32>,
      tpu.vector_store %arg7[%swap3A_19, %swap3A_20], %gather3A {strides = array<i32>} : memref<16x128xf32, #tpu.memory_space<vmem>>, vector<16xf32>,
      %broadcast_in_dim3A_22 = arith.constant 1 : i32
      %broadcast_in_dim3A_23 = vector.broadcast %broadcast_in_dim3A_22 : i32 to vector<16xi32>
      %gather3A_24 = tpu.vector_load_idx %arg6[%iota3A, %broadcast_in_dim3A_23] : memref<16x128xf32, #tpu.memory_space<vmem>>[vector<16xi32>, vector<16xi32>], vector<16xf32>,
      %swap3A_25 = arith.constant 0 : i32
      %swap3A_26 = arith.index_cast %swap3A_25 : i32 to index
      %swap3A_27 = arith.constant 16 : index
      %swap3A_28 = tpu.vector_load %arg7[%swap3A_26, %swap3A_27] {strides = array<i32>} : memref<16x128xf32, #tpu.memory_space<vmem>>, vector<16xf32>,
      tpu.vector_store %arg7[%swap3A_26, %swap3A_27], %gather3A_24 {strides = array<i32>} : memref<16x128xf32, #tpu.memory_space<vmem>>, vector<16xf32>,
      %broadcast_in_dim3A_29 = arith.constant 2 : i32
      %broadcast_in_dim3A_30 = vector.broadcast %broadcast_in_dim3A_29 : i32 to vector<16xi32>
      %gather3A_31 = tpu.vector_load_idx %arg6[%iota3A, %broadcast_in_dim3A_30] : memref<16x128xf32, #tpu.memory_space<vmem>>[vector<16xi32>, vector<16xi32>], vector<16xf32>,
      %swap3A_32 = arith.constant 0 : i32
      %swap3A_33 = arith.index_cast %swap3A_32 : i32 to index
      %swap3A_34 = arith.constant 32 : index
      %swap3A_35 = tpu.vector_load %arg7[%swap3A_33, %swap3A_34] {strides = array<i32>} : memref<16x128xf32, #tpu.memory_space<vmem>>, vector<16xf32>,
      tpu.vector_store %arg7[%swap3A_33, %swap3A_34], %gather3A_31 {strides = array<i32>} : memref<16x128xf32, #tpu.memory_space<vmem>>, vector<16xf32>,
      %broadcast_in_dim3A_36 = arith.constant 3 : i32
      %broadcast_in_dim3A_37 = vector.broadcast %broadcast_in_dim3A_36 : i32 to vector<16xi32>
      %gather3A_38 = tpu.vector_load_idx %arg6[%iota3A, %broadcast_in_dim3A_37] : memref<16x128xf32, #tpu.memory_space<vmem>>[vector<16xi32>, vector<16xi32>], vector<16xf32>,
      %swap3A_39 = arith.constant 0 : i32
      %swap3A_40 = arith.index_cast %swap3A_39 : i32 to index
      %swap3A_41 = arith.constant 48 : index
      %swap3A_42 = tpu.vector_load %arg7[%swap3A_40, %swap3A_41] {strides = array<i32>} : memref<16x128xf32, #tpu.memory_space<vmem>>, vector<16xf32>,
      tpu.vector_store %arg7[%swap3A_40, %swap3A_41], %gather3A_38 {strides = array<i32>} : memref<16x128xf32, #tpu.memory_space<vmem>>, vector<16xf32>,
      %broadcast_in_dim3A_43 = arith.constant 4 : i32
      %broadcast_in_dim3A_44 = vector.broadcast %broadcast_in_dim3A_43 : i32 to vector<16xi32>
      %gather3A_45 = tpu.vector_load_idx %arg6[%iota3A, %broadcast_in_dim3A_44] : memref<16x128xf32, #tpu.memory_space<vmem>>[vector<16xi32>, vector<16xi32>], vector<16xf32>,
      %swap3A_46 = arith.constant 0 : i32
      %swap3A_47 = arith.index_cast %swap3A_46 : i32 to index
      %swap3A_48 = arith.constant 64 : index
      %swap3A_49 = tpu.vector_load %arg7[%swap3A_47, %swap3A_48] {strides = array<i32>} : memref<16x128xf32, #tpu.memory_space<vmem>>, vector<16xf32>,
      tpu.vector_store %arg7[%swap3A_47, %swap3A_48], %gather3A_45 {strides = array<i32>} : memref<16x128xf32, #tpu.memory_space<vmem>>, vector<16xf32>,
      %broadcast_in_dim3A_50 = arith.constant 5 : i32
      %broadcast_in_dim3A_51 = vector.broadcast %broadcast_in_dim3A_50 : i32 to vector<16xi32>
      %gather3A_52 = tpu.vector_load_idx %arg6[%iota3A, %broadcast_in_dim3A_51] : memref<16x128xf32, #tpu.memory_space<vmem>>[vector<16xi32>, vector<16xi32>], vector<16xf32>,
      %swap3A_53 = arith.constant 0 : i32
      %swap3A_54 = arith.index_cast %swap3A_53 : i32 to index
      %swap3A_55 = arith.constant 80 : index
      %swap3A_56 = tpu.vector_load %arg7[%swap3A_54, %swap3A_55] {strides = array<i32>} : memref<16x128xf32, #tpu.memory_space<vmem>>, vector<16xf32>,
      tpu.vector_store %arg7[%swap3A_54, %swap3A_55], %gather3A_52 {strides = array<i32>} : memref<16x128xf32, #tpu.memory_space<vmem>>, vector<16xf32>,
      %broadcast_in_dim3A_57 = arith.constant 6 : i32
      %broadcast_in_dim3A_58 = vector.broadcast %broadcast_in_dim3A_57 : i32 to vector<16xi32>
      %gather3A_59 = tpu.vector_load_idx %arg6[%iota3A, %broadcast_in_dim3A_58] : memref<16x128xf32, #tpu.memory_space<vmem>>[vector<16xi32>, vector<16xi32>], vector<16xf32>,
      %swap3A_60 = arith.constant 0 : i32
      %swap3A_61 = arith.index_cast %swap3A_60 : i32 to index
      %swap3A_62 = arith.constant 96 : index
      %swap3A_63 = tpu.vector_load %arg7[%swap3A_61, %swap3A_62] {strides = array<i32>} : memref<16x128xf32, #tpu.memory_space<vmem>>, vector<16xf32>,
      tpu.vector_store %arg7[%swap3A_61, %swap3A_62], %gather3A_59 {strides = array<i32>} : memref<16x128xf32, #tpu.memory_space<vmem>>, vector<16xf32>,
      %broadcast_in_dim3A_64 = arith.constant 7 : i32
      %broadcast_in_dim3A_65 = vector.broadcast %broadcast_in_dim3A_64 : i32 to vector<16xi32>
      %gather3A_66 = tpu.vector_load_idx %arg6[%iota3A, %broadcast_in_dim3A_65] : memref<16x128xf32, #tpu.memory_space<vmem>>[vector<16xi32>, vector<16xi32>], vector<16xf32>,
      %swap3A_67 = arith.constant 0 : i32
      %swap3A_68 = arith.index_cast %swap3A_67 : i32 to index
      %swap3A_69 = arith.constant 112 : index
      %swap3A_70 = tpu.vector_load %arg7[%swap3A_68, %swap3A_69] {strides = array<i32>} : memref<16x128xf32, #tpu.memory_space<vmem>>, vector<16xf32>,
      tpu.vector_store %arg7[%swap3A_68, %swap3A_69], %gather3A_66 {strides = array<i32>} : memref<16x128xf32, #tpu.memory_space<vmem>>, vector<16xf32>,
      %broadcast_in_dim3A_71 = arith.constant 8 : i32
      %broadcast_in_dim3A_72 = vector.broadcast %broadcast_in_dim3A_71 : i32 to vector<16xi32>
      %gather3A_73 = tpu.vector_load_idx %arg6[%iota3A, %broadcast_in_dim3A_72] : memref<16x128xf32, #tpu.memory_space<vmem>>[vector<16xi32>, vector<16xi32>], vector<16xf32>,
      %swap3A_74 = arith.constant 1 : i32
      %swap3A_75 = arith.index_cast %swap3A_74 : i32 to index
      %swap3A_76 = arith.constant 0 : index
      %swap3A_77 = tpu.vector_load %arg7[%swap3A_75, %swap3A_76] {strides = array<i32>} : memref<16x128xf32, #tpu.memory_space<vmem>>, vector<16xf32>,
      tpu.vector_store %arg7[%swap3A_75, %swap3A_76], %gather3A_73 {strides = array<i32>} : memref<16x128xf32, #tpu.memory_space<vmem>>, vector<16xf32>,
      %broadcast_in_dim3A_78 = arith.constant 9 : i32
      %broadcast_in_dim3A_79 = vector.broadcast %broadcast_in_dim3A_78 : i32 to vector<16xi32>
      %gather3A_80 = tpu.vector_load_idx %arg6[%iota3A, %broadcast_in_dim3A_79] : memref<16x128xf32, #tpu.memory_space<vmem>>[vector<16xi32>, vector<16xi32>], vector<16xf32>,
      %swap3A_81 = arith.constant 1 : i32
      %swap3A_82 = arith.index_cast %swap3A_81 : i32 to index
      %swap3A_83 = arith.constant 16 : index
      %swap3A_84 = tpu.vector_load %arg7[%swap3A_82, %swap3A_83] {strides = array<i32>} : memref<16x128xf32, #tpu.memory_space<vmem>>, vector<16xf32>,
      tpu.vector_store %arg7[%swap3A_82, %swap3A_83], %gather3A_80 {strides = array<i32>} : memref<16x128xf32, #tpu.memory_space<vmem>>, vector<16xf32>,
      %broadcast_in_dim3A_85 = arith.constant 10 : i32
      %broadcast_in_dim3A_86 = vector.broadcast %broadcast_in_dim3A_85 : i32 to vector<16xi32>
      %gather3A_87 = tpu.vector_load_idx %arg6[%iota3A, %broadcast_in_dim3A_86] : memref<16x128xf32, #tpu.memory_space<vmem>>[vector<16xi32>, vector<16xi32>], vector<16xf32>,
      %swap3A_88 = arith.constant 1 : i32
      %swap3A_89 = arith.index_cast %swap3A_88 : i32 to index
      %swap3A_90 = arith.constant 32 : index
      %swap3A_91 = tpu.vector_load %arg7[%swap3A_89, %swap3A_90] {strides = array<i32>} : memref<16x128xf32, #tpu.memory_space<vmem>>, vector<16xf32>,
      tpu.vector_store %arg7[%swap3A_89, %swap3A_90], %gather3A_87 {strides = array<i32>} : memref<16x128xf32, #tpu.memory_space<vmem>>, vector<16xf32>,
      %broadcast_in_dim3A_92 = arith.constant 11 : i32
      %broadcast_in_dim3A_93 = vector.broadcast %broadcast_in_dim3A_92 : i32 to vector<16xi32>
      %gather3A_94 = tpu.vector_load_idx %arg6[%iota3A, %broadcast_in_dim3A_93] : memref<16x128xf32, #tpu.memory_space<vmem>>[vector<16xi32>, vector<16xi32>], vector<16xf32>,
      %swap3A_95 = arith.constant 1 : i32
      %swap3A_96 = arith.index_cast %swap3A_95 : i32 to index
      %swap3A_97 = arith.constant 48 : index
      %swap3A_98 = tpu.vector_load %arg7[%swap3A_96, %swap3A_97] {strides = array<i32>} : memref<16x128xf32, #tpu.memory_space<vmem>>, vector<16xf32>,
      tpu.vector_store %arg7[%swap3A_96, %swap3A_97], %gather3A_94 {strides = array<i32>} : memref<16x128xf32, #tpu.memory_space<vmem>>, vector<16xf32>,
      %broadcast_in_dim3A_99 = arith.constant 12 : i32
      %broadcast_in_dim3A_100 = vector.broadcast %broadcast_in_dim3A_99 : i32 to vector<16xi32>
      %gather3A_101 = tpu.vector_load_idx %arg6[%iota3A, %broadcast_in_dim3A_100] : memref<16x128xf32, #tpu.memory_space<vmem>>[vector<16xi32>, vector<16xi32>], vector<16xf32>,
      %swap3A_102 = arith.constant 1 : i32
      %swap3A_103 = arith.index_cast %swap3A_102 : i32 to index
      %swap3A_104 = arith.constant 64 : index
      %swap3A_105 = tpu.vector_load %arg7[%swap3A_103, %swap3A_104] {strides = array<i32>} : memref<16x128xf32, #tpu.memory_space<vmem>>, vector<16xf32>,
      tpu.vector_store %arg7[%swap3A_103, %swap3A_104], %gather3A_101 {strides = array<i32>} : memref<16x128xf32, #tpu.memory_space<vmem>>, vector<16xf32>,
      %broadcast_in_dim3A_106 = arith.constant 13 : i32
      %broadcast_in_dim3A_107 = vector.broadcast %broadcast_in_dim3A_106 : i32 to vector<16xi32>
      %gather3A_108 = tpu.vector_load_idx %arg6[%iota3A, %broadcast_in_dim3A_107] : memref<16x128xf32, #tpu.memory_space<vmem>>[vector<16xi32>, vector<16xi32>], vector<16xf32>,
      %swap3A_109 = arith.constant 1 : i32
      %swap3A_110 = arith.index_cast %swap3A_109 : i32 to index
      %swap3A_111 = arith.constant 80 : index
      %swap3A_112 = tpu.vector_load %arg7[%swap3A_110, %swap3A_111] {strides = array<i32>} : memref<16x128xf32, #tpu.memory_space<vmem>>, vector<16xf32>,
      tpu.vector_store %arg7[%swap3A_110, %swap3A_111], %gather3A_108 {strides = array<i32>} : memref<16x128xf32, #tpu.memory_space<vmem>>, vector<16xf32>,
      %broadcast_in_dim3A_113 = arith.constant 14 : i32
      %broadcast_in_dim3A_114 = vector.broadcast %broadcast_in_dim3A_113 : i32 to vector<16xi32>
      %gather3A_115 = tpu.vector_load_idx %arg6[%iota3A, %broadcast_in_dim3A_114] : memref<16x128xf32, #tpu.memory_space<vmem>>[vector<16xi32>, vector<16xi32>], vector<16xf32>,
      %swap3A_116 = arith.constant 1 : i32
      %swap3A_117 = arith.index_cast %swap3A_116 : i32 to index
      %swap3A_118 = arith.constant 96 : index
      %swap3A_119 = tpu.vector_load %arg7[%swap3A_117, %swap3A_118] {strides = array<i32>} : memref<16x128xf32, #tpu.memory_space<vmem>>, vector<16xf32>,
      tpu.vector_store %arg7[%swap3A_117, %swap3A_118], %gather3A_115 {strides = array<i32>} : memref<16x128xf32, #tpu.memory_space<vmem>>, vector<16xf32>,
      %broadcast_in_dim3A_120 = arith.constant 15 : i32
      %broadcast_in_dim3A_121 = vector.broadcast %broadcast_in_dim3A_120 : i32 to vector<16xi32>
      %gather3A_122 = tpu.vector_load_idx %arg6[%iota3A, %broadcast_in_dim3A_121] : memref<16x128xf32, #tpu.memory_space<vmem>>[vector<16xi32>, vector<16xi32>], vector<16xf32>,
      %swap3A_123 = arith.constant 1 : i32
      %swap3A_124 = arith.index_cast %swap3A_123 : i32 to index
      %swap3A_125 = arith.constant 112 : index
      %swap3A_126 = tpu.vector_load %arg7[%swap3A_124, %swap3A_125] {strides = array<i32>} : memref<16x128xf32, #tpu.memory_space<vmem>>, vector<16xf32>,
      tpu.vector_store %arg7[%swap3A_124, %swap3A_125], %gather3A_122 {strides = array<i32>} : memref<16x128xf32, #tpu.memory_space<vmem>>, vector<16xf32>,
      %broadcast_in_dim3A_127 = arith.constant 16 : i32
      %broadcast_in_dim3A_128 = vector.broadcast %broadcast_in_dim3A_127 : i32 to vector<16xi32>
      %gather3A_129 = tpu.vector_load_idx %arg6[%iota3A, %broadcast_in_dim3A_128] : memref<16x128xf32, #tpu.memory_space<vmem>>[vector<16xi32>, vector<16xi32>], vector<16xf32>,
      %swap3A_130 = arith.constant 2 : i32
      %swap3A_131 = arith.index_cast %swap3A_130 : i32 to index
      %swap3A_132 = arith.constant 0 : index
      %swap3A_133 = tpu.vector_load %arg7[%swap3A_131, %swap3A_132] {strides = array<i32>} : memref<16x128xf32, #tpu.memory_space<vmem>>, vector<16xf32>,
      tpu.vector_store %arg7[%swap3A_131, %swap3A_132], %gather3A_129 {strides = array<i32>} : memref<16x128xf32, #tpu.memory_space<vmem>>, vector<16xf32>,
      %broadcast_in_dim3A_134 = arith.constant 17 : i32
      %broadcast_in_dim3A_135 = vector.broadcast %broadcast_in_dim3A_134 : i32 to vector<16xi32>
      %gather3A_136 = tpu.vector_load_idx %arg6[%iota3A, %broadcast_in_dim3A_135] : memref<16x128xf32, #tpu.memory_space<vmem>>[vector<16xi32>, vector<16xi32>], vector<16xf32>,
      %swap3A_137 = arith.constant 2 : i32
      %swap3A_138 = arith.index_cast %swap3A_137 : i32 to index
      %swap3A_139 = arith.constant 16 : index
      %swap3A_140 = tpu.vector_load %arg7[%swap3A_138, %swap3A_139] {strides = array<i32>} : memref<16x128xf32, #tpu.memory_space<vmem>>, vector<16xf32>,
      tpu.vector_store %arg7[%swap3A_138, %swap3A_139], %gather3A_136 {strides = array<i32>} : memref<16x128xf32, #tpu.memory_space<vmem>>, vector<16xf32>,
      %broadcast_in_dim3A_141 = arith.constant 18 : i32
      %broadcast_in_dim3A_142 = vector.broadcast %broadcast_in_dim3A_141 : i32 to vector<16xi32>
      %gather3A_143 = tpu.vector_load_idx %arg6[%iota3A, %broadcast_in_dim3A_142] : memref<16x128xf32, #tpu.memory_space<vmem>>[vector<16xi32>, vector<16xi32>], vector<16xf32>,
      %swap3A_144 = arith.constant 2 : i32
      %swap3A_145 = arith.index_cast %swap3A_144 : i32 to index
      %swap3A_146 = arith.constant 32 : index
      %swap3A_147 = tpu.vector_load %arg7[%swap3A_145, %swap3A_146] {strides = array<i32>} : memref<16x128xf32, #tpu.memory_space<vmem>>, vector<16xf32>,
      tpu.vector_store %arg7[%swap3A_145, %swap3A_146], %gather3A_143 {strides = array<i32>} : memref<16x128xf32, #tpu.memory_space<vmem>>, vector<16xf32>,
      %broadcast_in_dim3A_148 = arith.constant 19 : i32
      %broadcast_in_dim3A_149 = vector.broadcast %broadcast_in_dim3A_148 : i32 to vector<16xi32>
      %gather3A_150 = tpu.vector_load_idx %arg6[%iota3A, %broadcast_in_dim3A_149] : memref<16x128xf32, #tpu.memory_space<vmem>>[vector<16xi32>, vector<16xi32>], vector<16xf32>,
      %swap3A_151 = arith.constant 2 : i32
      %swap3A_152 = arith.index_cast %swap3A_151 : i32 to index
      %swap3A_153 = arith.constant 48 : index
      %swap3A_154 = tpu.vector_load %arg7[%swap3A_152, %swap3A_153] {strides = array<i32>} : memref<16x128xf32, #tpu.memory_space<vmem>>, vector<16xf32>,
      tpu.vector_store %arg7[%swap3A_152, %swap3A_153], %gather3A_150 {strides = array<i32>} : memref<16x128xf32, #tpu.memory_space<vmem>>, vector<16xf32>,
      %broadcast_in_dim3A_155 = arith.constant 20 : i32
      %broadcast_in_dim3A_156 = vector.broadcast %broadcast_in_dim3A_155 : i32 to vector<16xi32>
      %gather3A_157 = tpu.vector_load_idx %arg6[%iota3A, %broadcast_in_dim3A_156] : memref<16x128xf32, #tpu.memory_space<vmem>>[vector<16xi32>, vector<16xi32>], vector<16xf32>,
      %swap3A_158 = arith.constant 2 : i32
      %swap3A_159 = arith.index_cast %swap3A_158 : i32 to index
      %swap3A_160 = arith.constant 64 : index
      %swap3A_161 = tpu.vector_load %arg7[%swap3A_159, %swap3A_160] {strides = array<i32>} : memref<16x128xf32, #tpu.memory_space<vmem>>, vector<16xf32>,
      tpu.vector_store %arg7[%swap3A_159, %swap3A_160], %gather3A_157 {strides = array<i32>} : memref<16x128xf32, #tpu.memory_space<vmem>>, vector<16xf32>,
      %broadcast_in_dim3A_162 = arith.constant 21 : i32
      %broadcast_in_dim3A_163 = vector.broadcast %broadcast_in_dim3A_162 : i32 to vector<16xi32>
      %gather3A_164 = tpu.vector_load_idx %arg6[%iota3A, %broadcast_in_dim3A_163] : memref<16x128xf32, #tpu.memory_space<vmem>>[vector<16xi32>, vector<16xi32>], vector<16xf32>,
      %swap3A_165 = arith.constant 2 : i32
      %swap3A_166 = arith.index_cast %swap3A_165 : i32 to index
      %swap3A_167 = arith.constant 80 : index
      %swap3A_168 = tpu.vector_load %arg7[%swap3A_166, %swap3A_167] {strides = array<i32>} : memref<16x128xf32, #tpu.memory_space<vmem>>, vector<16xf32>,
      tpu.vector_store %arg7[%swap3A_166, %swap3A_167], %gather3A_164 {strides = array<i32>} : memref<16x128xf32, #tpu.memory_space<vmem>>, vector<16xf32>,
      %broadcast_in_dim3A_169 = arith.constant 22 : i32
      %broadcast_in_dim3A_170 = vector.broadcast %broadcast_in_dim3A_169 : i32 to vector<16xi32>
      %gather3A_171 = tpu.vector_load_idx %arg6[%iota3A, %broadcast_in_dim3A_170] : memref<16x128xf32, #tpu.memory_space<vmem>>[vector<16xi32>, vector<16xi32>], vector<16xf32>,
      %swap3A_172 = arith.constant 2 : i32
      %swap3A_173 = arith.index_cast %swap3A_172 : i32 to index
      %swap3A_174 = arith.constant 96 : index
      %swap3A_175 = tpu.vector_load %arg7[%swap3A_173, %swap3A_174] {strides = array<i32>} : memref<16x128xf32, #tpu.memory_space<vmem>>, vector<16xf32>,
      tpu.vector_store %arg7[%swap3A_173, %swap3A_174], %gather3A_171 {strides = array<i32>} : memref<16x128xf32, #tpu.memory_space<vmem>>, vector<16xf32>,
      %broadcast_in_dim3A_176 = arith.constant 23 : i32
      %broadcast_in_dim3A_177 = vector.broadcast %broadcast_in_dim3A_176 : i32 to vector<16xi32>
      %gather3A_178 = tpu.vector_load_idx %arg6[%iota3A, %broadcast_in_dim3A_177] : memref<16x128xf32, #tpu.memory_space<vmem>>[vector<16xi32>, vector<16xi32>], vector<16xf32>,
      %swap3A_179 = arith.constant 2 : i32
      %swap3A_180 = arith.index_cast %swap3A_179 : i32 to index
      %swap3A_181 = arith.constant 112 : index
      %swap3A_182 = tpu.vector_load %arg7[%swap3A_180, %swap3A_181] {strides = array<i32>} : memref<16x128xf32, #tpu.memory_space<vmem>>, vector<16xf32>,
      tpu.vector_store %arg7[%swap3A_180, %swap3A_181], %gather3A_178 {strides = array<i32>} : memref<16x128xf32, #tpu.memory_space<vmem>>, vector<16xf32>,
      %broadcast_in_dim3A_183 = arith.constant 24 : i32
      %broadcast_in_dim3A_184 = vector.broadcast %broadcast_in_dim3A_183 : i32 to vector<16xi32>
      %gather3A_185 = tpu.vector_load_idx %arg6[%iota3A, %broadcast_in_dim3A_184] : memref<16x128xf32, #tpu.memory_space<vmem>>[vector<16xi32>, vector<16xi32>], vector<16xf32>,
      %swap3A_186 = arith.constant 3 : i32
      %swap3A_187 = arith.index_cast %swap3A_186 : i32 to index
      %swap3A_188 = arith.constant 0 : index
      %swap3A_189 = tpu.vector_load %arg7[%swap3A_187, %swap3A_188] {strides = array<i32>} : memref<16x128xf32, #tpu.memory_space<vmem>>, vector<16xf32>,
      tpu.vector_store %arg7[%swap3A_187, %swap3A_188], %gather3A_185 {strides = array<i32>} : memref<16x128xf32, #tpu.memory_space<vmem>>, vector<16xf32>,
      %broadcast_in_dim3A_190 = arith.constant 25 : i32
      %broadcast_in_dim3A_191 = vector.broadcast %broadcast_in_dim3A_190 : i32 to vector<16xi32>
      %gather3A_192 = tpu.vector_load_idx %arg6[%iota3A, %broadcast_in_dim3A_191] : memref<16x128xf32, #tpu.memory_space<vmem>>[vector<16xi32>, vector<16xi32>], vector<16xf32>,
      %swap3A_193 = arith.constant 3 : i32
      %swap3A_194 = arith.index_cast %swap3A_193 : i32 to index
      %swap3A_195 = arith.constant 16 : index
      %swap3A_196 = tpu.vector_load %arg7[%swap3A_194, %swap3A_195] {strides = array<i32>} : memref<16x128xf32, #tpu.memory_space<vmem>>, vector<16xf32>,
      tpu.vector_store %arg7[%swap3A_194, %swap3A_195], %gather3A_192 {strides = array<i32>} : memref<16x128xf32, #tpu.memory_space<vmem>>, vector<16xf32>,
      %broadcast_in_dim3A_197 = arith.constant 26 : i32
      %broadcast_in_dim3A_198 = vector.broadcast %broadcast_in_dim3A_197 : i32 to vector<16xi32>
      %gather3A_199 = tpu.vector_load_idx %arg6[%iota3A, %broadcast_in_dim3A_198] : memref<16x128xf32, #tpu.memory_space<vmem>>[vector<16xi32>, vector<16xi32>], vector<16xf32>,
      %swap3A_200 = arith.constant 3 : i32
      %swap3A_201 = arith.index_cast %swap3A_200 : i32 to index
      %swap3A_202 = arith.constant 32 : index
      %swap3A_203 = tpu.vector_load %arg7[%swap3A_201, %swap3A_202] {strides = array<i32>} : memref<16x128xf32, #tpu.memory_space<vmem>>, vector<16xf32>,
      tpu.vector_store %arg7[%swap3A_201, %swap3A_202], %gather3A_199 {strides = array<i32>} : memref<16x128xf32, #tpu.memory_space<vmem>>, vector<16xf32>,
      %broadcast_in_dim3A_204 = arith.constant 27 : i32
      %broadcast_in_dim3A_205 = vector.broadcast %broadcast_in_dim3A_204 : i32 to vector<16xi32>
      %gather3A_206 = tpu.vector_load_idx %arg6[%iota3A, %broadcast_in_dim3A_205] : memref<16x128xf32, #tpu.memory_space<vmem>>[vector<16xi32>, vector<16xi32>], vector<16xf32>,
      %swap3A_207 = arith.constant 3 : i32
      %swap3A_208 = arith.index_cast %swap3A_207 : i32 to index
      %swap3A_209 = arith.constant 48 : index
      %swap3A_210 = tpu.vector_load %arg7[%swap3A_208, %swap3A_209] {strides = array<i32>} : memref<16x128xf32, #tpu.memory_space<vmem>>, vector<16xf32>,
      tpu.vector_store %arg7[%swap3A_208, %swap3A_209], %gather3A_206 {strides = array<i32>} : memref<16x128xf32, #tpu.memory_space<vmem>>, vector<16xf32>,
      %broadcast_in_dim3A_211 = arith.constant 28 : i32
      %broadcast_in_dim3A_212 = vector.broadcast %broadcast_in_dim3A_211 : i32 to vector<16xi32>
      %gather3A_213 = tpu.vector_load_idx %arg6[%iota3A, %broadcast_in_dim3A_212] : memref<16x128xf32, #tpu.memory_space<vmem>>[vector<16xi32>, vector<16xi32>], vector<16xf32>,
      %swap3A_214 = arith.constant 3 : i32
      %swap3A_215 = arith.index_cast %swap3A_214 : i32 to index
      %swap3A_216 = arith.constant 64 : index
      %swap3A_217 = tpu.vector_load %arg7[%swap3A_215, %swap3A_216] {strides = array<i32>} : memref<16x128xf32, #tpu.memory_space<vmem>>, vector<16xf32>,
      tpu.vector_store %arg7[%swap3A_215, %swap3A_216], %gather3A_213 {strides = array<i32>} : memref<16x128xf32, #tpu.memory_space<vmem>>, vector<16xf32>,
      %broadcast_in_dim3A_218 = arith.constant 29 : i32
      %broadcast_in_dim3A_219 = vector.broadcast %broadcast_in_dim3A_218 : i32 to vector<16xi32>
      %gather3A_220 = tpu.vector_load_idx %arg6[%iota3A, %broadcast_in_dim3A_219] : memref<16x128xf32, #tpu.memory_space<vmem>>[vector<16xi32>, vector<16xi32>], vector<16xf32>,
      %swap3A_221 = arith.constant 3 : i32
      %swap3A_222 = arith.index_cast %swap3A_221 : i32 to index
      %swap3A_223 = arith.constant 80 : index
      %swap3A_224 = tpu.vector_load %arg7[%swap3A_222, %swap3A_223] {strides = array<i32>} : memref<16x128xf32, #tpu.memory_space<vmem>>, vector<16xf32>,
      tpu.vector_store %arg7[%swap3A_222, %swap3A_223], %gather3A_220 {strides = array<i32>} : memref<16x128xf32, #tpu.memory_space<vmem>>, vector<16xf32>,
      %broadcast_in_dim3A_225 = arith.constant 30 : i32
      %broadcast_in_dim3A_226 = vector.broadcast %broadcast_in_dim3A_225 : i32 to vector<16xi32>
      %gather3A_227 = tpu.vector_load_idx %arg6[%iota3A, %broadcast_in_dim3A_226] : memref<16x128xf32, #tpu.memory_space<vmem>>[vector<16xi32>, vector<16xi32>], vector<16xf32>,
      %swap3A_228 = arith.constant 3 : i32
      %swap3A_229 = arith.index_cast %swap3A_228 : i32 to index
      %swap3A_230 = arith.constant 96 : index
      %swap3A_231 = tpu.vector_load %arg7[%swap3A_229, %swap3A_230] {strides = array<i32>} : memref<16x128xf32, #tpu.memory_space<vmem>>, vector<16xf32>,
      tpu.vector_store %arg7[%swap3A_229, %swap3A_230], %gather3A_227 {strides = array<i32>} : memref<16x128xf32, #tpu.memory_space<vmem>>, vector<16xf32>,
      %broadcast_in_dim3A_232 = arith.constant 31 : i32
      %broadcast_in_dim3A_233 = vector.broadcast %broadcast_in_dim3A_232 : i32 to vector<16xi32>
      %gather3A_234 = tpu.vector_load_idx %arg6[%iota3A, %broadcast_in_dim3A_233] : memref<16x128xf32, #tpu.memory_space<vmem>>[vector<16xi32>, vector<16xi32>], vector<16xf32>,
      %swap3A_235 = arith.constant 3 : i32
      %swap3A_236 = arith.index_cast %swap3A_235 : i32 to index
      %swap3A_237 = arith.constant 112 : index
      %swap3A_238 = tpu.vector_load %arg7[%swap3A_236, %swap3A_237] {strides = array<i32>} : memref<16x128xf32, #tpu.memory_space<vmem>>, vector<16xf32>,
      tpu.vector_store %arg7[%swap3A_236, %swap3A_237], %gather3A_234 {strides = array<i32>} : memref<16x128xf32, #tpu.memory_space<vmem>>, vector<16xf32>,
      %broadcast_in_dim3A_239 = arith.constant 32 : i32
      %broadcast_in_dim3A_240 = vector.broadcast %broadcast_in_dim3A_239 : i32 to vector<16xi32>
      %gather3A_241 = tpu.vector_load_idx %arg6[%iota3A, %broadcast_in_dim3A_240] : memref<16x128xf32, #tpu.memory_space<vmem>>[vector<16xi32>, vector<16xi32>], vector<16xf32>,
      %swap3A_242 = arith.constant 4 : i32
      %swap3A_243 = arith.index_cast %swap3A_242 : i32 to index
      %swap3A_244 = arith.constant 0 : index
      %swap3A_245 = tpu.vector_load %arg7[%swap3A_243, %swap3A_244] {strides = array<i32>} : memref<16x128xf32, #tpu.memory_space<vmem>>, vector<16xf32>,
      tpu.vector_store %arg7[%swap3A_243, %swap3A_244], %gather3A_241 {strides = array<i32>} : memref<16x128xf32, #tpu.memory_space<vmem>>, vector<16xf32>,
      %broadcast_in_dim3A_246 = arith.constant 33 : i32
      %broadcast_in_dim3A_247 = vector.broadcast %broadcast_in_dim3A_246 : i32 to vector<16xi32>
      %gather3A_248 = tpu.vector_load_idx %arg6[%iota3A, %broadcast_in_dim3A_247] : memref<16x128xf32, #tpu.memory_space<vmem>>[vector<16xi32>, vector<16xi32>], vector<16xf32>,
      %swap3A_249 = arith.constant 4 : i32
      %swap3A_250 = arith.index_cast %swap3A_249 : i32 to index
      %swap3A_251 = arith.constant 16 : index
      %swap3A_252 = tpu.vector_load %arg7[%swap3A_250, %swap3A_251] {strides = array<i32>} : memref<16x128xf32, #tpu.memory_space<vmem>>, vector<16xf32>,
      tpu.vector_store %arg7[%swap3A_250, %swap3A_251], %gather3A_248 {strides = array<i32>} : memref<16x128xf32, #tpu.memory_space<vmem>>, vector<16xf32>,
      %broadcast_in_dim3A_253 = arith.constant 34 : i32
      %broadcast_in_dim3A_254 = vector.broadcast %broadcast_in_dim3A_253 : i32 to vector<16xi32>
      %gather3A_255 = tpu.vector_load_idx %arg6[%iota3A, %broadcast_in_dim3A_254] : memref<16x128xf32, #tpu.memory_space<vmem>>[vector<16xi32>, vector<16xi32>], vector<16xf32>,
      %swap3A_256 = arith.constant 4 : i32
      %swap3A_257 = arith.index_cast %swap3A_256 : i32 to index
      %swap3A_258 = arith.constant 32 : index
      %swap3A_259 = tpu.vector_load %arg7[%swap3A_257, %swap3A_258] {strides = array<i32>} : memref<16x128xf32, #tpu.memory_space<vmem>>, vector<16xf32>,
      tpu.vector_store %arg7[%swap3A_257, %swap3A_258], %gather3A_255 {strides = array<i32>} : memref<16x128xf32, #tpu.memory_space<vmem>>, vector<16xf32>,
      %broadcast_in_dim3A_260 = arith.constant 35 : i32
      %broadcast_in_dim3A_261 = vector.broadcast %broadcast_in_dim3A_260 : i32 to vector<16xi32>
      %gather3A_262 = tpu.vector_load_idx %arg6[%iota3A, %broadcast_in_dim3A_261] : memref<16x128xf32, #tpu.memory_space<vmem>>[vector<16xi32>, vector<16xi32>], vector<16xf32>,
      %swap3A_263 = arith.constant 4 : i32
      %swap3A_264 = arith.index_cast %swap3A_263 : i32 to index
      %swap3A_265 = arith.constant 48 : index
      %swap3A_266 = tpu.vector_load %arg7[%swap3A_264, %swap3A_265] {strides = array<i32>} : memref<16x128xf32, #tpu.memory_space<vmem>>, vector<16xf32>,
      tpu.vector_store %arg7[%swap3A_264, %swap3A_265], %gather3A_262 {strides = array<i32>} : memref<16x128xf32, #tpu.memory_space<vmem>>, vector<16xf32>,
      %broadcast_in_dim3A_267 = arith.constant 36 : i32
      %broadcast_in_dim3A_268 = vector.broadcast %broadcast_in_dim3A_267 : i32 to vector<16xi32>
      %gather3A_269 = tpu.vector_load_idx %arg6[%iota3A, %broadcast_in_dim3A_268] : memref<16x128xf32, #tpu.memory_space<vmem>>[vector<16xi32>, vector<16xi32>], vector<16xf32>,
      %swap3A_270 = arith.constant 4 : i32
      %swap3A_271 = arith.index_cast %swap3A_270 : i32 to index
      %swap3A_272 = arith.constant 64 : index
      %swap3A_273 = tpu.vector_load %arg7[%swap3A_271, %swap3A_272] {strides = array<i32>} : memref<16x128xf32, #tpu.memory_space<vmem>>, vector<16xf32>,
      tpu.vector_store %arg7[%swap3A_271, %swap3A_272], %gather3A_269 {strides = array<i32>} : memref<16x128xf32, #tpu.memory_space<vmem>>, vector<16xf32>,
      %broadcast_in_dim3A_274 = arith.constant 37 : i32
      %broadcast_in_dim3A_275 = vector.broadcast %broadcast_in_dim3A_274 : i32 to vector<16xi32>
      %gather3A_276 = tpu.vector_load_idx %arg6[%iota3A, %broadcast_in_dim3A_275] : memref<16x128xf32, #tpu.memory_space<vmem>>[vector<16xi32>, vector<16xi32>], vector<16xf32>,
      %swap3A_277 = arith.constant 4 : i32
      %swap3A_278 = arith.index_cast %swap3A_277 : i32 to index
      %swap3A_279 = arith.constant 80 : index
      %swap3A_280 = tpu.vector_load %arg7[%swap3A_278, %swap3A_279] {strides = array<i32>} : memref<16x128xf32, #tpu.memory_space<vmem>>, vector<16xf32>,
      tpu.vector_store %arg7[%swap3A_278, %swap3A_279], %gather3A_276 {strides = array<i32>} : memref<16x128xf32, #tpu.memory_space<vmem>>, vector<16xf32>,
      %broadcast_in_dim3A_281 = arith.constant 38 : i32
      %broadcast_in_dim3A_282 = vector.broadcast %broadcast_in_dim3A_281 : i32 to vector<16xi32>
      %gather3A_283 = tpu.vector_load_idx %arg6[%iota3A, %broadcast_in_dim3A_282] : memref<16x128xf32, #tpu.memory_space<vmem>>[vector<16xi32>, vector<16xi32>], vector<16xf32>,
      %swap3A_284 = arith.constant 4 : i32
      %swap3A_285 = arith.index_cast %swap3A_284 : i32 to index
      %swap3A_286 = arith.constant 96 : index
      %swap3A_287 = tpu.vector_load %arg7[%swap3A_285, %swap3A_286] {strides = array<i32>} : memref<16x128xf32, #tpu.memory_space<vmem>>, vector<16xf32>,
      tpu.vector_store %arg7[%swap3A_285, %swap3A_286], %gather3A_283 {strides = array<i32>} : memref<16x128xf32, #tpu.memory_space<vmem>>, vector<16xf32>,
      %broadcast_in_dim3A_288 = arith.constant 39 : i32
      %broadcast_in_dim3A_289 = vector.broadcast %broadcast_in_dim3A_288 : i32 to vector<16xi32>
      %gather3A_290 = tpu.vector_load_idx %arg6[%iota3A, %broadcast_in_dim3A_289] : memref<16x128xf32, #tpu.memory_space<vmem>>[vector<16xi32>, vector<16xi32>], vector<16xf32>,
      %swap3A_291 = arith.constant 4 : i32
      %swap3A_292 = arith.index_cast %swap3A_291 : i32 to index
      %swap3A_293 = arith.constant 112 : index
      %swap3A_294 = tpu.vector_load %arg7[%swap3A_292, %swap3A_293] {strides = array<i32>} : memref<16x128xf32, #tpu.memory_space<vmem>>, vector<16xf32>,
      tpu.vector_store %arg7[%swap3A_292, %swap3A_293], %gather3A_290 {strides = array<i32>} : memref<16x128xf32, #tpu.memory_space<vmem>>, vector<16xf32>,
      %broadcast_in_dim3A_295 = arith.constant 40 : i32
      %broadcast_in_dim3A_296 = vector.broadcast %broadcast_in_dim3A_295 : i32 to vector<16xi32>
      %gather3A_297 = tpu.vector_load_idx %arg6[%iota3A, %broadcast_in_dim3A_296] : memref<16x128xf32, #tpu.memory_space<vmem>>[vector<16xi32>, vector<16xi32>], vector<16xf32>,
      %swap3A_298 = arith.constant 5 : i32
      %swap3A_299 = arith.index_cast %swap3A_298 : i32 to index
      %swap3A_300 = arith.constant 0 : index
      %swap3A_301 = tpu.vector_load %arg7[%swap3A_299, %swap3A_300] {strides = array<i32>} : memref<16x128xf32, #tpu.memory_space<vmem>>, vector<16xf32>,
      tpu.vector_store %arg7[%swap3A_299, %swap3A_300], %gather3A_297 {strides = array<i32>} : memref<16x128xf32, #tpu.memory_space<vmem>>, vector<16xf32>,
      %broadcast_in_dim3A_302 = arith.constant 41 : i32
      %broadcast_in_dim3A_303 = vector.broadcast %broadcast_in_dim3A_302 : i32 to vector<16xi32>
      %gather3A_304 = tpu.vector_load_idx %arg6[%iota3A, %broadcast_in_dim3A_303] : memref<16x128xf32, #tpu.memory_space<vmem>>[vector<16xi32>, vector<16xi32>], vector<16xf32>,
      %swap3A_305 = arith.constant 5 : i32
      %swap3A_306 = arith.index_cast %swap3A_305 : i32 to index
      %swap3A_307 = arith.constant 16 : index
      %swap3A_308 = tpu.vector_load %arg7[%swap3A_306, %swap3A_307] {strides = array<i32>} : memref<16x128xf32, #tpu.memory_space<vmem>>, vector<16xf32>,
      tpu.vector_store %arg7[%swap3A_306, %swap3A_307], %gather3A_304 {strides = array<i32>} : memref<16x128xf32, #tpu.memory_space<vmem>>, vector<16xf32>,
      %broadcast_in_dim3A_309 = arith.constant 42 : i32
      %broadcast_in_dim3A_310 = vector.broadcast %broadcast_in_dim3A_309 : i32 to vector<16xi32>
      %gather3A_311 = tpu.vector_load_idx %arg6[%iota3A, %broadcast_in_dim3A_310] : memref<16x128xf32, #tpu.memory_space<vmem>>[vector<16xi32>, vector<16xi32>], vector<16xf32>,
      %swap3A_312 = arith.constant 5 : i32
      %swap3A_313 = arith.index_cast %swap3A_312 : i32 to index
      %swap3A_314 = arith.constant 32 : index
      %swap3A_315 = tpu.vector_load %arg7[%swap3A_313, %swap3A_314] {strides = array<i32>} : memref<16x128xf32, #tpu.memory_space<vmem>>, vector<16xf32>,
      tpu.vector_store %arg7[%swap3A_313, %swap3A_314], %gather3A_311 {strides = array<i32>} : memref<16x128xf32, #tpu.memory_space<vmem>>, vector<16xf32>,
      %broadcast_in_dim3A_316 = arith.constant 43 : i32
      %broadcast_in_dim3A_317 = vector.broadcast %broadcast_in_dim3A_316 : i32 to vector<16xi32>
      %gather3A_318 = tpu.vector_load_idx %arg6[%iota3A, %broadcast_in_dim3A_317] : memref<16x128xf32, #tpu.memory_space<vmem>>[vector<16xi32>, vector<16xi32>], vector<16xf32>,
      %swap3A_319 = arith.constant 5 : i32
      %swap3A_320 = arith.index_cast %swap3A_319 : i32 to index
      %swap3A_321 = arith.constant 48 : index
      %swap3A_322 = tpu.vector_load %arg7[%swap3A_320, %swap3A_321] {strides = array<i32>} : memref<16x128xf32, #tpu.memory_space<vmem>>, vector<16xf32>,
      tpu.vector_store %arg7[%swap3A_320, %swap3A_321], %gather3A_318 {strides = array<i32>} : memref<16x128xf32, #tpu.memory_space<vmem>>, vector<16xf32>,
      %broadcast_in_dim3A_323 = arith.constant 44 : i32
      %broadcast_in_dim3A_324 = vector.broadcast %broadcast_in_dim3A_323 : i32 to vector<16xi32>
      %gather3A_325 = tpu.vector_load_idx %arg6[%iota3A, %broadcast_in_dim3A_324] : memref<16x128xf32, #tpu.memory_space<vmem>>[vector<16xi32>, vector<16xi32>], vector<16xf32>,
      %swap3A_326 = arith.constant 5 : i32
      %swap3A_327 = arith.index_cast %swap3A_326 : i32 to index
      %swap3A_328 = arith.constant 64 : index
      %swap3A_329 = tpu.vector_load %arg7[%swap3A_327, %swap3A_328] {strides = array<i32>} : memref<16x128xf32, #tpu.memory_space<vmem>>, vector<16xf32>,
      tpu.vector_store %arg7[%swap3A_327, %swap3A_328], %gather3A_325 {strides = array<i32>} : memref<16x128xf32, #tpu.memory_space<vmem>>, vector<16xf32>,
      %broadcast_in_dim3A_330 = arith.constant 45 : i32
      %broadcast_in_dim3A_331 = vector.broadcast %broadcast_in_dim3A_330 : i32 to vector<16xi32>
      %gather3A_332 = tpu.vector_load_idx %arg6[%iota3A, %broadcast_in_dim3A_331] : memref<16x128xf32, #tpu.memory_space<vmem>>[vector<16xi32>, vector<16xi32>], vector<16xf32>,
      %swap3A_333 = arith.constant 5 : i32
      %swap3A_334 = arith.index_cast %swap3A_333 : i32 to index
      %swap3A_335 = arith.constant 80 : index
      %swap3A_336 = tpu.vector_load %arg7[%swap3A_334, %swap3A_335] {strides = array<i32>} : memref<16x128xf32, #tpu.memory_space<vmem>>, vector<16xf32>,
      tpu.vector_store %arg7[%swap3A_334, %swap3A_335], %gather3A_332 {strides = array<i32>} : memref<16x128xf32, #tpu.memory_space<vmem>>, vector<16xf32>,
      %broadcast_in_dim3A_337 = arith.constant 46 : i32
      %broadcast_in_dim3A_338 = vector.broadcast %broadcast_in_dim3A_337 : i32 to vector<16xi32>
      %gather3A_339 = tpu.vector_load_idx %arg6[%iota3A, %broadcast_in_dim3A_338] : memref<16x128xf32, #tpu.memory_space<vmem>>[vector<16xi32>, vector<16xi32>], vector<16xf32>,
      %swap3A_340 = arith.constant 5 : i32
      %swap3A_341 = arith.index_cast %swap3A_340 : i32 to index
      %swap3A_342 = arith.constant 96 : index
      %swap3A_343 = tpu.vector_load %arg7[%swap3A_341, %swap3A_342] {strides = array<i32>} : memref<16x128xf32, #tpu.memory_space<vmem>>, vector<16xf32>,
      tpu.vector_store %arg7[%swap3A_341, %swap3A_342], %gather3A_339 {strides = array<i32>} : memref<16x128xf32, #tpu.memory_space<vmem>>, vector<16xf32>,
      %broadcast_in_dim3A_344 = arith.constant 47 : i32
      %broadcast_in_dim3A_345 = vector.broadcast %broadcast_in_dim3A_344 : i32 to vector<16xi32>
      %gather3A_346 = tpu.vector_load_idx %arg6[%iota3A, %broadcast_in_dim3A_345] : memref<16x128xf32, #tpu.memory_space<vmem>>[vector<16xi32>, vector<16xi32>], vector<16xf32>,
      %swap3A_347 = arith.constant 5 : i32
      %swap3A_348 = arith.index_cast %swap3A_347 : i32 to index
      %swap3A_349 = arith.constant 112 : index
      %swap3A_350 = tpu.vector_load %arg7[%swap3A_348, %swap3A_349] {strides = array<i32>} : memref<16x128xf32, #tpu.memory_space<vmem>>, vector<16xf32>,
      tpu.vector_store %arg7[%swap3A_348, %swap3A_349], %gather3A_346 {strides = array<i32>} : memref<16x128xf32, #tpu.memory_space<vmem>>, vector<16xf32>,
      %broadcast_in_dim3A_351 = arith.constant 48 : i32
      %broadcast_in_dim3A_352 = vector.broadcast %broadcast_in_dim3A_351 : i32 to vector<16xi32>
      %gather3A_353 = tpu.vector_load_idx %arg6[%iota3A, %broadcast_in_dim3A_352] : memref<16x128xf32, #tpu.memory_space<vmem>>[vector<16xi32>, vector<16xi32>], vector<16xf32>,
      %swap3A_354 = arith.constant 6 : i32
      %swap3A_355 = arith.index_cast %swap3A_354 : i32 to index
      %swap3A_356 = arith.constant 0 : index
      %swap3A_357 = tpu.vector_load %arg7[%swap3A_355, %swap3A_356] {strides = array<i32>} : memref<16x128xf32, #tpu.memory_space<vmem>>, vector<16xf32>,
      tpu.vector_store %arg7[%swap3A_355, %swap3A_356], %gather3A_353 {strides = array<i32>} : memref<16x128xf32, #tpu.memory_space<vmem>>, vector<16xf32>,
      %broadcast_in_dim3A_358 = arith.constant 49 : i32
      %broadcast_in_dim3A_359 = vector.broadcast %broadcast_in_dim3A_358 : i32 to vector<16xi32>
      %gather3A_360 = tpu.vector_load_idx %arg6[%iota3A, %broadcast_in_dim3A_359] : memref<16x128xf32, #tpu.memory_space<vmem>>[vector<16xi32>, vector<16xi32>], vector<16xf32>,
      %swap3A_361 = arith.constant 6 : i32
      %swap3A_362 = arith.index_cast %swap3A_361 : i32 to index
      %swap3A_363 = arith.constant 16 : index
      %swap3A_364 = tpu.vector_load %arg7[%swap3A_362, %swap3A_363] {strides = array<i32>} : memref<16x128xf32, #tpu.memory_space<vmem>>, vector<16xf32>,
      tpu.vector_store %arg7[%swap3A_362, %swap3A_363], %gather3A_360 {strides = array<i32>} : memref<16x128xf32, #tpu.memory_space<vmem>>, vector<16xf32>,
      %broadcast_in_dim3A_365 = arith.constant 50 : i32
      %broadcast_in_dim3A_366 = vector.broadcast %broadcast_in_dim3A_365 : i32 to vector<16xi32>
      %gather3A_367 = tpu.vector_load_idx %arg6[%iota3A, %broadcast_in_dim3A_366] : memref<16x128xf32, #tpu.memory_space<vmem>>[vector<16xi32>, vector<16xi32>], vector<16xf32>,
      %swap3A_368 = arith.constant 6 : i32
      %swap3A_369 = arith.index_cast %swap3A_368 : i32 to index
      %swap3A_370 = arith.constant 32 : index
      %swap3A_371 = tpu.vector_load %arg7[%swap3A_369, %swap3A_370] {strides = array<i32>} : memref<16x128xf32, #tpu.memory_space<vmem>>, vector<16xf32>,
      tpu.vector_store %arg7[%swap3A_369, %swap3A_370], %gather3A_367 {strides = array<i32>} : memref<16x128xf32, #tpu.memory_space<vmem>>, vector<16xf32>,
      %broadcast_in_dim3A_372 = arith.constant 51 : i32
      %broadcast_in_dim3A_373 = vector.broadcast %broadcast_in_dim3A_372 : i32 to vector<16xi32>
      %gather3A_374 = tpu.vector_load_idx %arg6[%iota3A, %broadcast_in_dim3A_373] : memref<16x128xf32, #tpu.memory_space<vmem>>[vector<16xi32>, vector<16xi32>], vector<16xf32>,
      %swap3A_375 = arith.constant 6 : i32
      %swap3A_376 = arith.index_cast %swap3A_375 : i32 to index
      %swap3A_377 = arith.constant 48 : index
      %swap3A_378 = tpu.vector_load %arg7[%swap3A_376, %swap3A_377] {strides = array<i32>} : memref<16x128xf32, #tpu.memory_space<vmem>>, vector<16xf32>,
      tpu.vector_store %arg7[%swap3A_376, %swap3A_377], %gather3A_374 {strides = array<i32>} : memref<16x128xf32, #tpu.memory_space<vmem>>, vector<16xf32>,
      %broadcast_in_dim3A_379 = arith.constant 52 : i32
      %broadcast_in_dim3A_380 = vector.broadcast %broadcast_in_dim3A_379 : i32 to vector<16xi32>
      %gather3A_381 = tpu.vector_load_idx %arg6[%iota3A, %broadcast_in_dim3A_380] : memref<16x128xf32, #tpu.memory_space<vmem>>[vector<16xi32>, vector<16xi32>], vector<16xf32>,
      %swap3A_382 = arith.constant 6 : i32
      %swap3A_383 = arith.index_cast %swap3A_382 : i32 to index
      %swap3A_384 = arith.constant 64 : index
      %swap3A_385 = tpu.vector_load %arg7[%swap3A_383, %swap3A_384] {strides = array<i32>} : memref<16x128xf32, #tpu.memory_space<vmem>>, vector<16xf32>,
      tpu.vector_store %arg7[%swap3A_383, %swap3A_384], %gather3A_381 {strides = array<i32>} : memref<16x128xf32, #tpu.memory_space<vmem>>, vector<16xf32>,
      %broadcast_in_dim3A_386 = arith.constant 53 : i32
      %broadcast_in_dim3A_387 = vector.broadcast %broadcast_in_dim3A_386 : i32 to vector<16xi32>
      %gather3A_388 = tpu.vector_load_idx %arg6[%iota3A, %broadcast_in_dim3A_387] : memref<16x128xf32, #tpu.memory_space<vmem>>[vector<16xi32>, vector<16xi32>], vector<16xf32>,
      %swap3A_389 = arith.constant 6 : i32
      %swap3A_390 = arith.index_cast %swap3A_389 : i32 to index
      %swap3A_391 = arith.constant 80 : index
      %swap3A_392 = tpu.vector_load %arg7[%swap3A_390, %swap3A_391] {strides = array<i32>} : memref<16x128xf32, #tpu.memory_space<vmem>>, vector<16xf32>,
      tpu.vector_store %arg7[%swap3A_390, %swap3A_391], %gather3A_388 {strides = array<i32>} : memref<16x128xf32, #tpu.memory_space<vmem>>, vector<16xf32>,
      %broadcast_in_dim3A_393 = arith.constant 54 : i32
      %broadcast_in_dim3A_394 = vector.broadcast %broadcast_in_dim3A_393 : i32 to vector<16xi32>
      %gather3A_395 = tpu.vector_load_idx %arg6[%iota3A, %broadcast_in_dim3A_394] : memref<16x128xf32, #tpu.memory_space<vmem>>[vector<16xi32>, vector<16xi32>], vector<16xf32>,
      %swap3A_396 = arith.constant 6 : i32
      %swap3A_397 = arith.index_cast %swap3A_396 : i32 to index
      %swap3A_398 = arith.constant 96 : index
      %swap3A_399 = tpu.vector_load %arg7[%swap3A_397, %swap3A_398] {strides = array<i32>} : memref<16x128xf32, #tpu.memory_space<vmem>>, vector<16xf32>,
      tpu.vector_store %arg7[%swap3A_397, %swap3A_398], %gather3A_395 {strides = array<i32>} : memref<16x128xf32, #tpu.memory_space<vmem>>, vector<16xf32>,
      %broadcast_in_dim3A_400 = arith.constant 55 : i32
      %broadcast_in_dim3A_401 = vector.broadcast %broadcast_in_dim3A_400 : i32 to vector<16xi32>
      %gather3A_402 = tpu.vector_load_idx %arg6[%iota3A, %broadcast_in_dim3A_401] : memref<16x128xf32, #tpu.memory_space<vmem>>[vector<16xi32>, vector<16xi32>], vector<16xf32>,
      %swap3A_403 = arith.constant 6 : i32
      %swap3A_404 = arith.index_cast %swap3A_403 : i32 to index
      %swap3A_405 = arith.constant 112 : index
      %swap3A_406 = tpu.vector_load %arg7[%swap3A_404, %swap3A_405] {strides = array<i32>} : memref<16x128xf32, #tpu.memory_space<vmem>>, vector<16xf32>,
      tpu.vector_store %arg7[%swap3A_404, %swap3A_405], %gather3A_402 {strides = array<i32>} : memref<16x128xf32, #tpu.memory_space<vmem>>, vector<16xf32>,
      %broadcast_in_dim3A_407 = arith.constant 56 : i32
      %broadcast_in_dim3A_408 = vector.broadcast %broadcast_in_dim3A_407 : i32 to vector<16xi32>
      %gather3A_409 = tpu.vector_load_idx %arg6[%iota3A, %broadcast_in_dim3A_408] : memref<16x128xf32, #tpu.memory_space<vmem>>[vector<16xi32>, vector<16xi32>], vector<16xf32>,
      %swap3A_410 = arith.constant 7 : i32
      %swap3A_411 = arith.index_cast %swap3A_410 : i32 to index
      %swap3A_412 = arith.constant 0 : index
      %swap3A_413 = tpu.vector_load %arg7[%swap3A_411, %swap3A_412] {strides = array<i32>} : memref<16x128xf32, #tpu.memory_space<vmem>>, vector<16xf32>,
      tpu.vector_store %arg7[%swap3A_411, %swap3A_412], %gather3A_409 {strides = array<i32>} : memref<16x128xf32, #tpu.memory_space<vmem>>, vector<16xf32>,
      %broadcast_in_dim3A_414 = arith.constant 57 : i32
      %broadcast_in_dim3A_415 = vector.broadcast %broadcast_in_dim3A_414 : i32 to vector<16xi32>
      %gather3A_416 = tpu.vector_load_idx %arg6[%iota3A, %broadcast_in_dim3A_415] : memref<16x128xf32, #tpu.memory_space<vmem>>[vector<16xi32>, vector<16xi32>], vector<16xf32>,
      %swap3A_417 = arith.constant 7 : i32
      %swap3A_418 = arith.index_cast %swap3A_417 : i32 to index
      %swap3A_419 = arith.constant 16 : index
      %swap3A_420 = tpu.vector_load %arg7[%swap3A_418, %swap3A_419] {strides = array<i32>} : memref<16x128xf32, #tpu.memory_space<vmem>>, vector<16xf32>,
      tpu.vector_store %arg7[%swap3A_418, %swap3A_419], %gather3A_416 {strides = array<i32>} : memref<16x128xf32, #tpu.memory_space<vmem>>, vector<16xf32>,
      %broadcast_in_dim3A_421 = arith.constant 58 : i32
      %broadcast_in_dim3A_422 = vector.broadcast %broadcast_in_dim3A_421 : i32 to vector<16xi32>
      %gather3A_423 = tpu.vector_load_idx %arg6[%iota3A, %broadcast_in_dim3A_422] : memref<16x128xf32, #tpu.memory_space<vmem>>[vector<16xi32>, vector<16xi32>], vector<16xf32>,
      %swap3A_424 = arith.constant 7 : i32
      %swap3A_425 = arith.index_cast %swap3A_424 : i32 to index
      %swap3A_426 = arith.constant 32 : index
      %swap3A_427 = tpu.vector_load %arg7[%swap3A_425, %swap3A_426] {strides = array<i32>} : memref<16x128xf32, #tpu.memory_space<vmem>>, vector<16xf32>,
      tpu.vector_store %arg7[%swap3A_425, %swap3A_426], %gather3A_423 {strides = array<i32>} : memref<16x128xf32, #tpu.memory_space<vmem>>, vector<16xf32>,
      %broadcast_in_dim3A_428 = arith.constant 59 : i32
      %broadcast_in_dim3A_429 = vector.broadcast %broadcast_in_dim3A_428 : i32 to vector<16xi32>
      %gather3A_430 = tpu.vector_load_idx %arg6[%iota3A, %broadcast_in_dim3A_429] : memref<16x128xf32, #tpu.memory_space<vmem>>[vector<16xi32>, vector<16xi32>], vector<16xf32>,
      %swap3A_431 = arith.constant 7 : i32
      %swap3A_432 = arith.index_cast %swap3A_431 : i32 to index
      %swap3A_433 = arith.constant 48 : index
      %swap3A_434 = tpu.vector_load %arg7[%swap3A_432, %swap3A_433] {strides = array<i32>} : memref<16x128xf32, #tpu.memory_space<vmem>>, vector<16xf32>,
      tpu.vector_store %arg7[%swap3A_432, %swap3A_433], %gather3A_430 {strides = array<i32>} : memref<16x128xf32, #tpu.memory_space<vmem>>, vector<16xf32>,
      %broadcast_in_dim3A_435 = arith.constant 60 : i32
      %broadcast_in_dim3A_436 = vector.broadcast %broadcast_in_dim3A_435 : i32 to vector<16xi32>
      %gather3A_437 = tpu.vector_load_idx %arg6[%iota3A, %broadcast_in_dim3A_436] : memref<16x128xf32, #tpu.memory_space<vmem>>[vector<16xi32>, vector<16xi32>], vector<16xf32>,
      %swap3A_438 = arith.constant 7 : i32
      %swap3A_439 = arith.index_cast %swap3A_438 : i32 to index
      %swap3A_440 = arith.constant 64 : index
      %swap3A_441 = tpu.vector_load %arg7[%swap3A_439, %swap3A_440] {strides = array<i32>} : memref<16x128xf32, #tpu.memory_space<vmem>>, vector<16xf32>,
      tpu.vector_store %arg7[%swap3A_439, %swap3A_440], %gather3A_437 {strides = array<i32>} : memref<16x128xf32, #tpu.memory_space<vmem>>, vector<16xf32>,
      %broadcast_in_dim3A_442 = arith.constant 61 : i32
      %broadcast_in_dim3A_443 = vector.broadcast %broadcast_in_dim3A_442 : i32 to vector<16xi32>
      %gather3A_444 = tpu.vector_load_idx %arg6[%iota3A, %broadcast_in_dim3A_443] : memref<16x128xf32, #tpu.memory_space<vmem>>[vector<16xi32>, vector<16xi32>], vector<16xf32>,
      %swap3A_445 = arith.constant 7 : i32
      %swap3A_446 = arith.index_cast %swap3A_445 : i32 to index
      %swap3A_447 = arith.constant 80 : index
      %swap3A_448 = tpu.vector_load %arg7[%swap3A_446, %swap3A_447] {strides = array<i32>} : memref<16x128xf32, #tpu.memory_space<vmem>>, vector<16xf32>,
      tpu.vector_store %arg7[%swap3A_446, %swap3A_447], %gather3A_444 {strides = array<i32>} : memref<16x128xf32, #tpu.memory_space<vmem>>, vector<16xf32>,
      %broadcast_in_dim3A_449 = arith.constant 62 : i32
      %broadcast_in_dim3A_450 = vector.broadcast %broadcast_in_dim3A_449 : i32 to vector<16xi32>
      %gather3A_451 = tpu.vector_load_idx %arg6[%iota3A, %broadcast_in_dim3A_450] : memref<16x128xf32, #tpu.memory_space<vmem>>[vector<16xi32>, vector<16xi32>], vector<16xf32>,
      %swap3A_452 = arith.constant 7 : i32
      %swap3A_453 = arith.index_cast %swap3A_452 : i32 to index
      %swap3A_454 = arith.constant 96 : index
      %swap3A_455 = tpu.vector_load %arg7[%swap3A_453, %swap3A_454] {strides = array<i32>} : memref<16x128xf32, #tpu.memory_space<vmem>>, vector<16xf32>,
      tpu.vector_store %arg7[%swap3A_453, %swap3A_454], %gather3A_451 {strides = array<i32>} : memref<16x128xf32, #tpu.memory_space<vmem>>, vector<16xf32>,
      %broadcast_in_dim3A_456 = arith.constant 63 : i32
      %broadcast_in_dim3A_457 = vector.broadcast %broadcast_in_dim3A_456 : i32 to vector<16xi32>
      %gather3A_458 = tpu.vector_load_idx %arg6[%iota3A, %broadcast_in_dim3A_457] : memref<16x128xf32, #tpu.memory_space<vmem>>[vector<16xi32>, vector<16xi32>], vector<16xf32>,
      %swap3A_459 = arith.constant 7 : i32
      %swap3A_460 = arith.index_cast %swap3A_459 : i32 to index
      %swap3A_461 = arith.constant 112 : index
      %swap3A_462 = tpu.vector_load %arg7[%swap3A_460, %swap3A_461] {strides = array<i32>} : memref<16x128xf32, #tpu.memory_space<vmem>>, vector<16xf32>,
      tpu.vector_store %arg7[%swap3A_460, %swap3A_461], %gather3A_458 {strides = array<i32>} : memref<16x128xf32, #tpu.memory_space<vmem>>, vector<16xf32>,
      %broadcast_in_dim3A_463 = arith.constant 64 : i32
      %broadcast_in_dim3A_464 = vector.broadcast %broadcast_in_dim3A_463 : i32 to vector<16xi32>
      %gather3A_465 = tpu.vector_load_idx %arg6[%iota3A, %broadcast_in_dim3A_464] : memref<16x128xf32, #tpu.memory_space<vmem>>[vector<16xi32>, vector<16xi32>], vector<16xf32>,
      %swap3A_466 = arith.constant 8 : i32
      %swap3A_467 = arith.index_cast %swap3A_466 : i32 to index
      %swap3A_468 = arith.constant 0 : index
      %swap3A_469 = tpu.vector_load %arg7[%swap3A_467, %swap3A_468] {strides = array<i32>} : memref<16x128xf32, #tpu.memory_space<vmem>>, vector<16xf32>,
      tpu.vector_store %arg7[%swap3A_467, %swap3A_468], %gather3A_465 {strides = array<i32>} : memref<16x128xf32, #tpu.memory_space<vmem>>, vector<16xf32>,
      %broadcast_in_dim3A_470 = arith.constant 65 : i32
      %broadcast_in_dim3A_471 = vector.broadcast %broadcast_in_dim3A_470 : i32 to vector<16xi32>
      %gather3A_472 = tpu.vector_load_idx %arg6[%iota3A, %broadcast_in_dim3A_471] : memref<16x128xf32, #tpu.memory_space<vmem>>[vector<16xi32>, vector<16xi32>], vector<16xf32>,
      %swap3A_473 = arith.constant 8 : i32
      %swap3A_474 = arith.index_cast %swap3A_473 : i32 to index
      %swap3A_475 = arith.constant 16 : index
      %swap3A_476 = tpu.vector_load %arg7[%swap3A_474, %swap3A_475] {strides = array<i32>} : memref<16x128xf32, #tpu.memory_space<vmem>>, vector<16xf32>,
      tpu.vector_store %arg7[%swap3A_474, %swap3A_475], %gather3A_472 {strides = array<i32>} : memref<16x128xf32, #tpu.memory_space<vmem>>, vector<16xf32>,
      %broadcast_in_dim3A_477 = arith.constant 66 : i32
      %broadcast_in_dim3A_478 = vector.broadcast %broadcast_in_dim3A_477 : i32 to vector<16xi32>
      %gather3A_479 = tpu.vector_load_idx %arg6[%iota3A, %broadcast_in_dim3A_478] : memref<16x128xf32, #tpu.memory_space<vmem>>[vector<16xi32>, vector<16xi32>], vector<16xf32>,
      %swap3A_480 = arith.constant 8 : i32
      %swap3A_481 = arith.index_cast %swap3A_480 : i32 to index
      %swap3A_482 = arith.constant 32 : index
      %swap3A_483 = tpu.vector_load %arg7[%swap3A_481, %swap3A_482] {strides = array<i32>} : memref<16x128xf32, #tpu.memory_space<vmem>>, vector<16xf32>,
      tpu.vector_store %arg7[%swap3A_481, %swap3A_482], %gather3A_479 {strides = array<i32>} : memref<16x128xf32, #tpu.memory_space<vmem>>, vector<16xf32>,
      %broadcast_in_dim3A_484 = arith.constant 67 : i32
      %broadcast_in_dim3A_485 = vector.broadcast %broadcast_in_dim3A_484 : i32 to vector<16xi32>
      %gather3A_486 = tpu.vector_load_idx %arg6[%iota3A, %broadcast_in_dim3A_485] : memref<16x128xf32, #tpu.memory_space<vmem>>[vector<16xi32>, vector<16xi32>], vector<16xf32>,
      %swap3A_487 = arith.constant 8 : i32
      %swap3A_488 = arith.index_cast %swap3A_487 : i32 to index
      %swap3A_489 = arith.constant 48 : index
      %swap3A_490 = tpu.vector_load %arg7[%swap3A_488, %swap3A_489] {strides = array<i32>} : memref<16x128xf32, #tpu.memory_space<vmem>>, vector<16xf32>,
      tpu.vector_store %arg7[%swap3A_488, %swap3A_489], %gather3A_486 {strides = array<i32>} : memref<16x128xf32, #tpu.memory_space<vmem>>, vector<16xf32>,
      %broadcast_in_dim3A_491 = arith.constant 68 : i32
      %broadcast_in_dim3A_492 = vector.broadcast %broadcast_in_dim3A_491 : i32 to vector<16xi32>
      %gather3A_493 = tpu.vector_load_idx %arg6[%iota3A, %broadcast_in_dim3A_492] : memref<16x128xf32, #tpu.memory_space<vmem>>[vector<16xi32>, vector<16xi32>], vector<16xf32>,
      %swap3A_494 = arith.constant 8 : i32
      %swap3A_495 = arith.index_cast %swap3A_494 : i32 to index
      %swap3A_496 = arith.constant 64 : index
      %swap3A_497 = tpu.vector_load %arg7[%swap3A_495, %swap3A_496] {strides = array<i32>} : memref<16x128xf32, #tpu.memory_space<vmem>>, vector<16xf32>,
      tpu.vector_store %arg7[%swap3A_495, %swap3A_496], %gather3A_493 {strides = array<i32>} : memref<16x128xf32, #tpu.memory_space<vmem>>, vector<16xf32>,
      %broadcast_in_dim3A_498 = arith.constant 69 : i32
      %broadcast_in_dim3A_499 = vector.broadcast %broadcast_in_dim3A_498 : i32 to vector<16xi32>
      %gather3A_500 = tpu.vector_load_idx %arg6[%iota3A, %broadcast_in_dim3A_499] : memref<16x128xf32, #tpu.memory_space<vmem>>[vector<16xi32>, vector<16xi32>], vector<16xf32>,
      %swap3A_501 = arith.constant 8 : i32
      %swap3A_502 = arith.index_cast %swap3A_501 : i32 to index
      %swap3A_503 = arith.constant 80 : index
      %swap3A_504 = tpu.vector_load %arg7[%swap3A_502, %swap3A_503] {strides = array<i32>} : memref<16x128xf32, #tpu.memory_space<vmem>>, vector<16xf32>,
      tpu.vector_store %arg7[%swap3A_502, %swap3A_503], %gather3A_500 {strides = array<i32>} : memref<16x128xf32, #tpu.memory_space<vmem>>, vector<16xf32>,
      %broadcast_in_dim3A_505 = arith.constant 70 : i32
      %broadcast_in_dim3A_506 = vector.broadcast %broadcast_in_dim3A_505 : i32 to vector<16xi32>
      %gather3A_507 = tpu.vector_load_idx %arg6[%iota3A, %broadcast_in_dim3A_506] : memref<16x128xf32, #tpu.memory_space<vmem>>[vector<16xi32>, vector<16xi32>], vector<16xf32>,
      %swap3A_508 = arith.constant 8 : i32
      %swap3A_509 = arith.index_cast %swap3A_508 : i32 to index
      %swap3A_510 = arith.constant 96 : index
      %swap3A_511 = tpu.vector_load %arg7[%swap3A_509, %swap3A_510] {strides = array<i32>} : memref<16x128xf32, #tpu.memory_space<vmem>>, vector<16xf32>,
      tpu.vector_store %arg7[%swap3A_509, %swap3A_510], %gather3A_507 {strides = array<i32>} : memref<16x128xf32, #tpu.memory_space<vmem>>, vector<16xf32>,
      %broadcast_in_dim3A_512 = arith.constant 71 : i32
      %broadcast_in_dim3A_513 = vector.broadcast %broadcast_in_dim3A_512 : i32 to vector<16xi32>
      %gather3A_514 = tpu.vector_load_idx %arg6[%iota3A, %broadcast_in_dim3A_513] : memref<16x128xf32, #tpu.memory_space<vmem>>[vector<16xi32>, vector<16xi32>], vector<16xf32>,
      %swap3A_515 = arith.constant 8 : i32
      %swap3A_516 = arith.index_cast %swap3A_515 : i32 to index
      %swap3A_517 = arith.constant 112 : index
      %swap3A_518 = tpu.vector_load %arg7[%swap3A_516, %swap3A_517] {strides = array<i32>} : memref<16x128xf32, #tpu.memory_space<vmem>>, vector<16xf32>,
      tpu.vector_store %arg7[%swap3A_516, %swap3A_517], %gather3A_514 {strides = array<i32>} : memref<16x128xf32, #tpu.memory_space<vmem>>, vector<16xf32>,
      %broadcast_in_dim3A_519 = arith.constant 72 : i32
      %broadcast_in_dim3A_520 = vector.broadcast %broadcast_in_dim3A_519 : i32 to vector<16xi32>
      %gather3A_521 = tpu.vector_load_idx %arg6[%iota3A, %broadcast_in_dim3A_520] : memref<16x128xf32, #tpu.memory_space<vmem>>[vector<16xi32>, vector<16xi32>], vector<16xf32>,
      %swap3A_522 = arith.constant 9 : i32
      %swap3A_523 = arith.index_cast %swap3A_522 : i32 to index
      %swap3A_524 = arith.constant 0 : index
      %swap3A_525 = tpu.vector_load %arg7[%swap3A_523, %swap3A_524] {strides = array<i32>} : memref<16x128xf32, #tpu.memory_space<vmem>>, vector<16xf32>,
      tpu.vector_store %arg7[%swap3A_523, %swap3A_524], %gather3A_521 {strides = array<i32>} : memref<16x128xf32, #tpu.memory_space<vmem>>, vector<16xf32>,
      %broadcast_in_dim3A_526 = arith.constant 73 : i32
      %broadcast_in_dim3A_527 = vector.broadcast %broadcast_in_dim3A_526 : i32 to vector<16xi32>
      %gather3A_528 = tpu.vector_load_idx %arg6[%iota3A, %broadcast_in_dim3A_527] : memref<16x128xf32, #tpu.memory_space<vmem>>[vector<16xi32>, vector<16xi32>], vector<16xf32>,
      %swap3A_529 = arith.constant 9 : i32
      %swap3A_530 = arith.index_cast %swap3A_529 : i32 to index
      %swap3A_531 = arith.constant 16 : index
      %swap3A_532 = tpu.vector_load %arg7[%swap3A_530, %swap3A_531] {strides = array<i32>} : memref<16x128xf32, #tpu.memory_space<vmem>>, vector<16xf32>,
      tpu.vector_store %arg7[%swap3A_530, %swap3A_531], %gather3A_528 {strides = array<i32>} : memref<16x128xf32, #tpu.memory_space<vmem>>, vector<16xf32>,
      %broadcast_in_dim3A_533 = arith.constant 74 : i32
      %broadcast_in_dim3A_534 = vector.broadcast %broadcast_in_dim3A_533 : i32 to vector<16xi32>
      %gather3A_535 = tpu.vector_load_idx %arg6[%iota3A, %broadcast_in_dim3A_534] : memref<16x128xf32, #tpu.memory_space<vmem>>[vector<16xi32>, vector<16xi32>], vector<16xf32>,
      %swap3A_536 = arith.constant 9 : i32
      %swap3A_537 = arith.index_cast %swap3A_536 : i32 to index
      %swap3A_538 = arith.constant 32 : index
      %swap3A_539 = tpu.vector_load %arg7[%swap3A_537, %swap3A_538] {strides = array<i32>} : memref<16x128xf32, #tpu.memory_space<vmem>>, vector<16xf32>,
      tpu.vector_store %arg7[%swap3A_537, %swap3A_538], %gather3A_535 {strides = array<i32>} : memref<16x128xf32, #tpu.memory_space<vmem>>, vector<16xf32>,
      %broadcast_in_dim3A_540 = arith.constant 75 : i32
      %broadcast_in_dim3A_541 = vector.broadcast %broadcast_in_dim3A_540 : i32 to vector<16xi32>
      %gather3A_542 = tpu.vector_load_idx %arg6[%iota3A, %broadcast_in_dim3A_541] : memref<16x128xf32, #tpu.memory_space<vmem>>[vector<16xi32>, vector<16xi32>], vector<16xf32>,
      %swap3A_543 = arith.constant 9 : i32
      %swap3A_544 = arith.index_cast %swap3A_543 : i32 to index
      %swap3A_545 = arith.constant 48 : index
      %swap3A_546 = tpu.vector_load %arg7[%swap3A_544, %swap3A_545] {strides = array<i32>} : memref<16x128xf32, #tpu.memory_space<vmem>>, vector<16xf32>,
      tpu.vector_store %arg7[%swap3A_544, %swap3A_545], %gather3A_542 {strides = array<i32>} : memref<16x128xf32, #tpu.memory_space<vmem>>, vector<16xf32>,
      %broadcast_in_dim3A_547 = arith.constant 76 : i32
      %broadcast_in_dim3A_548 = vector.broadcast %broadcast_in_dim3A_547 : i32 to vector<16xi32>
      %gather3A_549 = tpu.vector_load_idx %arg6[%iota3A, %broadcast_in_dim3A_548] : memref<16x128xf32, #tpu.memory_space<vmem>>[vector<16xi32>, vector<16xi32>], vector<16xf32>,
      %swap3A_550 = arith.constant 9 : i32
      %swap3A_551 = arith.index_cast %swap3A_550 : i32 to index
      %swap3A_552 = arith.constant 64 : index
      %swap3A_553 = tpu.vector_load %arg7[%swap3A_551, %swap3A_552] {strides = array<i32>} : memref<16x128xf32, #tpu.memory_space<vmem>>, vector<16xf32>,
      tpu.vector_store %arg7[%swap3A_551, %swap3A_552], %gather3A_549 {strides = array<i32>} : memref<16x128xf32, #tpu.memory_space<vmem>>, vector<16xf32>,
      %broadcast_in_dim3A_554 = arith.constant 77 : i32
      %broadcast_in_dim3A_555 = vector.broadcast %broadcast_in_dim3A_554 : i32 to vector<16xi32>
      %gather3A_556 = tpu.vector_load_idx %arg6[%iota3A, %broadcast_in_dim3A_555] : memref<16x128xf32, #tpu.memory_space<vmem>>[vector<16xi32>, vector<16xi32>], vector<16xf32>,
      %swap3A_557 = arith.constant 9 : i32
      %swap3A_558 = arith.index_cast %swap3A_557 : i32 to index
      %swap3A_559 = arith.constant 80 : index
      %swap3A_560 = tpu.vector_load %arg7[%swap3A_558, %swap3A_559] {strides = array<i32>} : memref<16x128xf32, #tpu.memory_space<vmem>>, vector<16xf32>,
      tpu.vector_store %arg7[%swap3A_558, %swap3A_559], %gather3A_556 {strides = array<i32>} : memref<16x128xf32, #tpu.memory_space<vmem>>, vector<16xf32>,
      %broadcast_in_dim3A_561 = arith.constant 78 : i32
      %broadcast_in_dim3A_562 = vector.broadcast %broadcast_in_dim3A_561 : i32 to vector<16xi32>
      %gather3A_563 = tpu.vector_load_idx %arg6[%iota3A, %broadcast_in_dim3A_562] : memref<16x128xf32, #tpu.memory_space<vmem>>[vector<16xi32>, vector<16xi32>], vector<16xf32>,
      %swap3A_564 = arith.constant 9 : i32
      %swap3A_565 = arith.index_cast %swap3A_564 : i32 to index
      %swap3A_566 = arith.constant 96 : index
      %swap3A_567 = tpu.vector_load %arg7[%swap3A_565, %swap3A_566] {strides = array<i32>} : memref<16x128xf32, #tpu.memory_space<vmem>>, vector<16xf32>,
      tpu.vector_store %arg7[%swap3A_565, %swap3A_566], %gather3A_563 {strides = array<i32>} : memref<16x128xf32, #tpu.memory_space<vmem>>, vector<16xf32>,
      %broadcast_in_dim3A_568 = arith.constant 79 : i32
      %broadcast_in_dim3A_569 = vector.broadcast %broadcast_in_dim3A_568 : i32 to vector<16xi32>
      %gather3A_570 = tpu.vector_load_idx %arg6[%iota3A, %broadcast_in_dim3A_569] : memref<16x128xf32, #tpu.memory_space<vmem>>[vector<16xi32>, vector<16xi32>], vector<16xf32>,
      %swap3A_571 = arith.constant 9 : i32
      %swap3A_572 = arith.index_cast %swap3A_571 : i32 to index
      %swap3A_573 = arith.constant 112 : index
      %swap3A_574 = tpu.vector_load %arg7[%swap3A_572, %swap3A_573] {strides = array<i32>} : memref<16x128xf32, #tpu.memory_space<vmem>>, vector<16xf32>,
      tpu.vector_store %arg7[%swap3A_572, %swap3A_573], %gather3A_570 {strides = array<i32>} : memref<16x128xf32, #tpu.memory_space<vmem>>, vector<16xf32>,
      %broadcast_in_dim3A_575 = arith.constant 80 : i32
      %broadcast_in_dim3A_576 = vector.broadcast %broadcast_in_dim3A_575 : i32 to vector<16xi32>
      %gather3A_577 = tpu.vector_load_idx %arg6[%iota3A, %broadcast_in_dim3A_576] : memref<16x128xf32, #tpu.memory_space<vmem>>[vector<16xi32>, vector<16xi32>], vector<16xf32>,
      %swap3A_578 = arith.constant 10 : i32
      %swap3A_579 = arith.index_cast %swap3A_578 : i32 to index
      %swap3A_580 = arith.constant 0 : index
      %swap3A_581 = tpu.vector_load %arg7[%swap3A_579, %swap3A_580] {strides = array<i32>} : memref<16x128xf32, #tpu.memory_space<vmem>>, vector<16xf32>,
      tpu.vector_store %arg7[%swap3A_579, %swap3A_580], %gather3A_577 {strides = array<i32>} : memref<16x128xf32, #tpu.memory_space<vmem>>, vector<16xf32>,
      %broadcast_in_dim3A_582 = arith.constant 81 : i32
      %broadcast_in_dim3A_583 = vector.broadcast %broadcast_in_dim3A_582 : i32 to vector<16xi32>
      %gather3A_584 = tpu.vector_load_idx %arg6[%iota3A, %broadcast_in_dim3A_583] : memref<16x128xf32, #tpu.memory_space<vmem>>[vector<16xi32>, vector<16xi32>], vector<16xf32>,
      %swap3A_585 = arith.constant 10 : i32
      %swap3A_586 = arith.index_cast %swap3A_585 : i32 to index
      %swap3A_587 = arith.constant 16 : index
      %swap3A_588 = tpu.vector_load %arg7[%swap3A_586, %swap3A_587] {strides = array<i32>} : memref<16x128xf32, #tpu.memory_space<vmem>>, vector<16xf32>,
      tpu.vector_store %arg7[%swap3A_586, %swap3A_587], %gather3A_584 {strides = array<i32>} : memref<16x128xf32, #tpu.memory_space<vmem>>, vector<16xf32>,
      %broadcast_in_dim3A_589 = arith.constant 82 : i32
      %broadcast_in_dim3A_590 = vector.broadcast %broadcast_in_dim3A_589 : i32 to vector<16xi32>
      %gather3A_591 = tpu.vector_load_idx %arg6[%iota3A, %broadcast_in_dim3A_590] : memref<16x128xf32, #tpu.memory_space<vmem>>[vector<16xi32>, vector<16xi32>], vector<16xf32>,
      %swap3A_592 = arith.constant 10 : i32
      %swap3A_593 = arith.index_cast %swap3A_592 : i32 to index
      %swap3A_594 = arith.constant 32 : index
      %swap3A_595 = tpu.vector_load %arg7[%swap3A_593, %swap3A_594] {strides = array<i32>} : memref<16x128xf32, #tpu.memory_space<vmem>>, vector<16xf32>,
      tpu.vector_store %arg7[%swap3A_593, %swap3A_594], %gather3A_591 {strides = array<i32>} : memref<16x128xf32, #tpu.memory_space<vmem>>, vector<16xf32>,
      %broadcast_in_dim3A_596 = arith.constant 83 : i32
      %broadcast_in_dim3A_597 = vector.broadcast %broadcast_in_dim3A_596 : i32 to vector<16xi32>
      %gather3A_598 = tpu.vector_load_idx %arg6[%iota3A, %broadcast_in_dim3A_597] : memref<16x128xf32, #tpu.memory_space<vmem>>[vector<16xi32>, vector<16xi32>], vector<16xf32>,
      %swap3A_599 = arith.constant 10 : i32
      %swap3A_600 = arith.index_cast %swap3A_599 : i32 to index
      %swap3A_601 = arith.constant 48 : index
      %swap3A_602 = tpu.vector_load %arg7[%swap3A_600, %swap3A_601] {strides = array<i32>} : memref<16x128xf32, #tpu.memory_space<vmem>>, vector<16xf32>,
      tpu.vector_store %arg7[%swap3A_600, %swap3A_601], %gather3A_598 {strides = array<i32>} : memref<16x128xf32, #tpu.memory_space<vmem>>, vector<16xf32>,
      %broadcast_in_dim3A_603 = arith.constant 84 : i32
      %broadcast_in_dim3A_604 = vector.broadcast %broadcast_in_dim3A_603 : i32 to vector<16xi32>
      %gather3A_605 = tpu.vector_load_idx %arg6[%iota3A, %broadcast_in_dim3A_604] : memref<16x128xf32, #tpu.memory_space<vmem>>[vector<16xi32>, vector<16xi32>], vector<16xf32>,
      %swap3A_606 = arith.constant 10 : i32
      %swap3A_607 = arith.index_cast %swap3A_606 : i32 to index
      %swap3A_608 = arith.constant 64 : index
      %swap3A_609 = tpu.vector_load %arg7[%swap3A_607, %swap3A_608] {strides = array<i32>} : memref<16x128xf32, #tpu.memory_space<vmem>>, vector<16xf32>,
      tpu.vector_store %arg7[%swap3A_607, %swap3A_608], %gather3A_605 {strides = array<i32>} : memref<16x128xf32, #tpu.memory_space<vmem>>, vector<16xf32>,
      %broadcast_in_dim3A_610 = arith.constant 85 : i32
      %broadcast_in_dim3A_611 = vector.broadcast %broadcast_in_dim3A_610 : i32 to vector<16xi32>
      %gather3A_612 = tpu.vector_load_idx %arg6[%iota3A, %broadcast_in_dim3A_611] : memref<16x128xf32, #tpu.memory_space<vmem>>[vector<16xi32>, vector<16xi32>], vector<16xf32>,
      %swap3A_613 = arith.constant 10 : i32
      %swap3A_614 = arith.index_cast %swap3A_613 : i32 to index
      %swap3A_615 = arith.constant 80 : index
      %swap3A_616 = tpu.vector_load %arg7[%swap3A_614, %swap3A_615] {strides = array<i32>} : memref<16x128xf32, #tpu.memory_space<vmem>>, vector<16xf32>,
      tpu.vector_store %arg7[%swap3A_614, %swap3A_615], %gather3A_612 {strides = array<i32>} : memref<16x128xf32, #tpu.memory_space<vmem>>, vector<16xf32>,
      %broadcast_in_dim3A_617 = arith.constant 86 : i32
      %broadcast_in_dim3A_618 = vector.broadcast %broadcast_in_dim3A_617 : i32 to vector<16xi32>
      %gather3A_619 = tpu.vector_load_idx %arg6[%iota3A, %broadcast_in_dim3A_618] : memref<16x128xf32, #tpu.memory_space<vmem>>[vector<16xi32>, vector<16xi32>], vector<16xf32>,
      %swap3A_620 = arith.constant 10 : i32
      %swap3A_621 = arith.index_cast %swap3A_620 : i32 to index
      %swap3A_622 = arith.constant 96 : index
      %swap3A_623 = tpu.vector_load %arg7[%swap3A_621, %swap3A_622] {strides = array<i32>} : memref<16x128xf32, #tpu.memory_space<vmem>>, vector<16xf32>,
      tpu.vector_store %arg7[%swap3A_621, %swap3A_622], %gather3A_619 {strides = array<i32>} : memref<16x128xf32, #tpu.memory_space<vmem>>, vector<16xf32>,
      %broadcast_in_dim3A_624 = arith.constant 87 : i32
      %broadcast_in_dim3A_625 = vector.broadcast %broadcast_in_dim3A_624 : i32 to vector<16xi32>
      %gather3A_626 = tpu.vector_load_idx %arg6[%iota3A, %broadcast_in_dim3A_625] : memref<16x128xf32, #tpu.memory_space<vmem>>[vector<16xi32>, vector<16xi32>], vector<16xf32>,
      %swap3A_627 = arith.constant 10 : i32
      %swap3A_628 = arith.index_cast %swap3A_627 : i32 to index
      %swap3A_629 = arith.constant 112 : index
      %swap3A_630 = tpu.vector_load %arg7[%swap3A_628, %swap3A_629] {strides = array<i32>} : memref<16x128xf32, #tpu.memory_space<vmem>>, vector<16xf32>,
      tpu.vector_store %arg7[%swap3A_628, %swap3A_629], %gather3A_626 {strides = array<i32>} : memref<16x128xf32, #tpu.memory_space<vmem>>, vector<16xf32>,
      %broadcast_in_dim3A_631 = arith.constant 88 : i32
      %broadcast_in_dim3A_632 = vector.broadcast %broadcast_in_dim3A_631 : i32 to vector<16xi32>
      %gather3A_633 = tpu.vector_load_idx %arg6[%iota3A, %broadcast_in_dim3A_632] : memref<16x128xf32, #tpu.memory_space<vmem>>[vector<16xi32>, vector<16xi32>], vector<16xf32>,
      %swap3A_634 = arith.constant 11 : i32
      %swap3A_635 = arith.index_cast %swap3A_634 : i32 to index
      %swap3A_636 = arith.constant 0 : index
      %swap3A_637 = tpu.vector_load %arg7[%swap3A_635, %swap3A_636] {strides = array<i32>} : memref<16x128xf32, #tpu.memory_space<vmem>>, vector<16xf32>,
      tpu.vector_store %arg7[%swap3A_635, %swap3A_636], %gather3A_633 {strides = array<i32>} : memref<16x128xf32, #tpu.memory_space<vmem>>, vector<16xf32>,
      %broadcast_in_dim3A_638 = arith.constant 89 : i32
      %broadcast_in_dim3A_639 = vector.broadcast %broadcast_in_dim3A_638 : i32 to vector<16xi32>
      %gather3A_640 = tpu.vector_load_idx %arg6[%iota3A, %broadcast_in_dim3A_639] : memref<16x128xf32, #tpu.memory_space<vmem>>[vector<16xi32>, vector<16xi32>], vector<16xf32>,
      %swap3A_641 = arith.constant 11 : i32
      %swap3A_642 = arith.index_cast %swap3A_641 : i32 to index
      %swap3A_643 = arith.constant 16 : index
      %swap3A_644 = tpu.vector_load %arg7[%swap3A_642, %swap3A_643] {strides = array<i32>} : memref<16x128xf32, #tpu.memory_space<vmem>>, vector<16xf32>,
      tpu.vector_store %arg7[%swap3A_642, %swap3A_643], %gather3A_640 {strides = array<i32>} : memref<16x128xf32, #tpu.memory_space<vmem>>, vector<16xf32>,
      %broadcast_in_dim3A_645 = arith.constant 90 : i32
      %broadcast_in_dim3A_646 = vector.broadcast %broadcast_in_dim3A_645 : i32 to vector<16xi32>
      %gather3A_647 = tpu.vector_load_idx %arg6[%iota3A, %broadcast_in_dim3A_646] : memref<16x128xf32, #tpu.memory_space<vmem>>[vector<16xi32>, vector<16xi32>], vector<16xf32>,
      %swap3A_648 = arith.constant 11 : i32
      %swap3A_649 = arith.index_cast %swap3A_648 : i32 to index
      %swap3A_650 = arith.constant 32 : index
      %swap3A_651 = tpu.vector_load %arg7[%swap3A_649, %swap3A_650] {strides = array<i32>} : memref<16x128xf32, #tpu.memory_space<vmem>>, vector<16xf32>,
      tpu.vector_store %arg7[%swap3A_649, %swap3A_650], %gather3A_647 {strides = array<i32>} : memref<16x128xf32, #tpu.memory_space<vmem>>, vector<16xf32>,
      %broadcast_in_dim3A_652 = arith.constant 91 : i32
      %broadcast_in_dim3A_653 = vector.broadcast %broadcast_in_dim3A_652 : i32 to vector<16xi32>
      %gather3A_654 = tpu.vector_load_idx %arg6[%iota3A, %broadcast_in_dim3A_653] : memref<16x128xf32, #tpu.memory_space<vmem>>[vector<16xi32>, vector<16xi32>], vector<16xf32>,
      %swap3A_655 = arith.constant 11 : i32
      %swap3A_656 = arith.index_cast %swap3A_655 : i32 to index
      %swap3A_657 = arith.constant 48 : index
      %swap3A_658 = tpu.vector_load %arg7[%swap3A_656, %swap3A_657] {strides = array<i32>} : memref<16x128xf32, #tpu.memory_space<vmem>>, vector<16xf32>,
      tpu.vector_store %arg7[%swap3A_656, %swap3A_657], %gather3A_654 {strides = array<i32>} : memref<16x128xf32, #tpu.memory_space<vmem>>, vector<16xf32>,
      %broadcast_in_dim3A_659 = arith.constant 92 : i32
      %broadcast_in_dim3A_660 = vector.broadcast %broadcast_in_dim3A_659 : i32 to vector<16xi32>
      %gather3A_661 = tpu.vector_load_idx %arg6[%iota3A, %broadcast_in_dim3A_660] : memref<16x128xf32, #tpu.memory_space<vmem>>[vector<16xi32>, vector<16xi32>], vector<16xf32>,
      %swap3A_662 = arith.constant 11 : i32
      %swap3A_663 = arith.index_cast %swap3A_662 : i32 to index
      %swap3A_664 = arith.constant 64 : index
      %swap3A_665 = tpu.vector_load %arg7[%swap3A_663, %swap3A_664] {strides = array<i32>} : memref<16x128xf32, #tpu.memory_space<vmem>>, vector<16xf32>,
      tpu.vector_store %arg7[%swap3A_663, %swap3A_664], %gather3A_661 {strides = array<i32>} : memref<16x128xf32, #tpu.memory_space<vmem>>, vector<16xf32>,
      %broadcast_in_dim3A_666 = arith.constant 93 : i32
      %broadcast_in_dim3A_667 = vector.broadcast %broadcast_in_dim3A_666 : i32 to vector<16xi32>
      %gather3A_668 = tpu.vector_load_idx %arg6[%iota3A, %broadcast_in_dim3A_667] : memref<16x128xf32, #tpu.memory_space<vmem>>[vector<16xi32>, vector<16xi32>], vector<16xf32>,
      %swap3A_669 = arith.constant 11 : i32
      %swap3A_670 = arith.index_cast %swap3A_669 : i32 to index
      %swap3A_671 = arith.constant 80 : index
      %swap3A_672 = tpu.vector_load %arg7[%swap3A_670, %swap3A_671] {strides = array<i32>} : memref<16x128xf32, #tpu.memory_space<vmem>>, vector<16xf32>,
      tpu.vector_store %arg7[%swap3A_670, %swap3A_671], %gather3A_668 {strides = array<i32>} : memref<16x128xf32, #tpu.memory_space<vmem>>, vector<16xf32>,
      %broadcast_in_dim3A_673 = arith.constant 94 : i32
      %broadcast_in_dim3A_674 = vector.broadcast %broadcast_in_dim3A_673 : i32 to vector<16xi32>
      %gather3A_675 = tpu.vector_load_idx %arg6[%iota3A, %broadcast_in_dim3A_674] : memref<16x128xf32, #tpu.memory_space<vmem>>[vector<16xi32>, vector<16xi32>], vector<16xf32>,
      %swap3A_676 = arith.constant 11 : i32
      %swap3A_677 = arith.index_cast %swap3A_676 : i32 to index
      %swap3A_678 = arith.constant 96 : index
      %swap3A_679 = tpu.vector_load %arg7[%swap3A_677, %swap3A_678] {strides = array<i32>} : memref<16x128xf32, #tpu.memory_space<vmem>>, vector<16xf32>,
      tpu.vector_store %arg7[%swap3A_677, %swap3A_678], %gather3A_675 {strides = array<i32>} : memref<16x128xf32, #tpu.memory_space<vmem>>, vector<16xf32>,
      %broadcast_in_dim3A_680 = arith.constant 95 : i32
      %broadcast_in_dim3A_681 = vector.broadcast %broadcast_in_dim3A_680 : i32 to vector<16xi32>
      %gather3A_682 = tpu.vector_load_idx %arg6[%iota3A, %broadcast_in_dim3A_681] : memref<16x128xf32, #tpu.memory_space<vmem>>[vector<16xi32>, vector<16xi32>], vector<16xf32>,
      %swap3A_683 = arith.constant 11 : i32
      %swap3A_684 = arith.index_cast %swap3A_683 : i32 to index
      %swap3A_685 = arith.constant 112 : index
      %swap3A_686 = tpu.vector_load %arg7[%swap3A_684, %swap3A_685] {strides = array<i32>} : memref<16x128xf32, #tpu.memory_space<vmem>>, vector<16xf32>,
      tpu.vector_store %arg7[%swap3A_684, %swap3A_685], %gather3A_682 {strides = array<i32>} : memref<16x128xf32, #tpu.memory_space<vmem>>, vector<16xf32>,
      %broadcast_in_dim3A_687 = arith.constant 96 : i32
      %broadcast_in_dim3A_688 = vector.broadcast %broadcast_in_dim3A_687 : i32 to vector<16xi32>
      %gather3A_689 = tpu.vector_load_idx %arg6[%iota3A, %broadcast_in_dim3A_688] : memref<16x128xf32, #tpu.memory_space<vmem>>[vector<16xi32>, vector<16xi32>], vector<16xf32>,
      %swap3A_690 = arith.constant 12 : i32
      %swap3A_691 = arith.index_cast %swap3A_690 : i32 to index
      %swap3A_692 = arith.constant 0 : index
      %swap3A_693 = tpu.vector_load %arg7[%swap3A_691, %swap3A_692] {strides = array<i32>} : memref<16x128xf32, #tpu.memory_space<vmem>>, vector<16xf32>,
      tpu.vector_store %arg7[%swap3A_691, %swap3A_692], %gather3A_689 {strides = array<i32>} : memref<16x128xf32, #tpu.memory_space<vmem>>, vector<16xf32>,
      %broadcast_in_dim3A_694 = arith.constant 97 : i32
      %broadcast_in_dim3A_695 = vector.broadcast %broadcast_in_dim3A_694 : i32 to vector<16xi32>
      %gather3A_696 = tpu.vector_load_idx %arg6[%iota3A, %broadcast_in_dim3A_695] : memref<16x128xf32, #tpu.memory_space<vmem>>[vector<16xi32>, vector<16xi32>], vector<16xf32>,
      %swap3A_697 = arith.constant 12 : i32
      %swap3A_698 = arith.index_cast %swap3A_697 : i32 to index
      %swap3A_699 = arith.constant 16 : index
      %swap3A_700 = tpu.vector_load %arg7[%swap3A_698, %swap3A_699] {strides = array<i32>} : memref<16x128xf32, #tpu.memory_space<vmem>>, vector<16xf32>,
      tpu.vector_store %arg7[%swap3A_698, %swap3A_699], %gather3A_696 {strides = array<i32>} : memref<16x128xf32, #tpu.memory_space<vmem>>, vector<16xf32>,
      %broadcast_in_dim3A_701 = arith.constant 98 : i32
      %broadcast_in_dim3A_702 = vector.broadcast %broadcast_in_dim3A_701 : i32 to vector<16xi32>
      %gather3A_703 = tpu.vector_load_idx %arg6[%iota3A, %broadcast_in_dim3A_702] : memref<16x128xf32, #tpu.memory_space<vmem>>[vector<16xi32>, vector<16xi32>], vector<16xf32>,
      %swap3A_704 = arith.constant 12 : i32
      %swap3A_705 = arith.index_cast %swap3A_704 : i32 to index
      %swap3A_706 = arith.constant 32 : index
      %swap3A_707 = tpu.vector_load %arg7[%swap3A_705, %swap3A_706] {strides = array<i32>} : memref<16x128xf32, #tpu.memory_space<vmem>>, vector<16xf32>,
      tpu.vector_store %arg7[%swap3A_705, %swap3A_706], %gather3A_703 {strides = array<i32>} : memref<16x128xf32, #tpu.memory_space<vmem>>, vector<16xf32>,
      %broadcast_in_dim3A_708 = arith.constant 99 : i32
      %broadcast_in_dim3A_709 = vector.broadcast %broadcast_in_dim3A_708 : i32 to vector<16xi32>
      %gather3A_710 = tpu.vector_load_idx %arg6[%iota3A, %broadcast_in_dim3A_709] : memref<16x128xf32, #tpu.memory_space<vmem>>[vector<16xi32>, vector<16xi32>], vector<16xf32>,
      %swap3A_711 = arith.constant 12 : i32
      %swap3A_712 = arith.index_cast %swap3A_711 : i32 to index
      %swap3A_713 = arith.constant 48 : index
      %swap3A_714 = tpu.vector_load %arg7[%swap3A_712, %swap3A_713] {strides = array<i32>} : memref<16x128xf32, #tpu.memory_space<vmem>>, vector<16xf32>,
      tpu.vector_store %arg7[%swap3A_712, %swap3A_713], %gather3A_710 {strides = array<i32>} : memref<16x128xf32, #tpu.memory_space<vmem>>, vector<16xf32>,
      %broadcast_in_dim3A_715 = arith.constant 100 : i32
      %broadcast_in_dim3A_716 = vector.broadcast %broadcast_in_dim3A_715 : i32 to vector<16xi32>
      %gather3A_717 = tpu.vector_load_idx %arg6[%iota3A, %broadcast_in_dim3A_716] : memref<16x128xf32, #tpu.memory_space<vmem>>[vector<16xi32>, vector<16xi32>], vector<16xf32>,
      %swap3A_718 = arith.constant 12 : i32
      %swap3A_719 = arith.index_cast %swap3A_718 : i32 to index
      %swap3A_720 = arith.constant 64 : index
      %swap3A_721 = tpu.vector_load %arg7[%swap3A_719, %swap3A_720] {strides = array<i32>} : memref<16x128xf32, #tpu.memory_space<vmem>>, vector<16xf32>,
      tpu.vector_store %arg7[%swap3A_719, %swap3A_720], %gather3A_717 {strides = array<i32>} : memref<16x128xf32, #tpu.memory_space<vmem>>, vector<16xf32>,
      %broadcast_in_dim3A_722 = arith.constant 101 : i32
      %broadcast_in_dim3A_723 = vector.broadcast %broadcast_in_dim3A_722 : i32 to vector<16xi32>
      %gather3A_724 = tpu.vector_load_idx %arg6[%iota3A, %broadcast_in_dim3A_723] : memref<16x128xf32, #tpu.memory_space<vmem>>[vector<16xi32>, vector<16xi32>], vector<16xf32>,
      %swap3A_725 = arith.constant 12 : i32
      %swap3A_726 = arith.index_cast %swap3A_725 : i32 to index
      %swap3A_727 = arith.constant 80 : index
      %swap3A_728 = tpu.vector_load %arg7[%swap3A_726, %swap3A_727] {strides = array<i32>} : memref<16x128xf32, #tpu.memory_space<vmem>>, vector<16xf32>,
      tpu.vector_store %arg7[%swap3A_726, %swap3A_727], %gather3A_724 {strides = array<i32>} : memref<16x128xf32, #tpu.memory_space<vmem>>, vector<16xf32>,
      %broadcast_in_dim3A_729 = arith.constant 102 : i32
      %broadcast_in_dim3A_730 = vector.broadcast %broadcast_in_dim3A_729 : i32 to vector<16xi32>
      %gather3A_731 = tpu.vector_load_idx %arg6[%iota3A, %broadcast_in_dim3A_730] : memref<16x128xf32, #tpu.memory_space<vmem>>[vector<16xi32>, vector<16xi32>], vector<16xf32>,
      %swap3A_732 = arith.constant 12 : i32
      %swap3A_733 = arith.index_cast %swap3A_732 : i32 to index
      %swap3A_734 = arith.constant 96 : index
      %swap3A_735 = tpu.vector_load %arg7[%swap3A_733, %swap3A_734] {strides = array<i32>} : memref<16x128xf32, #tpu.memory_space<vmem>>, vector<16xf32>,
      tpu.vector_store %arg7[%swap3A_733, %swap3A_734], %gather3A_731 {strides = array<i32>} : memref<16x128xf32, #tpu.memory_space<vmem>>, vector<16xf32>,
      %broadcast_in_dim3A_736 = arith.constant 103 : i32
      %broadcast_in_dim3A_737 = vector.broadcast %broadcast_in_dim3A_736 : i32 to vector<16xi32>
      %gather3A_738 = tpu.vector_load_idx %arg6[%iota3A, %broadcast_in_dim3A_737] : memref<16x128xf32, #tpu.memory_space<vmem>>[vector<16xi32>, vector<16xi32>], vector<16xf32>,
      %swap3A_739 = arith.constant 12 : i32
      %swap3A_740 = arith.index_cast %swap3A_739 : i32 to index
      %swap3A_741 = arith.constant 112 : index
      %swap3A_742 = tpu.vector_load %arg7[%swap3A_740, %swap3A_741] {strides = array<i32>} : memref<16x128xf32, #tpu.memory_space<vmem>>, vector<16xf32>,
      tpu.vector_store %arg7[%swap3A_740, %swap3A_741], %gather3A_738 {strides = array<i32>} : memref<16x128xf32, #tpu.memory_space<vmem>>, vector<16xf32>,
      %broadcast_in_dim3A_743 = arith.constant 104 : i32
      %broadcast_in_dim3A_744 = vector.broadcast %broadcast_in_dim3A_743 : i32 to vector<16xi32>
      %gather3A_745 = tpu.vector_load_idx %arg6[%iota3A, %broadcast_in_dim3A_744] : memref<16x128xf32, #tpu.memory_space<vmem>>[vector<16xi32>, vector<16xi32>], vector<16xf32>,
      %swap3A_746 = arith.constant 13 : i32
      %swap3A_747 = arith.index_cast %swap3A_746 : i32 to index
      %swap3A_748 = arith.constant 0 : index
      %swap3A_749 = tpu.vector_load %arg7[%swap3A_747, %swap3A_748] {strides = array<i32>} : memref<16x128xf32, #tpu.memory_space<vmem>>, vector<16xf32>,
      tpu.vector_store %arg7[%swap3A_747, %swap3A_748], %gather3A_745 {strides = array<i32>} : memref<16x128xf32, #tpu.memory_space<vmem>>, vector<16xf32>,
      %broadcast_in_dim3A_750 = arith.constant 105 : i32
      %broadcast_in_dim3A_751 = vector.broadcast %broadcast_in_dim3A_750 : i32 to vector<16xi32>
      %gather3A_752 = tpu.vector_load_idx %arg6[%iota3A, %broadcast_in_dim3A_751] : memref<16x128xf32, #tpu.memory_space<vmem>>[vector<16xi32>, vector<16xi32>], vector<16xf32>,
      %swap3A_753 = arith.constant 13 : i32
      %swap3A_754 = arith.index_cast %swap3A_753 : i32 to index
      %swap3A_755 = arith.constant 16 : index
      %swap3A_756 = tpu.vector_load %arg7[%swap3A_754, %swap3A_755] {strides = array<i32>} : memref<16x128xf32, #tpu.memory_space<vmem>>, vector<16xf32>,
      tpu.vector_store %arg7[%swap3A_754, %swap3A_755], %gather3A_752 {strides = array<i32>} : memref<16x128xf32, #tpu.memory_space<vmem>>, vector<16xf32>,
      %broadcast_in_dim3A_757 = arith.constant 106 : i32
      %broadcast_in_dim3A_758 = vector.broadcast %broadcast_in_dim3A_757 : i32 to vector<16xi32>
      %gather3A_759 = tpu.vector_load_idx %arg6[%iota3A, %broadcast_in_dim3A_758] : memref<16x128xf32, #tpu.memory_space<vmem>>[vector<16xi32>, vector<16xi32>], vector<16xf32>,
      %swap3A_760 = arith.constant 13 : i32
      %swap3A_761 = arith.index_cast %swap3A_760 : i32 to index
      %swap3A_762 = arith.constant 32 : index
      %swap3A_763 = tpu.vector_load %arg7[%swap3A_761, %swap3A_762] {strides = array<i32>} : memref<16x128xf32, #tpu.memory_space<vmem>>, vector<16xf32>,
      tpu.vector_store %arg7[%swap3A_761, %swap3A_762], %gather3A_759 {strides = array<i32>} : memref<16x128xf32, #tpu.memory_space<vmem>>, vector<16xf32>,
      %broadcast_in_dim3A_764 = arith.constant 107 : i32
      %broadcast_in_dim3A_765 = vector.broadcast %broadcast_in_dim3A_764 : i32 to vector<16xi32>
      %gather3A_766 = tpu.vector_load_idx %arg6[%iota3A, %broadcast_in_dim3A_765] : memref<16x128xf32, #tpu.memory_space<vmem>>[vector<16xi32>, vector<16xi32>], vector<16xf32>,
      %swap3A_767 = arith.constant 13 : i32
      %swap3A_768 = arith.index_cast %swap3A_767 : i32 to index
      %swap3A_769 = arith.constant 48 : index
      %swap3A_770 = tpu.vector_load %arg7[%swap3A_768, %swap3A_769] {strides = array<i32>} : memref<16x128xf32, #tpu.memory_space<vmem>>, vector<16xf32>,
      tpu.vector_store %arg7[%swap3A_768, %swap3A_769], %gather3A_766 {strides = array<i32>} : memref<16x128xf32, #tpu.memory_space<vmem>>, vector<16xf32>,
      %broadcast_in_dim3A_771 = arith.constant 108 : i32
      %broadcast_in_dim3A_772 = vector.broadcast %broadcast_in_dim3A_771 : i32 to vector<16xi32>
      %gather3A_773 = tpu.vector_load_idx %arg6[%iota3A, %broadcast_in_dim3A_772] : memref<16x128xf32, #tpu.memory_space<vmem>>[vector<16xi32>, vector<16xi32>], vector<16xf32>,
      %swap3A_774 = arith.constant 13 : i32
      %swap3A_775 = arith.index_cast %swap3A_774 : i32 to index
      %swap3A_776 = arith.constant 64 : index
      %swap3A_777 = tpu.vector_load %arg7[%swap3A_775, %swap3A_776] {strides = array<i32>} : memref<16x128xf32, #tpu.memory_space<vmem>>, vector<16xf32>,
      tpu.vector_store %arg7[%swap3A_775, %swap3A_776], %gather3A_773 {strides = array<i32>} : memref<16x128xf32, #tpu.memory_space<vmem>>, vector<16xf32>,
      %broadcast_in_dim3A_778 = arith.constant 109 : i32
      %broadcast_in_dim3A_779 = vector.broadcast %broadcast_in_dim3A_778 : i32 to vector<16xi32>
      %gather3A_780 = tpu.vector_load_idx %arg6[%iota3A, %broadcast_in_dim3A_779] : memref<16x128xf32, #tpu.memory_space<vmem>>[vector<16xi32>, vector<16xi32>], vector<16xf32>,
      %swap3A_781 = arith.constant 13 : i32
      %swap3A_782 = arith.index_cast %swap3A_781 : i32 to index
      %swap3A_783 = arith.constant 80 : index
      %swap3A_784 = tpu.vector_load %arg7[%swap3A_782, %swap3A_783] {strides = array<i32>} : memref<16x128xf32, #tpu.memory_space<vmem>>, vector<16xf32>,
      tpu.vector_store %arg7[%swap3A_782, %swap3A_783], %gather3A_780 {strides = array<i32>} : memref<16x128xf32, #tpu.memory_space<vmem>>, vector<16xf32>,
      %broadcast_in_dim3A_785 = arith.constant 110 : i32
      %broadcast_in_dim3A_786 = vector.broadcast %broadcast_in_dim3A_785 : i32 to vector<16xi32>
      %gather3A_787 = tpu.vector_load_idx %arg6[%iota3A, %broadcast_in_dim3A_786] : memref<16x128xf32, #tpu.memory_space<vmem>>[vector<16xi32>, vector<16xi32>], vector<16xf32>,
      %swap3A_788 = arith.constant 13 : i32
      %swap3A_789 = arith.index_cast %swap3A_788 : i32 to index
      %swap3A_790 = arith.constant 96 : index
      %swap3A_791 = tpu.vector_load %arg7[%swap3A_789, %swap3A_790] {strides = array<i32>} : memref<16x128xf32, #tpu.memory_space<vmem>>, vector<16xf32>,
      tpu.vector_store %arg7[%swap3A_789, %swap3A_790], %gather3A_787 {strides = array<i32>} : memref<16x128xf32, #tpu.memory_space<vmem>>, vector<16xf32>,
      %broadcast_in_dim3A_792 = arith.constant 111 : i32
      %broadcast_in_dim3A_793 = vector.broadcast %broadcast_in_dim3A_792 : i32 to vector<16xi32>
      %gather3A_794 = tpu.vector_load_idx %arg6[%iota3A, %broadcast_in_dim3A_793] : memref<16x128xf32, #tpu.memory_space<vmem>>[vector<16xi32>, vector<16xi32>], vector<16xf32>,
      %swap3A_795 = arith.constant 13 : i32
      %swap3A_796 = arith.index_cast %swap3A_795 : i32 to index
      %swap3A_797 = arith.constant 112 : index
      %swap3A_798 = tpu.vector_load %arg7[%swap3A_796, %swap3A_797] {strides = array<i32>} : memref<16x128xf32, #tpu.memory_space<vmem>>, vector<16xf32>,
      tpu.vector_store %arg7[%swap3A_796, %swap3A_797], %gather3A_794 {strides = array<i32>} : memref<16x128xf32, #tpu.memory_space<vmem>>, vector<16xf32>,
      %broadcast_in_dim3A_799 = arith.constant 112 : i32
      %broadcast_in_dim3A_800 = vector.broadcast %broadcast_in_dim3A_799 : i32 to vector<16xi32>
      %gather3A_801 = tpu.vector_load_idx %arg6[%iota3A, %broadcast_in_dim3A_800] : memref<16x128xf32, #tpu.memory_space<vmem>>[vector<16xi32>, vector<16xi32>], vector<16xf32>,
      %swap3A_802 = arith.constant 14 : i32
      %swap3A_803 = arith.index_cast %swap3A_802 : i32 to index
      %swap3A_804 = arith.constant 0 : index
      %swap3A_805 = tpu.vector_load %arg7[%swap3A_803, %swap3A_804] {strides = array<i32>} : memref<16x128xf32, #tpu.memory_space<vmem>>, vector<16xf32>,
      tpu.vector_store %arg7[%swap3A_803, %swap3A_804], %gather3A_801 {strides = array<i32>} : memref<16x128xf32, #tpu.memory_space<vmem>>, vector<16xf32>,
      %broadcast_in_dim3A_806 = arith.constant 113 : i32
      %broadcast_in_dim3A_807 = vector.broadcast %broadcast_in_dim3A_806 : i32 to vector<16xi32>
      %gather3A_808 = tpu.vector_load_idx %arg6[%iota3A, %broadcast_in_dim3A_807] : memref<16x128xf32, #tpu.memory_space<vmem>>[vector<16xi32>, vector<16xi32>], vector<16xf32>,
      %swap3A_809 = arith.constant 14 : i32
      %swap3A_810 = arith.index_cast %swap3A_809 : i32 to index
      %swap3A_811 = arith.constant 16 : index
      %swap3A_812 = tpu.vector_load %arg7[%swap3A_810, %swap3A_811] {strides = array<i32>} : memref<16x128xf32, #tpu.memory_space<vmem>>, vector<16xf32>,
      tpu.vector_store %arg7[%swap3A_810, %swap3A_811], %gather3A_808 {strides = array<i32>} : memref<16x128xf32, #tpu.memory_space<vmem>>, vector<16xf32>,
      %broadcast_in_dim3A_813 = arith.constant 114 : i32
      %broadcast_in_dim3A_814 = vector.broadcast %broadcast_in_dim3A_813 : i32 to vector<16xi32>
      %gather3A_815 = tpu.vector_load_idx %arg6[%iota3A, %broadcast_in_dim3A_814] : memref<16x128xf32, #tpu.memory_space<vmem>>[vector<16xi32>, vector<16xi32>], vector<16xf32>,
      %swap3A_816 = arith.constant 14 : i32
      %swap3A_817 = arith.index_cast %swap3A_816 : i32 to index
      %swap3A_818 = arith.constant 32 : index
      %swap3A_819 = tpu.vector_load %arg7[%swap3A_817, %swap3A_818] {strides = array<i32>} : memref<16x128xf32, #tpu.memory_space<vmem>>, vector<16xf32>,
      tpu.vector_store %arg7[%swap3A_817, %swap3A_818], %gather3A_815 {strides = array<i32>} : memref<16x128xf32, #tpu.memory_space<vmem>>, vector<16xf32>,
      %broadcast_in_dim3A_820 = arith.constant 115 : i32
      %broadcast_in_dim3A_821 = vector.broadcast %broadcast_in_dim3A_820 : i32 to vector<16xi32>
      %gather3A_822 = tpu.vector_load_idx %arg6[%iota3A, %broadcast_in_dim3A_821] : memref<16x128xf32, #tpu.memory_space<vmem>>[vector<16xi32>, vector<16xi32>], vector<16xf32>,
      %swap3A_823 = arith.constant 14 : i32
      %swap3A_824 = arith.index_cast %swap3A_823 : i32 to index
      %swap3A_825 = arith.constant 48 : index
      %swap3A_826 = tpu.vector_load %arg7[%swap3A_824, %swap3A_825] {strides = array<i32>} : memref<16x128xf32, #tpu.memory_space<vmem>>, vector<16xf32>,
      tpu.vector_store %arg7[%swap3A_824, %swap3A_825], %gather3A_822 {strides = array<i32>} : memref<16x128xf32, #tpu.memory_space<vmem>>, vector<16xf32>,
      %broadcast_in_dim3A_827 = arith.constant 116 : i32
      %broadcast_in_dim3A_828 = vector.broadcast %broadcast_in_dim3A_827 : i32 to vector<16xi32>
      %gather3A_829 = tpu.vector_load_idx %arg6[%iota3A, %broadcast_in_dim3A_828] : memref<16x128xf32, #tpu.memory_space<vmem>>[vector<16xi32>, vector<16xi32>], vector<16xf32>,
      %swap3A_830 = arith.constant 14 : i32
      %swap3A_831 = arith.index_cast %swap3A_830 : i32 to index
      %swap3A_832 = arith.constant 64 : index
      %swap3A_833 = tpu.vector_load %arg7[%swap3A_831, %swap3A_832] {strides = array<i32>} : memref<16x128xf32, #tpu.memory_space<vmem>>, vector<16xf32>,
      tpu.vector_store %arg7[%swap3A_831, %swap3A_832], %gather3A_829 {strides = array<i32>} : memref<16x128xf32, #tpu.memory_space<vmem>>, vector<16xf32>,
      %broadcast_in_dim3A_834 = arith.constant 117 : i32
      %broadcast_in_dim3A_835 = vector.broadcast %broadcast_in_dim3A_834 : i32 to vector<16xi32>
      %gather3A_836 = tpu.vector_load_idx %arg6[%iota3A, %broadcast_in_dim3A_835] : memref<16x128xf32, #tpu.memory_space<vmem>>[vector<16xi32>, vector<16xi32>], vector<16xf32>,
      %swap3A_837 = arith.constant 14 : i32
      %swap3A_838 = arith.index_cast %swap3A_837 : i32 to index
      %swap3A_839 = arith.constant 80 : index
      %swap3A_840 = tpu.vector_load %arg7[%swap3A_838, %swap3A_839] {strides = array<i32>} : memref<16x128xf32, #tpu.memory_space<vmem>>, vector<16xf32>,
      tpu.vector_store %arg7[%swap3A_838, %swap3A_839], %gather3A_836 {strides = array<i32>} : memref<16x128xf32, #tpu.memory_space<vmem>>, vector<16xf32>,
      %broadcast_in_dim3A_841 = arith.constant 118 : i32
      %broadcast_in_dim3A_842 = vector.broadcast %broadcast_in_dim3A_841 : i32 to vector<16xi32>
      %gather3A_843 = tpu.vector_load_idx %arg6[%iota3A, %broadcast_in_dim3A_842] : memref<16x128xf32, #tpu.memory_space<vmem>>[vector<16xi32>, vector<16xi32>], vector<16xf32>,
      %swap3A_844 = arith.constant 14 : i32
      %swap3A_845 = arith.index_cast %swap3A_844 : i32 to index
      %swap3A_846 = arith.constant 96 : index
      %swap3A_847 = tpu.vector_load %arg7[%swap3A_845, %swap3A_846] {strides = array<i32>} : memref<16x128xf32, #tpu.memory_space<vmem>>, vector<16xf32>,
      tpu.vector_store %arg7[%swap3A_845, %swap3A_846], %gather3A_843 {strides = array<i32>} : memref<16x128xf32, #tpu.memory_space<vmem>>, vector<16xf32>,
      %broadcast_in_dim3A_848 = arith.constant 119 : i32
      %broadcast_in_dim3A_849 = vector.broadcast %broadcast_in_dim3A_848 : i32 to vector<16xi32>
      %gather3A_850 = tpu.vector_load_idx %arg6[%iota3A, %broadcast_in_dim3A_849] : memref<16x128xf32, #tpu.memory_space<vmem>>[vector<16xi32>, vector<16xi32>], vector<16xf32>,
      %swap3A_851 = arith.constant 14 : i32
      %swap3A_852 = arith.index_cast %swap3A_851 : i32 to index
      %swap3A_853 = arith.constant 112 : index
      %swap3A_854 = tpu.vector_load %arg7[%swap3A_852, %swap3A_853] {strides = array<i32>} : memref<16x128xf32, #tpu.memory_space<vmem>>, vector<16xf32>,
      tpu.vector_store %arg7[%swap3A_852, %swap3A_853], %gather3A_850 {strides = array<i32>} : memref<16x128xf32, #tpu.memory_space<vmem>>, vector<16xf32>,
      %broadcast_in_dim3A_855 = arith.constant 120 : i32
      %broadcast_in_dim3A_856 = vector.broadcast %broadcast_in_dim3A_855 : i32 to vector<16xi32>
      %gather3A_857 = tpu.vector_load_idx %arg6[%iota3A, %broadcast_in_dim3A_856] : memref<16x128xf32, #tpu.memory_space<vmem>>[vector<16xi32>, vector<16xi32>], vector<16xf32>,
      %swap3A_858 = arith.constant 15 : i32
      %swap3A_859 = arith.index_cast %swap3A_858 : i32 to index
      %swap3A_860 = arith.constant 0 : index
      %swap3A_861 = tpu.vector_load %arg7[%swap3A_859, %swap3A_860] {strides = array<i32>} : memref<16x128xf32, #tpu.memory_space<vmem>>, vector<16xf32>,
      tpu.vector_store %arg7[%swap3A_859, %swap3A_860], %gather3A_857 {strides = array<i32>} : memref<16x128xf32, #tpu.memory_space<vmem>>, vector<16xf32>,
      %broadcast_in_dim3A_862 = arith.constant 121 : i32
      %broadcast_in_dim3A_863 = vector.broadcast %broadcast_in_dim3A_862 : i32 to vector<16xi32>
      %gather3A_864 = tpu.vector_load_idx %arg6[%iota3A, %broadcast_in_dim3A_863] : memref<16x128xf32, #tpu.memory_space<vmem>>[vector<16xi32>, vector<16xi32>], vector<16xf32>,
      %swap3A_865 = arith.constant 15 : i32
      %swap3A_866 = arith.index_cast %swap3A_865 : i32 to index
      %swap3A_867 = arith.constant 16 : index
      %swap3A_868 = tpu.vector_load %arg7[%swap3A_866, %swap3A_867] {strides = array<i32>} : memref<16x128xf32, #tpu.memory_space<vmem>>, vector<16xf32>,
      tpu.vector_store %arg7[%swap3A_866, %swap3A_867], %gather3A_864 {strides = array<i32>} : memref<16x128xf32, #tpu.memory_space<vmem>>, vector<16xf32>,
      %broadcast_in_dim3A_869 = arith.constant 122 : i32
      %broadcast_in_dim3A_870 = vector.broadcast %broadcast_in_dim3A_869 : i32 to vector<16xi32>
      %gather3A_871 = tpu.vector_load_idx %arg6[%iota3A, %broadcast_in_dim3A_870] : memref<16x128xf32, #tpu.memory_space<vmem>>[vector<16xi32>, vector<16xi32>], vector<16xf32>,
      %swap3A_872 = arith.constant 15 : i32
      %swap3A_873 = arith.index_cast %swap3A_872 : i32 to index
      %swap3A_874 = arith.constant 32 : index
      %swap3A_875 = tpu.vector_load %arg7[%swap3A_873, %swap3A_874] {strides = array<i32>} : memref<16x128xf32, #tpu.memory_space<vmem>>, vector<16xf32>,
      tpu.vector_store %arg7[%swap3A_873, %swap3A_874], %gather3A_871 {strides = array<i32>} : memref<16x128xf32, #tpu.memory_space<vmem>>, vector<16xf32>,
      %broadcast_in_dim3A_876 = arith.constant 123 : i32
      %broadcast_in_dim3A_877 = vector.broadcast %broadcast_in_dim3A_876 : i32 to vector<16xi32>
      %gather3A_878 = tpu.vector_load_idx %arg6[%iota3A, %broadcast_in_dim3A_877] : memref<16x128xf32, #tpu.memory_space<vmem>>[vector<16xi32>, vector<16xi32>], vector<16xf32>,
      %swap3A_879 = arith.constant 15 : i32
      %swap3A_880 = arith.index_cast %swap3A_879 : i32 to index
      %swap3A_881 = arith.constant 48 : index
      %swap3A_882 = tpu.vector_load %arg7[%swap3A_880, %swap3A_881] {strides = array<i32>} : memref<16x128xf32, #tpu.memory_space<vmem>>, vector<16xf32>,
      tpu.vector_store %arg7[%swap3A_880, %swap3A_881], %gather3A_878 {strides = array<i32>} : memref<16x128xf32, #tpu.memory_space<vmem>>, vector<16xf32>,
      %broadcast_in_dim3A_883 = arith.constant 124 : i32
      %broadcast_in_dim3A_884 = vector.broadcast %broadcast_in_dim3A_883 : i32 to vector<16xi32>
      %gather3A_885 = tpu.vector_load_idx %arg6[%iota3A, %broadcast_in_dim3A_884] : memref<16x128xf32, #tpu.memory_space<vmem>>[vector<16xi32>, vector<16xi32>], vector<16xf32>,
      %swap3A_886 = arith.constant 15 : i32
      %swap3A_887 = arith.index_cast %swap3A_886 : i32 to index
      %swap3A_888 = arith.constant 64 : index
      %swap3A_889 = tpu.vector_load %arg7[%swap3A_887, %swap3A_888] {strides = array<i32>} : memref<16x128xf32, #tpu.memory_space<vmem>>, vector<16xf32>,
      tpu.vector_store %arg7[%swap3A_887, %swap3A_888], %gather3A_885 {strides = array<i32>} : memref<16x128xf32, #tpu.memory_space<vmem>>, vector<16xf32>,
      %broadcast_in_dim3A_890 = arith.constant 125 : i32
      %broadcast_in_dim3A_891 = vector.broadcast %broadcast_in_dim3A_890 : i32 to vector<16xi32>
      %gather3A_892 = tpu.vector_load_idx %arg6[%iota3A, %broadcast_in_dim3A_891] : memref<16x128xf32, #tpu.memory_space<vmem>>[vector<16xi32>, vector<16xi32>], vector<16xf32>,
      %swap3A_893 = arith.constant 15 : i32
      %swap3A_894 = arith.index_cast %swap3A_893 : i32 to index
      %swap3A_895 = arith.constant 80 : index
      %swap3A_896 = tpu.vector_load %arg7[%swap3A_894, %swap3A_895] {strides = array<i32>} : memref<16x128xf32, #tpu.memory_space<vmem>>, vector<16xf32>,
      tpu.vector_store %arg7[%swap3A_894, %swap3A_895], %gather3A_892 {strides = array<i32>} : memref<16x128xf32, #tpu.memory_space<vmem>>, vector<16xf32>,
      %broadcast_in_dim3A_897 = arith.constant 126 : i32
      %broadcast_in_dim3A_898 = vector.broadcast %broadcast_in_dim3A_897 : i32 to vector<16xi32>
      %gather3A_899 = tpu.vector_load_idx %arg6[%iota3A, %broadcast_in_dim3A_898] : memref<16x128xf32, #tpu.memory_space<vmem>>[vector<16xi32>, vector<16xi32>], vector<16xf32>,
      %swap3A_900 = arith.constant 15 : i32
      %swap3A_901 = arith.index_cast %swap3A_900 : i32 to index
      %swap3A_902 = arith.constant 96 : index
      %swap3A_903 = tpu.vector_load %arg7[%swap3A_901, %swap3A_902] {strides = array<i32>} : memref<16x128xf32, #tpu.memory_space<vmem>>, vector<16xf32>,
      tpu.vector_store %arg7[%swap3A_901, %swap3A_902], %gather3A_899 {strides = array<i32>} : memref<16x128xf32, #tpu.memory_space<vmem>>, vector<16xf32>,
      %broadcast_in_dim3A_904 = arith.constant 127 : i32
      %broadcast_in_dim3A_905 = vector.broadcast %broadcast_in_dim3A_904 : i32 to vector<16xi32>
      %gather3A_906 = tpu.vector_load_idx %arg6[%iota3A, %broadcast_in_dim3A_905] : memref<16x128xf32, #tpu.memory_space<vmem>>[vector<16xi32>, vector<16xi32>], vector<16xf32>,
      %swap3A_907 = arith.constant 15 : i32
      %swap3A_908 = arith.index_cast %swap3A_907 : i32 to index
      %swap3A_909 = arith.constant 112 : index
      %swap3A_910 = tpu.vector_load %arg7[%swap3A_908, %swap3A_909] {strides = array<i32>} : memref<16x128xf32, #tpu.memory_space<vmem>>, vector<16xf32>,
      tpu.vector_store %arg7[%swap3A_908, %swap3A_909], %gather3A_906 {strides = array<i32>} : memref<16x128xf32, #tpu.memory_space<vmem>>, vector<16xf32>,
      "tpu.region"() ({
        %run_scoped3A = tpu.sem_alloc : memref<!tpu.dma_semaphore, #tpu.memory_space<semaphore_mem>>
        %dma_start3A = arith.constant 0 : i32
        %dma_start3A_1807 = tpu.memref_slice %arg4[%multiple_of3A_17, %dma_start3A] : memref<12500x128xf32, #tpu.memory_space<hbm>> -> memref<16x128xf32, #tpu.memory_space<hbm>>
        %dma_start3A_1808 = arith.constant 0 : i32
        %dma_start3A_1809 = tpu.memref_slice %arg4[%multiple_of3A_17, %dma_start3A_1808] : memref<12500x128xf32, #tpu.memory_space<hbm>> -> memref<16x128xf32, #tpu.memory_space<hbm>>
        tpu.enqueue_dma source(%arg7 : memref<16x128xf32, #tpu.memory_space<vmem>>) target(%dma_start3A_1809 : memref<16x128xf32, #tpu.memory_space<hbm>>) target_semaphore(%run_scoped3A : memref<!tpu.dma_semaphore, #tpu.memory_space<semaphore_mem>>)
        %dma_wait3A = arith.constant 0 : i32
        %dma_wait3A_1810 = tpu.memref_slice %arg4[%multiple_of3A_17, %dma_wait3A] : memref<12500x128xf32, #tpu.memory_space<hbm>> -> memref<16x128xf32, #tpu.memory_space<hbm>>
        %dma_wait3A_1811 = arith.constant 0 : i32
        %dma_wait3A_1812 = tpu.memref_slice %arg4[%multiple_of3A_17, %dma_wait3A_1811] : memref<12500x128xf32, #tpu.memory_space<hbm>> -> memref<16x128xf32, #tpu.memory_space<hbm>>
        tpu.wait_dma2 semaphore(%run_scoped3A : memref<!tpu.dma_semaphore, #tpu.memory_space<semaphore_mem>>) src(%arg7 : memref<16x128xf32, #tpu.memory_space<vmem>>) dst(%dma_wait3A_1812 : memref<16x128xf32, #tpu.memory_space<hbm>>)
        tpu.yield
      }) : () -> ()
      "tpu.region"() ({
        %run_scoped3A = tpu.sem_alloc : memref<!tpu.dma_semaphore, #tpu.memory_space<semaphore_mem>>
        %dma_start3A = arith.constant 0 : i32
        %dma_start3A_1807 = tpu.memref_slice %arg3[%dma_start3A, %multiple_of3A] : memref<16x100000xf32, #tpu.memory_space<hbm>> -> memref<16x128xf32, #tpu.memory_space<hbm>>
        %dma_start3A_1808 = arith.constant 0 : i32
        %dma_start3A_1809 = tpu.memref_slice %arg3[%dma_start3A_1808, %multiple_of3A] : memref<16x100000xf32, #tpu.memory_space<hbm>> -> memref<16x128xf32, #tpu.memory_space<hbm>>
        tpu.enqueue_dma source(%dma_start3A_1809 : memref<16x128xf32, #tpu.memory_space<hbm>>) target(%arg6 : memref<16x128xf32, #tpu.memory_space<vmem>>) target_semaphore(%run_scoped3A : memref<!tpu.dma_semaphore, #tpu.memory_space<semaphore_mem>>)
        %dma_wait3A = arith.constant 0 : i32
        %dma_wait3A_1810 = tpu.memref_slice %arg3[%dma_wait3A, %multiple_of3A] : memref<16x100000xf32, #tpu.memory_space<hbm>> -> memref<16x128xf32, #tpu.memory_space<hbm>>
        %dma_wait3A_1811 = arith.constant 0 : i32
        %dma_wait3A_1812 = tpu.memref_slice %arg3[%dma_wait3A_1811, %multiple_of3A] : memref<16x100000xf32, #tpu.memory_space<hbm>> -> memref<16x128xf32, #tpu.memory_space<hbm>>
        tpu.wait_dma2 semaphore(%run_scoped3A : memref<!tpu.dma_semaphore, #tpu.memory_space<semaphore_mem>>) src(%dma_wait3A_1812 : memref<16x128xf32, #tpu.memory_space<hbm>>) dst(%arg6 : memref<16x128xf32, #tpu.memory_space<vmem>>)
        tpu.yield
      }) : () -> ()
      %broadcast_in_dim3A_911 = arith.constant 0 : i32
      %broadcast_in_dim3A_912 = vector.broadcast %broadcast_in_dim3A_911 : i32 to vector<16xi32>
      %gather3A_913 = tpu.vector_load_idx %arg6[%iota3A, %broadcast_in_dim3A_912] : memref<16x128xf32, #tpu.memory_space<vmem>>[vector<16xi32>, vector<16xi32>], vector<16xf32>,
      %swap3A_914 = arith.constant 0 : i32
      %swap3A_915 = arith.index_cast %swap3A_914 : i32 to index
      %swap3A_916 = arith.constant 0 : index
      %swap3A_917 = tpu.vector_load %arg7[%swap3A_915, %swap3A_916] {strides = array<i32>} : memref<16x128xf32, #tpu.memory_space<vmem>>, vector<16xf32>,
      tpu.vector_store %arg7[%swap3A_915, %swap3A_916], %gather3A_913 {strides = array<i32>} : memref<16x128xf32, #tpu.memory_space<vmem>>, vector<16xf32>,
      %broadcast_in_dim3A_918 = arith.constant 1 : i32
      %broadcast_in_dim3A_919 = vector.broadcast %broadcast_in_dim3A_918 : i32 to vector<16xi32>
      %gather3A_920 = tpu.vector_load_idx %arg6[%iota3A, %broadcast_in_dim3A_919] : memref<16x128xf32, #tpu.memory_space<vmem>>[vector<16xi32>, vector<16xi32>], vector<16xf32>,
      %swap3A_921 = arith.constant 0 : i32
      %swap3A_922 = arith.index_cast %swap3A_921 : i32 to index
      %swap3A_923 = arith.constant 16 : index
      %swap3A_924 = tpu.vector_load %arg7[%swap3A_922, %swap3A_923] {strides = array<i32>} : memref<16x128xf32, #tpu.memory_space<vmem>>, vector<16xf32>,
      tpu.vector_store %arg7[%swap3A_922, %swap3A_923], %gather3A_920 {strides = array<i32>} : memref<16x128xf32, #tpu.memory_space<vmem>>, vector<16xf32>,
      %broadcast_in_dim3A_925 = arith.constant 2 : i32
      %broadcast_in_dim3A_926 = vector.broadcast %broadcast_in_dim3A_925 : i32 to vector<16xi32>
      %gather3A_927 = tpu.vector_load_idx %arg6[%iota3A, %broadcast_in_dim3A_926] : memref<16x128xf32, #tpu.memory_space<vmem>>[vector<16xi32>, vector<16xi32>], vector<16xf32>,
      %swap3A_928 = arith.constant 0 : i32
      %swap3A_929 = arith.index_cast %swap3A_928 : i32 to index
      %swap3A_930 = arith.constant 32 : index
      %swap3A_931 = tpu.vector_load %arg7[%swap3A_929, %swap3A_930] {strides = array<i32>} : memref<16x128xf32, #tpu.memory_space<vmem>>, vector<16xf32>,
      tpu.vector_store %arg7[%swap3A_929, %swap3A_930], %gather3A_927 {strides = array<i32>} : memref<16x128xf32, #tpu.memory_space<vmem>>, vector<16xf32>,
      %broadcast_in_dim3A_932 = arith.constant 3 : i32
      %broadcast_in_dim3A_933 = vector.broadcast %broadcast_in_dim3A_932 : i32 to vector<16xi32>
      %gather3A_934 = tpu.vector_load_idx %arg6[%iota3A, %broadcast_in_dim3A_933] : memref<16x128xf32, #tpu.memory_space<vmem>>[vector<16xi32>, vector<16xi32>], vector<16xf32>,
      %swap3A_935 = arith.constant 0 : i32
      %swap3A_936 = arith.index_cast %swap3A_935 : i32 to index
      %swap3A_937 = arith.constant 48 : index
      %swap3A_938 = tpu.vector_load %arg7[%swap3A_936, %swap3A_937] {strides = array<i32>} : memref<16x128xf32, #tpu.memory_space<vmem>>, vector<16xf32>,
      tpu.vector_store %arg7[%swap3A_936, %swap3A_937], %gather3A_934 {strides = array<i32>} : memref<16x128xf32, #tpu.memory_space<vmem>>, vector<16xf32>,
      %broadcast_in_dim3A_939 = arith.constant 4 : i32
      %broadcast_in_dim3A_940 = vector.broadcast %broadcast_in_dim3A_939 : i32 to vector<16xi32>
      %gather3A_941 = tpu.vector_load_idx %arg6[%iota3A, %broadcast_in_dim3A_940] : memref<16x128xf32, #tpu.memory_space<vmem>>[vector<16xi32>, vector<16xi32>], vector<16xf32>,
      %swap3A_942 = arith.constant 0 : i32
      %swap3A_943 = arith.index_cast %swap3A_942 : i32 to index
      %swap3A_944 = arith.constant 64 : index
      %swap3A_945 = tpu.vector_load %arg7[%swap3A_943, %swap3A_944] {strides = array<i32>} : memref<16x128xf32, #tpu.memory_space<vmem>>, vector<16xf32>,
      tpu.vector_store %arg7[%swap3A_943, %swap3A_944], %gather3A_941 {strides = array<i32>} : memref<16x128xf32, #tpu.memory_space<vmem>>, vector<16xf32>,
      %broadcast_in_dim3A_946 = arith.constant 5 : i32
      %broadcast_in_dim3A_947 = vector.broadcast %broadcast_in_dim3A_946 : i32 to vector<16xi32>
      %gather3A_948 = tpu.vector_load_idx %arg6[%iota3A, %broadcast_in_dim3A_947] : memref<16x128xf32, #tpu.memory_space<vmem>>[vector<16xi32>, vector<16xi32>], vector<16xf32>,
      %swap3A_949 = arith.constant 0 : i32
      %swap3A_950 = arith.index_cast %swap3A_949 : i32 to index
      %swap3A_951 = arith.constant 80 : index
      %swap3A_952 = tpu.vector_load %arg7[%swap3A_950, %swap3A_951] {strides = array<i32>} : memref<16x128xf32, #tpu.memory_space<vmem>>, vector<16xf32>,
      tpu.vector_store %arg7[%swap3A_950, %swap3A_951], %gather3A_948 {strides = array<i32>} : memref<16x128xf32, #tpu.memory_space<vmem>>, vector<16xf32>,
      %broadcast_in_dim3A_953 = arith.constant 6 : i32
      %broadcast_in_dim3A_954 = vector.broadcast %broadcast_in_dim3A_953 : i32 to vector<16xi32>
      %gather3A_955 = tpu.vector_load_idx %arg6[%iota3A, %broadcast_in_dim3A_954] : memref<16x128xf32, #tpu.memory_space<vmem>>[vector<16xi32>, vector<16xi32>], vector<16xf32>,
      %swap3A_956 = arith.constant 0 : i32
      %swap3A_957 = arith.index_cast %swap3A_956 : i32 to index
      %swap3A_958 = arith.constant 96 : index
      %swap3A_959 = tpu.vector_load %arg7[%swap3A_957, %swap3A_958] {strides = array<i32>} : memref<16x128xf32, #tpu.memory_space<vmem>>, vector<16xf32>,
      tpu.vector_store %arg7[%swap3A_957, %swap3A_958], %gather3A_955 {strides = array<i32>} : memref<16x128xf32, #tpu.memory_space<vmem>>, vector<16xf32>,
      %broadcast_in_dim3A_960 = arith.constant 7 : i32
      %broadcast_in_dim3A_961 = vector.broadcast %broadcast_in_dim3A_960 : i32 to vector<16xi32>
      %gather3A_962 = tpu.vector_load_idx %arg6[%iota3A, %broadcast_in_dim3A_961] : memref<16x128xf32, #tpu.memory_space<vmem>>[vector<16xi32>, vector<16xi32>], vector<16xf32>,
      %swap3A_963 = arith.constant 0 : i32
      %swap3A_964 = arith.index_cast %swap3A_963 : i32 to index
      %swap3A_965 = arith.constant 112 : index
      %swap3A_966 = tpu.vector_load %arg7[%swap3A_964, %swap3A_965] {strides = array<i32>} : memref<16x128xf32, #tpu.memory_space<vmem>>, vector<16xf32>,
      tpu.vector_store %arg7[%swap3A_964, %swap3A_965], %gather3A_962 {strides = array<i32>} : memref<16x128xf32, #tpu.memory_space<vmem>>, vector<16xf32>,
      %broadcast_in_dim3A_967 = arith.constant 8 : i32
      %broadcast_in_dim3A_968 = vector.broadcast %broadcast_in_dim3A_967 : i32 to vector<16xi32>
      %gather3A_969 = tpu.vector_load_idx %arg6[%iota3A, %broadcast_in_dim3A_968] : memref<16x128xf32, #tpu.memory_space<vmem>>[vector<16xi32>, vector<16xi32>], vector<16xf32>,
      %swap3A_970 = arith.constant 1 : i32
      %swap3A_971 = arith.index_cast %swap3A_970 : i32 to index
      %swap3A_972 = arith.constant 0 : index
      %swap3A_973 = tpu.vector_load %arg7[%swap3A_971, %swap3A_972] {strides = array<i32>} : memref<16x128xf32, #tpu.memory_space<vmem>>, vector<16xf32>,
      tpu.vector_store %arg7[%swap3A_971, %swap3A_972], %gather3A_969 {strides = array<i32>} : memref<16x128xf32, #tpu.memory_space<vmem>>, vector<16xf32>,
      %broadcast_in_dim3A_974 = arith.constant 9 : i32
      %broadcast_in_dim3A_975 = vector.broadcast %broadcast_in_dim3A_974 : i32 to vector<16xi32>
      %gather3A_976 = tpu.vector_load_idx %arg6[%iota3A, %broadcast_in_dim3A_975] : memref<16x128xf32, #tpu.memory_space<vmem>>[vector<16xi32>, vector<16xi32>], vector<16xf32>,
      %swap3A_977 = arith.constant 1 : i32
      %swap3A_978 = arith.index_cast %swap3A_977 : i32 to index
      %swap3A_979 = arith.constant 16 : index
      %swap3A_980 = tpu.vector_load %arg7[%swap3A_978, %swap3A_979] {strides = array<i32>} : memref<16x128xf32, #tpu.memory_space<vmem>>, vector<16xf32>,
      tpu.vector_store %arg7[%swap3A_978, %swap3A_979], %gather3A_976 {strides = array<i32>} : memref<16x128xf32, #tpu.memory_space<vmem>>, vector<16xf32>,
      %broadcast_in_dim3A_981 = arith.constant 10 : i32
      %broadcast_in_dim3A_982 = vector.broadcast %broadcast_in_dim3A_981 : i32 to vector<16xi32>
      %gather3A_983 = tpu.vector_load_idx %arg6[%iota3A, %broadcast_in_dim3A_982] : memref<16x128xf32, #tpu.memory_space<vmem>>[vector<16xi32>, vector<16xi32>], vector<16xf32>,
      %swap3A_984 = arith.constant 1 : i32
      %swap3A_985 = arith.index_cast %swap3A_984 : i32 to index
      %swap3A_986 = arith.constant 32 : index
      %swap3A_987 = tpu.vector_load %arg7[%swap3A_985, %swap3A_986] {strides = array<i32>} : memref<16x128xf32, #tpu.memory_space<vmem>>, vector<16xf32>,
      tpu.vector_store %arg7[%swap3A_985, %swap3A_986], %gather3A_983 {strides = array<i32>} : memref<16x128xf32, #tpu.memory_space<vmem>>, vector<16xf32>,
      %broadcast_in_dim3A_988 = arith.constant 11 : i32
      %broadcast_in_dim3A_989 = vector.broadcast %broadcast_in_dim3A_988 : i32 to vector<16xi32>
      %gather3A_990 = tpu.vector_load_idx %arg6[%iota3A, %broadcast_in_dim3A_989] : memref<16x128xf32, #tpu.memory_space<vmem>>[vector<16xi32>, vector<16xi32>], vector<16xf32>,
      %swap3A_991 = arith.constant 1 : i32
      %swap3A_992 = arith.index_cast %swap3A_991 : i32 to index
      %swap3A_993 = arith.constant 48 : index
      %swap3A_994 = tpu.vector_load %arg7[%swap3A_992, %swap3A_993] {strides = array<i32>} : memref<16x128xf32, #tpu.memory_space<vmem>>, vector<16xf32>,
      tpu.vector_store %arg7[%swap3A_992, %swap3A_993], %gather3A_990 {strides = array<i32>} : memref<16x128xf32, #tpu.memory_space<vmem>>, vector<16xf32>,
      %broadcast_in_dim3A_995 = arith.constant 12 : i32
      %broadcast_in_dim3A_996 = vector.broadcast %broadcast_in_dim3A_995 : i32 to vector<16xi32>
      %gather3A_997 = tpu.vector_load_idx %arg6[%iota3A, %broadcast_in_dim3A_996] : memref<16x128xf32, #tpu.memory_space<vmem>>[vector<16xi32>, vector<16xi32>], vector<16xf32>,
      %swap3A_998 = arith.constant 1 : i32
      %swap3A_999 = arith.index_cast %swap3A_998 : i32 to index
      %swap3A_1000 = arith.constant 64 : index
      %swap3A_1001 = tpu.vector_load %arg7[%swap3A_999, %swap3A_1000] {strides = array<i32>} : memref<16x128xf32, #tpu.memory_space<vmem>>, vector<16xf32>,
      tpu.vector_store %arg7[%swap3A_999, %swap3A_1000], %gather3A_997 {strides = array<i32>} : memref<16x128xf32, #tpu.memory_space<vmem>>, vector<16xf32>,
      %broadcast_in_dim3A_1002 = arith.constant 13 : i32
      %broadcast_in_dim3A_1003 = vector.broadcast %broadcast_in_dim3A_1002 : i32 to vector<16xi32>
      %gather3A_1004 = tpu.vector_load_idx %arg6[%iota3A, %broadcast_in_dim3A_1003] : memref<16x128xf32, #tpu.memory_space<vmem>>[vector<16xi32>, vector<16xi32>], vector<16xf32>,
      %swap3A_1005 = arith.constant 1 : i32
      %swap3A_1006 = arith.index_cast %swap3A_1005 : i32 to index
      %swap3A_1007 = arith.constant 80 : index
      %swap3A_1008 = tpu.vector_load %arg7[%swap3A_1006, %swap3A_1007] {strides = array<i32>} : memref<16x128xf32, #tpu.memory_space<vmem>>, vector<16xf32>,
      tpu.vector_store %arg7[%swap3A_1006, %swap3A_1007], %gather3A_1004 {strides = array<i32>} : memref<16x128xf32, #tpu.memory_space<vmem>>, vector<16xf32>,
      %broadcast_in_dim3A_1009 = arith.constant 14 : i32
      %broadcast_in_dim3A_1010 = vector.broadcast %broadcast_in_dim3A_1009 : i32 to vector<16xi32>
      %gather3A_1011 = tpu.vector_load_idx %arg6[%iota3A, %broadcast_in_dim3A_1010] : memref<16x128xf32, #tpu.memory_space<vmem>>[vector<16xi32>, vector<16xi32>], vector<16xf32>,
      %swap3A_1012 = arith.constant 1 : i32
      %swap3A_1013 = arith.index_cast %swap3A_1012 : i32 to index
      %swap3A_1014 = arith.constant 96 : index
      %swap3A_1015 = tpu.vector_load %arg7[%swap3A_1013, %swap3A_1014] {strides = array<i32>} : memref<16x128xf32, #tpu.memory_space<vmem>>, vector<16xf32>,
      tpu.vector_store %arg7[%swap3A_1013, %swap3A_1014], %gather3A_1011 {strides = array<i32>} : memref<16x128xf32, #tpu.memory_space<vmem>>, vector<16xf32>,
      %broadcast_in_dim3A_1016 = arith.constant 15 : i32
      %broadcast_in_dim3A_1017 = vector.broadcast %broadcast_in_dim3A_1016 : i32 to vector<16xi32>
      %gather3A_1018 = tpu.vector_load_idx %arg6[%iota3A, %broadcast_in_dim3A_1017] : memref<16x128xf32, #tpu.memory_space<vmem>>[vector<16xi32>, vector<16xi32>], vector<16xf32>,
      %swap3A_1019 = arith.constant 1 : i32
      %swap3A_1020 = arith.index_cast %swap3A_1019 : i32 to index
      %swap3A_1021 = arith.constant 112 : index
      %swap3A_1022 = tpu.vector_load %arg7[%swap3A_1020, %swap3A_1021] {strides = array<i32>} : memref<16x128xf32, #tpu.memory_space<vmem>>, vector<16xf32>,
      tpu.vector_store %arg7[%swap3A_1020, %swap3A_1021], %gather3A_1018 {strides = array<i32>} : memref<16x128xf32, #tpu.memory_space<vmem>>, vector<16xf32>,
      %broadcast_in_dim3A_1023 = arith.constant 16 : i32
      %broadcast_in_dim3A_1024 = vector.broadcast %broadcast_in_dim3A_1023 : i32 to vector<16xi32>
      %gather3A_1025 = tpu.vector_load_idx %arg6[%iota3A, %broadcast_in_dim3A_1024] : memref<16x128xf32, #tpu.memory_space<vmem>>[vector<16xi32>, vector<16xi32>], vector<16xf32>,
      %swap3A_1026 = arith.constant 2 : i32
      %swap3A_1027 = arith.index_cast %swap3A_1026 : i32 to index
      %swap3A_1028 = arith.constant 0 : index
      %swap3A_1029 = tpu.vector_load %arg7[%swap3A_1027, %swap3A_1028] {strides = array<i32>} : memref<16x128xf32, #tpu.memory_space<vmem>>, vector<16xf32>,
      tpu.vector_store %arg7[%swap3A_1027, %swap3A_1028], %gather3A_1025 {strides = array<i32>} : memref<16x128xf32, #tpu.memory_space<vmem>>, vector<16xf32>,
      %broadcast_in_dim3A_1030 = arith.constant 17 : i32
      %broadcast_in_dim3A_1031 = vector.broadcast %broadcast_in_dim3A_1030 : i32 to vector<16xi32>
      %gather3A_1032 = tpu.vector_load_idx %arg6[%iota3A, %broadcast_in_dim3A_1031] : memref<16x128xf32, #tpu.memory_space<vmem>>[vector<16xi32>, vector<16xi32>], vector<16xf32>,
      %swap3A_1033 = arith.constant 2 : i32
      %swap3A_1034 = arith.index_cast %swap3A_1033 : i32 to index
      %swap3A_1035 = arith.constant 16 : index
      %swap3A_1036 = tpu.vector_load %arg7[%swap3A_1034, %swap3A_1035] {strides = array<i32>} : memref<16x128xf32, #tpu.memory_space<vmem>>, vector<16xf32>,
      tpu.vector_store %arg7[%swap3A_1034, %swap3A_1035], %gather3A_1032 {strides = array<i32>} : memref<16x128xf32, #tpu.memory_space<vmem>>, vector<16xf32>,
      %broadcast_in_dim3A_1037 = arith.constant 18 : i32
      %broadcast_in_dim3A_1038 = vector.broadcast %broadcast_in_dim3A_1037 : i32 to vector<16xi32>
      %gather3A_1039 = tpu.vector_load_idx %arg6[%iota3A, %broadcast_in_dim3A_1038] : memref<16x128xf32, #tpu.memory_space<vmem>>[vector<16xi32>, vector<16xi32>], vector<16xf32>,
      %swap3A_1040 = arith.constant 2 : i32
      %swap3A_1041 = arith.index_cast %swap3A_1040 : i32 to index
      %swap3A_1042 = arith.constant 32 : index
      %swap3A_1043 = tpu.vector_load %arg7[%swap3A_1041, %swap3A_1042] {strides = array<i32>} : memref<16x128xf32, #tpu.memory_space<vmem>>, vector<16xf32>,
      tpu.vector_store %arg7[%swap3A_1041, %swap3A_1042], %gather3A_1039 {strides = array<i32>} : memref<16x128xf32, #tpu.memory_space<vmem>>, vector<16xf32>,
      %broadcast_in_dim3A_1044 = arith.constant 19 : i32
      %broadcast_in_dim3A_1045 = vector.broadcast %broadcast_in_dim3A_1044 : i32 to vector<16xi32>
      %gather3A_1046 = tpu.vector_load_idx %arg6[%iota3A, %broadcast_in_dim3A_1045] : memref<16x128xf32, #tpu.memory_space<vmem>>[vector<16xi32>, vector<16xi32>], vector<16xf32>,
      %swap3A_1047 = arith.constant 2 : i32
      %swap3A_1048 = arith.index_cast %swap3A_1047 : i32 to index
      %swap3A_1049 = arith.constant 48 : index
      %swap3A_1050 = tpu.vector_load %arg7[%swap3A_1048, %swap3A_1049] {strides = array<i32>} : memref<16x128xf32, #tpu.memory_space<vmem>>, vector<16xf32>,
      tpu.vector_store %arg7[%swap3A_1048, %swap3A_1049], %gather3A_1046 {strides = array<i32>} : memref<16x128xf32, #tpu.memory_space<vmem>>, vector<16xf32>,
      %broadcast_in_dim3A_1051 = arith.constant 20 : i32
      %broadcast_in_dim3A_1052 = vector.broadcast %broadcast_in_dim3A_1051 : i32 to vector<16xi32>
      %gather3A_1053 = tpu.vector_load_idx %arg6[%iota3A, %broadcast_in_dim3A_1052] : memref<16x128xf32, #tpu.memory_space<vmem>>[vector<16xi32>, vector<16xi32>], vector<16xf32>,
      %swap3A_1054 = arith.constant 2 : i32
      %swap3A_1055 = arith.index_cast %swap3A_1054 : i32 to index
      %swap3A_1056 = arith.constant 64 : index
      %swap3A_1057 = tpu.vector_load %arg7[%swap3A_1055, %swap3A_1056] {strides = array<i32>} : memref<16x128xf32, #tpu.memory_space<vmem>>, vector<16xf32>,
      tpu.vector_store %arg7[%swap3A_1055, %swap3A_1056], %gather3A_1053 {strides = array<i32>} : memref<16x128xf32, #tpu.memory_space<vmem>>, vector<16xf32>,
      %broadcast_in_dim3A_1058 = arith.constant 21 : i32
      %broadcast_in_dim3A_1059 = vector.broadcast %broadcast_in_dim3A_1058 : i32 to vector<16xi32>
      %gather3A_1060 = tpu.vector_load_idx %arg6[%iota3A, %broadcast_in_dim3A_1059] : memref<16x128xf32, #tpu.memory_space<vmem>>[vector<16xi32>, vector<16xi32>], vector<16xf32>,
      %swap3A_1061 = arith.constant 2 : i32
      %swap3A_1062 = arith.index_cast %swap3A_1061 : i32 to index
      %swap3A_1063 = arith.constant 80 : index
      %swap3A_1064 = tpu.vector_load %arg7[%swap3A_1062, %swap3A_1063] {strides = array<i32>} : memref<16x128xf32, #tpu.memory_space<vmem>>, vector<16xf32>,
      tpu.vector_store %arg7[%swap3A_1062, %swap3A_1063], %gather3A_1060 {strides = array<i32>} : memref<16x128xf32, #tpu.memory_space<vmem>>, vector<16xf32>,
      %broadcast_in_dim3A_1065 = arith.constant 22 : i32
      %broadcast_in_dim3A_1066 = vector.broadcast %broadcast_in_dim3A_1065 : i32 to vector<16xi32>
      %gather3A_1067 = tpu.vector_load_idx %arg6[%iota3A, %broadcast_in_dim3A_1066] : memref<16x128xf32, #tpu.memory_space<vmem>>[vector<16xi32>, vector<16xi32>], vector<16xf32>,
      %swap3A_1068 = arith.constant 2 : i32
      %swap3A_1069 = arith.index_cast %swap3A_1068 : i32 to index
      %swap3A_1070 = arith.constant 96 : index
      %swap3A_1071 = tpu.vector_load %arg7[%swap3A_1069, %swap3A_1070] {strides = array<i32>} : memref<16x128xf32, #tpu.memory_space<vmem>>, vector<16xf32>,
      tpu.vector_store %arg7[%swap3A_1069, %swap3A_1070], %gather3A_1067 {strides = array<i32>} : memref<16x128xf32, #tpu.memory_space<vmem>>, vector<16xf32>,
      %broadcast_in_dim3A_1072 = arith.constant 23 : i32
      %broadcast_in_dim3A_1073 = vector.broadcast %broadcast_in_dim3A_1072 : i32 to vector<16xi32>
      %gather3A_1074 = tpu.vector_load_idx %arg6[%iota3A, %broadcast_in_dim3A_1073] : memref<16x128xf32, #tpu.memory_space<vmem>>[vector<16xi32>, vector<16xi32>], vector<16xf32>,
      %swap3A_1075 = arith.constant 2 : i32
      %swap3A_1076 = arith.index_cast %swap3A_1075 : i32 to index
      %swap3A_1077 = arith.constant 112 : index
      %swap3A_1078 = tpu.vector_load %arg7[%swap3A_1076, %swap3A_1077] {strides = array<i32>} : memref<16x128xf32, #tpu.memory_space<vmem>>, vector<16xf32>,
      tpu.vector_store %arg7[%swap3A_1076, %swap3A_1077], %gather3A_1074 {strides = array<i32>} : memref<16x128xf32, #tpu.memory_space<vmem>>, vector<16xf32>,
      %broadcast_in_dim3A_1079 = arith.constant 24 : i32
      %broadcast_in_dim3A_1080 = vector.broadcast %broadcast_in_dim3A_1079 : i32 to vector<16xi32>
      %gather3A_1081 = tpu.vector_load_idx %arg6[%iota3A, %broadcast_in_dim3A_1080] : memref<16x128xf32, #tpu.memory_space<vmem>>[vector<16xi32>, vector<16xi32>], vector<16xf32>,
      %swap3A_1082 = arith.constant 3 : i32
      %swap3A_1083 = arith.index_cast %swap3A_1082 : i32 to index
      %swap3A_1084 = arith.constant 0 : index
      %swap3A_1085 = tpu.vector_load %arg7[%swap3A_1083, %swap3A_1084] {strides = array<i32>} : memref<16x128xf32, #tpu.memory_space<vmem>>, vector<16xf32>,
      tpu.vector_store %arg7[%swap3A_1083, %swap3A_1084], %gather3A_1081 {strides = array<i32>} : memref<16x128xf32, #tpu.memory_space<vmem>>, vector<16xf32>,
      %broadcast_in_dim3A_1086 = arith.constant 25 : i32
      %broadcast_in_dim3A_1087 = vector.broadcast %broadcast_in_dim3A_1086 : i32 to vector<16xi32>
      %gather3A_1088 = tpu.vector_load_idx %arg6[%iota3A, %broadcast_in_dim3A_1087] : memref<16x128xf32, #tpu.memory_space<vmem>>[vector<16xi32>, vector<16xi32>], vector<16xf32>,
      %swap3A_1089 = arith.constant 3 : i32
      %swap3A_1090 = arith.index_cast %swap3A_1089 : i32 to index
      %swap3A_1091 = arith.constant 16 : index
      %swap3A_1092 = tpu.vector_load %arg7[%swap3A_1090, %swap3A_1091] {strides = array<i32>} : memref<16x128xf32, #tpu.memory_space<vmem>>, vector<16xf32>,
      tpu.vector_store %arg7[%swap3A_1090, %swap3A_1091], %gather3A_1088 {strides = array<i32>} : memref<16x128xf32, #tpu.memory_space<vmem>>, vector<16xf32>,
      %broadcast_in_dim3A_1093 = arith.constant 26 : i32
      %broadcast_in_dim3A_1094 = vector.broadcast %broadcast_in_dim3A_1093 : i32 to vector<16xi32>
      %gather3A_1095 = tpu.vector_load_idx %arg6[%iota3A, %broadcast_in_dim3A_1094] : memref<16x128xf32, #tpu.memory_space<vmem>>[vector<16xi32>, vector<16xi32>], vector<16xf32>,
      %swap3A_1096 = arith.constant 3 : i32
      %swap3A_1097 = arith.index_cast %swap3A_1096 : i32 to index
      %swap3A_1098 = arith.constant 32 : index
      %swap3A_1099 = tpu.vector_load %arg7[%swap3A_1097, %swap3A_1098] {strides = array<i32>} : memref<16x128xf32, #tpu.memory_space<vmem>>, vector<16xf32>,
      tpu.vector_store %arg7[%swap3A_1097, %swap3A_1098], %gather3A_1095 {strides = array<i32>} : memref<16x128xf32, #tpu.memory_space<vmem>>, vector<16xf32>,
      %broadcast_in_dim3A_1100 = arith.constant 27 : i32
      %broadcast_in_dim3A_1101 = vector.broadcast %broadcast_in_dim3A_1100 : i32 to vector<16xi32>
      %gather3A_1102 = tpu.vector_load_idx %arg6[%iota3A, %broadcast_in_dim3A_1101] : memref<16x128xf32, #tpu.memory_space<vmem>>[vector<16xi32>, vector<16xi32>], vector<16xf32>,
      %swap3A_1103 = arith.constant 3 : i32
      %swap3A_1104 = arith.index_cast %swap3A_1103 : i32 to index
      %swap3A_1105 = arith.constant 48 : index
      %swap3A_1106 = tpu.vector_load %arg7[%swap3A_1104, %swap3A_1105] {strides = array<i32>} : memref<16x128xf32, #tpu.memory_space<vmem>>, vector<16xf32>,
      tpu.vector_store %arg7[%swap3A_1104, %swap3A_1105], %gather3A_1102 {strides = array<i32>} : memref<16x128xf32, #tpu.memory_space<vmem>>, vector<16xf32>,
      %broadcast_in_dim3A_1107 = arith.constant 28 : i32
      %broadcast_in_dim3A_1108 = vector.broadcast %broadcast_in_dim3A_1107 : i32 to vector<16xi32>
      %gather3A_1109 = tpu.vector_load_idx %arg6[%iota3A, %broadcast_in_dim3A_1108] : memref<16x128xf32, #tpu.memory_space<vmem>>[vector<16xi32>, vector<16xi32>], vector<16xf32>,
      %swap3A_1110 = arith.constant 3 : i32
      %swap3A_1111 = arith.index_cast %swap3A_1110 : i32 to index
      %swap3A_1112 = arith.constant 64 : index
      %swap3A_1113 = tpu.vector_load %arg7[%swap3A_1111, %swap3A_1112] {strides = array<i32>} : memref<16x128xf32, #tpu.memory_space<vmem>>, vector<16xf32>,
      tpu.vector_store %arg7[%swap3A_1111, %swap3A_1112], %gather3A_1109 {strides = array<i32>} : memref<16x128xf32, #tpu.memory_space<vmem>>, vector<16xf32>,
      %broadcast_in_dim3A_1114 = arith.constant 29 : i32
      %broadcast_in_dim3A_1115 = vector.broadcast %broadcast_in_dim3A_1114 : i32 to vector<16xi32>
      %gather3A_1116 = tpu.vector_load_idx %arg6[%iota3A, %broadcast_in_dim3A_1115] : memref<16x128xf32, #tpu.memory_space<vmem>>[vector<16xi32>, vector<16xi32>], vector<16xf32>,
      %swap3A_1117 = arith.constant 3 : i32
      %swap3A_1118 = arith.index_cast %swap3A_1117 : i32 to index
      %swap3A_1119 = arith.constant 80 : index
      %swap3A_1120 = tpu.vector_load %arg7[%swap3A_1118, %swap3A_1119] {strides = array<i32>} : memref<16x128xf32, #tpu.memory_space<vmem>>, vector<16xf32>,
      tpu.vector_store %arg7[%swap3A_1118, %swap3A_1119], %gather3A_1116 {strides = array<i32>} : memref<16x128xf32, #tpu.memory_space<vmem>>, vector<16xf32>,
      %broadcast_in_dim3A_1121 = arith.constant 30 : i32
      %broadcast_in_dim3A_1122 = vector.broadcast %broadcast_in_dim3A_1121 : i32 to vector<16xi32>
      %gather3A_1123 = tpu.vector_load_idx %arg6[%iota3A, %broadcast_in_dim3A_1122] : memref<16x128xf32, #tpu.memory_space<vmem>>[vector<16xi32>, vector<16xi32>], vector<16xf32>,
      %swap3A_1124 = arith.constant 3 : i32
      %swap3A_1125 = arith.index_cast %swap3A_1124 : i32 to index
      %swap3A_1126 = arith.constant 96 : index
      %swap3A_1127 = tpu.vector_load %arg7[%swap3A_1125, %swap3A_1126] {strides = array<i32>} : memref<16x128xf32, #tpu.memory_space<vmem>>, vector<16xf32>,
      tpu.vector_store %arg7[%swap3A_1125, %swap3A_1126], %gather3A_1123 {strides = array<i32>} : memref<16x128xf32, #tpu.memory_space<vmem>>, vector<16xf32>,
      %broadcast_in_dim3A_1128 = arith.constant 31 : i32
      %broadcast_in_dim3A_1129 = vector.broadcast %broadcast_in_dim3A_1128 : i32 to vector<16xi32>
      %gather3A_1130 = tpu.vector_load_idx %arg6[%iota3A, %broadcast_in_dim3A_1129] : memref<16x128xf32, #tpu.memory_space<vmem>>[vector<16xi32>, vector<16xi32>], vector<16xf32>,
      %swap3A_1131 = arith.constant 3 : i32
      %swap3A_1132 = arith.index_cast %swap3A_1131 : i32 to index
      %swap3A_1133 = arith.constant 112 : index
      %swap3A_1134 = tpu.vector_load %arg7[%swap3A_1132, %swap3A_1133] {strides = array<i32>} : memref<16x128xf32, #tpu.memory_space<vmem>>, vector<16xf32>,
      tpu.vector_store %arg7[%swap3A_1132, %swap3A_1133], %gather3A_1130 {strides = array<i32>} : memref<16x128xf32, #tpu.memory_space<vmem>>, vector<16xf32>,
      %broadcast_in_dim3A_1135 = arith.constant 32 : i32
      %broadcast_in_dim3A_1136 = vector.broadcast %broadcast_in_dim3A_1135 : i32 to vector<16xi32>
      %gather3A_1137 = tpu.vector_load_idx %arg6[%iota3A, %broadcast_in_dim3A_1136] : memref<16x128xf32, #tpu.memory_space<vmem>>[vector<16xi32>, vector<16xi32>], vector<16xf32>,
      %swap3A_1138 = arith.constant 4 : i32
      %swap3A_1139 = arith.index_cast %swap3A_1138 : i32 to index
      %swap3A_1140 = arith.constant 0 : index
      %swap3A_1141 = tpu.vector_load %arg7[%swap3A_1139, %swap3A_1140] {strides = array<i32>} : memref<16x128xf32, #tpu.memory_space<vmem>>, vector<16xf32>,
      tpu.vector_store %arg7[%swap3A_1139, %swap3A_1140], %gather3A_1137 {strides = array<i32>} : memref<16x128xf32, #tpu.memory_space<vmem>>, vector<16xf32>,
      %broadcast_in_dim3A_1142 = arith.constant 33 : i32
      %broadcast_in_dim3A_1143 = vector.broadcast %broadcast_in_dim3A_1142 : i32 to vector<16xi32>
      %gather3A_1144 = tpu.vector_load_idx %arg6[%iota3A, %broadcast_in_dim3A_1143] : memref<16x128xf32, #tpu.memory_space<vmem>>[vector<16xi32>, vector<16xi32>], vector<16xf32>,
      %swap3A_1145 = arith.constant 4 : i32
      %swap3A_1146 = arith.index_cast %swap3A_1145 : i32 to index
      %swap3A_1147 = arith.constant 16 : index
      %swap3A_1148 = tpu.vector_load %arg7[%swap3A_1146, %swap3A_1147] {strides = array<i32>} : memref<16x128xf32, #tpu.memory_space<vmem>>, vector<16xf32>,
      tpu.vector_store %arg7[%swap3A_1146, %swap3A_1147], %gather3A_1144 {strides = array<i32>} : memref<16x128xf32, #tpu.memory_space<vmem>>, vector<16xf32>,
      %broadcast_in_dim3A_1149 = arith.constant 34 : i32
      %broadcast_in_dim3A_1150 = vector.broadcast %broadcast_in_dim3A_1149 : i32 to vector<16xi32>
      %gather3A_1151 = tpu.vector_load_idx %arg6[%iota3A, %broadcast_in_dim3A_1150] : memref<16x128xf32, #tpu.memory_space<vmem>>[vector<16xi32>, vector<16xi32>], vector<16xf32>,
      %swap3A_1152 = arith.constant 4 : i32
      %swap3A_1153 = arith.index_cast %swap3A_1152 : i32 to index
      %swap3A_1154 = arith.constant 32 : index
      %swap3A_1155 = tpu.vector_load %arg7[%swap3A_1153, %swap3A_1154] {strides = array<i32>} : memref<16x128xf32, #tpu.memory_space<vmem>>, vector<16xf32>,
      tpu.vector_store %arg7[%swap3A_1153, %swap3A_1154], %gather3A_1151 {strides = array<i32>} : memref<16x128xf32, #tpu.memory_space<vmem>>, vector<16xf32>,
      %broadcast_in_dim3A_1156 = arith.constant 35 : i32
      %broadcast_in_dim3A_1157 = vector.broadcast %broadcast_in_dim3A_1156 : i32 to vector<16xi32>
      %gather3A_1158 = tpu.vector_load_idx %arg6[%iota3A, %broadcast_in_dim3A_1157] : memref<16x128xf32, #tpu.memory_space<vmem>>[vector<16xi32>, vector<16xi32>], vector<16xf32>,
      %swap3A_1159 = arith.constant 4 : i32
      %swap3A_1160 = arith.index_cast %swap3A_1159 : i32 to index
      %swap3A_1161 = arith.constant 48 : index
      %swap3A_1162 = tpu.vector_load %arg7[%swap3A_1160, %swap3A_1161] {strides = array<i32>} : memref<16x128xf32, #tpu.memory_space<vmem>>, vector<16xf32>,
      tpu.vector_store %arg7[%swap3A_1160, %swap3A_1161], %gather3A_1158 {strides = array<i32>} : memref<16x128xf32, #tpu.memory_space<vmem>>, vector<16xf32>,
      %broadcast_in_dim3A_1163 = arith.constant 36 : i32
      %broadcast_in_dim3A_1164 = vector.broadcast %broadcast_in_dim3A_1163 : i32 to vector<16xi32>
      %gather3A_1165 = tpu.vector_load_idx %arg6[%iota3A, %broadcast_in_dim3A_1164] : memref<16x128xf32, #tpu.memory_space<vmem>>[vector<16xi32>, vector<16xi32>], vector<16xf32>,
      %swap3A_1166 = arith.constant 4 : i32
      %swap3A_1167 = arith.index_cast %swap3A_1166 : i32 to index
      %swap3A_1168 = arith.constant 64 : index
      %swap3A_1169 = tpu.vector_load %arg7[%swap3A_1167, %swap3A_1168] {strides = array<i32>} : memref<16x128xf32, #tpu.memory_space<vmem>>, vector<16xf32>,
      tpu.vector_store %arg7[%swap3A_1167, %swap3A_1168], %gather3A_1165 {strides = array<i32>} : memref<16x128xf32, #tpu.memory_space<vmem>>, vector<16xf32>,
      %broadcast_in_dim3A_1170 = arith.constant 37 : i32
      %broadcast_in_dim3A_1171 = vector.broadcast %broadcast_in_dim3A_1170 : i32 to vector<16xi32>
      %gather3A_1172 = tpu.vector_load_idx %arg6[%iota3A, %broadcast_in_dim3A_1171] : memref<16x128xf32, #tpu.memory_space<vmem>>[vector<16xi32>, vector<16xi32>], vector<16xf32>,
      %swap3A_1173 = arith.constant 4 : i32
      %swap3A_1174 = arith.index_cast %swap3A_1173 : i32 to index
      %swap3A_1175 = arith.constant 80 : index
      %swap3A_1176 = tpu.vector_load %arg7[%swap3A_1174, %swap3A_1175] {strides = array<i32>} : memref<16x128xf32, #tpu.memory_space<vmem>>, vector<16xf32>,
      tpu.vector_store %arg7[%swap3A_1174, %swap3A_1175], %gather3A_1172 {strides = array<i32>} : memref<16x128xf32, #tpu.memory_space<vmem>>, vector<16xf32>,
      %broadcast_in_dim3A_1177 = arith.constant 38 : i32
      %broadcast_in_dim3A_1178 = vector.broadcast %broadcast_in_dim3A_1177 : i32 to vector<16xi32>
      %gather3A_1179 = tpu.vector_load_idx %arg6[%iota3A, %broadcast_in_dim3A_1178] : memref<16x128xf32, #tpu.memory_space<vmem>>[vector<16xi32>, vector<16xi32>], vector<16xf32>,
      %swap3A_1180 = arith.constant 4 : i32
      %swap3A_1181 = arith.index_cast %swap3A_1180 : i32 to index
      %swap3A_1182 = arith.constant 96 : index
      %swap3A_1183 = tpu.vector_load %arg7[%swap3A_1181, %swap3A_1182] {strides = array<i32>} : memref<16x128xf32, #tpu.memory_space<vmem>>, vector<16xf32>,
      tpu.vector_store %arg7[%swap3A_1181, %swap3A_1182], %gather3A_1179 {strides = array<i32>} : memref<16x128xf32, #tpu.memory_space<vmem>>, vector<16xf32>,
      %broadcast_in_dim3A_1184 = arith.constant 39 : i32
      %broadcast_in_dim3A_1185 = vector.broadcast %broadcast_in_dim3A_1184 : i32 to vector<16xi32>
      %gather3A_1186 = tpu.vector_load_idx %arg6[%iota3A, %broadcast_in_dim3A_1185] : memref<16x128xf32, #tpu.memory_space<vmem>>[vector<16xi32>, vector<16xi32>], vector<16xf32>,
      %swap3A_1187 = arith.constant 4 : i32
      %swap3A_1188 = arith.index_cast %swap3A_1187 : i32 to index
      %swap3A_1189 = arith.constant 112 : index
      %swap3A_1190 = tpu.vector_load %arg7[%swap3A_1188, %swap3A_1189] {strides = array<i32>} : memref<16x128xf32, #tpu.memory_space<vmem>>, vector<16xf32>,
      tpu.vector_store %arg7[%swap3A_1188, %swap3A_1189], %gather3A_1186 {strides = array<i32>} : memref<16x128xf32, #tpu.memory_space<vmem>>, vector<16xf32>,
      %broadcast_in_dim3A_1191 = arith.constant 40 : i32
      %broadcast_in_dim3A_1192 = vector.broadcast %broadcast_in_dim3A_1191 : i32 to vector<16xi32>
      %gather3A_1193 = tpu.vector_load_idx %arg6[%iota3A, %broadcast_in_dim3A_1192] : memref<16x128xf32, #tpu.memory_space<vmem>>[vector<16xi32>, vector<16xi32>], vector<16xf32>,
      %swap3A_1194 = arith.constant 5 : i32
      %swap3A_1195 = arith.index_cast %swap3A_1194 : i32 to index
      %swap3A_1196 = arith.constant 0 : index
      %swap3A_1197 = tpu.vector_load %arg7[%swap3A_1195, %swap3A_1196] {strides = array<i32>} : memref<16x128xf32, #tpu.memory_space<vmem>>, vector<16xf32>,
      tpu.vector_store %arg7[%swap3A_1195, %swap3A_1196], %gather3A_1193 {strides = array<i32>} : memref<16x128xf32, #tpu.memory_space<vmem>>, vector<16xf32>,
      %broadcast_in_dim3A_1198 = arith.constant 41 : i32
      %broadcast_in_dim3A_1199 = vector.broadcast %broadcast_in_dim3A_1198 : i32 to vector<16xi32>
      %gather3A_1200 = tpu.vector_load_idx %arg6[%iota3A, %broadcast_in_dim3A_1199] : memref<16x128xf32, #tpu.memory_space<vmem>>[vector<16xi32>, vector<16xi32>], vector<16xf32>,
      %swap3A_1201 = arith.constant 5 : i32
      %swap3A_1202 = arith.index_cast %swap3A_1201 : i32 to index
      %swap3A_1203 = arith.constant 16 : index
      %swap3A_1204 = tpu.vector_load %arg7[%swap3A_1202, %swap3A_1203] {strides = array<i32>} : memref<16x128xf32, #tpu.memory_space<vmem>>, vector<16xf32>,
      tpu.vector_store %arg7[%swap3A_1202, %swap3A_1203], %gather3A_1200 {strides = array<i32>} : memref<16x128xf32, #tpu.memory_space<vmem>>, vector<16xf32>,
      %broadcast_in_dim3A_1205 = arith.constant 42 : i32
      %broadcast_in_dim3A_1206 = vector.broadcast %broadcast_in_dim3A_1205 : i32 to vector<16xi32>
      %gather3A_1207 = tpu.vector_load_idx %arg6[%iota3A, %broadcast_in_dim3A_1206] : memref<16x128xf32, #tpu.memory_space<vmem>>[vector<16xi32>, vector<16xi32>], vector<16xf32>,
      %swap3A_1208 = arith.constant 5 : i32
      %swap3A_1209 = arith.index_cast %swap3A_1208 : i32 to index
      %swap3A_1210 = arith.constant 32 : index
      %swap3A_1211 = tpu.vector_load %arg7[%swap3A_1209, %swap3A_1210] {strides = array<i32>} : memref<16x128xf32, #tpu.memory_space<vmem>>, vector<16xf32>,
      tpu.vector_store %arg7[%swap3A_1209, %swap3A_1210], %gather3A_1207 {strides = array<i32>} : memref<16x128xf32, #tpu.memory_space<vmem>>, vector<16xf32>,
      %broadcast_in_dim3A_1212 = arith.constant 43 : i32
      %broadcast_in_dim3A_1213 = vector.broadcast %broadcast_in_dim3A_1212 : i32 to vector<16xi32>
      %gather3A_1214 = tpu.vector_load_idx %arg6[%iota3A, %broadcast_in_dim3A_1213] : memref<16x128xf32, #tpu.memory_space<vmem>>[vector<16xi32>, vector<16xi32>], vector<16xf32>,
      %swap3A_1215 = arith.constant 5 : i32
      %swap3A_1216 = arith.index_cast %swap3A_1215 : i32 to index
      %swap3A_1217 = arith.constant 48 : index
      %swap3A_1218 = tpu.vector_load %arg7[%swap3A_1216, %swap3A_1217] {strides = array<i32>} : memref<16x128xf32, #tpu.memory_space<vmem>>, vector<16xf32>,
      tpu.vector_store %arg7[%swap3A_1216, %swap3A_1217], %gather3A_1214 {strides = array<i32>} : memref<16x128xf32, #tpu.memory_space<vmem>>, vector<16xf32>,
      %broadcast_in_dim3A_1219 = arith.constant 44 : i32
      %broadcast_in_dim3A_1220 = vector.broadcast %broadcast_in_dim3A_1219 : i32 to vector<16xi32>
      %gather3A_1221 = tpu.vector_load_idx %arg6[%iota3A, %broadcast_in_dim3A_1220] : memref<16x128xf32, #tpu.memory_space<vmem>>[vector<16xi32>, vector<16xi32>], vector<16xf32>,
      %swap3A_1222 = arith.constant 5 : i32
      %swap3A_1223 = arith.index_cast %swap3A_1222 : i32 to index
      %swap3A_1224 = arith.constant 64 : index
      %swap3A_1225 = tpu.vector_load %arg7[%swap3A_1223, %swap3A_1224] {strides = array<i32>} : memref<16x128xf32, #tpu.memory_space<vmem>>, vector<16xf32>,
      tpu.vector_store %arg7[%swap3A_1223, %swap3A_1224], %gather3A_1221 {strides = array<i32>} : memref<16x128xf32, #tpu.memory_space<vmem>>, vector<16xf32>,
      %broadcast_in_dim3A_1226 = arith.constant 45 : i32
      %broadcast_in_dim3A_1227 = vector.broadcast %broadcast_in_dim3A_1226 : i32 to vector<16xi32>
      %gather3A_1228 = tpu.vector_load_idx %arg6[%iota3A, %broadcast_in_dim3A_1227] : memref<16x128xf32, #tpu.memory_space<vmem>>[vector<16xi32>, vector<16xi32>], vector<16xf32>,
      %swap3A_1229 = arith.constant 5 : i32
      %swap3A_1230 = arith.index_cast %swap3A_1229 : i32 to index
      %swap3A_1231 = arith.constant 80 : index
      %swap3A_1232 = tpu.vector_load %arg7[%swap3A_1230, %swap3A_1231] {strides = array<i32>} : memref<16x128xf32, #tpu.memory_space<vmem>>, vector<16xf32>,
      tpu.vector_store %arg7[%swap3A_1230, %swap3A_1231], %gather3A_1228 {strides = array<i32>} : memref<16x128xf32, #tpu.memory_space<vmem>>, vector<16xf32>,
      %broadcast_in_dim3A_1233 = arith.constant 46 : i32
      %broadcast_in_dim3A_1234 = vector.broadcast %broadcast_in_dim3A_1233 : i32 to vector<16xi32>
      %gather3A_1235 = tpu.vector_load_idx %arg6[%iota3A, %broadcast_in_dim3A_1234] : memref<16x128xf32, #tpu.memory_space<vmem>>[vector<16xi32>, vector<16xi32>], vector<16xf32>,
      %swap3A_1236 = arith.constant 5 : i32
      %swap3A_1237 = arith.index_cast %swap3A_1236 : i32 to index
      %swap3A_1238 = arith.constant 96 : index
      %swap3A_1239 = tpu.vector_load %arg7[%swap3A_1237, %swap3A_1238] {strides = array<i32>} : memref<16x128xf32, #tpu.memory_space<vmem>>, vector<16xf32>,
      tpu.vector_store %arg7[%swap3A_1237, %swap3A_1238], %gather3A_1235 {strides = array<i32>} : memref<16x128xf32, #tpu.memory_space<vmem>>, vector<16xf32>,
      %broadcast_in_dim3A_1240 = arith.constant 47 : i32
      %broadcast_in_dim3A_1241 = vector.broadcast %broadcast_in_dim3A_1240 : i32 to vector<16xi32>
      %gather3A_1242 = tpu.vector_load_idx %arg6[%iota3A, %broadcast_in_dim3A_1241] : memref<16x128xf32, #tpu.memory_space<vmem>>[vector<16xi32>, vector<16xi32>], vector<16xf32>,
      %swap3A_1243 = arith.constant 5 : i32
      %swap3A_1244 = arith.index_cast %swap3A_1243 : i32 to index
      %swap3A_1245 = arith.constant 112 : index
      %swap3A_1246 = tpu.vector_load %arg7[%swap3A_1244, %swap3A_1245] {strides = array<i32>} : memref<16x128xf32, #tpu.memory_space<vmem>>, vector<16xf32>,
      tpu.vector_store %arg7[%swap3A_1244, %swap3A_1245], %gather3A_1242 {strides = array<i32>} : memref<16x128xf32, #tpu.memory_space<vmem>>, vector<16xf32>,
      %broadcast_in_dim3A_1247 = arith.constant 48 : i32
      %broadcast_in_dim3A_1248 = vector.broadcast %broadcast_in_dim3A_1247 : i32 to vector<16xi32>
      %gather3A_1249 = tpu.vector_load_idx %arg6[%iota3A, %broadcast_in_dim3A_1248] : memref<16x128xf32, #tpu.memory_space<vmem>>[vector<16xi32>, vector<16xi32>], vector<16xf32>,
      %swap3A_1250 = arith.constant 6 : i32
      %swap3A_1251 = arith.index_cast %swap3A_1250 : i32 to index
      %swap3A_1252 = arith.constant 0 : index
      %swap3A_1253 = tpu.vector_load %arg7[%swap3A_1251, %swap3A_1252] {strides = array<i32>} : memref<16x128xf32, #tpu.memory_space<vmem>>, vector<16xf32>,
      tpu.vector_store %arg7[%swap3A_1251, %swap3A_1252], %gather3A_1249 {strides = array<i32>} : memref<16x128xf32, #tpu.memory_space<vmem>>, vector<16xf32>,
      %broadcast_in_dim3A_1254 = arith.constant 49 : i32
      %broadcast_in_dim3A_1255 = vector.broadcast %broadcast_in_dim3A_1254 : i32 to vector<16xi32>
      %gather3A_1256 = tpu.vector_load_idx %arg6[%iota3A, %broadcast_in_dim3A_1255] : memref<16x128xf32, #tpu.memory_space<vmem>>[vector<16xi32>, vector<16xi32>], vector<16xf32>,
      %swap3A_1257 = arith.constant 6 : i32
      %swap3A_1258 = arith.index_cast %swap3A_1257 : i32 to index
      %swap3A_1259 = arith.constant 16 : index
      %swap3A_1260 = tpu.vector_load %arg7[%swap3A_1258, %swap3A_1259] {strides = array<i32>} : memref<16x128xf32, #tpu.memory_space<vmem>>, vector<16xf32>,
      tpu.vector_store %arg7[%swap3A_1258, %swap3A_1259], %gather3A_1256 {strides = array<i32>} : memref<16x128xf32, #tpu.memory_space<vmem>>, vector<16xf32>,
      %broadcast_in_dim3A_1261 = arith.constant 50 : i32
      %broadcast_in_dim3A_1262 = vector.broadcast %broadcast_in_dim3A_1261 : i32 to vector<16xi32>
      %gather3A_1263 = tpu.vector_load_idx %arg6[%iota3A, %broadcast_in_dim3A_1262] : memref<16x128xf32, #tpu.memory_space<vmem>>[vector<16xi32>, vector<16xi32>], vector<16xf32>,
      %swap3A_1264 = arith.constant 6 : i32
      %swap3A_1265 = arith.index_cast %swap3A_1264 : i32 to index
      %swap3A_1266 = arith.constant 32 : index
      %swap3A_1267 = tpu.vector_load %arg7[%swap3A_1265, %swap3A_1266] {strides = array<i32>} : memref<16x128xf32, #tpu.memory_space<vmem>>, vector<16xf32>,
      tpu.vector_store %arg7[%swap3A_1265, %swap3A_1266], %gather3A_1263 {strides = array<i32>} : memref<16x128xf32, #tpu.memory_space<vmem>>, vector<16xf32>,
      %broadcast_in_dim3A_1268 = arith.constant 51 : i32
      %broadcast_in_dim3A_1269 = vector.broadcast %broadcast_in_dim3A_1268 : i32 to vector<16xi32>
      %gather3A_1270 = tpu.vector_load_idx %arg6[%iota3A, %broadcast_in_dim3A_1269] : memref<16x128xf32, #tpu.memory_space<vmem>>[vector<16xi32>, vector<16xi32>], vector<16xf32>,
      %swap3A_1271 = arith.constant 6 : i32
      %swap3A_1272 = arith.index_cast %swap3A_1271 : i32 to index
      %swap3A_1273 = arith.constant 48 : index
      %swap3A_1274 = tpu.vector_load %arg7[%swap3A_1272, %swap3A_1273] {strides = array<i32>} : memref<16x128xf32, #tpu.memory_space<vmem>>, vector<16xf32>,
      tpu.vector_store %arg7[%swap3A_1272, %swap3A_1273], %gather3A_1270 {strides = array<i32>} : memref<16x128xf32, #tpu.memory_space<vmem>>, vector<16xf32>,
      %broadcast_in_dim3A_1275 = arith.constant 52 : i32
      %broadcast_in_dim3A_1276 = vector.broadcast %broadcast_in_dim3A_1275 : i32 to vector<16xi32>
      %gather3A_1277 = tpu.vector_load_idx %arg6[%iota3A, %broadcast_in_dim3A_1276] : memref<16x128xf32, #tpu.memory_space<vmem>>[vector<16xi32>, vector<16xi32>], vector<16xf32>,
      %swap3A_1278 = arith.constant 6 : i32
      %swap3A_1279 = arith.index_cast %swap3A_1278 : i32 to index
      %swap3A_1280 = arith.constant 64 : index
      %swap3A_1281 = tpu.vector_load %arg7[%swap3A_1279, %swap3A_1280] {strides = array<i32>} : memref<16x128xf32, #tpu.memory_space<vmem>>, vector<16xf32>,
      tpu.vector_store %arg7[%swap3A_1279, %swap3A_1280], %gather3A_1277 {strides = array<i32>} : memref<16x128xf32, #tpu.memory_space<vmem>>, vector<16xf32>,
      %broadcast_in_dim3A_1282 = arith.constant 53 : i32
      %broadcast_in_dim3A_1283 = vector.broadcast %broadcast_in_dim3A_1282 : i32 to vector<16xi32>
      %gather3A_1284 = tpu.vector_load_idx %arg6[%iota3A, %broadcast_in_dim3A_1283] : memref<16x128xf32, #tpu.memory_space<vmem>>[vector<16xi32>, vector<16xi32>], vector<16xf32>,
      %swap3A_1285 = arith.constant 6 : i32
      %swap3A_1286 = arith.index_cast %swap3A_1285 : i32 to index
      %swap3A_1287 = arith.constant 80 : index
      %swap3A_1288 = tpu.vector_load %arg7[%swap3A_1286, %swap3A_1287] {strides = array<i32>} : memref<16x128xf32, #tpu.memory_space<vmem>>, vector<16xf32>,
      tpu.vector_store %arg7[%swap3A_1286, %swap3A_1287], %gather3A_1284 {strides = array<i32>} : memref<16x128xf32, #tpu.memory_space<vmem>>, vector<16xf32>,
      %broadcast_in_dim3A_1289 = arith.constant 54 : i32
      %broadcast_in_dim3A_1290 = vector.broadcast %broadcast_in_dim3A_1289 : i32 to vector<16xi32>
      %gather3A_1291 = tpu.vector_load_idx %arg6[%iota3A, %broadcast_in_dim3A_1290] : memref<16x128xf32, #tpu.memory_space<vmem>>[vector<16xi32>, vector<16xi32>], vector<16xf32>,
      %swap3A_1292 = arith.constant 6 : i32
      %swap3A_1293 = arith.index_cast %swap3A_1292 : i32 to index
      %swap3A_1294 = arith.constant 96 : index
      %swap3A_1295 = tpu.vector_load %arg7[%swap3A_1293, %swap3A_1294] {strides = array<i32>} : memref<16x128xf32, #tpu.memory_space<vmem>>, vector<16xf32>,
      tpu.vector_store %arg7[%swap3A_1293, %swap3A_1294], %gather3A_1291 {strides = array<i32>} : memref<16x128xf32, #tpu.memory_space<vmem>>, vector<16xf32>,
      %broadcast_in_dim3A_1296 = arith.constant 55 : i32
      %broadcast_in_dim3A_1297 = vector.broadcast %broadcast_in_dim3A_1296 : i32 to vector<16xi32>
      %gather3A_1298 = tpu.vector_load_idx %arg6[%iota3A, %broadcast_in_dim3A_1297] : memref<16x128xf32, #tpu.memory_space<vmem>>[vector<16xi32>, vector<16xi32>], vector<16xf32>,
      %swap3A_1299 = arith.constant 6 : i32
      %swap3A_1300 = arith.index_cast %swap3A_1299 : i32 to index
      %swap3A_1301 = arith.constant 112 : index
      %swap3A_1302 = tpu.vector_load %arg7[%swap3A_1300, %swap3A_1301] {strides = array<i32>} : memref<16x128xf32, #tpu.memory_space<vmem>>, vector<16xf32>,
      tpu.vector_store %arg7[%swap3A_1300, %swap3A_1301], %gather3A_1298 {strides = array<i32>} : memref<16x128xf32, #tpu.memory_space<vmem>>, vector<16xf32>,
      %broadcast_in_dim3A_1303 = arith.constant 56 : i32
      %broadcast_in_dim3A_1304 = vector.broadcast %broadcast_in_dim3A_1303 : i32 to vector<16xi32>
      %gather3A_1305 = tpu.vector_load_idx %arg6[%iota3A, %broadcast_in_dim3A_1304] : memref<16x128xf32, #tpu.memory_space<vmem>>[vector<16xi32>, vector<16xi32>], vector<16xf32>,
      %swap3A_1306 = arith.constant 7 : i32
      %swap3A_1307 = arith.index_cast %swap3A_1306 : i32 to index
      %swap3A_1308 = arith.constant 0 : index
      %swap3A_1309 = tpu.vector_load %arg7[%swap3A_1307, %swap3A_1308] {strides = array<i32>} : memref<16x128xf32, #tpu.memory_space<vmem>>, vector<16xf32>,
      tpu.vector_store %arg7[%swap3A_1307, %swap3A_1308], %gather3A_1305 {strides = array<i32>} : memref<16x128xf32, #tpu.memory_space<vmem>>, vector<16xf32>,
      %broadcast_in_dim3A_1310 = arith.constant 57 : i32
      %broadcast_in_dim3A_1311 = vector.broadcast %broadcast_in_dim3A_1310 : i32 to vector<16xi32>
      %gather3A_1312 = tpu.vector_load_idx %arg6[%iota3A, %broadcast_in_dim3A_1311] : memref<16x128xf32, #tpu.memory_space<vmem>>[vector<16xi32>, vector<16xi32>], vector<16xf32>,
      %swap3A_1313 = arith.constant 7 : i32
      %swap3A_1314 = arith.index_cast %swap3A_1313 : i32 to index
      %swap3A_1315 = arith.constant 16 : index
      %swap3A_1316 = tpu.vector_load %arg7[%swap3A_1314, %swap3A_1315] {strides = array<i32>} : memref<16x128xf32, #tpu.memory_space<vmem>>, vector<16xf32>,
      tpu.vector_store %arg7[%swap3A_1314, %swap3A_1315], %gather3A_1312 {strides = array<i32>} : memref<16x128xf32, #tpu.memory_space<vmem>>, vector<16xf32>,
      %broadcast_in_dim3A_1317 = arith.constant 58 : i32
      %broadcast_in_dim3A_1318 = vector.broadcast %broadcast_in_dim3A_1317 : i32 to vector<16xi32>
      %gather3A_1319 = tpu.vector_load_idx %arg6[%iota3A, %broadcast_in_dim3A_1318] : memref<16x128xf32, #tpu.memory_space<vmem>>[vector<16xi32>, vector<16xi32>], vector<16xf32>,
      %swap3A_1320 = arith.constant 7 : i32
      %swap3A_1321 = arith.index_cast %swap3A_1320 : i32 to index
      %swap3A_1322 = arith.constant 32 : index
      %swap3A_1323 = tpu.vector_load %arg7[%swap3A_1321, %swap3A_1322] {strides = array<i32>} : memref<16x128xf32, #tpu.memory_space<vmem>>, vector<16xf32>,
      tpu.vector_store %arg7[%swap3A_1321, %swap3A_1322], %gather3A_1319 {strides = array<i32>} : memref<16x128xf32, #tpu.memory_space<vmem>>, vector<16xf32>,
      %broadcast_in_dim3A_1324 = arith.constant 59 : i32
      %broadcast_in_dim3A_1325 = vector.broadcast %broadcast_in_dim3A_1324 : i32 to vector<16xi32>
      %gather3A_1326 = tpu.vector_load_idx %arg6[%iota3A, %broadcast_in_dim3A_1325] : memref<16x128xf32, #tpu.memory_space<vmem>>[vector<16xi32>, vector<16xi32>], vector<16xf32>,
      %swap3A_1327 = arith.constant 7 : i32
      %swap3A_1328 = arith.index_cast %swap3A_1327 : i32 to index
      %swap3A_1329 = arith.constant 48 : index
      %swap3A_1330 = tpu.vector_load %arg7[%swap3A_1328, %swap3A_1329] {strides = array<i32>} : memref<16x128xf32, #tpu.memory_space<vmem>>, vector<16xf32>,
      tpu.vector_store %arg7[%swap3A_1328, %swap3A_1329], %gather3A_1326 {strides = array<i32>} : memref<16x128xf32, #tpu.memory_space<vmem>>, vector<16xf32>,
      %broadcast_in_dim3A_1331 = arith.constant 60 : i32
      %broadcast_in_dim3A_1332 = vector.broadcast %broadcast_in_dim3A_1331 : i32 to vector<16xi32>
      %gather3A_1333 = tpu.vector_load_idx %arg6[%iota3A, %broadcast_in_dim3A_1332] : memref<16x128xf32, #tpu.memory_space<vmem>>[vector<16xi32>, vector<16xi32>], vector<16xf32>,
      %swap3A_1334 = arith.constant 7 : i32
      %swap3A_1335 = arith.index_cast %swap3A_1334 : i32 to index
      %swap3A_1336 = arith.constant 64 : index
      %swap3A_1337 = tpu.vector_load %arg7[%swap3A_1335, %swap3A_1336] {strides = array<i32>} : memref<16x128xf32, #tpu.memory_space<vmem>>, vector<16xf32>,
      tpu.vector_store %arg7[%swap3A_1335, %swap3A_1336], %gather3A_1333 {strides = array<i32>} : memref<16x128xf32, #tpu.memory_space<vmem>>, vector<16xf32>,
      %broadcast_in_dim3A_1338 = arith.constant 61 : i32
      %broadcast_in_dim3A_1339 = vector.broadcast %broadcast_in_dim3A_1338 : i32 to vector<16xi32>
      %gather3A_1340 = tpu.vector_load_idx %arg6[%iota3A, %broadcast_in_dim3A_1339] : memref<16x128xf32, #tpu.memory_space<vmem>>[vector<16xi32>, vector<16xi32>], vector<16xf32>,
      %swap3A_1341 = arith.constant 7 : i32
      %swap3A_1342 = arith.index_cast %swap3A_1341 : i32 to index
      %swap3A_1343 = arith.constant 80 : index
      %swap3A_1344 = tpu.vector_load %arg7[%swap3A_1342, %swap3A_1343] {strides = array<i32>} : memref<16x128xf32, #tpu.memory_space<vmem>>, vector<16xf32>,
      tpu.vector_store %arg7[%swap3A_1342, %swap3A_1343], %gather3A_1340 {strides = array<i32>} : memref<16x128xf32, #tpu.memory_space<vmem>>, vector<16xf32>,
      %broadcast_in_dim3A_1345 = arith.constant 62 : i32
      %broadcast_in_dim3A_1346 = vector.broadcast %broadcast_in_dim3A_1345 : i32 to vector<16xi32>
      %gather3A_1347 = tpu.vector_load_idx %arg6[%iota3A, %broadcast_in_dim3A_1346] : memref<16x128xf32, #tpu.memory_space<vmem>>[vector<16xi32>, vector<16xi32>], vector<16xf32>,
      %swap3A_1348 = arith.constant 7 : i32
      %swap3A_1349 = arith.index_cast %swap3A_1348 : i32 to index
      %swap3A_1350 = arith.constant 96 : index
      %swap3A_1351 = tpu.vector_load %arg7[%swap3A_1349, %swap3A_1350] {strides = array<i32>} : memref<16x128xf32, #tpu.memory_space<vmem>>, vector<16xf32>,
      tpu.vector_store %arg7[%swap3A_1349, %swap3A_1350], %gather3A_1347 {strides = array<i32>} : memref<16x128xf32, #tpu.memory_space<vmem>>, vector<16xf32>,
      %broadcast_in_dim3A_1352 = arith.constant 63 : i32
      %broadcast_in_dim3A_1353 = vector.broadcast %broadcast_in_dim3A_1352 : i32 to vector<16xi32>
      %gather3A_1354 = tpu.vector_load_idx %arg6[%iota3A, %broadcast_in_dim3A_1353] : memref<16x128xf32, #tpu.memory_space<vmem>>[vector<16xi32>, vector<16xi32>], vector<16xf32>,
      %swap3A_1355 = arith.constant 7 : i32
      %swap3A_1356 = arith.index_cast %swap3A_1355 : i32 to index
      %swap3A_1357 = arith.constant 112 : index
      %swap3A_1358 = tpu.vector_load %arg7[%swap3A_1356, %swap3A_1357] {strides = array<i32>} : memref<16x128xf32, #tpu.memory_space<vmem>>, vector<16xf32>,
      tpu.vector_store %arg7[%swap3A_1356, %swap3A_1357], %gather3A_1354 {strides = array<i32>} : memref<16x128xf32, #tpu.memory_space<vmem>>, vector<16xf32>,
      %broadcast_in_dim3A_1359 = arith.constant 64 : i32
      %broadcast_in_dim3A_1360 = vector.broadcast %broadcast_in_dim3A_1359 : i32 to vector<16xi32>
      %gather3A_1361 = tpu.vector_load_idx %arg6[%iota3A, %broadcast_in_dim3A_1360] : memref<16x128xf32, #tpu.memory_space<vmem>>[vector<16xi32>, vector<16xi32>], vector<16xf32>,
      %swap3A_1362 = arith.constant 8 : i32
      %swap3A_1363 = arith.index_cast %swap3A_1362 : i32 to index
      %swap3A_1364 = arith.constant 0 : index
      %swap3A_1365 = tpu.vector_load %arg7[%swap3A_1363, %swap3A_1364] {strides = array<i32>} : memref<16x128xf32, #tpu.memory_space<vmem>>, vector<16xf32>,
      tpu.vector_store %arg7[%swap3A_1363, %swap3A_1364], %gather3A_1361 {strides = array<i32>} : memref<16x128xf32, #tpu.memory_space<vmem>>, vector<16xf32>,
      %broadcast_in_dim3A_1366 = arith.constant 65 : i32
      %broadcast_in_dim3A_1367 = vector.broadcast %broadcast_in_dim3A_1366 : i32 to vector<16xi32>
      %gather3A_1368 = tpu.vector_load_idx %arg6[%iota3A, %broadcast_in_dim3A_1367] : memref<16x128xf32, #tpu.memory_space<vmem>>[vector<16xi32>, vector<16xi32>], vector<16xf32>,
      %swap3A_1369 = arith.constant 8 : i32
      %swap3A_1370 = arith.index_cast %swap3A_1369 : i32 to index
      %swap3A_1371 = arith.constant 16 : index
      %swap3A_1372 = tpu.vector_load %arg7[%swap3A_1370, %swap3A_1371] {strides = array<i32>} : memref<16x128xf32, #tpu.memory_space<vmem>>, vector<16xf32>,
      tpu.vector_store %arg7[%swap3A_1370, %swap3A_1371], %gather3A_1368 {strides = array<i32>} : memref<16x128xf32, #tpu.memory_space<vmem>>, vector<16xf32>,
      %broadcast_in_dim3A_1373 = arith.constant 66 : i32
      %broadcast_in_dim3A_1374 = vector.broadcast %broadcast_in_dim3A_1373 : i32 to vector<16xi32>
      %gather3A_1375 = tpu.vector_load_idx %arg6[%iota3A, %broadcast_in_dim3A_1374] : memref<16x128xf32, #tpu.memory_space<vmem>>[vector<16xi32>, vector<16xi32>], vector<16xf32>,
      %swap3A_1376 = arith.constant 8 : i32
      %swap3A_1377 = arith.index_cast %swap3A_1376 : i32 to index
      %swap3A_1378 = arith.constant 32 : index
      %swap3A_1379 = tpu.vector_load %arg7[%swap3A_1377, %swap3A_1378] {strides = array<i32>} : memref<16x128xf32, #tpu.memory_space<vmem>>, vector<16xf32>,
      tpu.vector_store %arg7[%swap3A_1377, %swap3A_1378], %gather3A_1375 {strides = array<i32>} : memref<16x128xf32, #tpu.memory_space<vmem>>, vector<16xf32>,
      %broadcast_in_dim3A_1380 = arith.constant 67 : i32
      %broadcast_in_dim3A_1381 = vector.broadcast %broadcast_in_dim3A_1380 : i32 to vector<16xi32>
      %gather3A_1382 = tpu.vector_load_idx %arg6[%iota3A, %broadcast_in_dim3A_1381] : memref<16x128xf32, #tpu.memory_space<vmem>>[vector<16xi32>, vector<16xi32>], vector<16xf32>,
      %swap3A_1383 = arith.constant 8 : i32
      %swap3A_1384 = arith.index_cast %swap3A_1383 : i32 to index
      %swap3A_1385 = arith.constant 48 : index
      %swap3A_1386 = tpu.vector_load %arg7[%swap3A_1384, %swap3A_1385] {strides = array<i32>} : memref<16x128xf32, #tpu.memory_space<vmem>>, vector<16xf32>,
      tpu.vector_store %arg7[%swap3A_1384, %swap3A_1385], %gather3A_1382 {strides = array<i32>} : memref<16x128xf32, #tpu.memory_space<vmem>>, vector<16xf32>,
      %broadcast_in_dim3A_1387 = arith.constant 68 : i32
      %broadcast_in_dim3A_1388 = vector.broadcast %broadcast_in_dim3A_1387 : i32 to vector<16xi32>
      %gather3A_1389 = tpu.vector_load_idx %arg6[%iota3A, %broadcast_in_dim3A_1388] : memref<16x128xf32, #tpu.memory_space<vmem>>[vector<16xi32>, vector<16xi32>], vector<16xf32>,
      %swap3A_1390 = arith.constant 8 : i32
      %swap3A_1391 = arith.index_cast %swap3A_1390 : i32 to index
      %swap3A_1392 = arith.constant 64 : index
      %swap3A_1393 = tpu.vector_load %arg7[%swap3A_1391, %swap3A_1392] {strides = array<i32>} : memref<16x128xf32, #tpu.memory_space<vmem>>, vector<16xf32>,
      tpu.vector_store %arg7[%swap3A_1391, %swap3A_1392], %gather3A_1389 {strides = array<i32>} : memref<16x128xf32, #tpu.memory_space<vmem>>, vector<16xf32>,
      %broadcast_in_dim3A_1394 = arith.constant 69 : i32
      %broadcast_in_dim3A_1395 = vector.broadcast %broadcast_in_dim3A_1394 : i32 to vector<16xi32>
      %gather3A_1396 = tpu.vector_load_idx %arg6[%iota3A, %broadcast_in_dim3A_1395] : memref<16x128xf32, #tpu.memory_space<vmem>>[vector<16xi32>, vector<16xi32>], vector<16xf32>,
      %swap3A_1397 = arith.constant 8 : i32
      %swap3A_1398 = arith.index_cast %swap3A_1397 : i32 to index
      %swap3A_1399 = arith.constant 80 : index
      %swap3A_1400 = tpu.vector_load %arg7[%swap3A_1398, %swap3A_1399] {strides = array<i32>} : memref<16x128xf32, #tpu.memory_space<vmem>>, vector<16xf32>,
      tpu.vector_store %arg7[%swap3A_1398, %swap3A_1399], %gather3A_1396 {strides = array<i32>} : memref<16x128xf32, #tpu.memory_space<vmem>>, vector<16xf32>,
      %broadcast_in_dim3A_1401 = arith.constant 70 : i32
      %broadcast_in_dim3A_1402 = vector.broadcast %broadcast_in_dim3A_1401 : i32 to vector<16xi32>
      %gather3A_1403 = tpu.vector_load_idx %arg6[%iota3A, %broadcast_in_dim3A_1402] : memref<16x128xf32, #tpu.memory_space<vmem>>[vector<16xi32>, vector<16xi32>], vector<16xf32>,
      %swap3A_1404 = arith.constant 8 : i32
      %swap3A_1405 = arith.index_cast %swap3A_1404 : i32 to index
      %swap3A_1406 = arith.constant 96 : index
      %swap3A_1407 = tpu.vector_load %arg7[%swap3A_1405, %swap3A_1406] {strides = array<i32>} : memref<16x128xf32, #tpu.memory_space<vmem>>, vector<16xf32>,
      tpu.vector_store %arg7[%swap3A_1405, %swap3A_1406], %gather3A_1403 {strides = array<i32>} : memref<16x128xf32, #tpu.memory_space<vmem>>, vector<16xf32>,
      %broadcast_in_dim3A_1408 = arith.constant 71 : i32
      %broadcast_in_dim3A_1409 = vector.broadcast %broadcast_in_dim3A_1408 : i32 to vector<16xi32>
      %gather3A_1410 = tpu.vector_load_idx %arg6[%iota3A, %broadcast_in_dim3A_1409] : memref<16x128xf32, #tpu.memory_space<vmem>>[vector<16xi32>, vector<16xi32>], vector<16xf32>,
      %swap3A_1411 = arith.constant 8 : i32
      %swap3A_1412 = arith.index_cast %swap3A_1411 : i32 to index
      %swap3A_1413 = arith.constant 112 : index
      %swap3A_1414 = tpu.vector_load %arg7[%swap3A_1412, %swap3A_1413] {strides = array<i32>} : memref<16x128xf32, #tpu.memory_space<vmem>>, vector<16xf32>,
      tpu.vector_store %arg7[%swap3A_1412, %swap3A_1413], %gather3A_1410 {strides = array<i32>} : memref<16x128xf32, #tpu.memory_space<vmem>>, vector<16xf32>,
      %broadcast_in_dim3A_1415 = arith.constant 72 : i32
      %broadcast_in_dim3A_1416 = vector.broadcast %broadcast_in_dim3A_1415 : i32 to vector<16xi32>
      %gather3A_1417 = tpu.vector_load_idx %arg6[%iota3A, %broadcast_in_dim3A_1416] : memref<16x128xf32, #tpu.memory_space<vmem>>[vector<16xi32>, vector<16xi32>], vector<16xf32>,
      %swap3A_1418 = arith.constant 9 : i32
      %swap3A_1419 = arith.index_cast %swap3A_1418 : i32 to index
      %swap3A_1420 = arith.constant 0 : index
      %swap3A_1421 = tpu.vector_load %arg7[%swap3A_1419, %swap3A_1420] {strides = array<i32>} : memref<16x128xf32, #tpu.memory_space<vmem>>, vector<16xf32>,
      tpu.vector_store %arg7[%swap3A_1419, %swap3A_1420], %gather3A_1417 {strides = array<i32>} : memref<16x128xf32, #tpu.memory_space<vmem>>, vector<16xf32>,
      %broadcast_in_dim3A_1422 = arith.constant 73 : i32
      %broadcast_in_dim3A_1423 = vector.broadcast %broadcast_in_dim3A_1422 : i32 to vector<16xi32>
      %gather3A_1424 = tpu.vector_load_idx %arg6[%iota3A, %broadcast_in_dim3A_1423] : memref<16x128xf32, #tpu.memory_space<vmem>>[vector<16xi32>, vector<16xi32>], vector<16xf32>,
      %swap3A_1425 = arith.constant 9 : i32
      %swap3A_1426 = arith.index_cast %swap3A_1425 : i32 to index
      %swap3A_1427 = arith.constant 16 : index
      %swap3A_1428 = tpu.vector_load %arg7[%swap3A_1426, %swap3A_1427] {strides = array<i32>} : memref<16x128xf32, #tpu.memory_space<vmem>>, vector<16xf32>,
      tpu.vector_store %arg7[%swap3A_1426, %swap3A_1427], %gather3A_1424 {strides = array<i32>} : memref<16x128xf32, #tpu.memory_space<vmem>>, vector<16xf32>,
      %broadcast_in_dim3A_1429 = arith.constant 74 : i32
      %broadcast_in_dim3A_1430 = vector.broadcast %broadcast_in_dim3A_1429 : i32 to vector<16xi32>
      %gather3A_1431 = tpu.vector_load_idx %arg6[%iota3A, %broadcast_in_dim3A_1430] : memref<16x128xf32, #tpu.memory_space<vmem>>[vector<16xi32>, vector<16xi32>], vector<16xf32>,
      %swap3A_1432 = arith.constant 9 : i32
      %swap3A_1433 = arith.index_cast %swap3A_1432 : i32 to index
      %swap3A_1434 = arith.constant 32 : index
      %swap3A_1435 = tpu.vector_load %arg7[%swap3A_1433, %swap3A_1434] {strides = array<i32>} : memref<16x128xf32, #tpu.memory_space<vmem>>, vector<16xf32>,
      tpu.vector_store %arg7[%swap3A_1433, %swap3A_1434], %gather3A_1431 {strides = array<i32>} : memref<16x128xf32, #tpu.memory_space<vmem>>, vector<16xf32>,
      %broadcast_in_dim3A_1436 = arith.constant 75 : i32
      %broadcast_in_dim3A_1437 = vector.broadcast %broadcast_in_dim3A_1436 : i32 to vector<16xi32>
      %gather3A_1438 = tpu.vector_load_idx %arg6[%iota3A, %broadcast_in_dim3A_1437] : memref<16x128xf32, #tpu.memory_space<vmem>>[vector<16xi32>, vector<16xi32>], vector<16xf32>,
      %swap3A_1439 = arith.constant 9 : i32
      %swap3A_1440 = arith.index_cast %swap3A_1439 : i32 to index
      %swap3A_1441 = arith.constant 48 : index
      %swap3A_1442 = tpu.vector_load %arg7[%swap3A_1440, %swap3A_1441] {strides = array<i32>} : memref<16x128xf32, #tpu.memory_space<vmem>>, vector<16xf32>,
      tpu.vector_store %arg7[%swap3A_1440, %swap3A_1441], %gather3A_1438 {strides = array<i32>} : memref<16x128xf32, #tpu.memory_space<vmem>>, vector<16xf32>,
      %broadcast_in_dim3A_1443 = arith.constant 76 : i32
      %broadcast_in_dim3A_1444 = vector.broadcast %broadcast_in_dim3A_1443 : i32 to vector<16xi32>
      %gather3A_1445 = tpu.vector_load_idx %arg6[%iota3A, %broadcast_in_dim3A_1444] : memref<16x128xf32, #tpu.memory_space<vmem>>[vector<16xi32>, vector<16xi32>], vector<16xf32>,
      %swap3A_1446 = arith.constant 9 : i32
      %swap3A_1447 = arith.index_cast %swap3A_1446 : i32 to index
      %swap3A_1448 = arith.constant 64 : index
      %swap3A_1449 = tpu.vector_load %arg7[%swap3A_1447, %swap3A_1448] {strides = array<i32>} : memref<16x128xf32, #tpu.memory_space<vmem>>, vector<16xf32>,
      tpu.vector_store %arg7[%swap3A_1447, %swap3A_1448], %gather3A_1445 {strides = array<i32>} : memref<16x128xf32, #tpu.memory_space<vmem>>, vector<16xf32>,
      %broadcast_in_dim3A_1450 = arith.constant 77 : i32
      %broadcast_in_dim3A_1451 = vector.broadcast %broadcast_in_dim3A_1450 : i32 to vector<16xi32>
      %gather3A_1452 = tpu.vector_load_idx %arg6[%iota3A, %broadcast_in_dim3A_1451] : memref<16x128xf32, #tpu.memory_space<vmem>>[vector<16xi32>, vector<16xi32>], vector<16xf32>,
      %swap3A_1453 = arith.constant 9 : i32
      %swap3A_1454 = arith.index_cast %swap3A_1453 : i32 to index
      %swap3A_1455 = arith.constant 80 : index
      %swap3A_1456 = tpu.vector_load %arg7[%swap3A_1454, %swap3A_1455] {strides = array<i32>} : memref<16x128xf32, #tpu.memory_space<vmem>>, vector<16xf32>,
      tpu.vector_store %arg7[%swap3A_1454, %swap3A_1455], %gather3A_1452 {strides = array<i32>} : memref<16x128xf32, #tpu.memory_space<vmem>>, vector<16xf32>,
      %broadcast_in_dim3A_1457 = arith.constant 78 : i32
      %broadcast_in_dim3A_1458 = vector.broadcast %broadcast_in_dim3A_1457 : i32 to vector<16xi32>
      %gather3A_1459 = tpu.vector_load_idx %arg6[%iota3A, %broadcast_in_dim3A_1458] : memref<16x128xf32, #tpu.memory_space<vmem>>[vector<16xi32>, vector<16xi32>], vector<16xf32>,
      %swap3A_1460 = arith.constant 9 : i32
      %swap3A_1461 = arith.index_cast %swap3A_1460 : i32 to index
      %swap3A_1462 = arith.constant 96 : index
      %swap3A_1463 = tpu.vector_load %arg7[%swap3A_1461, %swap3A_1462] {strides = array<i32>} : memref<16x128xf32, #tpu.memory_space<vmem>>, vector<16xf32>,
      tpu.vector_store %arg7[%swap3A_1461, %swap3A_1462], %gather3A_1459 {strides = array<i32>} : memref<16x128xf32, #tpu.memory_space<vmem>>, vector<16xf32>,
      %broadcast_in_dim3A_1464 = arith.constant 79 : i32
      %broadcast_in_dim3A_1465 = vector.broadcast %broadcast_in_dim3A_1464 : i32 to vector<16xi32>
      %gather3A_1466 = tpu.vector_load_idx %arg6[%iota3A, %broadcast_in_dim3A_1465] : memref<16x128xf32, #tpu.memory_space<vmem>>[vector<16xi32>, vector<16xi32>], vector<16xf32>,
      %swap3A_1467 = arith.constant 9 : i32
      %swap3A_1468 = arith.index_cast %swap3A_1467 : i32 to index
      %swap3A_1469 = arith.constant 112 : index
      %swap3A_1470 = tpu.vector_load %arg7[%swap3A_1468, %swap3A_1469] {strides = array<i32>} : memref<16x128xf32, #tpu.memory_space<vmem>>, vector<16xf32>,
      tpu.vector_store %arg7[%swap3A_1468, %swap3A_1469], %gather3A_1466 {strides = array<i32>} : memref<16x128xf32, #tpu.memory_space<vmem>>, vector<16xf32>,
      %broadcast_in_dim3A_1471 = arith.constant 80 : i32
      %broadcast_in_dim3A_1472 = vector.broadcast %broadcast_in_dim3A_1471 : i32 to vector<16xi32>
      %gather3A_1473 = tpu.vector_load_idx %arg6[%iota3A, %broadcast_in_dim3A_1472] : memref<16x128xf32, #tpu.memory_space<vmem>>[vector<16xi32>, vector<16xi32>], vector<16xf32>,
      %swap3A_1474 = arith.constant 10 : i32
      %swap3A_1475 = arith.index_cast %swap3A_1474 : i32 to index
      %swap3A_1476 = arith.constant 0 : index
      %swap3A_1477 = tpu.vector_load %arg7[%swap3A_1475, %swap3A_1476] {strides = array<i32>} : memref<16x128xf32, #tpu.memory_space<vmem>>, vector<16xf32>,
      tpu.vector_store %arg7[%swap3A_1475, %swap3A_1476], %gather3A_1473 {strides = array<i32>} : memref<16x128xf32, #tpu.memory_space<vmem>>, vector<16xf32>,
      %broadcast_in_dim3A_1478 = arith.constant 81 : i32
      %broadcast_in_dim3A_1479 = vector.broadcast %broadcast_in_dim3A_1478 : i32 to vector<16xi32>
      %gather3A_1480 = tpu.vector_load_idx %arg6[%iota3A, %broadcast_in_dim3A_1479] : memref<16x128xf32, #tpu.memory_space<vmem>>[vector<16xi32>, vector<16xi32>], vector<16xf32>,
      %swap3A_1481 = arith.constant 10 : i32
      %swap3A_1482 = arith.index_cast %swap3A_1481 : i32 to index
      %swap3A_1483 = arith.constant 16 : index
      %swap3A_1484 = tpu.vector_load %arg7[%swap3A_1482, %swap3A_1483] {strides = array<i32>} : memref<16x128xf32, #tpu.memory_space<vmem>>, vector<16xf32>,
      tpu.vector_store %arg7[%swap3A_1482, %swap3A_1483], %gather3A_1480 {strides = array<i32>} : memref<16x128xf32, #tpu.memory_space<vmem>>, vector<16xf32>,
      %broadcast_in_dim3A_1485 = arith.constant 82 : i32
      %broadcast_in_dim3A_1486 = vector.broadcast %broadcast_in_dim3A_1485 : i32 to vector<16xi32>
      %gather3A_1487 = tpu.vector_load_idx %arg6[%iota3A, %broadcast_in_dim3A_1486] : memref<16x128xf32, #tpu.memory_space<vmem>>[vector<16xi32>, vector<16xi32>], vector<16xf32>,
      %swap3A_1488 = arith.constant 10 : i32
      %swap3A_1489 = arith.index_cast %swap3A_1488 : i32 to index
      %swap3A_1490 = arith.constant 32 : index
      %swap3A_1491 = tpu.vector_load %arg7[%swap3A_1489, %swap3A_1490] {strides = array<i32>} : memref<16x128xf32, #tpu.memory_space<vmem>>, vector<16xf32>,
      tpu.vector_store %arg7[%swap3A_1489, %swap3A_1490], %gather3A_1487 {strides = array<i32>} : memref<16x128xf32, #tpu.memory_space<vmem>>, vector<16xf32>,
      %broadcast_in_dim3A_1492 = arith.constant 83 : i32
      %broadcast_in_dim3A_1493 = vector.broadcast %broadcast_in_dim3A_1492 : i32 to vector<16xi32>
      %gather3A_1494 = tpu.vector_load_idx %arg6[%iota3A, %broadcast_in_dim3A_1493] : memref<16x128xf32, #tpu.memory_space<vmem>>[vector<16xi32>, vector<16xi32>], vector<16xf32>,
      %swap3A_1495 = arith.constant 10 : i32
      %swap3A_1496 = arith.index_cast %swap3A_1495 : i32 to index
      %swap3A_1497 = arith.constant 48 : index
      %swap3A_1498 = tpu.vector_load %arg7[%swap3A_1496, %swap3A_1497] {strides = array<i32>} : memref<16x128xf32, #tpu.memory_space<vmem>>, vector<16xf32>,
      tpu.vector_store %arg7[%swap3A_1496, %swap3A_1497], %gather3A_1494 {strides = array<i32>} : memref<16x128xf32, #tpu.memory_space<vmem>>, vector<16xf32>,
      %broadcast_in_dim3A_1499 = arith.constant 84 : i32
      %broadcast_in_dim3A_1500 = vector.broadcast %broadcast_in_dim3A_1499 : i32 to vector<16xi32>
      %gather3A_1501 = tpu.vector_load_idx %arg6[%iota3A, %broadcast_in_dim3A_1500] : memref<16x128xf32, #tpu.memory_space<vmem>>[vector<16xi32>, vector<16xi32>], vector<16xf32>,
      %swap3A_1502 = arith.constant 10 : i32
      %swap3A_1503 = arith.index_cast %swap3A_1502 : i32 to index
      %swap3A_1504 = arith.constant 64 : index
      %swap3A_1505 = tpu.vector_load %arg7[%swap3A_1503, %swap3A_1504] {strides = array<i32>} : memref<16x128xf32, #tpu.memory_space<vmem>>, vector<16xf32>,
      tpu.vector_store %arg7[%swap3A_1503, %swap3A_1504], %gather3A_1501 {strides = array<i32>} : memref<16x128xf32, #tpu.memory_space<vmem>>, vector<16xf32>,
      %broadcast_in_dim3A_1506 = arith.constant 85 : i32
      %broadcast_in_dim3A_1507 = vector.broadcast %broadcast_in_dim3A_1506 : i32 to vector<16xi32>
      %gather3A_1508 = tpu.vector_load_idx %arg6[%iota3A, %broadcast_in_dim3A_1507] : memref<16x128xf32, #tpu.memory_space<vmem>>[vector<16xi32>, vector<16xi32>], vector<16xf32>,
      %swap3A_1509 = arith.constant 10 : i32
      %swap3A_1510 = arith.index_cast %swap3A_1509 : i32 to index
      %swap3A_1511 = arith.constant 80 : index
      %swap3A_1512 = tpu.vector_load %arg7[%swap3A_1510, %swap3A_1511] {strides = array<i32>} : memref<16x128xf32, #tpu.memory_space<vmem>>, vector<16xf32>,
      tpu.vector_store %arg7[%swap3A_1510, %swap3A_1511], %gather3A_1508 {strides = array<i32>} : memref<16x128xf32, #tpu.memory_space<vmem>>, vector<16xf32>,
      %broadcast_in_dim3A_1513 = arith.constant 86 : i32
      %broadcast_in_dim3A_1514 = vector.broadcast %broadcast_in_dim3A_1513 : i32 to vector<16xi32>
      %gather3A_1515 = tpu.vector_load_idx %arg6[%iota3A, %broadcast_in_dim3A_1514] : memref<16x128xf32, #tpu.memory_space<vmem>>[vector<16xi32>, vector<16xi32>], vector<16xf32>,
      %swap3A_1516 = arith.constant 10 : i32
      %swap3A_1517 = arith.index_cast %swap3A_1516 : i32 to index
      %swap3A_1518 = arith.constant 96 : index
      %swap3A_1519 = tpu.vector_load %arg7[%swap3A_1517, %swap3A_1518] {strides = array<i32>} : memref<16x128xf32, #tpu.memory_space<vmem>>, vector<16xf32>,
      tpu.vector_store %arg7[%swap3A_1517, %swap3A_1518], %gather3A_1515 {strides = array<i32>} : memref<16x128xf32, #tpu.memory_space<vmem>>, vector<16xf32>,
      %broadcast_in_dim3A_1520 = arith.constant 87 : i32
      %broadcast_in_dim3A_1521 = vector.broadcast %broadcast_in_dim3A_1520 : i32 to vector<16xi32>
      %gather3A_1522 = tpu.vector_load_idx %arg6[%iota3A, %broadcast_in_dim3A_1521] : memref<16x128xf32, #tpu.memory_space<vmem>>[vector<16xi32>, vector<16xi32>], vector<16xf32>,
      %swap3A_1523 = arith.constant 10 : i32
      %swap3A_1524 = arith.index_cast %swap3A_1523 : i32 to index
      %swap3A_1525 = arith.constant 112 : index
      %swap3A_1526 = tpu.vector_load %arg7[%swap3A_1524, %swap3A_1525] {strides = array<i32>} : memref<16x128xf32, #tpu.memory_space<vmem>>, vector<16xf32>,
      tpu.vector_store %arg7[%swap3A_1524, %swap3A_1525], %gather3A_1522 {strides = array<i32>} : memref<16x128xf32, #tpu.memory_space<vmem>>, vector<16xf32>,
      %broadcast_in_dim3A_1527 = arith.constant 88 : i32
      %broadcast_in_dim3A_1528 = vector.broadcast %broadcast_in_dim3A_1527 : i32 to vector<16xi32>
      %gather3A_1529 = tpu.vector_load_idx %arg6[%iota3A, %broadcast_in_dim3A_1528] : memref<16x128xf32, #tpu.memory_space<vmem>>[vector<16xi32>, vector<16xi32>], vector<16xf32>,
      %swap3A_1530 = arith.constant 11 : i32
      %swap3A_1531 = arith.index_cast %swap3A_1530 : i32 to index
      %swap3A_1532 = arith.constant 0 : index
      %swap3A_1533 = tpu.vector_load %arg7[%swap3A_1531, %swap3A_1532] {strides = array<i32>} : memref<16x128xf32, #tpu.memory_space<vmem>>, vector<16xf32>,
      tpu.vector_store %arg7[%swap3A_1531, %swap3A_1532], %gather3A_1529 {strides = array<i32>} : memref<16x128xf32, #tpu.memory_space<vmem>>, vector<16xf32>,
      %broadcast_in_dim3A_1534 = arith.constant 89 : i32
      %broadcast_in_dim3A_1535 = vector.broadcast %broadcast_in_dim3A_1534 : i32 to vector<16xi32>
      %gather3A_1536 = tpu.vector_load_idx %arg6[%iota3A, %broadcast_in_dim3A_1535] : memref<16x128xf32, #tpu.memory_space<vmem>>[vector<16xi32>, vector<16xi32>], vector<16xf32>,
      %swap3A_1537 = arith.constant 11 : i32
      %swap3A_1538 = arith.index_cast %swap3A_1537 : i32 to index
      %swap3A_1539 = arith.constant 16 : index
      %swap3A_1540 = tpu.vector_load %arg7[%swap3A_1538, %swap3A_1539] {strides = array<i32>} : memref<16x128xf32, #tpu.memory_space<vmem>>, vector<16xf32>,
      tpu.vector_store %arg7[%swap3A_1538, %swap3A_1539], %gather3A_1536 {strides = array<i32>} : memref<16x128xf32, #tpu.memory_space<vmem>>, vector<16xf32>,
      %broadcast_in_dim3A_1541 = arith.constant 90 : i32
      %broadcast_in_dim3A_1542 = vector.broadcast %broadcast_in_dim3A_1541 : i32 to vector<16xi32>
      %gather3A_1543 = tpu.vector_load_idx %arg6[%iota3A, %broadcast_in_dim3A_1542] : memref<16x128xf32, #tpu.memory_space<vmem>>[vector<16xi32>, vector<16xi32>], vector<16xf32>,
      %swap3A_1544 = arith.constant 11 : i32
      %swap3A_1545 = arith.index_cast %swap3A_1544 : i32 to index
      %swap3A_1546 = arith.constant 32 : index
      %swap3A_1547 = tpu.vector_load %arg7[%swap3A_1545, %swap3A_1546] {strides = array<i32>} : memref<16x128xf32, #tpu.memory_space<vmem>>, vector<16xf32>,
      tpu.vector_store %arg7[%swap3A_1545, %swap3A_1546], %gather3A_1543 {strides = array<i32>} : memref<16x128xf32, #tpu.memory_space<vmem>>, vector<16xf32>,
      %broadcast_in_dim3A_1548 = arith.constant 91 : i32
      %broadcast_in_dim3A_1549 = vector.broadcast %broadcast_in_dim3A_1548 : i32 to vector<16xi32>
      %gather3A_1550 = tpu.vector_load_idx %arg6[%iota3A, %broadcast_in_dim3A_1549] : memref<16x128xf32, #tpu.memory_space<vmem>>[vector<16xi32>, vector<16xi32>], vector<16xf32>,
      %swap3A_1551 = arith.constant 11 : i32
      %swap3A_1552 = arith.index_cast %swap3A_1551 : i32 to index
      %swap3A_1553 = arith.constant 48 : index
      %swap3A_1554 = tpu.vector_load %arg7[%swap3A_1552, %swap3A_1553] {strides = array<i32>} : memref<16x128xf32, #tpu.memory_space<vmem>>, vector<16xf32>,
      tpu.vector_store %arg7[%swap3A_1552, %swap3A_1553], %gather3A_1550 {strides = array<i32>} : memref<16x128xf32, #tpu.memory_space<vmem>>, vector<16xf32>,
      %broadcast_in_dim3A_1555 = arith.constant 92 : i32
      %broadcast_in_dim3A_1556 = vector.broadcast %broadcast_in_dim3A_1555 : i32 to vector<16xi32>
      %gather3A_1557 = tpu.vector_load_idx %arg6[%iota3A, %broadcast_in_dim3A_1556] : memref<16x128xf32, #tpu.memory_space<vmem>>[vector<16xi32>, vector<16xi32>], vector<16xf32>,
      %swap3A_1558 = arith.constant 11 : i32
      %swap3A_1559 = arith.index_cast %swap3A_1558 : i32 to index
      %swap3A_1560 = arith.constant 64 : index
      %swap3A_1561 = tpu.vector_load %arg7[%swap3A_1559, %swap3A_1560] {strides = array<i32>} : memref<16x128xf32, #tpu.memory_space<vmem>>, vector<16xf32>,
      tpu.vector_store %arg7[%swap3A_1559, %swap3A_1560], %gather3A_1557 {strides = array<i32>} : memref<16x128xf32, #tpu.memory_space<vmem>>, vector<16xf32>,
      %broadcast_in_dim3A_1562 = arith.constant 93 : i32
      %broadcast_in_dim3A_1563 = vector.broadcast %broadcast_in_dim3A_1562 : i32 to vector<16xi32>
      %gather3A_1564 = tpu.vector_load_idx %arg6[%iota3A, %broadcast_in_dim3A_1563] : memref<16x128xf32, #tpu.memory_space<vmem>>[vector<16xi32>, vector<16xi32>], vector<16xf32>,
      %swap3A_1565 = arith.constant 11 : i32
      %swap3A_1566 = arith.index_cast %swap3A_1565 : i32 to index
      %swap3A_1567 = arith.constant 80 : index
      %swap3A_1568 = tpu.vector_load %arg7[%swap3A_1566, %swap3A_1567] {strides = array<i32>} : memref<16x128xf32, #tpu.memory_space<vmem>>, vector<16xf32>,
      tpu.vector_store %arg7[%swap3A_1566, %swap3A_1567], %gather3A_1564 {strides = array<i32>} : memref<16x128xf32, #tpu.memory_space<vmem>>, vector<16xf32>,
      %broadcast_in_dim3A_1569 = arith.constant 94 : i32
      %broadcast_in_dim3A_1570 = vector.broadcast %broadcast_in_dim3A_1569 : i32 to vector<16xi32>
      %gather3A_1571 = tpu.vector_load_idx %arg6[%iota3A, %broadcast_in_dim3A_1570] : memref<16x128xf32, #tpu.memory_space<vmem>>[vector<16xi32>, vector<16xi32>], vector<16xf32>,
      %swap3A_1572 = arith.constant 11 : i32
      %swap3A_1573 = arith.index_cast %swap3A_1572 : i32 to index
      %swap3A_1574 = arith.constant 96 : index
      %swap3A_1575 = tpu.vector_load %arg7[%swap3A_1573, %swap3A_1574] {strides = array<i32>} : memref<16x128xf32, #tpu.memory_space<vmem>>, vector<16xf32>,
      tpu.vector_store %arg7[%swap3A_1573, %swap3A_1574], %gather3A_1571 {strides = array<i32>} : memref<16x128xf32, #tpu.memory_space<vmem>>, vector<16xf32>,
      %broadcast_in_dim3A_1576 = arith.constant 95 : i32
      %broadcast_in_dim3A_1577 = vector.broadcast %broadcast_in_dim3A_1576 : i32 to vector<16xi32>
      %gather3A_1578 = tpu.vector_load_idx %arg6[%iota3A, %broadcast_in_dim3A_1577] : memref<16x128xf32, #tpu.memory_space<vmem>>[vector<16xi32>, vector<16xi32>], vector<16xf32>,
      %swap3A_1579 = arith.constant 11 : i32
      %swap3A_1580 = arith.index_cast %swap3A_1579 : i32 to index
      %swap3A_1581 = arith.constant 112 : index
      %swap3A_1582 = tpu.vector_load %arg7[%swap3A_1580, %swap3A_1581] {strides = array<i32>} : memref<16x128xf32, #tpu.memory_space<vmem>>, vector<16xf32>,
      tpu.vector_store %arg7[%swap3A_1580, %swap3A_1581], %gather3A_1578 {strides = array<i32>} : memref<16x128xf32, #tpu.memory_space<vmem>>, vector<16xf32>,
      %broadcast_in_dim3A_1583 = arith.constant 96 : i32
      %broadcast_in_dim3A_1584 = vector.broadcast %broadcast_in_dim3A_1583 : i32 to vector<16xi32>
      %gather3A_1585 = tpu.vector_load_idx %arg6[%iota3A, %broadcast_in_dim3A_1584] : memref<16x128xf32, #tpu.memory_space<vmem>>[vector<16xi32>, vector<16xi32>], vector<16xf32>,
      %swap3A_1586 = arith.constant 12 : i32
      %swap3A_1587 = arith.index_cast %swap3A_1586 : i32 to index
      %swap3A_1588 = arith.constant 0 : index
      %swap3A_1589 = tpu.vector_load %arg7[%swap3A_1587, %swap3A_1588] {strides = array<i32>} : memref<16x128xf32, #tpu.memory_space<vmem>>, vector<16xf32>,
      tpu.vector_store %arg7[%swap3A_1587, %swap3A_1588], %gather3A_1585 {strides = array<i32>} : memref<16x128xf32, #tpu.memory_space<vmem>>, vector<16xf32>,
      %broadcast_in_dim3A_1590 = arith.constant 97 : i32
      %broadcast_in_dim3A_1591 = vector.broadcast %broadcast_in_dim3A_1590 : i32 to vector<16xi32>
      %gather3A_1592 = tpu.vector_load_idx %arg6[%iota3A, %broadcast_in_dim3A_1591] : memref<16x128xf32, #tpu.memory_space<vmem>>[vector<16xi32>, vector<16xi32>], vector<16xf32>,
      %swap3A_1593 = arith.constant 12 : i32
      %swap3A_1594 = arith.index_cast %swap3A_1593 : i32 to index
      %swap3A_1595 = arith.constant 16 : index
      %swap3A_1596 = tpu.vector_load %arg7[%swap3A_1594, %swap3A_1595] {strides = array<i32>} : memref<16x128xf32, #tpu.memory_space<vmem>>, vector<16xf32>,
      tpu.vector_store %arg7[%swap3A_1594, %swap3A_1595], %gather3A_1592 {strides = array<i32>} : memref<16x128xf32, #tpu.memory_space<vmem>>, vector<16xf32>,
      %broadcast_in_dim3A_1597 = arith.constant 98 : i32
      %broadcast_in_dim3A_1598 = vector.broadcast %broadcast_in_dim3A_1597 : i32 to vector<16xi32>
      %gather3A_1599 = tpu.vector_load_idx %arg6[%iota3A, %broadcast_in_dim3A_1598] : memref<16x128xf32, #tpu.memory_space<vmem>>[vector<16xi32>, vector<16xi32>], vector<16xf32>,
      %swap3A_1600 = arith.constant 12 : i32
      %swap3A_1601 = arith.index_cast %swap3A_1600 : i32 to index
      %swap3A_1602 = arith.constant 32 : index
      %swap3A_1603 = tpu.vector_load %arg7[%swap3A_1601, %swap3A_1602] {strides = array<i32>} : memref<16x128xf32, #tpu.memory_space<vmem>>, vector<16xf32>,
      tpu.vector_store %arg7[%swap3A_1601, %swap3A_1602], %gather3A_1599 {strides = array<i32>} : memref<16x128xf32, #tpu.memory_space<vmem>>, vector<16xf32>,
      %broadcast_in_dim3A_1604 = arith.constant 99 : i32
      %broadcast_in_dim3A_1605 = vector.broadcast %broadcast_in_dim3A_1604 : i32 to vector<16xi32>
      %gather3A_1606 = tpu.vector_load_idx %arg6[%iota3A, %broadcast_in_dim3A_1605] : memref<16x128xf32, #tpu.memory_space<vmem>>[vector<16xi32>, vector<16xi32>], vector<16xf32>,
      %swap3A_1607 = arith.constant 12 : i32
      %swap3A_1608 = arith.index_cast %swap3A_1607 : i32 to index
      %swap3A_1609 = arith.constant 48 : index
      %swap3A_1610 = tpu.vector_load %arg7[%swap3A_1608, %swap3A_1609] {strides = array<i32>} : memref<16x128xf32, #tpu.memory_space<vmem>>, vector<16xf32>,
      tpu.vector_store %arg7[%swap3A_1608, %swap3A_1609], %gather3A_1606 {strides = array<i32>} : memref<16x128xf32, #tpu.memory_space<vmem>>, vector<16xf32>,
      %broadcast_in_dim3A_1611 = arith.constant 100 : i32
      %broadcast_in_dim3A_1612 = vector.broadcast %broadcast_in_dim3A_1611 : i32 to vector<16xi32>
      %gather3A_1613 = tpu.vector_load_idx %arg6[%iota3A, %broadcast_in_dim3A_1612] : memref<16x128xf32, #tpu.memory_space<vmem>>[vector<16xi32>, vector<16xi32>], vector<16xf32>,
      %swap3A_1614 = arith.constant 12 : i32
      %swap3A_1615 = arith.index_cast %swap3A_1614 : i32 to index
      %swap3A_1616 = arith.constant 64 : index
      %swap3A_1617 = tpu.vector_load %arg7[%swap3A_1615, %swap3A_1616] {strides = array<i32>} : memref<16x128xf32, #tpu.memory_space<vmem>>, vector<16xf32>,
      tpu.vector_store %arg7[%swap3A_1615, %swap3A_1616], %gather3A_1613 {strides = array<i32>} : memref<16x128xf32, #tpu.memory_space<vmem>>, vector<16xf32>,
      %broadcast_in_dim3A_1618 = arith.constant 101 : i32
      %broadcast_in_dim3A_1619 = vector.broadcast %broadcast_in_dim3A_1618 : i32 to vector<16xi32>
      %gather3A_1620 = tpu.vector_load_idx %arg6[%iota3A, %broadcast_in_dim3A_1619] : memref<16x128xf32, #tpu.memory_space<vmem>>[vector<16xi32>, vector<16xi32>], vector<16xf32>,
      %swap3A_1621 = arith.constant 12 : i32
      %swap3A_1622 = arith.index_cast %swap3A_1621 : i32 to index
      %swap3A_1623 = arith.constant 80 : index
      %swap3A_1624 = tpu.vector_load %arg7[%swap3A_1622, %swap3A_1623] {strides = array<i32>} : memref<16x128xf32, #tpu.memory_space<vmem>>, vector<16xf32>,
      tpu.vector_store %arg7[%swap3A_1622, %swap3A_1623], %gather3A_1620 {strides = array<i32>} : memref<16x128xf32, #tpu.memory_space<vmem>>, vector<16xf32>,
      %broadcast_in_dim3A_1625 = arith.constant 102 : i32
      %broadcast_in_dim3A_1626 = vector.broadcast %broadcast_in_dim3A_1625 : i32 to vector<16xi32>
      %gather3A_1627 = tpu.vector_load_idx %arg6[%iota3A, %broadcast_in_dim3A_1626] : memref<16x128xf32, #tpu.memory_space<vmem>>[vector<16xi32>, vector<16xi32>], vector<16xf32>,
      %swap3A_1628 = arith.constant 12 : i32
      %swap3A_1629 = arith.index_cast %swap3A_1628 : i32 to index
      %swap3A_1630 = arith.constant 96 : index
      %swap3A_1631 = tpu.vector_load %arg7[%swap3A_1629, %swap3A_1630] {strides = array<i32>} : memref<16x128xf32, #tpu.memory_space<vmem>>, vector<16xf32>,
      tpu.vector_store %arg7[%swap3A_1629, %swap3A_1630], %gather3A_1627 {strides = array<i32>} : memref<16x128xf32, #tpu.memory_space<vmem>>, vector<16xf32>,
      %broadcast_in_dim3A_1632 = arith.constant 103 : i32
      %broadcast_in_dim3A_1633 = vector.broadcast %broadcast_in_dim3A_1632 : i32 to vector<16xi32>
      %gather3A_1634 = tpu.vector_load_idx %arg6[%iota3A, %broadcast_in_dim3A_1633] : memref<16x128xf32, #tpu.memory_space<vmem>>[vector<16xi32>, vector<16xi32>], vector<16xf32>,
      %swap3A_1635 = arith.constant 12 : i32
      %swap3A_1636 = arith.index_cast %swap3A_1635 : i32 to index
      %swap3A_1637 = arith.constant 112 : index
      %swap3A_1638 = tpu.vector_load %arg7[%swap3A_1636, %swap3A_1637] {strides = array<i32>} : memref<16x128xf32, #tpu.memory_space<vmem>>, vector<16xf32>,
      tpu.vector_store %arg7[%swap3A_1636, %swap3A_1637], %gather3A_1634 {strides = array<i32>} : memref<16x128xf32, #tpu.memory_space<vmem>>, vector<16xf32>,
      %broadcast_in_dim3A_1639 = arith.constant 104 : i32
      %broadcast_in_dim3A_1640 = vector.broadcast %broadcast_in_dim3A_1639 : i32 to vector<16xi32>
      %gather3A_1641 = tpu.vector_load_idx %arg6[%iota3A, %broadcast_in_dim3A_1640] : memref<16x128xf32, #tpu.memory_space<vmem>>[vector<16xi32>, vector<16xi32>], vector<16xf32>,
      %swap3A_1642 = arith.constant 13 : i32
      %swap3A_1643 = arith.index_cast %swap3A_1642 : i32 to index
      %swap3A_1644 = arith.constant 0 : index
      %swap3A_1645 = tpu.vector_load %arg7[%swap3A_1643, %swap3A_1644] {strides = array<i32>} : memref<16x128xf32, #tpu.memory_space<vmem>>, vector<16xf32>,
      tpu.vector_store %arg7[%swap3A_1643, %swap3A_1644], %gather3A_1641 {strides = array<i32>} : memref<16x128xf32, #tpu.memory_space<vmem>>, vector<16xf32>,
      %broadcast_in_dim3A_1646 = arith.constant 105 : i32
      %broadcast_in_dim3A_1647 = vector.broadcast %broadcast_in_dim3A_1646 : i32 to vector<16xi32>
      %gather3A_1648 = tpu.vector_load_idx %arg6[%iota3A, %broadcast_in_dim3A_1647] : memref<16x128xf32, #tpu.memory_space<vmem>>[vector<16xi32>, vector<16xi32>], vector<16xf32>,
      %swap3A_1649 = arith.constant 13 : i32
      %swap3A_1650 = arith.index_cast %swap3A_1649 : i32 to index
      %swap3A_1651 = arith.constant 16 : index
      %swap3A_1652 = tpu.vector_load %arg7[%swap3A_1650, %swap3A_1651] {strides = array<i32>} : memref<16x128xf32, #tpu.memory_space<vmem>>, vector<16xf32>,
      tpu.vector_store %arg7[%swap3A_1650, %swap3A_1651], %gather3A_1648 {strides = array<i32>} : memref<16x128xf32, #tpu.memory_space<vmem>>, vector<16xf32>,
      %broadcast_in_dim3A_1653 = arith.constant 106 : i32
      %broadcast_in_dim3A_1654 = vector.broadcast %broadcast_in_dim3A_1653 : i32 to vector<16xi32>
      %gather3A_1655 = tpu.vector_load_idx %arg6[%iota3A, %broadcast_in_dim3A_1654] : memref<16x128xf32, #tpu.memory_space<vmem>>[vector<16xi32>, vector<16xi32>], vector<16xf32>,
      %swap3A_1656 = arith.constant 13 : i32
      %swap3A_1657 = arith.index_cast %swap3A_1656 : i32 to index
      %swap3A_1658 = arith.constant 32 : index
      %swap3A_1659 = tpu.vector_load %arg7[%swap3A_1657, %swap3A_1658] {strides = array<i32>} : memref<16x128xf32, #tpu.memory_space<vmem>>, vector<16xf32>,
      tpu.vector_store %arg7[%swap3A_1657, %swap3A_1658], %gather3A_1655 {strides = array<i32>} : memref<16x128xf32, #tpu.memory_space<vmem>>, vector<16xf32>,
      %broadcast_in_dim3A_1660 = arith.constant 107 : i32
      %broadcast_in_dim3A_1661 = vector.broadcast %broadcast_in_dim3A_1660 : i32 to vector<16xi32>
      %gather3A_1662 = tpu.vector_load_idx %arg6[%iota3A, %broadcast_in_dim3A_1661] : memref<16x128xf32, #tpu.memory_space<vmem>>[vector<16xi32>, vector<16xi32>], vector<16xf32>,
      %swap3A_1663 = arith.constant 13 : i32
      %swap3A_1664 = arith.index_cast %swap3A_1663 : i32 to index
      %swap3A_1665 = arith.constant 48 : index
      %swap3A_1666 = tpu.vector_load %arg7[%swap3A_1664, %swap3A_1665] {strides = array<i32>} : memref<16x128xf32, #tpu.memory_space<vmem>>, vector<16xf32>,
      tpu.vector_store %arg7[%swap3A_1664, %swap3A_1665], %gather3A_1662 {strides = array<i32>} : memref<16x128xf32, #tpu.memory_space<vmem>>, vector<16xf32>,
      %broadcast_in_dim3A_1667 = arith.constant 108 : i32
      %broadcast_in_dim3A_1668 = vector.broadcast %broadcast_in_dim3A_1667 : i32 to vector<16xi32>
      %gather3A_1669 = tpu.vector_load_idx %arg6[%iota3A, %broadcast_in_dim3A_1668] : memref<16x128xf32, #tpu.memory_space<vmem>>[vector<16xi32>, vector<16xi32>], vector<16xf32>,
      %swap3A_1670 = arith.constant 13 : i32
      %swap3A_1671 = arith.index_cast %swap3A_1670 : i32 to index
      %swap3A_1672 = arith.constant 64 : index
      %swap3A_1673 = tpu.vector_load %arg7[%swap3A_1671, %swap3A_1672] {strides = array<i32>} : memref<16x128xf32, #tpu.memory_space<vmem>>, vector<16xf32>,
      tpu.vector_store %arg7[%swap3A_1671, %swap3A_1672], %gather3A_1669 {strides = array<i32>} : memref<16x128xf32, #tpu.memory_space<vmem>>, vector<16xf32>,
      %broadcast_in_dim3A_1674 = arith.constant 109 : i32
      %broadcast_in_dim3A_1675 = vector.broadcast %broadcast_in_dim3A_1674 : i32 to vector<16xi32>
      %gather3A_1676 = tpu.vector_load_idx %arg6[%iota3A, %broadcast_in_dim3A_1675] : memref<16x128xf32, #tpu.memory_space<vmem>>[vector<16xi32>, vector<16xi32>], vector<16xf32>,
      %swap3A_1677 = arith.constant 13 : i32
      %swap3A_1678 = arith.index_cast %swap3A_1677 : i32 to index
      %swap3A_1679 = arith.constant 80 : index
      %swap3A_1680 = tpu.vector_load %arg7[%swap3A_1678, %swap3A_1679] {strides = array<i32>} : memref<16x128xf32, #tpu.memory_space<vmem>>, vector<16xf32>,
      tpu.vector_store %arg7[%swap3A_1678, %swap3A_1679], %gather3A_1676 {strides = array<i32>} : memref<16x128xf32, #tpu.memory_space<vmem>>, vector<16xf32>,
      %broadcast_in_dim3A_1681 = arith.constant 110 : i32
      %broadcast_in_dim3A_1682 = vector.broadcast %broadcast_in_dim3A_1681 : i32 to vector<16xi32>
      %gather3A_1683 = tpu.vector_load_idx %arg6[%iota3A, %broadcast_in_dim3A_1682] : memref<16x128xf32, #tpu.memory_space<vmem>>[vector<16xi32>, vector<16xi32>], vector<16xf32>,
      %swap3A_1684 = arith.constant 13 : i32
      %swap3A_1685 = arith.index_cast %swap3A_1684 : i32 to index
      %swap3A_1686 = arith.constant 96 : index
      %swap3A_1687 = tpu.vector_load %arg7[%swap3A_1685, %swap3A_1686] {strides = array<i32>} : memref<16x128xf32, #tpu.memory_space<vmem>>, vector<16xf32>,
      tpu.vector_store %arg7[%swap3A_1685, %swap3A_1686], %gather3A_1683 {strides = array<i32>} : memref<16x128xf32, #tpu.memory_space<vmem>>, vector<16xf32>,
      %broadcast_in_dim3A_1688 = arith.constant 111 : i32
      %broadcast_in_dim3A_1689 = vector.broadcast %broadcast_in_dim3A_1688 : i32 to vector<16xi32>
      %gather3A_1690 = tpu.vector_load_idx %arg6[%iota3A, %broadcast_in_dim3A_1689] : memref<16x128xf32, #tpu.memory_space<vmem>>[vector<16xi32>, vector<16xi32>], vector<16xf32>,
      %swap3A_1691 = arith.constant 13 : i32
      %swap3A_1692 = arith.index_cast %swap3A_1691 : i32 to index
      %swap3A_1693 = arith.constant 112 : index
      %swap3A_1694 = tpu.vector_load %arg7[%swap3A_1692, %swap3A_1693] {strides = array<i32>} : memref<16x128xf32, #tpu.memory_space<vmem>>, vector<16xf32>,
      tpu.vector_store %arg7[%swap3A_1692, %swap3A_1693], %gather3A_1690 {strides = array<i32>} : memref<16x128xf32, #tpu.memory_space<vmem>>, vector<16xf32>,
      %broadcast_in_dim3A_1695 = arith.constant 112 : i32
      %broadcast_in_dim3A_1696 = vector.broadcast %broadcast_in_dim3A_1695 : i32 to vector<16xi32>
      %gather3A_1697 = tpu.vector_load_idx %arg6[%iota3A, %broadcast_in_dim3A_1696] : memref<16x128xf32, #tpu.memory_space<vmem>>[vector<16xi32>, vector<16xi32>], vector<16xf32>,
      %swap3A_1698 = arith.constant 14 : i32
      %swap3A_1699 = arith.index_cast %swap3A_1698 : i32 to index
      %swap3A_1700 = arith.constant 0 : index
      %swap3A_1701 = tpu.vector_load %arg7[%swap3A_1699, %swap3A_1700] {strides = array<i32>} : memref<16x128xf32, #tpu.memory_space<vmem>>, vector<16xf32>,
      tpu.vector_store %arg7[%swap3A_1699, %swap3A_1700], %gather3A_1697 {strides = array<i32>} : memref<16x128xf32, #tpu.memory_space<vmem>>, vector<16xf32>,
      %broadcast_in_dim3A_1702 = arith.constant 113 : i32
      %broadcast_in_dim3A_1703 = vector.broadcast %broadcast_in_dim3A_1702 : i32 to vector<16xi32>
      %gather3A_1704 = tpu.vector_load_idx %arg6[%iota3A, %broadcast_in_dim3A_1703] : memref<16x128xf32, #tpu.memory_space<vmem>>[vector<16xi32>, vector<16xi32>], vector<16xf32>,
      %swap3A_1705 = arith.constant 14 : i32
      %swap3A_1706 = arith.index_cast %swap3A_1705 : i32 to index
      %swap3A_1707 = arith.constant 16 : index
      %swap3A_1708 = tpu.vector_load %arg7[%swap3A_1706, %swap3A_1707] {strides = array<i32>} : memref<16x128xf32, #tpu.memory_space<vmem>>, vector<16xf32>,
      tpu.vector_store %arg7[%swap3A_1706, %swap3A_1707], %gather3A_1704 {strides = array<i32>} : memref<16x128xf32, #tpu.memory_space<vmem>>, vector<16xf32>,
      %broadcast_in_dim3A_1709 = arith.constant 114 : i32
      %broadcast_in_dim3A_1710 = vector.broadcast %broadcast_in_dim3A_1709 : i32 to vector<16xi32>
      %gather3A_1711 = tpu.vector_load_idx %arg6[%iota3A, %broadcast_in_dim3A_1710] : memref<16x128xf32, #tpu.memory_space<vmem>>[vector<16xi32>, vector<16xi32>], vector<16xf32>,
      %swap3A_1712 = arith.constant 14 : i32
      %swap3A_1713 = arith.index_cast %swap3A_1712 : i32 to index
      %swap3A_1714 = arith.constant 32 : index
      %swap3A_1715 = tpu.vector_load %arg7[%swap3A_1713, %swap3A_1714] {strides = array<i32>} : memref<16x128xf32, #tpu.memory_space<vmem>>, vector<16xf32>,
      tpu.vector_store %arg7[%swap3A_1713, %swap3A_1714], %gather3A_1711 {strides = array<i32>} : memref<16x128xf32, #tpu.memory_space<vmem>>, vector<16xf32>,
      %broadcast_in_dim3A_1716 = arith.constant 115 : i32
      %broadcast_in_dim3A_1717 = vector.broadcast %broadcast_in_dim3A_1716 : i32 to vector<16xi32>
      %gather3A_1718 = tpu.vector_load_idx %arg6[%iota3A, %broadcast_in_dim3A_1717] : memref<16x128xf32, #tpu.memory_space<vmem>>[vector<16xi32>, vector<16xi32>], vector<16xf32>,
      %swap3A_1719 = arith.constant 14 : i32
      %swap3A_1720 = arith.index_cast %swap3A_1719 : i32 to index
      %swap3A_1721 = arith.constant 48 : index
      %swap3A_1722 = tpu.vector_load %arg7[%swap3A_1720, %swap3A_1721] {strides = array<i32>} : memref<16x128xf32, #tpu.memory_space<vmem>>, vector<16xf32>,
      tpu.vector_store %arg7[%swap3A_1720, %swap3A_1721], %gather3A_1718 {strides = array<i32>} : memref<16x128xf32, #tpu.memory_space<vmem>>, vector<16xf32>,
      %broadcast_in_dim3A_1723 = arith.constant 116 : i32
      %broadcast_in_dim3A_1724 = vector.broadcast %broadcast_in_dim3A_1723 : i32 to vector<16xi32>
      %gather3A_1725 = tpu.vector_load_idx %arg6[%iota3A, %broadcast_in_dim3A_1724] : memref<16x128xf32, #tpu.memory_space<vmem>>[vector<16xi32>, vector<16xi32>], vector<16xf32>,
      %swap3A_1726 = arith.constant 14 : i32
      %swap3A_1727 = arith.index_cast %swap3A_1726 : i32 to index
      %swap3A_1728 = arith.constant 64 : index
      %swap3A_1729 = tpu.vector_load %arg7[%swap3A_1727, %swap3A_1728] {strides = array<i32>} : memref<16x128xf32, #tpu.memory_space<vmem>>, vector<16xf32>,
      tpu.vector_store %arg7[%swap3A_1727, %swap3A_1728], %gather3A_1725 {strides = array<i32>} : memref<16x128xf32, #tpu.memory_space<vmem>>, vector<16xf32>,
      %broadcast_in_dim3A_1730 = arith.constant 117 : i32
      %broadcast_in_dim3A_1731 = vector.broadcast %broadcast_in_dim3A_1730 : i32 to vector<16xi32>
      %gather3A_1732 = tpu.vector_load_idx %arg6[%iota3A, %broadcast_in_dim3A_1731] : memref<16x128xf32, #tpu.memory_space<vmem>>[vector<16xi32>, vector<16xi32>], vector<16xf32>,
      %swap3A_1733 = arith.constant 14 : i32
      %swap3A_1734 = arith.index_cast %swap3A_1733 : i32 to index
      %swap3A_1735 = arith.constant 80 : index
      %swap3A_1736 = tpu.vector_load %arg7[%swap3A_1734, %swap3A_1735] {strides = array<i32>} : memref<16x128xf32, #tpu.memory_space<vmem>>, vector<16xf32>,
      tpu.vector_store %arg7[%swap3A_1734, %swap3A_1735], %gather3A_1732 {strides = array<i32>} : memref<16x128xf32, #tpu.memory_space<vmem>>, vector<16xf32>,
      %broadcast_in_dim3A_1737 = arith.constant 118 : i32
      %broadcast_in_dim3A_1738 = vector.broadcast %broadcast_in_dim3A_1737 : i32 to vector<16xi32>
      %gather3A_1739 = tpu.vector_load_idx %arg6[%iota3A, %broadcast_in_dim3A_1738] : memref<16x128xf32, #tpu.memory_space<vmem>>[vector<16xi32>, vector<16xi32>], vector<16xf32>,
      %swap3A_1740 = arith.constant 14 : i32
      %swap3A_1741 = arith.index_cast %swap3A_1740 : i32 to index
      %swap3A_1742 = arith.constant 96 : index
      %swap3A_1743 = tpu.vector_load %arg7[%swap3A_1741, %swap3A_1742] {strides = array<i32>} : memref<16x128xf32, #tpu.memory_space<vmem>>, vector<16xf32>,
      tpu.vector_store %arg7[%swap3A_1741, %swap3A_1742], %gather3A_1739 {strides = array<i32>} : memref<16x128xf32, #tpu.memory_space<vmem>>, vector<16xf32>,
      %broadcast_in_dim3A_1744 = arith.constant 119 : i32
      %broadcast_in_dim3A_1745 = vector.broadcast %broadcast_in_dim3A_1744 : i32 to vector<16xi32>
      %gather3A_1746 = tpu.vector_load_idx %arg6[%iota3A, %broadcast_in_dim3A_1745] : memref<16x128xf32, #tpu.memory_space<vmem>>[vector<16xi32>, vector<16xi32>], vector<16xf32>,
      %swap3A_1747 = arith.constant 14 : i32
      %swap3A_1748 = arith.index_cast %swap3A_1747 : i32 to index
      %swap3A_1749 = arith.constant 112 : index
      %swap3A_1750 = tpu.vector_load %arg7[%swap3A_1748, %swap3A_1749] {strides = array<i32>} : memref<16x128xf32, #tpu.memory_space<vmem>>, vector<16xf32>,
      tpu.vector_store %arg7[%swap3A_1748, %swap3A_1749], %gather3A_1746 {strides = array<i32>} : memref<16x128xf32, #tpu.memory_space<vmem>>, vector<16xf32>,
      %broadcast_in_dim3A_1751 = arith.constant 120 : i32
      %broadcast_in_dim3A_1752 = vector.broadcast %broadcast_in_dim3A_1751 : i32 to vector<16xi32>
      %gather3A_1753 = tpu.vector_load_idx %arg6[%iota3A, %broadcast_in_dim3A_1752] : memref<16x128xf32, #tpu.memory_space<vmem>>[vector<16xi32>, vector<16xi32>], vector<16xf32>,
      %swap3A_1754 = arith.constant 15 : i32
      %swap3A_1755 = arith.index_cast %swap3A_1754 : i32 to index
      %swap3A_1756 = arith.constant 0 : index
      %swap3A_1757 = tpu.vector_load %arg7[%swap3A_1755, %swap3A_1756] {strides = array<i32>} : memref<16x128xf32, #tpu.memory_space<vmem>>, vector<16xf32>,
      tpu.vector_store %arg7[%swap3A_1755, %swap3A_1756], %gather3A_1753 {strides = array<i32>} : memref<16x128xf32, #tpu.memory_space<vmem>>, vector<16xf32>,
      %broadcast_in_dim3A_1758 = arith.constant 121 : i32
      %broadcast_in_dim3A_1759 = vector.broadcast %broadcast_in_dim3A_1758 : i32 to vector<16xi32>
      %gather3A_1760 = tpu.vector_load_idx %arg6[%iota3A, %broadcast_in_dim3A_1759] : memref<16x128xf32, #tpu.memory_space<vmem>>[vector<16xi32>, vector<16xi32>], vector<16xf32>,
      %swap3A_1761 = arith.constant 15 : i32
      %swap3A_1762 = arith.index_cast %swap3A_1761 : i32 to index
      %swap3A_1763 = arith.constant 16 : index
      %swap3A_1764 = tpu.vector_load %arg7[%swap3A_1762, %swap3A_1763] {strides = array<i32>} : memref<16x128xf32, #tpu.memory_space<vmem>>, vector<16xf32>,
      tpu.vector_store %arg7[%swap3A_1762, %swap3A_1763], %gather3A_1760 {strides = array<i32>} : memref<16x128xf32, #tpu.memory_space<vmem>>, vector<16xf32>,
      %broadcast_in_dim3A_1765 = arith.constant 122 : i32
      %broadcast_in_dim3A_1766 = vector.broadcast %broadcast_in_dim3A_1765 : i32 to vector<16xi32>
      %gather3A_1767 = tpu.vector_load_idx %arg6[%iota3A, %broadcast_in_dim3A_1766] : memref<16x128xf32, #tpu.memory_space<vmem>>[vector<16xi32>, vector<16xi32>], vector<16xf32>,
      %swap3A_1768 = arith.constant 15 : i32
      %swap3A_1769 = arith.index_cast %swap3A_1768 : i32 to index
      %swap3A_1770 = arith.constant 32 : index
      %swap3A_1771 = tpu.vector_load %arg7[%swap3A_1769, %swap3A_1770] {strides = array<i32>} : memref<16x128xf32, #tpu.memory_space<vmem>>, vector<16xf32>,
      tpu.vector_store %arg7[%swap3A_1769, %swap3A_1770], %gather3A_1767 {strides = array<i32>} : memref<16x128xf32, #tpu.memory_space<vmem>>, vector<16xf32>,
      %broadcast_in_dim3A_1772 = arith.constant 123 : i32
      %broadcast_in_dim3A_1773 = vector.broadcast %broadcast_in_dim3A_1772 : i32 to vector<16xi32>
      %gather3A_1774 = tpu.vector_load_idx %arg6[%iota3A, %broadcast_in_dim3A_1773] : memref<16x128xf32, #tpu.memory_space<vmem>>[vector<16xi32>, vector<16xi32>], vector<16xf32>,
      %swap3A_1775 = arith.constant 15 : i32
      %swap3A_1776 = arith.index_cast %swap3A_1775 : i32 to index
      %swap3A_1777 = arith.constant 48 : index
      %swap3A_1778 = tpu.vector_load %arg7[%swap3A_1776, %swap3A_1777] {strides = array<i32>} : memref<16x128xf32, #tpu.memory_space<vmem>>, vector<16xf32>,
      tpu.vector_store %arg7[%swap3A_1776, %swap3A_1777], %gather3A_1774 {strides = array<i32>} : memref<16x128xf32, #tpu.memory_space<vmem>>, vector<16xf32>,
      %broadcast_in_dim3A_1779 = arith.constant 124 : i32
      %broadcast_in_dim3A_1780 = vector.broadcast %broadcast_in_dim3A_1779 : i32 to vector<16xi32>
      %gather3A_1781 = tpu.vector_load_idx %arg6[%iota3A, %broadcast_in_dim3A_1780] : memref<16x128xf32, #tpu.memory_space<vmem>>[vector<16xi32>, vector<16xi32>], vector<16xf32>,
      %swap3A_1782 = arith.constant 15 : i32
      %swap3A_1783 = arith.index_cast %swap3A_1782 : i32 to index
      %swap3A_1784 = arith.constant 64 : index
      %swap3A_1785 = tpu.vector_load %arg7[%swap3A_1783, %swap3A_1784] {strides = array<i32>} : memref<16x128xf32, #tpu.memory_space<vmem>>, vector<16xf32>,
      tpu.vector_store %arg7[%swap3A_1783, %swap3A_1784], %gather3A_1781 {strides = array<i32>} : memref<16x128xf32, #tpu.memory_space<vmem>>, vector<16xf32>,
      %broadcast_in_dim3A_1786 = arith.constant 125 : i32
      %broadcast_in_dim3A_1787 = vector.broadcast %broadcast_in_dim3A_1786 : i32 to vector<16xi32>
      %gather3A_1788 = tpu.vector_load_idx %arg6[%iota3A, %broadcast_in_dim3A_1787] : memref<16x128xf32, #tpu.memory_space<vmem>>[vector<16xi32>, vector<16xi32>], vector<16xf32>,
      %swap3A_1789 = arith.constant 15 : i32
      %swap3A_1790 = arith.index_cast %swap3A_1789 : i32 to index
      %swap3A_1791 = arith.constant 80 : index
      %swap3A_1792 = tpu.vector_load %arg7[%swap3A_1790, %swap3A_1791] {strides = array<i32>} : memref<16x128xf32, #tpu.memory_space<vmem>>, vector<16xf32>,
      tpu.vector_store %arg7[%swap3A_1790, %swap3A_1791], %gather3A_1788 {strides = array<i32>} : memref<16x128xf32, #tpu.memory_space<vmem>>, vector<16xf32>,
      %broadcast_in_dim3A_1793 = arith.constant 126 : i32
      %broadcast_in_dim3A_1794 = vector.broadcast %broadcast_in_dim3A_1793 : i32 to vector<16xi32>
      %gather3A_1795 = tpu.vector_load_idx %arg6[%iota3A, %broadcast_in_dim3A_1794] : memref<16x128xf32, #tpu.memory_space<vmem>>[vector<16xi32>, vector<16xi32>], vector<16xf32>,
      %swap3A_1796 = arith.constant 15 : i32
      %swap3A_1797 = arith.index_cast %swap3A_1796 : i32 to index
      %swap3A_1798 = arith.constant 96 : index
      %swap3A_1799 = tpu.vector_load %arg7[%swap3A_1797, %swap3A_1798] {strides = array<i32>} : memref<16x128xf32, #tpu.memory_space<vmem>>, vector<16xf32>,
      tpu.vector_store %arg7[%swap3A_1797, %swap3A_1798], %gather3A_1795 {strides = array<i32>} : memref<16x128xf32, #tpu.memory_space<vmem>>, vector<16xf32>,
      %broadcast_in_dim3A_1800 = arith.constant 127 : i32
      %broadcast_in_dim3A_1801 = vector.broadcast %broadcast_in_dim3A_1800 : i32 to vector<16xi32>
      %gather3A_1802 = tpu.vector_load_idx %arg6[%iota3A, %broadcast_in_dim3A_1801] : memref<16x128xf32, #tpu.memory_space<vmem>>[vector<16xi32>, vector<16xi32>], vector<16xf32>,
      %swap3A_1803 = arith.constant 15 : i32
      %swap3A_1804 = arith.index_cast %swap3A_1803 : i32 to index
      %swap3A_1805 = arith.constant 112 : index
      %swap3A_1806 = tpu.vector_load %arg7[%swap3A_1804, %swap3A_1805] {strides = array<i32>} : memref<16x128xf32, #tpu.memory_space<vmem>>, vector<16xf32>,
      tpu.vector_store %arg7[%swap3A_1804, %swap3A_1805], %gather3A_1802 {strides = array<i32>} : memref<16x128xf32, #tpu.memory_space<vmem>>, vector<16xf32>,
      "tpu.region"() ({
        %run_scoped3A = tpu.sem_alloc : memref<!tpu.dma_semaphore, #tpu.memory_space<semaphore_mem>>
        %dma_start3A = arith.constant 0 : i32
        %dma_start3A_1807 = tpu.memref_slice %arg5[%multiple_of3A_17, %dma_start3A] : memref<12500x128xf32, #tpu.memory_space<hbm>> -> memref<16x128xf32, #tpu.memory_space<hbm>>
        %dma_start3A_1808 = arith.constant 0 : i32
        %dma_start3A_1809 = tpu.memref_slice %arg5[%multiple_of3A_17, %dma_start3A_1808] : memref<12500x128xf32, #tpu.memory_space<hbm>> -> memref<16x128xf32, #tpu.memory_space<hbm>>
        tpu.enqueue_dma source(%arg7 : memref<16x128xf32, #tpu.memory_space<vmem>>) target(%dma_start3A_1809 : memref<16x128xf32, #tpu.memory_space<hbm>>) target_semaphore(%run_scoped3A : memref<!tpu.dma_semaphore, #tpu.memory_space<semaphore_mem>>)
        %dma_wait3A = arith.constant 0 : i32
        %dma_wait3A_1810 = tpu.memref_slice %arg5[%multiple_of3A_17, %dma_wait3A] : memref<12500x128xf32, #tpu.memory_space<hbm>> -> memref<16x128xf32, #tpu.memory_space<hbm>>
        %dma_wait3A_1811 = arith.constant 0 : i32
        %dma_wait3A_1812 = tpu.memref_slice %arg5[%multiple_of3A_17, %dma_wait3A_1811] : memref<12500x128xf32, #tpu.memory_space<hbm>> -> memref<16x128xf32, #tpu.memory_space<hbm>>
        tpu.wait_dma2 semaphore(%run_scoped3A : memref<!tpu.dma_semaphore, #tpu.memory_space<semaphore_mem>>) src(%arg7 : memref<16x128xf32, #tpu.memory_space<vmem>>) dst(%dma_wait3A_1812 : memref<16x128xf32, #tpu.memory_space<hbm>>)
        tpu.yield
      }) : () -> ()
    }
    %scan3A_5 = arith.constant 25 : i32
    %eq3A = arith.constant 0 : i32
    %eq3A_6 = arith.cmpi eq, %add3A, %eq3A : i32
    %convert_element_type3A = arith.extui %eq3A_6 : i1 to i32
    %cond3A = arith.constant 0 : i32
    %cond3A_7 = arith.cmpi ne, %convert_element_type3A, %cond3A : i32
    scf.if %cond3A_7 {
      %mul3A_8 = arith.constant 781 : i32
      %mul3A_9 = arith.constant 128 : i32
      %mul3A_10 = arith.muli %mul3A_8, %mul3A_9 : i32
      %multiple_of3A = tpu.assume_multiple %mul3A_10, 128 : i32
      %mul3A_11 = arith.constant 781 : i32
      %mul3A_12 = arith.constant 16 : i32
      %mul3A_13 = arith.muli %mul3A_11, %mul3A_12 : i32
      %multiple_of3A_14 = tpu.assume_multiple %mul3A_13, 8 : i32
      "tpu.region"() ({
        %run_scoped3A = tpu.sem_alloc : memref<!tpu.dma_semaphore, #tpu.memory_space<semaphore_mem>>
        %dma_start3A = arith.constant 0 : i32
        %dma_start3A_460 = tpu.memref_slice %arg2[%dma_start3A, %multiple_of3A] : memref<16x100000xf32, #tpu.memory_space<hbm>> -> memref<16x128xf32, #tpu.memory_space<hbm>>
        %dma_start3A_461 = arith.constant 0 : i32
        %dma_start3A_462 = tpu.memref_slice %arg2[%dma_start3A_461, %multiple_of3A] : memref<16x100000xf32, #tpu.memory_space<hbm>> -> memref<16x128xf32, #tpu.memory_space<hbm>>
        tpu.enqueue_dma source(%dma_start3A_462 : memref<16x128xf32, #tpu.memory_space<hbm>>) target(%arg6 : memref<16x128xf32, #tpu.memory_space<vmem>>) target_semaphore(%run_scoped3A : memref<!tpu.dma_semaphore, #tpu.memory_space<semaphore_mem>>)
        %dma_wait3A = arith.constant 0 : i32
        %dma_wait3A_463 = tpu.memref_slice %arg2[%dma_wait3A, %multiple_of3A] : memref<16x100000xf32, #tpu.memory_space<hbm>> -> memref<16x128xf32, #tpu.memory_space<hbm>>
        %dma_wait3A_464 = arith.constant 0 : i32
        %dma_wait3A_465 = tpu.memref_slice %arg2[%dma_wait3A_464, %multiple_of3A] : memref<16x100000xf32, #tpu.memory_space<hbm>> -> memref<16x128xf32, #tpu.memory_space<hbm>>
        tpu.wait_dma2 semaphore(%run_scoped3A : memref<!tpu.dma_semaphore, #tpu.memory_space<semaphore_mem>>) src(%dma_wait3A_465 : memref<16x128xf32, #tpu.memory_space<hbm>>) dst(%arg6 : memref<16x128xf32, #tpu.memory_space<vmem>>)
        tpu.yield
      }) : () -> ()
      %broadcast_in_dim3A = arith.constant 0 : i32
      %broadcast_in_dim3A_15 = vector.broadcast %broadcast_in_dim3A : i32 to vector<16xi32>
      %gather3A = tpu.vector_load_idx %arg6[%iota3A, %broadcast_in_dim3A_15] : memref<16x128xf32, #tpu.memory_space<vmem>>[vector<16xi32>, vector<16xi32>], vector<16xf32>,
      %swap3A = arith.constant 0 : i32
      %swap3A_16 = arith.index_cast %swap3A : i32 to index
      %swap3A_17 = arith.constant 0 : index
      %swap3A_18 = tpu.vector_load %arg7[%swap3A_16, %swap3A_17] {strides = array<i32>} : memref<16x128xf32, #tpu.memory_space<vmem>>, vector<16xf32>,
      tpu.vector_store %arg7[%swap3A_16, %swap3A_17], %gather3A {strides = array<i32>} : memref<16x128xf32, #tpu.memory_space<vmem>>, vector<16xf32>,
      %broadcast_in_dim3A_19 = arith.constant 1 : i32
      %broadcast_in_dim3A_20 = vector.broadcast %broadcast_in_dim3A_19 : i32 to vector<16xi32>
      %gather3A_21 = tpu.vector_load_idx %arg6[%iota3A, %broadcast_in_dim3A_20] : memref<16x128xf32, #tpu.memory_space<vmem>>[vector<16xi32>, vector<16xi32>], vector<16xf32>,
      %swap3A_22 = arith.constant 0 : i32
      %swap3A_23 = arith.index_cast %swap3A_22 : i32 to index
      %swap3A_24 = arith.constant 16 : index
      %swap3A_25 = tpu.vector_load %arg7[%swap3A_23, %swap3A_24] {strides = array<i32>} : memref<16x128xf32, #tpu.memory_space<vmem>>, vector<16xf32>,
      tpu.vector_store %arg7[%swap3A_23, %swap3A_24], %gather3A_21 {strides = array<i32>} : memref<16x128xf32, #tpu.memory_space<vmem>>, vector<16xf32>,
      %broadcast_in_dim3A_26 = arith.constant 2 : i32
      %broadcast_in_dim3A_27 = vector.broadcast %broadcast_in_dim3A_26 : i32 to vector<16xi32>
      %gather3A_28 = tpu.vector_load_idx %arg6[%iota3A, %broadcast_in_dim3A_27] : memref<16x128xf32, #tpu.memory_space<vmem>>[vector<16xi32>, vector<16xi32>], vector<16xf32>,
      %swap3A_29 = arith.constant 0 : i32
      %swap3A_30 = arith.index_cast %swap3A_29 : i32 to index
      %swap3A_31 = arith.constant 32 : index
      %swap3A_32 = tpu.vector_load %arg7[%swap3A_30, %swap3A_31] {strides = array<i32>} : memref<16x128xf32, #tpu.memory_space<vmem>>, vector<16xf32>,
      tpu.vector_store %arg7[%swap3A_30, %swap3A_31], %gather3A_28 {strides = array<i32>} : memref<16x128xf32, #tpu.memory_space<vmem>>, vector<16xf32>,
      %broadcast_in_dim3A_33 = arith.constant 3 : i32
      %broadcast_in_dim3A_34 = vector.broadcast %broadcast_in_dim3A_33 : i32 to vector<16xi32>
      %gather3A_35 = tpu.vector_load_idx %arg6[%iota3A, %broadcast_in_dim3A_34] : memref<16x128xf32, #tpu.memory_space<vmem>>[vector<16xi32>, vector<16xi32>], vector<16xf32>,
      %swap3A_36 = arith.constant 0 : i32
      %swap3A_37 = arith.index_cast %swap3A_36 : i32 to index
      %swap3A_38 = arith.constant 48 : index
      %swap3A_39 = tpu.vector_load %arg7[%swap3A_37, %swap3A_38] {strides = array<i32>} : memref<16x128xf32, #tpu.memory_space<vmem>>, vector<16xf32>,
      tpu.vector_store %arg7[%swap3A_37, %swap3A_38], %gather3A_35 {strides = array<i32>} : memref<16x128xf32, #tpu.memory_space<vmem>>, vector<16xf32>,
      %broadcast_in_dim3A_40 = arith.constant 4 : i32
      %broadcast_in_dim3A_41 = vector.broadcast %broadcast_in_dim3A_40 : i32 to vector<16xi32>
      %gather3A_42 = tpu.vector_load_idx %arg6[%iota3A, %broadcast_in_dim3A_41] : memref<16x128xf32, #tpu.memory_space<vmem>>[vector<16xi32>, vector<16xi32>], vector<16xf32>,
      %swap3A_43 = arith.constant 0 : i32
      %swap3A_44 = arith.index_cast %swap3A_43 : i32 to index
      %swap3A_45 = arith.constant 64 : index
      %swap3A_46 = tpu.vector_load %arg7[%swap3A_44, %swap3A_45] {strides = array<i32>} : memref<16x128xf32, #tpu.memory_space<vmem>>, vector<16xf32>,
      tpu.vector_store %arg7[%swap3A_44, %swap3A_45], %gather3A_42 {strides = array<i32>} : memref<16x128xf32, #tpu.memory_space<vmem>>, vector<16xf32>,
      %broadcast_in_dim3A_47 = arith.constant 5 : i32
      %broadcast_in_dim3A_48 = vector.broadcast %broadcast_in_dim3A_47 : i32 to vector<16xi32>
      %gather3A_49 = tpu.vector_load_idx %arg6[%iota3A, %broadcast_in_dim3A_48] : memref<16x128xf32, #tpu.memory_space<vmem>>[vector<16xi32>, vector<16xi32>], vector<16xf32>,
      %swap3A_50 = arith.constant 0 : i32
      %swap3A_51 = arith.index_cast %swap3A_50 : i32 to index
      %swap3A_52 = arith.constant 80 : index
      %swap3A_53 = tpu.vector_load %arg7[%swap3A_51, %swap3A_52] {strides = array<i32>} : memref<16x128xf32, #tpu.memory_space<vmem>>, vector<16xf32>,
      tpu.vector_store %arg7[%swap3A_51, %swap3A_52], %gather3A_49 {strides = array<i32>} : memref<16x128xf32, #tpu.memory_space<vmem>>, vector<16xf32>,
      %broadcast_in_dim3A_54 = arith.constant 6 : i32
      %broadcast_in_dim3A_55 = vector.broadcast %broadcast_in_dim3A_54 : i32 to vector<16xi32>
      %gather3A_56 = tpu.vector_load_idx %arg6[%iota3A, %broadcast_in_dim3A_55] : memref<16x128xf32, #tpu.memory_space<vmem>>[vector<16xi32>, vector<16xi32>], vector<16xf32>,
      %swap3A_57 = arith.constant 0 : i32
      %swap3A_58 = arith.index_cast %swap3A_57 : i32 to index
      %swap3A_59 = arith.constant 96 : index
      %swap3A_60 = tpu.vector_load %arg7[%swap3A_58, %swap3A_59] {strides = array<i32>} : memref<16x128xf32, #tpu.memory_space<vmem>>, vector<16xf32>,
      tpu.vector_store %arg7[%swap3A_58, %swap3A_59], %gather3A_56 {strides = array<i32>} : memref<16x128xf32, #tpu.memory_space<vmem>>, vector<16xf32>,
      %broadcast_in_dim3A_61 = arith.constant 7 : i32
      %broadcast_in_dim3A_62 = vector.broadcast %broadcast_in_dim3A_61 : i32 to vector<16xi32>
      %gather3A_63 = tpu.vector_load_idx %arg6[%iota3A, %broadcast_in_dim3A_62] : memref<16x128xf32, #tpu.memory_space<vmem>>[vector<16xi32>, vector<16xi32>], vector<16xf32>,
      %swap3A_64 = arith.constant 0 : i32
      %swap3A_65 = arith.index_cast %swap3A_64 : i32 to index
      %swap3A_66 = arith.constant 112 : index
      %swap3A_67 = tpu.vector_load %arg7[%swap3A_65, %swap3A_66] {strides = array<i32>} : memref<16x128xf32, #tpu.memory_space<vmem>>, vector<16xf32>,
      tpu.vector_store %arg7[%swap3A_65, %swap3A_66], %gather3A_63 {strides = array<i32>} : memref<16x128xf32, #tpu.memory_space<vmem>>, vector<16xf32>,
      %broadcast_in_dim3A_68 = arith.constant 8 : i32
      %broadcast_in_dim3A_69 = vector.broadcast %broadcast_in_dim3A_68 : i32 to vector<16xi32>
      %gather3A_70 = tpu.vector_load_idx %arg6[%iota3A, %broadcast_in_dim3A_69] : memref<16x128xf32, #tpu.memory_space<vmem>>[vector<16xi32>, vector<16xi32>], vector<16xf32>,
      %swap3A_71 = arith.constant 1 : i32
      %swap3A_72 = arith.index_cast %swap3A_71 : i32 to index
      %swap3A_73 = arith.constant 0 : index
      %swap3A_74 = tpu.vector_load %arg7[%swap3A_72, %swap3A_73] {strides = array<i32>} : memref<16x128xf32, #tpu.memory_space<vmem>>, vector<16xf32>,
      tpu.vector_store %arg7[%swap3A_72, %swap3A_73], %gather3A_70 {strides = array<i32>} : memref<16x128xf32, #tpu.memory_space<vmem>>, vector<16xf32>,
      %broadcast_in_dim3A_75 = arith.constant 9 : i32
      %broadcast_in_dim3A_76 = vector.broadcast %broadcast_in_dim3A_75 : i32 to vector<16xi32>
      %gather3A_77 = tpu.vector_load_idx %arg6[%iota3A, %broadcast_in_dim3A_76] : memref<16x128xf32, #tpu.memory_space<vmem>>[vector<16xi32>, vector<16xi32>], vector<16xf32>,
      %swap3A_78 = arith.constant 1 : i32
      %swap3A_79 = arith.index_cast %swap3A_78 : i32 to index
      %swap3A_80 = arith.constant 16 : index
      %swap3A_81 = tpu.vector_load %arg7[%swap3A_79, %swap3A_80] {strides = array<i32>} : memref<16x128xf32, #tpu.memory_space<vmem>>, vector<16xf32>,
      tpu.vector_store %arg7[%swap3A_79, %swap3A_80], %gather3A_77 {strides = array<i32>} : memref<16x128xf32, #tpu.memory_space<vmem>>, vector<16xf32>,
      %broadcast_in_dim3A_82 = arith.constant 10 : i32
      %broadcast_in_dim3A_83 = vector.broadcast %broadcast_in_dim3A_82 : i32 to vector<16xi32>
      %gather3A_84 = tpu.vector_load_idx %arg6[%iota3A, %broadcast_in_dim3A_83] : memref<16x128xf32, #tpu.memory_space<vmem>>[vector<16xi32>, vector<16xi32>], vector<16xf32>,
      %swap3A_85 = arith.constant 1 : i32
      %swap3A_86 = arith.index_cast %swap3A_85 : i32 to index
      %swap3A_87 = arith.constant 32 : index
      %swap3A_88 = tpu.vector_load %arg7[%swap3A_86, %swap3A_87] {strides = array<i32>} : memref<16x128xf32, #tpu.memory_space<vmem>>, vector<16xf32>,
      tpu.vector_store %arg7[%swap3A_86, %swap3A_87], %gather3A_84 {strides = array<i32>} : memref<16x128xf32, #tpu.memory_space<vmem>>, vector<16xf32>,
      %broadcast_in_dim3A_89 = arith.constant 11 : i32
      %broadcast_in_dim3A_90 = vector.broadcast %broadcast_in_dim3A_89 : i32 to vector<16xi32>
      %gather3A_91 = tpu.vector_load_idx %arg6[%iota3A, %broadcast_in_dim3A_90] : memref<16x128xf32, #tpu.memory_space<vmem>>[vector<16xi32>, vector<16xi32>], vector<16xf32>,
      %swap3A_92 = arith.constant 1 : i32
      %swap3A_93 = arith.index_cast %swap3A_92 : i32 to index
      %swap3A_94 = arith.constant 48 : index
      %swap3A_95 = tpu.vector_load %arg7[%swap3A_93, %swap3A_94] {strides = array<i32>} : memref<16x128xf32, #tpu.memory_space<vmem>>, vector<16xf32>,
      tpu.vector_store %arg7[%swap3A_93, %swap3A_94], %gather3A_91 {strides = array<i32>} : memref<16x128xf32, #tpu.memory_space<vmem>>, vector<16xf32>,
      %broadcast_in_dim3A_96 = arith.constant 12 : i32
      %broadcast_in_dim3A_97 = vector.broadcast %broadcast_in_dim3A_96 : i32 to vector<16xi32>
      %gather3A_98 = tpu.vector_load_idx %arg6[%iota3A, %broadcast_in_dim3A_97] : memref<16x128xf32, #tpu.memory_space<vmem>>[vector<16xi32>, vector<16xi32>], vector<16xf32>,
      %swap3A_99 = arith.constant 1 : i32
      %swap3A_100 = arith.index_cast %swap3A_99 : i32 to index
      %swap3A_101 = arith.constant 64 : index
      %swap3A_102 = tpu.vector_load %arg7[%swap3A_100, %swap3A_101] {strides = array<i32>} : memref<16x128xf32, #tpu.memory_space<vmem>>, vector<16xf32>,
      tpu.vector_store %arg7[%swap3A_100, %swap3A_101], %gather3A_98 {strides = array<i32>} : memref<16x128xf32, #tpu.memory_space<vmem>>, vector<16xf32>,
      %broadcast_in_dim3A_103 = arith.constant 13 : i32
      %broadcast_in_dim3A_104 = vector.broadcast %broadcast_in_dim3A_103 : i32 to vector<16xi32>
      %gather3A_105 = tpu.vector_load_idx %arg6[%iota3A, %broadcast_in_dim3A_104] : memref<16x128xf32, #tpu.memory_space<vmem>>[vector<16xi32>, vector<16xi32>], vector<16xf32>,
      %swap3A_106 = arith.constant 1 : i32
      %swap3A_107 = arith.index_cast %swap3A_106 : i32 to index
      %swap3A_108 = arith.constant 80 : index
      %swap3A_109 = tpu.vector_load %arg7[%swap3A_107, %swap3A_108] {strides = array<i32>} : memref<16x128xf32, #tpu.memory_space<vmem>>, vector<16xf32>,
      tpu.vector_store %arg7[%swap3A_107, %swap3A_108], %gather3A_105 {strides = array<i32>} : memref<16x128xf32, #tpu.memory_space<vmem>>, vector<16xf32>,
      %broadcast_in_dim3A_110 = arith.constant 14 : i32
      %broadcast_in_dim3A_111 = vector.broadcast %broadcast_in_dim3A_110 : i32 to vector<16xi32>
      %gather3A_112 = tpu.vector_load_idx %arg6[%iota3A, %broadcast_in_dim3A_111] : memref<16x128xf32, #tpu.memory_space<vmem>>[vector<16xi32>, vector<16xi32>], vector<16xf32>,
      %swap3A_113 = arith.constant 1 : i32
      %swap3A_114 = arith.index_cast %swap3A_113 : i32 to index
      %swap3A_115 = arith.constant 96 : index
      %swap3A_116 = tpu.vector_load %arg7[%swap3A_114, %swap3A_115] {strides = array<i32>} : memref<16x128xf32, #tpu.memory_space<vmem>>, vector<16xf32>,
      tpu.vector_store %arg7[%swap3A_114, %swap3A_115], %gather3A_112 {strides = array<i32>} : memref<16x128xf32, #tpu.memory_space<vmem>>, vector<16xf32>,
      %broadcast_in_dim3A_117 = arith.constant 15 : i32
      %broadcast_in_dim3A_118 = vector.broadcast %broadcast_in_dim3A_117 : i32 to vector<16xi32>
      %gather3A_119 = tpu.vector_load_idx %arg6[%iota3A, %broadcast_in_dim3A_118] : memref<16x128xf32, #tpu.memory_space<vmem>>[vector<16xi32>, vector<16xi32>], vector<16xf32>,
      %swap3A_120 = arith.constant 1 : i32
      %swap3A_121 = arith.index_cast %swap3A_120 : i32 to index
      %swap3A_122 = arith.constant 112 : index
      %swap3A_123 = tpu.vector_load %arg7[%swap3A_121, %swap3A_122] {strides = array<i32>} : memref<16x128xf32, #tpu.memory_space<vmem>>, vector<16xf32>,
      tpu.vector_store %arg7[%swap3A_121, %swap3A_122], %gather3A_119 {strides = array<i32>} : memref<16x128xf32, #tpu.memory_space<vmem>>, vector<16xf32>,
      %broadcast_in_dim3A_124 = arith.constant 16 : i32
      %broadcast_in_dim3A_125 = vector.broadcast %broadcast_in_dim3A_124 : i32 to vector<16xi32>
      %gather3A_126 = tpu.vector_load_idx %arg6[%iota3A, %broadcast_in_dim3A_125] : memref<16x128xf32, #tpu.memory_space<vmem>>[vector<16xi32>, vector<16xi32>], vector<16xf32>,
      %swap3A_127 = arith.constant 2 : i32
      %swap3A_128 = arith.index_cast %swap3A_127 : i32 to index
      %swap3A_129 = arith.constant 0 : index
      %swap3A_130 = tpu.vector_load %arg7[%swap3A_128, %swap3A_129] {strides = array<i32>} : memref<16x128xf32, #tpu.memory_space<vmem>>, vector<16xf32>,
      tpu.vector_store %arg7[%swap3A_128, %swap3A_129], %gather3A_126 {strides = array<i32>} : memref<16x128xf32, #tpu.memory_space<vmem>>, vector<16xf32>,
      %broadcast_in_dim3A_131 = arith.constant 17 : i32
      %broadcast_in_dim3A_132 = vector.broadcast %broadcast_in_dim3A_131 : i32 to vector<16xi32>
      %gather3A_133 = tpu.vector_load_idx %arg6[%iota3A, %broadcast_in_dim3A_132] : memref<16x128xf32, #tpu.memory_space<vmem>>[vector<16xi32>, vector<16xi32>], vector<16xf32>,
      %swap3A_134 = arith.constant 2 : i32
      %swap3A_135 = arith.index_cast %swap3A_134 : i32 to index
      %swap3A_136 = arith.constant 16 : index
      %swap3A_137 = tpu.vector_load %arg7[%swap3A_135, %swap3A_136] {strides = array<i32>} : memref<16x128xf32, #tpu.memory_space<vmem>>, vector<16xf32>,
      tpu.vector_store %arg7[%swap3A_135, %swap3A_136], %gather3A_133 {strides = array<i32>} : memref<16x128xf32, #tpu.memory_space<vmem>>, vector<16xf32>,
      %broadcast_in_dim3A_138 = arith.constant 18 : i32
      %broadcast_in_dim3A_139 = vector.broadcast %broadcast_in_dim3A_138 : i32 to vector<16xi32>
      %gather3A_140 = tpu.vector_load_idx %arg6[%iota3A, %broadcast_in_dim3A_139] : memref<16x128xf32, #tpu.memory_space<vmem>>[vector<16xi32>, vector<16xi32>], vector<16xf32>,
      %swap3A_141 = arith.constant 2 : i32
      %swap3A_142 = arith.index_cast %swap3A_141 : i32 to index
      %swap3A_143 = arith.constant 32 : index
      %swap3A_144 = tpu.vector_load %arg7[%swap3A_142, %swap3A_143] {strides = array<i32>} : memref<16x128xf32, #tpu.memory_space<vmem>>, vector<16xf32>,
      tpu.vector_store %arg7[%swap3A_142, %swap3A_143], %gather3A_140 {strides = array<i32>} : memref<16x128xf32, #tpu.memory_space<vmem>>, vector<16xf32>,
      %broadcast_in_dim3A_145 = arith.constant 19 : i32
      %broadcast_in_dim3A_146 = vector.broadcast %broadcast_in_dim3A_145 : i32 to vector<16xi32>
      %gather3A_147 = tpu.vector_load_idx %arg6[%iota3A, %broadcast_in_dim3A_146] : memref<16x128xf32, #tpu.memory_space<vmem>>[vector<16xi32>, vector<16xi32>], vector<16xf32>,
      %swap3A_148 = arith.constant 2 : i32
      %swap3A_149 = arith.index_cast %swap3A_148 : i32 to index
      %swap3A_150 = arith.constant 48 : index
      %swap3A_151 = tpu.vector_load %arg7[%swap3A_149, %swap3A_150] {strides = array<i32>} : memref<16x128xf32, #tpu.memory_space<vmem>>, vector<16xf32>,
      tpu.vector_store %arg7[%swap3A_149, %swap3A_150], %gather3A_147 {strides = array<i32>} : memref<16x128xf32, #tpu.memory_space<vmem>>, vector<16xf32>,
      %broadcast_in_dim3A_152 = arith.constant 20 : i32
      %broadcast_in_dim3A_153 = vector.broadcast %broadcast_in_dim3A_152 : i32 to vector<16xi32>
      %gather3A_154 = tpu.vector_load_idx %arg6[%iota3A, %broadcast_in_dim3A_153] : memref<16x128xf32, #tpu.memory_space<vmem>>[vector<16xi32>, vector<16xi32>], vector<16xf32>,
      %swap3A_155 = arith.constant 2 : i32
      %swap3A_156 = arith.index_cast %swap3A_155 : i32 to index
      %swap3A_157 = arith.constant 64 : index
      %swap3A_158 = tpu.vector_load %arg7[%swap3A_156, %swap3A_157] {strides = array<i32>} : memref<16x128xf32, #tpu.memory_space<vmem>>, vector<16xf32>,
      tpu.vector_store %arg7[%swap3A_156, %swap3A_157], %gather3A_154 {strides = array<i32>} : memref<16x128xf32, #tpu.memory_space<vmem>>, vector<16xf32>,
      %broadcast_in_dim3A_159 = arith.constant 21 : i32
      %broadcast_in_dim3A_160 = vector.broadcast %broadcast_in_dim3A_159 : i32 to vector<16xi32>
      %gather3A_161 = tpu.vector_load_idx %arg6[%iota3A, %broadcast_in_dim3A_160] : memref<16x128xf32, #tpu.memory_space<vmem>>[vector<16xi32>, vector<16xi32>], vector<16xf32>,
      %swap3A_162 = arith.constant 2 : i32
      %swap3A_163 = arith.index_cast %swap3A_162 : i32 to index
      %swap3A_164 = arith.constant 80 : index
      %swap3A_165 = tpu.vector_load %arg7[%swap3A_163, %swap3A_164] {strides = array<i32>} : memref<16x128xf32, #tpu.memory_space<vmem>>, vector<16xf32>,
      tpu.vector_store %arg7[%swap3A_163, %swap3A_164], %gather3A_161 {strides = array<i32>} : memref<16x128xf32, #tpu.memory_space<vmem>>, vector<16xf32>,
      %broadcast_in_dim3A_166 = arith.constant 22 : i32
      %broadcast_in_dim3A_167 = vector.broadcast %broadcast_in_dim3A_166 : i32 to vector<16xi32>
      %gather3A_168 = tpu.vector_load_idx %arg6[%iota3A, %broadcast_in_dim3A_167] : memref<16x128xf32, #tpu.memory_space<vmem>>[vector<16xi32>, vector<16xi32>], vector<16xf32>,
      %swap3A_169 = arith.constant 2 : i32
      %swap3A_170 = arith.index_cast %swap3A_169 : i32 to index
      %swap3A_171 = arith.constant 96 : index
      %swap3A_172 = tpu.vector_load %arg7[%swap3A_170, %swap3A_171] {strides = array<i32>} : memref<16x128xf32, #tpu.memory_space<vmem>>, vector<16xf32>,
      tpu.vector_store %arg7[%swap3A_170, %swap3A_171], %gather3A_168 {strides = array<i32>} : memref<16x128xf32, #tpu.memory_space<vmem>>, vector<16xf32>,
      %broadcast_in_dim3A_173 = arith.constant 23 : i32
      %broadcast_in_dim3A_174 = vector.broadcast %broadcast_in_dim3A_173 : i32 to vector<16xi32>
      %gather3A_175 = tpu.vector_load_idx %arg6[%iota3A, %broadcast_in_dim3A_174] : memref<16x128xf32, #tpu.memory_space<vmem>>[vector<16xi32>, vector<16xi32>], vector<16xf32>,
      %swap3A_176 = arith.constant 2 : i32
      %swap3A_177 = arith.index_cast %swap3A_176 : i32 to index
      %swap3A_178 = arith.constant 112 : index
      %swap3A_179 = tpu.vector_load %arg7[%swap3A_177, %swap3A_178] {strides = array<i32>} : memref<16x128xf32, #tpu.memory_space<vmem>>, vector<16xf32>,
      tpu.vector_store %arg7[%swap3A_177, %swap3A_178], %gather3A_175 {strides = array<i32>} : memref<16x128xf32, #tpu.memory_space<vmem>>, vector<16xf32>,
      %broadcast_in_dim3A_180 = arith.constant 24 : i32
      %broadcast_in_dim3A_181 = vector.broadcast %broadcast_in_dim3A_180 : i32 to vector<16xi32>
      %gather3A_182 = tpu.vector_load_idx %arg6[%iota3A, %broadcast_in_dim3A_181] : memref<16x128xf32, #tpu.memory_space<vmem>>[vector<16xi32>, vector<16xi32>], vector<16xf32>,
      %swap3A_183 = arith.constant 3 : i32
      %swap3A_184 = arith.index_cast %swap3A_183 : i32 to index
      %swap3A_185 = arith.constant 0 : index
      %swap3A_186 = tpu.vector_load %arg7[%swap3A_184, %swap3A_185] {strides = array<i32>} : memref<16x128xf32, #tpu.memory_space<vmem>>, vector<16xf32>,
      tpu.vector_store %arg7[%swap3A_184, %swap3A_185], %gather3A_182 {strides = array<i32>} : memref<16x128xf32, #tpu.memory_space<vmem>>, vector<16xf32>,
      %broadcast_in_dim3A_187 = arith.constant 25 : i32
      %broadcast_in_dim3A_188 = vector.broadcast %broadcast_in_dim3A_187 : i32 to vector<16xi32>
      %gather3A_189 = tpu.vector_load_idx %arg6[%iota3A, %broadcast_in_dim3A_188] : memref<16x128xf32, #tpu.memory_space<vmem>>[vector<16xi32>, vector<16xi32>], vector<16xf32>,
      %swap3A_190 = arith.constant 3 : i32
      %swap3A_191 = arith.index_cast %swap3A_190 : i32 to index
      %swap3A_192 = arith.constant 16 : index
      %swap3A_193 = tpu.vector_load %arg7[%swap3A_191, %swap3A_192] {strides = array<i32>} : memref<16x128xf32, #tpu.memory_space<vmem>>, vector<16xf32>,
      tpu.vector_store %arg7[%swap3A_191, %swap3A_192], %gather3A_189 {strides = array<i32>} : memref<16x128xf32, #tpu.memory_space<vmem>>, vector<16xf32>,
      %broadcast_in_dim3A_194 = arith.constant 26 : i32
      %broadcast_in_dim3A_195 = vector.broadcast %broadcast_in_dim3A_194 : i32 to vector<16xi32>
      %gather3A_196 = tpu.vector_load_idx %arg6[%iota3A, %broadcast_in_dim3A_195] : memref<16x128xf32, #tpu.memory_space<vmem>>[vector<16xi32>, vector<16xi32>], vector<16xf32>,
      %swap3A_197 = arith.constant 3 : i32
      %swap3A_198 = arith.index_cast %swap3A_197 : i32 to index
      %swap3A_199 = arith.constant 32 : index
      %swap3A_200 = tpu.vector_load %arg7[%swap3A_198, %swap3A_199] {strides = array<i32>} : memref<16x128xf32, #tpu.memory_space<vmem>>, vector<16xf32>,
      tpu.vector_store %arg7[%swap3A_198, %swap3A_199], %gather3A_196 {strides = array<i32>} : memref<16x128xf32, #tpu.memory_space<vmem>>, vector<16xf32>,
      %broadcast_in_dim3A_201 = arith.constant 27 : i32
      %broadcast_in_dim3A_202 = vector.broadcast %broadcast_in_dim3A_201 : i32 to vector<16xi32>
      %gather3A_203 = tpu.vector_load_idx %arg6[%iota3A, %broadcast_in_dim3A_202] : memref<16x128xf32, #tpu.memory_space<vmem>>[vector<16xi32>, vector<16xi32>], vector<16xf32>,
      %swap3A_204 = arith.constant 3 : i32
      %swap3A_205 = arith.index_cast %swap3A_204 : i32 to index
      %swap3A_206 = arith.constant 48 : index
      %swap3A_207 = tpu.vector_load %arg7[%swap3A_205, %swap3A_206] {strides = array<i32>} : memref<16x128xf32, #tpu.memory_space<vmem>>, vector<16xf32>,
      tpu.vector_store %arg7[%swap3A_205, %swap3A_206], %gather3A_203 {strides = array<i32>} : memref<16x128xf32, #tpu.memory_space<vmem>>, vector<16xf32>,
      %broadcast_in_dim3A_208 = arith.constant 28 : i32
      %broadcast_in_dim3A_209 = vector.broadcast %broadcast_in_dim3A_208 : i32 to vector<16xi32>
      %gather3A_210 = tpu.vector_load_idx %arg6[%iota3A, %broadcast_in_dim3A_209] : memref<16x128xf32, #tpu.memory_space<vmem>>[vector<16xi32>, vector<16xi32>], vector<16xf32>,
      %swap3A_211 = arith.constant 3 : i32
      %swap3A_212 = arith.index_cast %swap3A_211 : i32 to index
      %swap3A_213 = arith.constant 64 : index
      %swap3A_214 = tpu.vector_load %arg7[%swap3A_212, %swap3A_213] {strides = array<i32>} : memref<16x128xf32, #tpu.memory_space<vmem>>, vector<16xf32>,
      tpu.vector_store %arg7[%swap3A_212, %swap3A_213], %gather3A_210 {strides = array<i32>} : memref<16x128xf32, #tpu.memory_space<vmem>>, vector<16xf32>,
      %broadcast_in_dim3A_215 = arith.constant 29 : i32
      %broadcast_in_dim3A_216 = vector.broadcast %broadcast_in_dim3A_215 : i32 to vector<16xi32>
      %gather3A_217 = tpu.vector_load_idx %arg6[%iota3A, %broadcast_in_dim3A_216] : memref<16x128xf32, #tpu.memory_space<vmem>>[vector<16xi32>, vector<16xi32>], vector<16xf32>,
      %swap3A_218 = arith.constant 3 : i32
      %swap3A_219 = arith.index_cast %swap3A_218 : i32 to index
      %swap3A_220 = arith.constant 80 : index
      %swap3A_221 = tpu.vector_load %arg7[%swap3A_219, %swap3A_220] {strides = array<i32>} : memref<16x128xf32, #tpu.memory_space<vmem>>, vector<16xf32>,
      tpu.vector_store %arg7[%swap3A_219, %swap3A_220], %gather3A_217 {strides = array<i32>} : memref<16x128xf32, #tpu.memory_space<vmem>>, vector<16xf32>,
      %broadcast_in_dim3A_222 = arith.constant 30 : i32
      %broadcast_in_dim3A_223 = vector.broadcast %broadcast_in_dim3A_222 : i32 to vector<16xi32>
      %gather3A_224 = tpu.vector_load_idx %arg6[%iota3A, %broadcast_in_dim3A_223] : memref<16x128xf32, #tpu.memory_space<vmem>>[vector<16xi32>, vector<16xi32>], vector<16xf32>,
      %swap3A_225 = arith.constant 3 : i32
      %swap3A_226 = arith.index_cast %swap3A_225 : i32 to index
      %swap3A_227 = arith.constant 96 : index
      %swap3A_228 = tpu.vector_load %arg7[%swap3A_226, %swap3A_227] {strides = array<i32>} : memref<16x128xf32, #tpu.memory_space<vmem>>, vector<16xf32>,
      tpu.vector_store %arg7[%swap3A_226, %swap3A_227], %gather3A_224 {strides = array<i32>} : memref<16x128xf32, #tpu.memory_space<vmem>>, vector<16xf32>,
      %broadcast_in_dim3A_229 = arith.constant 31 : i32
      %broadcast_in_dim3A_230 = vector.broadcast %broadcast_in_dim3A_229 : i32 to vector<16xi32>
      %gather3A_231 = tpu.vector_load_idx %arg6[%iota3A, %broadcast_in_dim3A_230] : memref<16x128xf32, #tpu.memory_space<vmem>>[vector<16xi32>, vector<16xi32>], vector<16xf32>,
      %swap3A_232 = arith.constant 3 : i32
      %swap3A_233 = arith.index_cast %swap3A_232 : i32 to index
      %swap3A_234 = arith.constant 112 : index
      %swap3A_235 = tpu.vector_load %arg7[%swap3A_233, %swap3A_234] {strides = array<i32>} : memref<16x128xf32, #tpu.memory_space<vmem>>, vector<16xf32>,
      tpu.vector_store %arg7[%swap3A_233, %swap3A_234], %gather3A_231 {strides = array<i32>} : memref<16x128xf32, #tpu.memory_space<vmem>>, vector<16xf32>,
      "tpu.region"() ({
        %run_scoped3A = tpu.sem_alloc : memref<!tpu.dma_semaphore, #tpu.memory_space<semaphore_mem>>
        %dma_start3A = arith.constant 0 : i32
        %dma_start3A_460 = arith.constant 0 : i32
        %dma_start3A_461 = tpu.memref_slice %arg7[%dma_start3A, %dma_start3A_460] : memref<16x128xf32, #tpu.memory_space<vmem>> -> memref<4x128xf32, #tpu.memory_space<vmem>>
        %dma_start3A_462 = arith.constant 0 : i32
        %dma_start3A_463 = tpu.memref_slice %arg4[%multiple_of3A_14, %dma_start3A_462] : memref<12500x128xf32, #tpu.memory_space<hbm>> -> memref<4x128xf32, #tpu.memory_space<hbm>>
        %dma_start3A_464 = arith.constant 0 : i32
        %dma_start3A_465 = tpu.memref_slice %arg4[%multiple_of3A_14, %dma_start3A_464] : memref<12500x128xf32, #tpu.memory_space<hbm>> -> memref<4x128xf32, #tpu.memory_space<hbm>>
        %dma_start3A_466 = arith.constant 0 : i32
        %dma_start3A_467 = arith.constant 0 : i32
        %dma_start3A_468 = tpu.memref_slice %arg7[%dma_start3A_466, %dma_start3A_467] : memref<16x128xf32, #tpu.memory_space<vmem>> -> memref<4x128xf32, #tpu.memory_space<vmem>>
        tpu.enqueue_dma source(%dma_start3A_468 : memref<4x128xf32, #tpu.memory_space<vmem>>) target(%dma_start3A_465 : memref<4x128xf32, #tpu.memory_space<hbm>>) target_semaphore(%run_scoped3A : memref<!tpu.dma_semaphore, #tpu.memory_space<semaphore_mem>>)
        %dma_wait3A = arith.constant 0 : i32
        %dma_wait3A_469 = arith.constant 0 : i32
        %dma_wait3A_470 = tpu.memref_slice %arg7[%dma_wait3A, %dma_wait3A_469] : memref<16x128xf32, #tpu.memory_space<vmem>> -> memref<4x128xf32, #tpu.memory_space<vmem>>
        %dma_wait3A_471 = arith.constant 0 : i32
        %dma_wait3A_472 = tpu.memref_slice %arg4[%multiple_of3A_14, %dma_wait3A_471] : memref<12500x128xf32, #tpu.memory_space<hbm>> -> memref<4x128xf32, #tpu.memory_space<hbm>>
        %dma_wait3A_473 = arith.constant 0 : i32
        %dma_wait3A_474 = tpu.memref_slice %arg4[%multiple_of3A_14, %dma_wait3A_473] : memref<12500x128xf32, #tpu.memory_space<hbm>> -> memref<4x128xf32, #tpu.memory_space<hbm>>
        %dma_wait3A_475 = arith.constant 0 : i32
        %dma_wait3A_476 = arith.constant 0 : i32
        %dma_wait3A_477 = tpu.memref_slice %arg7[%dma_wait3A_475, %dma_wait3A_476] : memref<16x128xf32, #tpu.memory_space<vmem>> -> memref<4x128xf32, #tpu.memory_space<vmem>>
        tpu.wait_dma2 semaphore(%run_scoped3A : memref<!tpu.dma_semaphore, #tpu.memory_space<semaphore_mem>>) src(%dma_wait3A_477 : memref<4x128xf32, #tpu.memory_space<vmem>>) dst(%dma_wait3A_474 : memref<4x128xf32, #tpu.memory_space<hbm>>)
        tpu.yield
      }) : () -> ()
      "tpu.region"() ({
        %run_scoped3A = tpu.sem_alloc : memref<!tpu.dma_semaphore, #tpu.memory_space<semaphore_mem>>
        %dma_start3A = arith.constant 0 : i32
        %dma_start3A_460 = tpu.memref_slice %arg3[%dma_start3A, %multiple_of3A] : memref<16x100000xf32, #tpu.memory_space<hbm>> -> memref<16x128xf32, #tpu.memory_space<hbm>>
        %dma_start3A_461 = arith.constant 0 : i32
        %dma_start3A_462 = tpu.memref_slice %arg3[%dma_start3A_461, %multiple_of3A] : memref<16x100000xf32, #tpu.memory_space<hbm>> -> memref<16x128xf32, #tpu.memory_space<hbm>>
        tpu.enqueue_dma source(%dma_start3A_462 : memref<16x128xf32, #tpu.memory_space<hbm>>) target(%arg6 : memref<16x128xf32, #tpu.memory_space<vmem>>) target_semaphore(%run_scoped3A : memref<!tpu.dma_semaphore, #tpu.memory_space<semaphore_mem>>)
        %dma_wait3A = arith.constant 0 : i32
        %dma_wait3A_463 = tpu.memref_slice %arg3[%dma_wait3A, %multiple_of3A] : memref<16x100000xf32, #tpu.memory_space<hbm>> -> memref<16x128xf32, #tpu.memory_space<hbm>>
        %dma_wait3A_464 = arith.constant 0 : i32
        %dma_wait3A_465 = tpu.memref_slice %arg3[%dma_wait3A_464, %multiple_of3A] : memref<16x100000xf32, #tpu.memory_space<hbm>> -> memref<16x128xf32, #tpu.memory_space<hbm>>
        tpu.wait_dma2 semaphore(%run_scoped3A : memref<!tpu.dma_semaphore, #tpu.memory_space<semaphore_mem>>) src(%dma_wait3A_465 : memref<16x128xf32, #tpu.memory_space<hbm>>) dst(%arg6 : memref<16x128xf32, #tpu.memory_space<vmem>>)
        tpu.yield
      }) : () -> ()
      %broadcast_in_dim3A_236 = arith.constant 0 : i32
      %broadcast_in_dim3A_237 = vector.broadcast %broadcast_in_dim3A_236 : i32 to vector<16xi32>
      %gather3A_238 = tpu.vector_load_idx %arg6[%iota3A, %broadcast_in_dim3A_237] : memref<16x128xf32, #tpu.memory_space<vmem>>[vector<16xi32>, vector<16xi32>], vector<16xf32>,
      %swap3A_239 = arith.constant 0 : i32
      %swap3A_240 = arith.index_cast %swap3A_239 : i32 to index
      %swap3A_241 = arith.constant 0 : index
      %swap3A_242 = tpu.vector_load %arg7[%swap3A_240, %swap3A_241] {strides = array<i32>} : memref<16x128xf32, #tpu.memory_space<vmem>>, vector<16xf32>,
      tpu.vector_store %arg7[%swap3A_240, %swap3A_241], %gather3A_238 {strides = array<i32>} : memref<16x128xf32, #tpu.memory_space<vmem>>, vector<16xf32>,
      %broadcast_in_dim3A_243 = arith.constant 1 : i32
      %broadcast_in_dim3A_244 = vector.broadcast %broadcast_in_dim3A_243 : i32 to vector<16xi32>
      %gather3A_245 = tpu.vector_load_idx %arg6[%iota3A, %broadcast_in_dim3A_244] : memref<16x128xf32, #tpu.memory_space<vmem>>[vector<16xi32>, vector<16xi32>], vector<16xf32>,
      %swap3A_246 = arith.constant 0 : i32
      %swap3A_247 = arith.index_cast %swap3A_246 : i32 to index
      %swap3A_248 = arith.constant 16 : index
      %swap3A_249 = tpu.vector_load %arg7[%swap3A_247, %swap3A_248] {strides = array<i32>} : memref<16x128xf32, #tpu.memory_space<vmem>>, vector<16xf32>,
      tpu.vector_store %arg7[%swap3A_247, %swap3A_248], %gather3A_245 {strides = array<i32>} : memref<16x128xf32, #tpu.memory_space<vmem>>, vector<16xf32>,
      %broadcast_in_dim3A_250 = arith.constant 2 : i32
      %broadcast_in_dim3A_251 = vector.broadcast %broadcast_in_dim3A_250 : i32 to vector<16xi32>
      %gather3A_252 = tpu.vector_load_idx %arg6[%iota3A, %broadcast_in_dim3A_251] : memref<16x128xf32, #tpu.memory_space<vmem>>[vector<16xi32>, vector<16xi32>], vector<16xf32>,
      %swap3A_253 = arith.constant 0 : i32
      %swap3A_254 = arith.index_cast %swap3A_253 : i32 to index
      %swap3A_255 = arith.constant 32 : index
      %swap3A_256 = tpu.vector_load %arg7[%swap3A_254, %swap3A_255] {strides = array<i32>} : memref<16x128xf32, #tpu.memory_space<vmem>>, vector<16xf32>,
      tpu.vector_store %arg7[%swap3A_254, %swap3A_255], %gather3A_252 {strides = array<i32>} : memref<16x128xf32, #tpu.memory_space<vmem>>, vector<16xf32>,
      %broadcast_in_dim3A_257 = arith.constant 3 : i32
      %broadcast_in_dim3A_258 = vector.broadcast %broadcast_in_dim3A_257 : i32 to vector<16xi32>
      %gather3A_259 = tpu.vector_load_idx %arg6[%iota3A, %broadcast_in_dim3A_258] : memref<16x128xf32, #tpu.memory_space<vmem>>[vector<16xi32>, vector<16xi32>], vector<16xf32>,
      %swap3A_260 = arith.constant 0 : i32
      %swap3A_261 = arith.index_cast %swap3A_260 : i32 to index
      %swap3A_262 = arith.constant 48 : index
      %swap3A_263 = tpu.vector_load %arg7[%swap3A_261, %swap3A_262] {strides = array<i32>} : memref<16x128xf32, #tpu.memory_space<vmem>>, vector<16xf32>,
      tpu.vector_store %arg7[%swap3A_261, %swap3A_262], %gather3A_259 {strides = array<i32>} : memref<16x128xf32, #tpu.memory_space<vmem>>, vector<16xf32>,
      %broadcast_in_dim3A_264 = arith.constant 4 : i32
      %broadcast_in_dim3A_265 = vector.broadcast %broadcast_in_dim3A_264 : i32 to vector<16xi32>
      %gather3A_266 = tpu.vector_load_idx %arg6[%iota3A, %broadcast_in_dim3A_265] : memref<16x128xf32, #tpu.memory_space<vmem>>[vector<16xi32>, vector<16xi32>], vector<16xf32>,
      %swap3A_267 = arith.constant 0 : i32
      %swap3A_268 = arith.index_cast %swap3A_267 : i32 to index
      %swap3A_269 = arith.constant 64 : index
      %swap3A_270 = tpu.vector_load %arg7[%swap3A_268, %swap3A_269] {strides = array<i32>} : memref<16x128xf32, #tpu.memory_space<vmem>>, vector<16xf32>,
      tpu.vector_store %arg7[%swap3A_268, %swap3A_269], %gather3A_266 {strides = array<i32>} : memref<16x128xf32, #tpu.memory_space<vmem>>, vector<16xf32>,
      %broadcast_in_dim3A_271 = arith.constant 5 : i32
      %broadcast_in_dim3A_272 = vector.broadcast %broadcast_in_dim3A_271 : i32 to vector<16xi32>
      %gather3A_273 = tpu.vector_load_idx %arg6[%iota3A, %broadcast_in_dim3A_272] : memref<16x128xf32, #tpu.memory_space<vmem>>[vector<16xi32>, vector<16xi32>], vector<16xf32>,
      %swap3A_274 = arith.constant 0 : i32
      %swap3A_275 = arith.index_cast %swap3A_274 : i32 to index
      %swap3A_276 = arith.constant 80 : index
      %swap3A_277 = tpu.vector_load %arg7[%swap3A_275, %swap3A_276] {strides = array<i32>} : memref<16x128xf32, #tpu.memory_space<vmem>>, vector<16xf32>,
      tpu.vector_store %arg7[%swap3A_275, %swap3A_276], %gather3A_273 {strides = array<i32>} : memref<16x128xf32, #tpu.memory_space<vmem>>, vector<16xf32>,
      %broadcast_in_dim3A_278 = arith.constant 6 : i32
      %broadcast_in_dim3A_279 = vector.broadcast %broadcast_in_dim3A_278 : i32 to vector<16xi32>
      %gather3A_280 = tpu.vector_load_idx %arg6[%iota3A, %broadcast_in_dim3A_279] : memref<16x128xf32, #tpu.memory_space<vmem>>[vector<16xi32>, vector<16xi32>], vector<16xf32>,
      %swap3A_281 = arith.constant 0 : i32
      %swap3A_282 = arith.index_cast %swap3A_281 : i32 to index
      %swap3A_283 = arith.constant 96 : index
      %swap3A_284 = tpu.vector_load %arg7[%swap3A_282, %swap3A_283] {strides = array<i32>} : memref<16x128xf32, #tpu.memory_space<vmem>>, vector<16xf32>,
      tpu.vector_store %arg7[%swap3A_282, %swap3A_283], %gather3A_280 {strides = array<i32>} : memref<16x128xf32, #tpu.memory_space<vmem>>, vector<16xf32>,
      %broadcast_in_dim3A_285 = arith.constant 7 : i32
      %broadcast_in_dim3A_286 = vector.broadcast %broadcast_in_dim3A_285 : i32 to vector<16xi32>
      %gather3A_287 = tpu.vector_load_idx %arg6[%iota3A, %broadcast_in_dim3A_286] : memref<16x128xf32, #tpu.memory_space<vmem>>[vector<16xi32>, vector<16xi32>], vector<16xf32>,
      %swap3A_288 = arith.constant 0 : i32
      %swap3A_289 = arith.index_cast %swap3A_288 : i32 to index
      %swap3A_290 = arith.constant 112 : index
      %swap3A_291 = tpu.vector_load %arg7[%swap3A_289, %swap3A_290] {strides = array<i32>} : memref<16x128xf32, #tpu.memory_space<vmem>>, vector<16xf32>,
      tpu.vector_store %arg7[%swap3A_289, %swap3A_290], %gather3A_287 {strides = array<i32>} : memref<16x128xf32, #tpu.memory_space<vmem>>, vector<16xf32>,
      %broadcast_in_dim3A_292 = arith.constant 8 : i32
      %broadcast_in_dim3A_293 = vector.broadcast %broadcast_in_dim3A_292 : i32 to vector<16xi32>
      %gather3A_294 = tpu.vector_load_idx %arg6[%iota3A, %broadcast_in_dim3A_293] : memref<16x128xf32, #tpu.memory_space<vmem>>[vector<16xi32>, vector<16xi32>], vector<16xf32>,
      %swap3A_295 = arith.constant 1 : i32
      %swap3A_296 = arith.index_cast %swap3A_295 : i32 to index
      %swap3A_297 = arith.constant 0 : index
      %swap3A_298 = tpu.vector_load %arg7[%swap3A_296, %swap3A_297] {strides = array<i32>} : memref<16x128xf32, #tpu.memory_space<vmem>>, vector<16xf32>,
      tpu.vector_store %arg7[%swap3A_296, %swap3A_297], %gather3A_294 {strides = array<i32>} : memref<16x128xf32, #tpu.memory_space<vmem>>, vector<16xf32>,
      %broadcast_in_dim3A_299 = arith.constant 9 : i32
      %broadcast_in_dim3A_300 = vector.broadcast %broadcast_in_dim3A_299 : i32 to vector<16xi32>
      %gather3A_301 = tpu.vector_load_idx %arg6[%iota3A, %broadcast_in_dim3A_300] : memref<16x128xf32, #tpu.memory_space<vmem>>[vector<16xi32>, vector<16xi32>], vector<16xf32>,
      %swap3A_302 = arith.constant 1 : i32
      %swap3A_303 = arith.index_cast %swap3A_302 : i32 to index
      %swap3A_304 = arith.constant 16 : index
      %swap3A_305 = tpu.vector_load %arg7[%swap3A_303, %swap3A_304] {strides = array<i32>} : memref<16x128xf32, #tpu.memory_space<vmem>>, vector<16xf32>,
      tpu.vector_store %arg7[%swap3A_303, %swap3A_304], %gather3A_301 {strides = array<i32>} : memref<16x128xf32, #tpu.memory_space<vmem>>, vector<16xf32>,
      %broadcast_in_dim3A_306 = arith.constant 10 : i32
      %broadcast_in_dim3A_307 = vector.broadcast %broadcast_in_dim3A_306 : i32 to vector<16xi32>
      %gather3A_308 = tpu.vector_load_idx %arg6[%iota3A, %broadcast_in_dim3A_307] : memref<16x128xf32, #tpu.memory_space<vmem>>[vector<16xi32>, vector<16xi32>], vector<16xf32>,
      %swap3A_309 = arith.constant 1 : i32
      %swap3A_310 = arith.index_cast %swap3A_309 : i32 to index
      %swap3A_311 = arith.constant 32 : index
      %swap3A_312 = tpu.vector_load %arg7[%swap3A_310, %swap3A_311] {strides = array<i32>} : memref<16x128xf32, #tpu.memory_space<vmem>>, vector<16xf32>,
      tpu.vector_store %arg7[%swap3A_310, %swap3A_311], %gather3A_308 {strides = array<i32>} : memref<16x128xf32, #tpu.memory_space<vmem>>, vector<16xf32>,
      %broadcast_in_dim3A_313 = arith.constant 11 : i32
      %broadcast_in_dim3A_314 = vector.broadcast %broadcast_in_dim3A_313 : i32 to vector<16xi32>
      %gather3A_315 = tpu.vector_load_idx %arg6[%iota3A, %broadcast_in_dim3A_314] : memref<16x128xf32, #tpu.memory_space<vmem>>[vector<16xi32>, vector<16xi32>], vector<16xf32>,
      %swap3A_316 = arith.constant 1 : i32
      %swap3A_317 = arith.index_cast %swap3A_316 : i32 to index
      %swap3A_318 = arith.constant 48 : index
      %swap3A_319 = tpu.vector_load %arg7[%swap3A_317, %swap3A_318] {strides = array<i32>} : memref<16x128xf32, #tpu.memory_space<vmem>>, vector<16xf32>,
      tpu.vector_store %arg7[%swap3A_317, %swap3A_318], %gather3A_315 {strides = array<i32>} : memref<16x128xf32, #tpu.memory_space<vmem>>, vector<16xf32>,
      %broadcast_in_dim3A_320 = arith.constant 12 : i32
      %broadcast_in_dim3A_321 = vector.broadcast %broadcast_in_dim3A_320 : i32 to vector<16xi32>
      %gather3A_322 = tpu.vector_load_idx %arg6[%iota3A, %broadcast_in_dim3A_321] : memref<16x128xf32, #tpu.memory_space<vmem>>[vector<16xi32>, vector<16xi32>], vector<16xf32>,
      %swap3A_323 = arith.constant 1 : i32
      %swap3A_324 = arith.index_cast %swap3A_323 : i32 to index
      %swap3A_325 = arith.constant 64 : index
      %swap3A_326 = tpu.vector_load %arg7[%swap3A_324, %swap3A_325] {strides = array<i32>} : memref<16x128xf32, #tpu.memory_space<vmem>>, vector<16xf32>,
      tpu.vector_store %arg7[%swap3A_324, %swap3A_325], %gather3A_322 {strides = array<i32>} : memref<16x128xf32, #tpu.memory_space<vmem>>, vector<16xf32>,
      %broadcast_in_dim3A_327 = arith.constant 13 : i32
      %broadcast_in_dim3A_328 = vector.broadcast %broadcast_in_dim3A_327 : i32 to vector<16xi32>
      %gather3A_329 = tpu.vector_load_idx %arg6[%iota3A, %broadcast_in_dim3A_328] : memref<16x128xf32, #tpu.memory_space<vmem>>[vector<16xi32>, vector<16xi32>], vector<16xf32>,
      %swap3A_330 = arith.constant 1 : i32
      %swap3A_331 = arith.index_cast %swap3A_330 : i32 to index
      %swap3A_332 = arith.constant 80 : index
      %swap3A_333 = tpu.vector_load %arg7[%swap3A_331, %swap3A_332] {strides = array<i32>} : memref<16x128xf32, #tpu.memory_space<vmem>>, vector<16xf32>,
      tpu.vector_store %arg7[%swap3A_331, %swap3A_332], %gather3A_329 {strides = array<i32>} : memref<16x128xf32, #tpu.memory_space<vmem>>, vector<16xf32>,
      %broadcast_in_dim3A_334 = arith.constant 14 : i32
      %broadcast_in_dim3A_335 = vector.broadcast %broadcast_in_dim3A_334 : i32 to vector<16xi32>
      %gather3A_336 = tpu.vector_load_idx %arg6[%iota3A, %broadcast_in_dim3A_335] : memref<16x128xf32, #tpu.memory_space<vmem>>[vector<16xi32>, vector<16xi32>], vector<16xf32>,
      %swap3A_337 = arith.constant 1 : i32
      %swap3A_338 = arith.index_cast %swap3A_337 : i32 to index
      %swap3A_339 = arith.constant 96 : index
      %swap3A_340 = tpu.vector_load %arg7[%swap3A_338, %swap3A_339] {strides = array<i32>} : memref<16x128xf32, #tpu.memory_space<vmem>>, vector<16xf32>,
      tpu.vector_store %arg7[%swap3A_338, %swap3A_339], %gather3A_336 {strides = array<i32>} : memref<16x128xf32, #tpu.memory_space<vmem>>, vector<16xf32>,
      %broadcast_in_dim3A_341 = arith.constant 15 : i32
      %broadcast_in_dim3A_342 = vector.broadcast %broadcast_in_dim3A_341 : i32 to vector<16xi32>
      %gather3A_343 = tpu.vector_load_idx %arg6[%iota3A, %broadcast_in_dim3A_342] : memref<16x128xf32, #tpu.memory_space<vmem>>[vector<16xi32>, vector<16xi32>], vector<16xf32>,
      %swap3A_344 = arith.constant 1 : i32
      %swap3A_345 = arith.index_cast %swap3A_344 : i32 to index
      %swap3A_346 = arith.constant 112 : index
      %swap3A_347 = tpu.vector_load %arg7[%swap3A_345, %swap3A_346] {strides = array<i32>} : memref<16x128xf32, #tpu.memory_space<vmem>>, vector<16xf32>,
      tpu.vector_store %arg7[%swap3A_345, %swap3A_346], %gather3A_343 {strides = array<i32>} : memref<16x128xf32, #tpu.memory_space<vmem>>, vector<16xf32>,
      %broadcast_in_dim3A_348 = arith.constant 16 : i32
      %broadcast_in_dim3A_349 = vector.broadcast %broadcast_in_dim3A_348 : i32 to vector<16xi32>
      %gather3A_350 = tpu.vector_load_idx %arg6[%iota3A, %broadcast_in_dim3A_349] : memref<16x128xf32, #tpu.memory_space<vmem>>[vector<16xi32>, vector<16xi32>], vector<16xf32>,
      %swap3A_351 = arith.constant 2 : i32
      %swap3A_352 = arith.index_cast %swap3A_351 : i32 to index
      %swap3A_353 = arith.constant 0 : index
      %swap3A_354 = tpu.vector_load %arg7[%swap3A_352, %swap3A_353] {strides = array<i32>} : memref<16x128xf32, #tpu.memory_space<vmem>>, vector<16xf32>,
      tpu.vector_store %arg7[%swap3A_352, %swap3A_353], %gather3A_350 {strides = array<i32>} : memref<16x128xf32, #tpu.memory_space<vmem>>, vector<16xf32>,
      %broadcast_in_dim3A_355 = arith.constant 17 : i32
      %broadcast_in_dim3A_356 = vector.broadcast %broadcast_in_dim3A_355 : i32 to vector<16xi32>
      %gather3A_357 = tpu.vector_load_idx %arg6[%iota3A, %broadcast_in_dim3A_356] : memref<16x128xf32, #tpu.memory_space<vmem>>[vector<16xi32>, vector<16xi32>], vector<16xf32>,
      %swap3A_358 = arith.constant 2 : i32
      %swap3A_359 = arith.index_cast %swap3A_358 : i32 to index
      %swap3A_360 = arith.constant 16 : index
      %swap3A_361 = tpu.vector_load %arg7[%swap3A_359, %swap3A_360] {strides = array<i32>} : memref<16x128xf32, #tpu.memory_space<vmem>>, vector<16xf32>,
      tpu.vector_store %arg7[%swap3A_359, %swap3A_360], %gather3A_357 {strides = array<i32>} : memref<16x128xf32, #tpu.memory_space<vmem>>, vector<16xf32>,
      %broadcast_in_dim3A_362 = arith.constant 18 : i32
      %broadcast_in_dim3A_363 = vector.broadcast %broadcast_in_dim3A_362 : i32 to vector<16xi32>
      %gather3A_364 = tpu.vector_load_idx %arg6[%iota3A, %broadcast_in_dim3A_363] : memref<16x128xf32, #tpu.memory_space<vmem>>[vector<16xi32>, vector<16xi32>], vector<16xf32>,
      %swap3A_365 = arith.constant 2 : i32
      %swap3A_366 = arith.index_cast %swap3A_365 : i32 to index
      %swap3A_367 = arith.constant 32 : index
      %swap3A_368 = tpu.vector_load %arg7[%swap3A_366, %swap3A_367] {strides = array<i32>} : memref<16x128xf32, #tpu.memory_space<vmem>>, vector<16xf32>,
      tpu.vector_store %arg7[%swap3A_366, %swap3A_367], %gather3A_364 {strides = array<i32>} : memref<16x128xf32, #tpu.memory_space<vmem>>, vector<16xf32>,
      %broadcast_in_dim3A_369 = arith.constant 19 : i32
      %broadcast_in_dim3A_370 = vector.broadcast %broadcast_in_dim3A_369 : i32 to vector<16xi32>
      %gather3A_371 = tpu.vector_load_idx %arg6[%iota3A, %broadcast_in_dim3A_370] : memref<16x128xf32, #tpu.memory_space<vmem>>[vector<16xi32>, vector<16xi32>], vector<16xf32>,
      %swap3A_372 = arith.constant 2 : i32
      %swap3A_373 = arith.index_cast %swap3A_372 : i32 to index
      %swap3A_374 = arith.constant 48 : index
      %swap3A_375 = tpu.vector_load %arg7[%swap3A_373, %swap3A_374] {strides = array<i32>} : memref<16x128xf32, #tpu.memory_space<vmem>>, vector<16xf32>,
      tpu.vector_store %arg7[%swap3A_373, %swap3A_374], %gather3A_371 {strides = array<i32>} : memref<16x128xf32, #tpu.memory_space<vmem>>, vector<16xf32>,
      %broadcast_in_dim3A_376 = arith.constant 20 : i32
      %broadcast_in_dim3A_377 = vector.broadcast %broadcast_in_dim3A_376 : i32 to vector<16xi32>
      %gather3A_378 = tpu.vector_load_idx %arg6[%iota3A, %broadcast_in_dim3A_377] : memref<16x128xf32, #tpu.memory_space<vmem>>[vector<16xi32>, vector<16xi32>], vector<16xf32>,
      %swap3A_379 = arith.constant 2 : i32
      %swap3A_380 = arith.index_cast %swap3A_379 : i32 to index
      %swap3A_381 = arith.constant 64 : index
      %swap3A_382 = tpu.vector_load %arg7[%swap3A_380, %swap3A_381] {strides = array<i32>} : memref<16x128xf32, #tpu.memory_space<vmem>>, vector<16xf32>,
      tpu.vector_store %arg7[%swap3A_380, %swap3A_381], %gather3A_378 {strides = array<i32>} : memref<16x128xf32, #tpu.memory_space<vmem>>, vector<16xf32>,
      %broadcast_in_dim3A_383 = arith.constant 21 : i32
      %broadcast_in_dim3A_384 = vector.broadcast %broadcast_in_dim3A_383 : i32 to vector<16xi32>
      %gather3A_385 = tpu.vector_load_idx %arg6[%iota3A, %broadcast_in_dim3A_384] : memref<16x128xf32, #tpu.memory_space<vmem>>[vector<16xi32>, vector<16xi32>], vector<16xf32>,
      %swap3A_386 = arith.constant 2 : i32
      %swap3A_387 = arith.index_cast %swap3A_386 : i32 to index
      %swap3A_388 = arith.constant 80 : index
      %swap3A_389 = tpu.vector_load %arg7[%swap3A_387, %swap3A_388] {strides = array<i32>} : memref<16x128xf32, #tpu.memory_space<vmem>>, vector<16xf32>,
      tpu.vector_store %arg7[%swap3A_387, %swap3A_388], %gather3A_385 {strides = array<i32>} : memref<16x128xf32, #tpu.memory_space<vmem>>, vector<16xf32>,
      %broadcast_in_dim3A_390 = arith.constant 22 : i32
      %broadcast_in_dim3A_391 = vector.broadcast %broadcast_in_dim3A_390 : i32 to vector<16xi32>
      %gather3A_392 = tpu.vector_load_idx %arg6[%iota3A, %broadcast_in_dim3A_391] : memref<16x128xf32, #tpu.memory_space<vmem>>[vector<16xi32>, vector<16xi32>], vector<16xf32>,
      %swap3A_393 = arith.constant 2 : i32
      %swap3A_394 = arith.index_cast %swap3A_393 : i32 to index
      %swap3A_395 = arith.constant 96 : index
      %swap3A_396 = tpu.vector_load %arg7[%swap3A_394, %swap3A_395] {strides = array<i32>} : memref<16x128xf32, #tpu.memory_space<vmem>>, vector<16xf32>,
      tpu.vector_store %arg7[%swap3A_394, %swap3A_395], %gather3A_392 {strides = array<i32>} : memref<16x128xf32, #tpu.memory_space<vmem>>, vector<16xf32>,
      %broadcast_in_dim3A_397 = arith.constant 23 : i32
      %broadcast_in_dim3A_398 = vector.broadcast %broadcast_in_dim3A_397 : i32 to vector<16xi32>
      %gather3A_399 = tpu.vector_load_idx %arg6[%iota3A, %broadcast_in_dim3A_398] : memref<16x128xf32, #tpu.memory_space<vmem>>[vector<16xi32>, vector<16xi32>], vector<16xf32>,
      %swap3A_400 = arith.constant 2 : i32
      %swap3A_401 = arith.index_cast %swap3A_400 : i32 to index
      %swap3A_402 = arith.constant 112 : index
      %swap3A_403 = tpu.vector_load %arg7[%swap3A_401, %swap3A_402] {strides = array<i32>} : memref<16x128xf32, #tpu.memory_space<vmem>>, vector<16xf32>,
      tpu.vector_store %arg7[%swap3A_401, %swap3A_402], %gather3A_399 {strides = array<i32>} : memref<16x128xf32, #tpu.memory_space<vmem>>, vector<16xf32>,
      %broadcast_in_dim3A_404 = arith.constant 24 : i32
      %broadcast_in_dim3A_405 = vector.broadcast %broadcast_in_dim3A_404 : i32 to vector<16xi32>
      %gather3A_406 = tpu.vector_load_idx %arg6[%iota3A, %broadcast_in_dim3A_405] : memref<16x128xf32, #tpu.memory_space<vmem>>[vector<16xi32>, vector<16xi32>], vector<16xf32>,
      %swap3A_407 = arith.constant 3 : i32
      %swap3A_408 = arith.index_cast %swap3A_407 : i32 to index
      %swap3A_409 = arith.constant 0 : index
      %swap3A_410 = tpu.vector_load %arg7[%swap3A_408, %swap3A_409] {strides = array<i32>} : memref<16x128xf32, #tpu.memory_space<vmem>>, vector<16xf32>,
      tpu.vector_store %arg7[%swap3A_408, %swap3A_409], %gather3A_406 {strides = array<i32>} : memref<16x128xf32, #tpu.memory_space<vmem>>, vector<16xf32>,
      %broadcast_in_dim3A_411 = arith.constant 25 : i32
      %broadcast_in_dim3A_412 = vector.broadcast %broadcast_in_dim3A_411 : i32 to vector<16xi32>
      %gather3A_413 = tpu.vector_load_idx %arg6[%iota3A, %broadcast_in_dim3A_412] : memref<16x128xf32, #tpu.memory_space<vmem>>[vector<16xi32>, vector<16xi32>], vector<16xf32>,
      %swap3A_414 = arith.constant 3 : i32
      %swap3A_415 = arith.index_cast %swap3A_414 : i32 to index
      %swap3A_416 = arith.constant 16 : index
      %swap3A_417 = tpu.vector_load %arg7[%swap3A_415, %swap3A_416] {strides = array<i32>} : memref<16x128xf32, #tpu.memory_space<vmem>>, vector<16xf32>,
      tpu.vector_store %arg7[%swap3A_415, %swap3A_416], %gather3A_413 {strides = array<i32>} : memref<16x128xf32, #tpu.memory_space<vmem>>, vector<16xf32>,
      %broadcast_in_dim3A_418 = arith.constant 26 : i32
      %broadcast_in_dim3A_419 = vector.broadcast %broadcast_in_dim3A_418 : i32 to vector<16xi32>
      %gather3A_420 = tpu.vector_load_idx %arg6[%iota3A, %broadcast_in_dim3A_419] : memref<16x128xf32, #tpu.memory_space<vmem>>[vector<16xi32>, vector<16xi32>], vector<16xf32>,
      %swap3A_421 = arith.constant 3 : i32
      %swap3A_422 = arith.index_cast %swap3A_421 : i32 to index
      %swap3A_423 = arith.constant 32 : index
      %swap3A_424 = tpu.vector_load %arg7[%swap3A_422, %swap3A_423] {strides = array<i32>} : memref<16x128xf32, #tpu.memory_space<vmem>>, vector<16xf32>,
      tpu.vector_store %arg7[%swap3A_422, %swap3A_423], %gather3A_420 {strides = array<i32>} : memref<16x128xf32, #tpu.memory_space<vmem>>, vector<16xf32>,
      %broadcast_in_dim3A_425 = arith.constant 27 : i32
      %broadcast_in_dim3A_426 = vector.broadcast %broadcast_in_dim3A_425 : i32 to vector<16xi32>
      %gather3A_427 = tpu.vector_load_idx %arg6[%iota3A, %broadcast_in_dim3A_426] : memref<16x128xf32, #tpu.memory_space<vmem>>[vector<16xi32>, vector<16xi32>], vector<16xf32>,
      %swap3A_428 = arith.constant 3 : i32
      %swap3A_429 = arith.index_cast %swap3A_428 : i32 to index
      %swap3A_430 = arith.constant 48 : index
      %swap3A_431 = tpu.vector_load %arg7[%swap3A_429, %swap3A_430] {strides = array<i32>} : memref<16x128xf32, #tpu.memory_space<vmem>>, vector<16xf32>,
      tpu.vector_store %arg7[%swap3A_429, %swap3A_430], %gather3A_427 {strides = array<i32>} : memref<16x128xf32, #tpu.memory_space<vmem>>, vector<16xf32>,
      %broadcast_in_dim3A_432 = arith.constant 28 : i32
      %broadcast_in_dim3A_433 = vector.broadcast %broadcast_in_dim3A_432 : i32 to vector<16xi32>
      %gather3A_434 = tpu.vector_load_idx %arg6[%iota3A, %broadcast_in_dim3A_433] : memref<16x128xf32, #tpu.memory_space<vmem>>[vector<16xi32>, vector<16xi32>], vector<16xf32>,
      %swap3A_435 = arith.constant 3 : i32
      %swap3A_436 = arith.index_cast %swap3A_435 : i32 to index
      %swap3A_437 = arith.constant 64 : index
      %swap3A_438 = tpu.vector_load %arg7[%swap3A_436, %swap3A_437] {strides = array<i32>} : memref<16x128xf32, #tpu.memory_space<vmem>>, vector<16xf32>,
      tpu.vector_store %arg7[%swap3A_436, %swap3A_437], %gather3A_434 {strides = array<i32>} : memref<16x128xf32, #tpu.memory_space<vmem>>, vector<16xf32>,
      %broadcast_in_dim3A_439 = arith.constant 29 : i32
      %broadcast_in_dim3A_440 = vector.broadcast %broadcast_in_dim3A_439 : i32 to vector<16xi32>
      %gather3A_441 = tpu.vector_load_idx %arg6[%iota3A, %broadcast_in_dim3A_440] : memref<16x128xf32, #tpu.memory_space<vmem>>[vector<16xi32>, vector<16xi32>], vector<16xf32>,
      %swap3A_442 = arith.constant 3 : i32
      %swap3A_443 = arith.index_cast %swap3A_442 : i32 to index
      %swap3A_444 = arith.constant 80 : index
      %swap3A_445 = tpu.vector_load %arg7[%swap3A_443, %swap3A_444] {strides = array<i32>} : memref<16x128xf32, #tpu.memory_space<vmem>>, vector<16xf32>,
      tpu.vector_store %arg7[%swap3A_443, %swap3A_444], %gather3A_441 {strides = array<i32>} : memref<16x128xf32, #tpu.memory_space<vmem>>, vector<16xf32>,
      %broadcast_in_dim3A_446 = arith.constant 30 : i32
      %broadcast_in_dim3A_447 = vector.broadcast %broadcast_in_dim3A_446 : i32 to vector<16xi32>
      %gather3A_448 = tpu.vector_load_idx %arg6[%iota3A, %broadcast_in_dim3A_447] : memref<16x128xf32, #tpu.memory_space<vmem>>[vector<16xi32>, vector<16xi32>], vector<16xf32>,
      %swap3A_449 = arith.constant 3 : i32
      %swap3A_450 = arith.index_cast %swap3A_449 : i32 to index
      %swap3A_451 = arith.constant 96 : index
      %swap3A_452 = tpu.vector_load %arg7[%swap3A_450, %swap3A_451] {strides = array<i32>} : memref<16x128xf32, #tpu.memory_space<vmem>>, vector<16xf32>,
      tpu.vector_store %arg7[%swap3A_450, %swap3A_451], %gather3A_448 {strides = array<i32>} : memref<16x128xf32, #tpu.memory_space<vmem>>, vector<16xf32>,
      %broadcast_in_dim3A_453 = arith.constant 31 : i32
      %broadcast_in_dim3A_454 = vector.broadcast %broadcast_in_dim3A_453 : i32 to vector<16xi32>
      %gather3A_455 = tpu.vector_load_idx %arg6[%iota3A, %broadcast_in_dim3A_454] : memref<16x128xf32, #tpu.memory_space<vmem>>[vector<16xi32>, vector<16xi32>], vector<16xf32>,
      %swap3A_456 = arith.constant 3 : i32
      %swap3A_457 = arith.index_cast %swap3A_456 : i32 to index
      %swap3A_458 = arith.constant 112 : index
      %swap3A_459 = tpu.vector_load %arg7[%swap3A_457, %swap3A_458] {strides = array<i32>} : memref<16x128xf32, #tpu.memory_space<vmem>>, vector<16xf32>,
      tpu.vector_store %arg7[%swap3A_457, %swap3A_458], %gather3A_455 {strides = array<i32>} : memref<16x128xf32, #tpu.memory_space<vmem>>, vector<16xf32>,
      "tpu.region"() ({
        %run_scoped3A = tpu.sem_alloc : memref<!tpu.dma_semaphore, #tpu.memory_space<semaphore_mem>>
        %dma_start3A = arith.constant 0 : i32
        %dma_start3A_460 = arith.constant 0 : i32
        %dma_start3A_461 = tpu.memref_slice %arg7[%dma_start3A, %dma_start3A_460] : memref<16x128xf32, #tpu.memory_space<vmem>> -> memref<4x128xf32, #tpu.memory_space<vmem>>
        %dma_start3A_462 = arith.constant 0 : i32
        %dma_start3A_463 = tpu.memref_slice %arg5[%multiple_of3A_14, %dma_start3A_462] : memref<12500x128xf32, #tpu.memory_space<hbm>> -> memref<4x128xf32, #tpu.memory_space<hbm>>
        %dma_start3A_464 = arith.constant 0 : i32
        %dma_start3A_465 = tpu.memref_slice %arg5[%multiple_of3A_14, %dma_start3A_464] : memref<12500x128xf32, #tpu.memory_space<hbm>> -> memref<4x128xf32, #tpu.memory_space<hbm>>
        %dma_start3A_466 = arith.constant 0 : i32
        %dma_start3A_467 = arith.constant 0 : i32
        %dma_start3A_468 = tpu.memref_slice %arg7[%dma_start3A_466, %dma_start3A_467] : memref<16x128xf32, #tpu.memory_space<vmem>> -> memref<4x128xf32, #tpu.memory_space<vmem>>
        tpu.enqueue_dma source(%dma_start3A_468 : memref<4x128xf32, #tpu.memory_space<vmem>>) target(%dma_start3A_465 : memref<4x128xf32, #tpu.memory_space<hbm>>) target_semaphore(%run_scoped3A : memref<!tpu.dma_semaphore, #tpu.memory_space<semaphore_mem>>)
        %dma_wait3A = arith.constant 0 : i32
        %dma_wait3A_469 = arith.constant 0 : i32
        %dma_wait3A_470 = tpu.memref_slice %arg7[%dma_wait3A, %dma_wait3A_469] : memref<16x128xf32, #tpu.memory_space<vmem>> -> memref<4x128xf32, #tpu.memory_space<vmem>>
        %dma_wait3A_471 = arith.constant 0 : i32
        %dma_wait3A_472 = tpu.memref_slice %arg5[%multiple_of3A_14, %dma_wait3A_471] : memref<12500x128xf32, #tpu.memory_space<hbm>> -> memref<4x128xf32, #tpu.memory_space<hbm>>
        %dma_wait3A_473 = arith.constant 0 : i32
        %dma_wait3A_474 = tpu.memref_slice %arg5[%multiple_of3A_14, %dma_wait3A_473] : memref<12500x128xf32, #tpu.memory_space<hbm>> -> memref<4x128xf32, #tpu.memory_space<hbm>>
        %dma_wait3A_475 = arith.constant 0 : i32
        %dma_wait3A_476 = arith.constant 0 : i32
        %dma_wait3A_477 = tpu.memref_slice %arg7[%dma_wait3A_475, %dma_wait3A_476] : memref<16x128xf32, #tpu.memory_space<vmem>> -> memref<4x128xf32, #tpu.memory_space<vmem>>
        tpu.wait_dma2 semaphore(%run_scoped3A : memref<!tpu.dma_semaphore, #tpu.memory_space<semaphore_mem>>) src(%dma_wait3A_477 : memref<4x128xf32, #tpu.memory_space<vmem>>) dst(%dma_wait3A_474 : memref<4x128xf32, #tpu.memory_space<hbm>>)
        tpu.yield
      }) : () -> ()
    } else {
    }
    return
  }
}

</mosaic_0001>

<sc_bundles>
// kernel: kernel.4.cloned.1.call-start
scs
__scs_entry_jumppad:
0x0: {  	(pc) =	sbr.rel $0x88, $3  }
0x1: {  	(tag) =	ssettag $0x0;
	lr =	simm.s32 $0x1  }
0x2: {  	[smem:$0x3F9B] =	sst lr;
	_ =	strace $0xD0000000  }
0x3: {  	_ = 	snop  }
0x4: {  	_ = 	snop  }
0x5: {  	_ = 	snop  }
0x6: {  	_ = 	snop  }
0x7: {  	_ = 	snop  }
__scs_overlays_trampoline_lowered:
0x8: {  	[smem:$0x3FAA] =	sst s0  }
0x9: {  	[smem:$0x3FAB] =	sst s1  }
0xa: {  	[smem:$0x3FAC] =	sst s2  }
0xb: {  	[smem:$0x3FAD] =	sst s3  }
0xc: {  	[smem:$0x3FAE] =	sst s4  }
0xd: {  	[smem:$0x3FAF] =	sst s5  }
0xe: {  	[smem:$0x3FB0] =	sst s6  }
0xf: {  	[smem:$0x3FB1] =	sst s7  }
0x10: {  	[smem:$0x3FB2] =	sst s8  }
0x11: {  	[smem:$0x3FB3] =	sst s9;
	s0 =	simm.s32 @!p0 $0x0  }
0x12: {  	s1 =	sld [smem:$0x3F99];
	s0 =	simm.s32 @p0 $0x1  }
0x13: {  	[smem:$0x3FB4] =	sst s0;
	s0 =	simm.s32 @!p1 $0x0  }
0x14: {  	s2 =	sld [smem:$0x3F98];
	s0 =	simm.s32 @p1 $0x1  }
0x15: {  	[smem:$0x3FB5] =	sst s0;
	s0 =	simm.s32 @!p2 $0x0  }
0x16: {  	s3 =	sld [smem:$0x3FDB];
	s0 =	simm.s32 @p2 $0x1  }
0x17: {  	s4 =	simm.s32 $0x1BF5;
	[smem:$0x3FB7] =	sst s0  }
0x18: {  	s0 =	sld [smem:$0x3F9A];
	_ =	swait.ge [sflag:s4], $0x0  }
0x19: {  	s7 =	sld [smem:$0x3F9B]  }
0x1a: {  	s8 =	sadd.s32 $0xFFFFE003, lr  }
0x1b: {  	s9 =	sadd.s32 $0xFFFFFEF7, lr;
	s5 =	simm.s32 $0xFFFFFFFF;
	p2 =	slt.u32 s8, $0xFFFFF086  }
0x1c: {  	p1 =	slt.u32 s9, $0xF7A;
	s5 =	simm.s32 @!p2 $0x0  }
0x1d: {  	s5 =	simm.s32 @p1 $0x1;
	p0 =	seq.s32 s7, s2  }
0x1e: {  	s7 =	smul.u32 @!p0 $0xF7A, s2;
	p2 =	seq.s32 @!p0 s5, $0x0  }
0x1f: {  	s9 =	smul.u32 $0xF7A, s1;
	s8 =	simm.s32 @!p0 $0x1BF5;
	p2 =	por !p2, p0  }
0x20: {  	[sflag:s8] =	ssyncset.s32 @!p0 $0xFFFFF086;
	s6 =	sadd.s32 @!p0 s3, s7;
	s7 =	simm.s32 @!p0 $0x108  }
0x21: {  	s3 =	sadd.s32 s3, s9;
	s6 =	sadd.s32 @!p0 $0x88, s6;
	s7 =	simm.s32 @p2 $0x1082  }
0x22: {  	[simem:s7], [sflag:s8] =	dma.local @!p0 [hbm:s6], $0xF7A  }
0x23: {  	s9 =	sor.u32 $0xD0000000, s2;
	s6 =	simm.s32 $0x108;
	_ =	swait.ge @!p0 [sflag:s8], $0x0  }
0x24: {  	s3 =	sadd.s32 $0x88, s3;
	s6 =	simm.s32 @!p1 $0x1082;
	[sflag:s4] =	ssyncset.s32 $0xFFFFF086  }
0x25: {  	[simem:s6], [sflag:s4] =	dma.local [hbm:s3], $0xF7A  }
0x26: {  	[smem:$0x3F9B] =	sst s1;
	(tag) =	ssettag s2;
	_ =	strace s9  }
0x27: {  	s1 =	sld [smem:$0x3FAB]  }
0x28: {  	s2 =	sld [smem:$0x3FAC]  }
0x29: {  	s4 =	sld [smem:$0x3FAE]  }
0x2a: {  	p0 =	seq.s32 s5, $0x0;
	s5 =	sld [smem:$0x3FAF]  }
0x2b: {  	s6 =	sld [smem:$0x3FB0]  }
0x2c: {  	s7 =	sld [smem:$0x3FB1]  }
0x2d: {  	s3 =	simm.s32 $0x108;
	s8 =	sld [smem:$0x3FB2]  }
0x2e: {  	s3 =	simm.s32 @!p0 $0x1082;
	s9 =	sld [smem:$0x3FB3]  }
0x2f: {  	lr =	sadd.s32 s0, s3;
	s0 =	sld [smem:$0x3FAA]  }
0x30: {  	s3 =	sld [smem:$0x3FAD]  }
0x31: {  	[smem:$0x3FB6] =	sst s10  }
0x32: {  	s10 =	sld [smem:$0x3FB4];
	_ =	sdelay $0x3  }
0x33: {  	p0 =	seq.s32 s10, $0x1;
	s10 =	sld [smem:$0x3FB6];
	_ =	sdelay $0x3  }
0x34: {  	[smem:$0x3FB6] =	sst s10  }
0x35: {  	s10 =	sld [smem:$0x3FB5];
	_ =	sdelay $0x3  }
0x36: {  	p1 =	seq.s32 s10, $0x1;
	s10 =	sld [smem:$0x3FB6];
	_ =	sdelay $0x3  }
0x37: {  	[smem:$0x3FB6] =	sst s10  }
0x38: {  	s10 =	sld [smem:$0x3FB7]  }
0x39: {  	_ = 	snop;
	(pc) =	sbr.ind lr, $3  }
0x3a: {  	_ = 	snop  }
0x3b: {  	_ = 	snop  }
0x3c: {  	p2 =	seq.s32 s10, $0x1;
	s10 =	sld [smem:$0x3FB6]  }
0x3d: {  	_ =	shalt  }
0x3e: {  	_ =	shalt  }
0x3f: {  	_ =	shalt  }
0x40: {  	_ =	shalt  }
0x41: {  	_ =	shalt  }
0x42: {  	_ =	shalt  }
0x43: {  	_ =	shalt  }
0x44: {  	_ =	shalt  }
0x45: {  	_ =	shalt  }
0x46: {  	_ =	shalt  }
0x47: {  	_ =	shalt  }
0x48: {  	_ =	shalt  }
0x49: {  	_ =	shalt  }
0x4a: {  	_ =	shalt  }
0x4b: {  	_ =	shalt  }
0x4c: {  	_ =	shalt  }
0x4d: {  	_ =	shalt  }
0x4e: {  	_ =	shalt  }
0x4f: {  	_ =	shalt  }
0x50: {  	_ =	shalt  }
0x51: {  	_ =	shalt  }
0x52: {  	_ =	shalt  }
0x53: {  	_ =	shalt  }
0x54: {  	_ =	shalt  }
0x55: {  	_ =	shalt  }
0x56: {  	_ =	shalt  }
0x57: {  	_ =	shalt  }
0x58: {  	_ =	shalt  }
0x59: {  	_ =	shalt  }
0x5a: {  	_ =	shalt  }
0x5b: {  	_ =	shalt  }
0x5c: {  	_ =	shalt  }
0x5d: {  	_ =	shalt  }
0x5e: {  	_ =	shalt  }
0x5f: {  	_ =	shalt  }
0x60: {  	_ =	shalt  }
0x61: {  	_ =	shalt  }
0x62: {  	_ =	shalt  }
0x63: {  	_ =	shalt  }
0x64: {  	_ =	shalt  }
0x65: {  	_ =	shalt  }
0x66: {  	_ =	shalt  }
0x67: {  	_ =	shalt  }
0x68: {  	_ =	shalt  }
0x69: {  	_ =	shalt  }
0x6a: {  	_ =	shalt  }
0x6b: {  	_ =	shalt  }
0x6c: {  	_ =	shalt  }
0x6d: {  	_ =	shalt  }
0x6e: {  	_ =	shalt  }
0x6f: {  	_ =	shalt  }
0x70: {  	_ =	shalt  }
0x71: {  	_ =	shalt  }
0x72: {  	_ =	shalt  }
0x73: {  	_ =	shalt  }
0x74: {  	_ =	shalt  }
0x75: {  	_ =	shalt  }
0x76: {  	_ =	shalt  }
0x77: {  	_ =	shalt  }
0x78: {  	_ =	shalt  }
0x79: {  	_ =	shalt  }
0x7a: {  	_ =	shalt  }
0x7b: {  	_ =	shalt  }
0x7c: {  	_ =	shalt  }
0x7d: {  	_ =	shalt  }
0x7e: {  	_ =	shalt  }
0x7f: {  	_ =	shalt  }
0x80: {  	_ =	shalt  }
0x81: {  	_ =	shalt  }
0x82: {  	_ =	shalt  }
0x83: {  	_ =	shalt  }
0x84: {  	_ =	shalt  }
0x85: {  	_ =	shalt  }
0x86: {  	_ =	shalt  }
0x87: {  	_ =	shalt  }
.Lfunc_end0:
.L_simem_size_0:
called_computation_lowered:
.L_overlay_start_0:
0x88: {  	s2 =	sld [smem:$0x3FD9]  }
0x89: {  	s3 =	sld [smem:$0x3FFE];
	_ =	sdelay $0x1  }
0x8a: {  	s1 =	srdreg.scid  }
0x8b: {  	s0 =	sand.u32 $0x1, s1  }
0x8c: {  	s17 =	sshll.u32 s0, $0xA;
	s2 =	sadd.s32 s3, s2  }
0x8d: {  	s2 =	sadd.s32 s2, s17  }
0x8e: {  	[smem:$0x3FC2] =	sst s2  }
0x8f: {  	_ = 	snop  }
0x90: {  	s2 =	sld [smem:$0x3FC7]  }
0x91: {  	s18 =	sld [smem:$0x3FC6];
	(tm) =	ssettm $0x1  }
0x92: {  	s4 =	sld [smem:$0x3FFB];
	_ =	sdelay $0x3  }
0x93: {  	_ =	strace s4  }
0x94: {  	s4 =	sld [smem:$0x3FFC];
	_ =	sdelay $0x3  }
0x95: {  	_ =	strace s4  }
0x96: {  	s4 =	sld [smem:$0x3FFD];
	_ =	sdelay $0x3  }
0x97: {  	_ =	strace s4  }
0x98: {  	_ =	strace $0x8FFFFFFF  }
0x99: {  	s19 =	sld [smem:$0x3FDB];
	_ =	sdelay $0x1  }
0x9a: {  	s5 =	simm.s32 $_scs_section_size  }
0x9b: {  	s6 =	simm.s32 $_size__tile_overlayer_lowered;
	s7 =	simm.s32 $_tile_overlayer_lowered  }
0x9c: {  	s22 =	simm.s32 $0x1BFF;
	s21 =	sshll.u32 s7, $0x1;
	s4 =	sadd.s32 s5, s19  }
0x9d: {  	s8 =	simm.s32 $0x0;
	s20 =	sshll.u32 s6, $0x1;
	s6 =	sadd.s32 s21, s4  }
0x9e: {  	[timem:s8], [sflag:s22] =	dma.local [hbm:s6], s20  }
0x9f: {  	_ =	swait.ge [sflag:s22], s20  }
0xa0: {  	s5 =	ssub.s32 $0x0, s20;
	[sflag:s22] =	ssyncset.done $0x0  }
0xa1: {  	[sflag:s22] =	ssyncadd.s32 s5;
	_ =	sdelay $0x1  }
0xa2: {  	s23 =	simm.s32 $0x1B8B  }
0xa3: {  	_ =	swait.ge [sflag:s23], $0x1  }
0xa4: {  	[sflag:s23] =	ssyncset.done $0x0  }
0xa5: {  	s25 =	simm.s32 $0x1B8E;
	s24 =	sld [smem:$0x3FFE];
	[sflag:s23] =	ssyncadd.s32 $0xFFFFFFFF  }
0xa6: {  	s26 =	simm.s32 $execute0_lowered;
	[smem:$0x3FD2] =	sst s25  }
0xa7: {  	s6 =	sshll.u32 s26, $0x1;
	_ =	strace $0x80000046;
	[dreg:$0x1] =	wrdreg $0xFFFFFFFF  }
0xa8: {  	s28 =	simm.s32 $_size_execute0_lowered;
	s4 =	sadd.s32 s4, s6;
	[dreg:$0x0] =	wrdreg $0x0  }
0xa9: {  	s6 =	sshll.u32 s28, $0x1;
	[dreg:$0x2] =	wrdreg s4  }
0xaa: {  	[dreg:$0x3] =	wrdreg s6  }
0xab: {  	[dreg:$0x4] =	wrdreg $0xC0  }
0xac: {  	_ =	task [dreg:s8], $0x5FFFF  }
0xad: {  	[dreg:$0x1] =	wrdreg $0xFFFFFFFF  }
0xae: {  	[dreg:$0x0] =	wrdreg $0x60  }
0xaf: {  	[dreg:$0x2] =	wrdreg s2  }
0xb0: {  	[dreg:$0x3] =	wrdreg s18  }
0xb1: {  	[dreg:$0x4] =	wrdreg s24  }
0xb2: {  	[dreg:$0x5] =	wrdreg $0x9  }
0xb3: {  	_ =	task.clear_ibuf [dreg:s8], $0x6FFFF;
	_ =	strace $0x90000046  }
0xb4: {  	s29 =	simm.s32 $0x9;
	_ =	strace $0x80000048  }
0xb5: {  	_ =	swait.ge [sflag:s29], $0x1  }
0xb6: {  	[sflag:s29] =	ssyncadd.s32 $0xFFFFFFFF  }
0xb7: {  	_ =	strace $0x90000048  }
0xb8: {  	_ =	sfence  }
0xb9: {  	s30 =	sld [smem:$0x0];
	_ =	sdelay $0x2  }
0xba: {  	s31 =	sshll.u32 s1, $0xD;
	s1 =	sshrl.u32 s1, $0x2  }
0xbb: {  	s3 =	sand.u32 $0x4000, s31;
	s1 =	sadd.s32 s1, s30  }
0xbc: {  	s0 =	sor.u32 s3, s0;
	s1 =	sshll.u32 s1, $0x11  }
0xbd: {  	s0 =	sor.u32 s1, s0  }
0xbe: {  	s0 =	sadd.s32 $0x8F2B, s0  }
0xbf: {  	[sflag:s0] =	ssyncadd.remote.s32 $0x1  }
0xc0: {  	_ =	sfence.sel $0xFFFF  }
0xc1: {  	[dreg:$0x0] =	wrdreg $0xFFFFFFFF;
	(pc) =	sbr.abs _section_cstart, $3  }
0xc2: {  	[dreg:$0x1] =	wrdreg $0xFFFFFFFF  }
0xc3: {  	_ =	task.clear_ibuf [dreg:s8], $0x2FFFF;
	_ =	strace $0x9FFFFFFF  }
0xc4: {  	(tm) =	ssettm $0x7FFFFFFF  }
0xc5: {  	_ =	shalt  }
tec
execute0_lowered:
.L_overlay_start_1:
0x0: {  	(tag) =	ssettag $0x1  }
0x1: {  	v0 =	vlaneseq.u32;
	s0 =	rddreg [dreg:$0x0]  }
0x2: {  	s1 =	rddreg [dreg:$0x1];
	v2 =	vmul.u32 $0x80, v0  }
0x3: {  	s11 =	rddreg [dreg:$0x2];
	s3 =	simm.s32 $0x0  }
0x4: {  	[smem:$0x7FF] =	sst s3;
	v1 =	vor.u32 $0x3F, v2  }
0x5: {  	s2 =	rddreg [dreg:$0x3];
	_ =	strace $0x80000047;
	v27 =	vor.u32 $0x1, v2;
	[tilespmem:$0x1FE00] =	vst v1  }
0x6: {  	v23 =	vor.u32 $0x16, v2;
	[tilespmem:$0x1FE10] =	vst v27  }
0x7: {  	v24 =	vor.u32 $0x17, v2;
	[tilespmem:$0x1FE20] =	vst v23  }
0x8: {  	v25 =	vor.u32 $0x18, v2;
	[tilespmem:$0x1FE30] =	vst v24  }
0x9: {  	v26 =	vor.u32 $0x19, v2;
	[tilespmem:$0x1FE40] =	vst v25  }
0xa: {  	v0 =	vor.u32 $0x1A, v2;
	[tilespmem:$0x1FE50] =	vst v26  }
0xb: {  	v28 =	vor.u32 $0x1B, v2;
	[tilespmem:$0x1FE60] =	vst v0  }
0xc: {  	v29 =	vor.u32 $0x1C, v2;
	[tilespmem:$0x1FE70] =	vst v28  }
0xd: {  	v30 =	vor.u32 $0x1D, v2;
	[tilespmem:$0x1FE80] =	vst v29  }
0xe: {  	v31 =	vor.u32 $0x1E, v2;
	[tilespmem:$0x1FE90] =	vst v30  }
0xf: {  	v32 =	vor.u32 $0x1F, v2;
	[tilespmem:$0x1FEA0] =	vst v31  }
0x10: {  	v22 =	vor.u32 $0x15, v2;
	[tilespmem:$0x1FEB0] =	vst v32  }
0x11: {  	v21 =	vor.u32 $0x14, v2;
	[tilespmem:$0x1FEC0] =	vst v22  }
0x12: {  	v20 =	vor.u32 $0x13, v2;
	[tilespmem:$0x1FED0] =	vst v21  }
0x13: {  	v19 =	vor.u32 $0x12, v2;
	[tilespmem:$0x1FEE0] =	vst v20  }
0x14: {  	v18 =	vor.u32 $0x11, v2;
	[tilespmem:$0x1FEF0] =	vst v19  }
0x15: {  	v17 =	vor.u32 $0x10, v2;
	[tilespmem:$0x1FF00] =	vst v18  }
0x16: {  	v3 =	vor.u32 $0x2, v2;
	v4 =	vor.u32 $0x3, v2;
	v16 =	vor.u32 $0xF, v2;
	[tilespmem:$0x1FF10] =	vst v17  }
0x17: {  	v5 =	vor.u32 $0x4, v2;
	v6 =	vor.u32 $0x5, v2;
	v15 =	vor.u32 $0xE, v2;
	[tilespmem:$0x1FF20] =	vst v16  }
0x18: {  	v7 =	vor.u32 $0x6, v2;
	v8 =	vor.u32 $0x7, v2;
	v14 =	vor.u32 $0xD, v2;
	[tilespmem:$0x1FF30] =	vst v15  }
0x19: {  	v9 =	vor.u32 $0x8, v2;
	v10 =	vor.u32 $0x9, v2;
	v13 =	vor.u32 $0xC, v2;
	[tilespmem:$0x1FF40] =	vst v14  }
0x1a: {  	v11 =	vor.u32 $0xA, v2;
	v12 =	vor.u32 $0xB, v2;
	v33 =	vor.u32 $0x20, v2;
	[tilespmem:$0x1FF50] =	vst v13  }
0x1b: {  	v34 =	vor.u32 $0x21, v2;
	v35 =	vor.u32 $0x22, v2;
	v36 =	vor.u32 $0x23, v2;
	[tilespmem:$0x1FF60] =	vst v12  }
0x1c: {  	v37 =	vor.u32 $0x24, v2;
	v38 =	vor.u32 $0x25, v2;
	v39 =	vor.u32 $0x26, v2;
	[tilespmem:$0x1FF70] =	vst v11  }
0x1d: {  	s4 =	srdreg.scid;
	v40 =	vor.u32 $0x27, v2;
	v41 =	vor.u32 $0x28, v2;
	v42 =	vor.u32 $0x29, v2;
	[tilespmem:$0x1FF80] =	vst v10  }
0x1e: {  	s13 =	simm.s32 $0x400;
	s14 =	simm.s32 $0xC3800;
	s15 =	simm.s32 $0x1;
	v43 =	vor.u32 $0x2A, v2;
	v44 =	vor.u32 $0x2B, v2;
	v45 =	vor.u32 $0x2C, v2;
	[tilespmem:$0x1FF90] =	vst v9  }
0x1f: {  	s16 =	simm.s32 $0x800;
	s17 =	simm.s32 $0x0;
	s7 =	sand.u32 $0x1, s4;
	v46 =	vor.u32 $0x2D, v2;
	v47 =	vor.u32 $0x2E, v2;
	v48 =	vor.u32 $0x2F, v2;
	[tilespmem:$0x1FFA0] =	vst v8  }
.Ltmp0:
0x20: {  	s5 =	sadd.s32 $0xC00, s11;
	s4 =	stileid.u32;
	v49 =	vor.u32 $0x30, v2;
	v50 =	vor.u32 $0x31, v2;
	v51 =	vor.u32 $0x32, v2;
	[tilespmem:$0x1FFB0] =	vst v7;
	(pc) =	sbr.rel .LBB2_1-.Ltmp0, $4  }
0x21: {  	s6 =	sadd.s32 $0x31A00, s11;
	s8 =	ssub.s32 $0x2, s7;
	s31 =	sshll.u32 s4, $0x1;
	v52 =	vor.u32 $0x33, v2;
	v53 =	vor.u32 $0x34, v2;
	v54 =	vor.u32 $0x35, v2;
	[tilespmem:$0x1FFC0] =	vst v6  }
0x22: {  	s10 =	sadd.s32 $0x18680, s1;
	s9 =	sshrl.u32 s8, $0x1;
	s7 =	sor.u32 s7, s31;
	v55 =	vor.u32 $0x36, v2;
	v56 =	vor.u32 $0x37, v2;
	v57 =	vor.u32 $0x38, v2;
	[tilespmem:$0x1FFD0] =	vst v5  }
0x23: {  	v58 =	vor.u32 $0x39, v2;
	v59 =	vor.u32 $0x3A, v2;
	v60 =	vor.u32 $0x3B, v2;
	s12 =	ssub.s32 s8, s9;
	s8 =	sadd.s32 $0x18680, s0;
	s9 =	sadd.s32 $0x31900, s11;
	[tilespmem:$0x1FFE0] =	vst v4  }
0x24: {  	v61 =	vor.u32 $0x3C, v2;
	v62 =	vor.u32 $0x3D, v2;
	v63 =	vor.u32 $0x3E, v2;
	s11 =	sadd.s32 $0x62700, s11;
	p0 =	sne.s32 s7, $0x0;
	[tilespmem:$0x1FFF0] =	vst v3;
	s12 =	smax.u32 s12, $0x1  }
.LBB2_5:
0x25: {  	s17 =	sadd.s32 $0x1, s17  }
0x26: {  	p1 =	sne.s32 s17, s12  }
.Ltmp1:
0x27: {  	_ = 	snop;
	(pc) =	sbr.rel @!p1 .LBB2_6-.Ltmp1, $1  }
0x28: {  	_ =	sdelay $0x3  }
.LBB2_1:
0x29: {  	s18 =	simm.s32 $0x0  }
.LBB2_2:
0x2a: {  	s20 =	sadd.s32 s18, s7  }
0x2b: {  	p1 =	slt.s32 s20, $0x30C  }
0x2c: {  	s20 =	simm.s32 @!p1 $0x30C  }
0x2d: {  	s19 =	sshll.u32 s20, $0x7  }
0x2e: {  	s21 =	sadd.s32 s0, s19  }
0x2f: {  	[tilespmem:s3], [sflag:$0x1] =	stream.strided.gather [hbm4b:s21+s13], $0x800, s14, s13, $0x38;
	[tilespmem:$0x1000] =	vst v63  }
0x30: {  	_ =	swait.ge [sflag:s15], $0x800  }
0x31: {  	[sflag:s15] =	ssyncset.done $0x0  }
0x32: {  	[sflag:s15] =	ssyncadd.s32 $0xFFFFF800  }
0x33: {  	v1 =	vld.idx.msk [tilespmem:v2+s3+$0x0], $0xffff;
	_ =	sdelay $0x4  }
0x34: {  	[tilespmem:$0x800] =	vst v1  }
0x35: {  	v1 =	vld.idx.msk [tilespmem:v27+s3+$0x0], $0xffff;
	_ =	sdelay $0x4  }
0x36: {  	[tilespmem:$0x810] =	vst v1  }
0x37: {  	v1 =	vld.idx.msk [tilespmem:v3+s3+$0x0], $0xffff;
	_ =	sdelay $0x4  }
0x38: {  	[tilespmem:$0x820] =	vst v1  }
0x39: {  	v1 =	vld.idx.msk [tilespmem:v4+s3+$0x0], $0xffff;
	_ =	sdelay $0x4  }
0x3a: {  	[tilespmem:$0x830] =	vst v1  }
0x3b: {  	v1 =	vld.idx.msk [tilespmem:v5+s3+$0x0], $0xffff;
	_ =	sdelay $0x4  }
0x3c: {  	[tilespmem:$0x840] =	vst v1  }
0x3d: {  	v1 =	vld.idx.msk [tilespmem:v6+s3+$0x0], $0xffff;
	_ =	sdelay $0x4  }
0x3e: {  	[tilespmem:$0x850] =	vst v1  }
0x3f: {  	v1 =	vld.idx.msk [tilespmem:v7+s3+$0x0], $0xffff;
	_ =	sdelay $0x4  }
0x40: {  	[tilespmem:$0x860] =	vst v1  }
0x41: {  	v1 =	vld.idx.msk [tilespmem:v8+s3+$0x0], $0xffff;
	_ =	sdelay $0x4  }
0x42: {  	[tilespmem:$0x870] =	vst v1  }
0x43: {  	v1 =	vld.idx.msk [tilespmem:v9+s3+$0x0], $0xffff;
	_ =	sdelay $0x4  }
0x44: {  	[tilespmem:$0x880] =	vst v1  }
0x45: {  	v1 =	vld.idx.msk [tilespmem:v10+s3+$0x0], $0xffff;
	_ =	sdelay $0x4  }
0x46: {  	[tilespmem:$0x890] =	vst v1  }
0x47: {  	v1 =	vld.idx.msk [tilespmem:v11+s3+$0x0], $0xffff;
	_ =	sdelay $0x4  }
0x48: {  	[tilespmem:$0x8A0] =	vst v1  }
0x49: {  	v1 =	vld.idx.msk [tilespmem:v12+s3+$0x0], $0xffff;
	_ =	sdelay $0x4  }
0x4a: {  	[tilespmem:$0x8B0] =	vst v1  }
0x4b: {  	v1 =	vld.idx.msk [tilespmem:v13+s3+$0x0], $0xffff;
	_ =	sdelay $0x4  }
0x4c: {  	[tilespmem:$0x8C0] =	vst v1  }
0x4d: {  	v1 =	vld.idx.msk [tilespmem:v14+s3+$0x0], $0xffff;
	_ =	sdelay $0x4  }
0x4e: {  	[tilespmem:$0x8D0] =	vst v1  }
0x4f: {  	v1 =	vld.idx.msk [tilespmem:v15+s3+$0x0], $0xffff;
	_ =	sdelay $0x4  }
0x50: {  	[tilespmem:$0x8E0] =	vst v1  }
0x51: {  	v1 =	vld.idx.msk [tilespmem:v16+s3+$0x0], $0xffff;
	_ =	sdelay $0x4  }
0x52: {  	[tilespmem:$0x8F0] =	vst v1  }
0x53: {  	v1 =	vld.idx.msk [tilespmem:v17+s3+$0x0], $0xffff;
	_ =	sdelay $0x4  }
0x54: {  	[tilespmem:$0x900] =	vst v1  }
0x55: {  	v1 =	vld.idx.msk [tilespmem:v18+s3+$0x0], $0xffff;
	_ =	sdelay $0x4  }
0x56: {  	[tilespmem:$0x910] =	vst v1  }
0x57: {  	v1 =	vld.idx.msk [tilespmem:v19+s3+$0x0], $0xffff;
	_ =	sdelay $0x4  }
0x58: {  	[tilespmem:$0x920] =	vst v1  }
0x59: {  	v1 =	vld.idx.msk [tilespmem:v20+s3+$0x0], $0xffff;
	_ =	sdelay $0x4  }
0x5a: {  	[tilespmem:$0x930] =	vst v1  }
0x5b: {  	v1 =	vld.idx.msk [tilespmem:v21+s3+$0x0], $0xffff;
	_ =	sdelay $0x4  }
0x5c: {  	[tilespmem:$0x940] =	vst v1  }
0x5d: {  	v1 =	vld.idx.msk [tilespmem:v22+s3+$0x0], $0xffff;
	_ =	sdelay $0x4  }
0x5e: {  	[tilespmem:$0x950] =	vst v1  }
0x5f: {  	v1 =	vld.idx.msk [tilespmem:v23+s3+$0x0], $0xffff;
	_ =	sdelay $0x4  }
0x60: {  	[tilespmem:$0x960] =	vst v1  }
0x61: {  	v1 =	vld.idx.msk [tilespmem:v24+s3+$0x0], $0xffff;
	_ =	sdelay $0x4  }
0x62: {  	[tilespmem:$0x970] =	vst v1  }
0x63: {  	v1 =	vld.idx.msk [tilespmem:v25+s3+$0x0], $0xffff;
	_ =	sdelay $0x4  }
0x64: {  	[tilespmem:$0x980] =	vst v1  }
0x65: {  	v1 =	vld.idx.msk [tilespmem:v26+s3+$0x0], $0xffff;
	_ =	sdelay $0x4  }
0x66: {  	[tilespmem:$0x990] =	vst v1  }
0x67: {  	v1 =	vld.idx.msk [tilespmem:v0+s3+$0x0], $0xffff;
	_ =	sdelay $0x4  }
0x68: {  	[tilespmem:$0x9A0] =	vst v1  }
0x69: {  	v1 =	vld.idx.msk [tilespmem:v28+s3+$0x0], $0xffff;
	_ =	sdelay $0x4  }
0x6a: {  	[tilespmem:$0x9B0] =	vst v1  }
0x6b: {  	v1 =	vld.idx.msk [tilespmem:v29+s3+$0x0], $0xffff;
	_ =	sdelay $0x4  }
0x6c: {  	[tilespmem:$0x9C0] =	vst v1  }
0x6d: {  	v1 =	vld.idx.msk [tilespmem:v30+s3+$0x0], $0xffff;
	_ =	sdelay $0x4  }
0x6e: {  	[tilespmem:$0x9D0] =	vst v1  }
0x6f: {  	v1 =	vld.idx.msk [tilespmem:v31+s3+$0x0], $0xffff;
	_ =	sdelay $0x4  }
0x70: {  	[tilespmem:$0x9E0] =	vst v1  }
0x71: {  	v1 =	vld.idx.msk [tilespmem:v32+s3+$0x0], $0xffff;
	_ =	sdelay $0x4  }
0x72: {  	[tilespmem:$0x9F0] =	vst v1  }
0x73: {  	v1 =	vld.idx.msk [tilespmem:v33+s3+$0x0], $0xffff;
	_ =	sdelay $0x4  }
0x74: {  	[tilespmem:$0xA00] =	vst v1  }
0x75: {  	v1 =	vld.idx.msk [tilespmem:v34+s3+$0x0], $0xffff;
	_ =	sdelay $0x4  }
0x76: {  	[tilespmem:$0xA10] =	vst v1  }
0x77: {  	v1 =	vld.idx.msk [tilespmem:v35+s3+$0x0], $0xffff;
	_ =	sdelay $0x4  }
0x78: {  	[tilespmem:$0xA20] =	vst v1  }
0x79: {  	v1 =	vld.idx.msk [tilespmem:v36+s3+$0x0], $0xffff;
	_ =	sdelay $0x4  }
0x7a: {  	[tilespmem:$0xA30] =	vst v1  }
0x7b: {  	v1 =	vld.idx.msk [tilespmem:v37+s3+$0x0], $0xffff;
	_ =	sdelay $0x4  }
0x7c: {  	[tilespmem:$0xA40] =	vst v1  }
0x7d: {  	v1 =	vld.idx.msk [tilespmem:v38+s3+$0x0], $0xffff;
	_ =	sdelay $0x4  }
0x7e: {  	[tilespmem:$0xA50] =	vst v1  }
0x7f: {  	v1 =	vld.idx.msk [tilespmem:v39+s3+$0x0], $0xffff;
	_ =	sdelay $0x4  }
0x80: {  	[tilespmem:$0xA60] =	vst v1  }
0x81: {  	v1 =	vld.idx.msk [tilespmem:v40+s3+$0x0], $0xffff;
	_ =	sdelay $0x4  }
0x82: {  	[tilespmem:$0xA70] =	vst v1  }
0x83: {  	v1 =	vld.idx.msk [tilespmem:v41+s3+$0x0], $0xffff;
	_ =	sdelay $0x4  }
0x84: {  	[tilespmem:$0xA80] =	vst v1  }
0x85: {  	v1 =	vld.idx.msk [tilespmem:v42+s3+$0x0], $0xffff;
	_ =	sdelay $0x4  }
0x86: {  	[tilespmem:$0xA90] =	vst v1  }
0x87: {  	v1 =	vld.idx.msk [tilespmem:v43+s3+$0x0], $0xffff;
	_ =	sdelay $0x4  }
0x88: {  	[tilespmem:$0xAA0] =	vst v1  }
0x89: {  	v1 =	vld.idx.msk [tilespmem:v44+s3+$0x0], $0xffff;
	_ =	sdelay $0x4  }
0x8a: {  	[tilespmem:$0xAB0] =	vst v1  }
0x8b: {  	v1 =	vld.idx.msk [tilespmem:v45+s3+$0x0], $0xffff;
	_ =	sdelay $0x4  }
0x8c: {  	[tilespmem:$0xAC0] =	vst v1  }
0x8d: {  	v1 =	vld.idx.msk [tilespmem:v46+s3+$0x0], $0xffff;
	_ =	sdelay $0x4  }
0x8e: {  	[tilespmem:$0xAD0] =	vst v1  }
0x8f: {  	v1 =	vld.idx.msk [tilespmem:v47+s3+$0x0], $0xffff;
	_ =	sdelay $0x4  }
0x90: {  	[tilespmem:$0xAE0] =	vst v1  }
0x91: {  	v1 =	vld.idx.msk [tilespmem:v48+s3+$0x0], $0xffff;
	_ =	sdelay $0x4  }
0x92: {  	[tilespmem:$0xAF0] =	vst v1  }
0x93: {  	v1 =	vld.idx.msk [tilespmem:v49+s3+$0x0], $0xffff;
	_ =	sdelay $0x4  }
0x94: {  	[tilespmem:$0xB00] =	vst v1  }
0x95: {  	v1 =	vld.idx.msk [tilespmem:v50+s3+$0x0], $0xffff;
	_ =	sdelay $0x4  }
0x96: {  	[tilespmem:$0xB10] =	vst v1  }
0x97: {  	v1 =	vld.idx.msk [tilespmem:v51+s3+$0x0], $0xffff;
	_ =	sdelay $0x4  }
0x98: {  	[tilespmem:$0xB20] =	vst v1  }
0x99: {  	v1 =	vld.idx.msk [tilespmem:v52+s3+$0x0], $0xffff;
	_ =	sdelay $0x4  }
0x9a: {  	[tilespmem:$0xB30] =	vst v1  }
0x9b: {  	v1 =	vld.idx.msk [tilespmem:v53+s3+$0x0], $0xffff;
	_ =	sdelay $0x4  }
0x9c: {  	[tilespmem:$0xB40] =	vst v1  }
0x9d: {  	v1 =	vld.idx.msk [tilespmem:v54+s3+$0x0], $0xffff;
	_ =	sdelay $0x4  }
0x9e: {  	[tilespmem:$0xB50] =	vst v1  }
0x9f: {  	v1 =	vld.idx.msk [tilespmem:v55+s3+$0x0], $0xffff;
	_ =	sdelay $0x4  }
0xa0: {  	[tilespmem:$0xB60] =	vst v1  }
0xa1: {  	v1 =	vld.idx.msk [tilespmem:v56+s3+$0x0], $0xffff;
	_ =	sdelay $0x4  }
0xa2: {  	[tilespmem:$0xB70] =	vst v1  }
0xa3: {  	v1 =	vld.idx.msk [tilespmem:v57+s3+$0x0], $0xffff;
	_ =	sdelay $0x4  }
0xa4: {  	[tilespmem:$0xB80] =	vst v1  }
0xa5: {  	v1 =	vld.idx.msk [tilespmem:v58+s3+$0x0], $0xffff;
	_ =	sdelay $0x4  }
0xa6: {  	[tilespmem:$0xB90] =	vst v1  }
0xa7: {  	v1 =	vld.idx.msk [tilespmem:v59+s3+$0x0], $0xffff;
	_ =	sdelay $0x4  }
0xa8: {  	[tilespmem:$0xBA0] =	vst v1  }
0xa9: {  	v1 =	vld.idx.msk [tilespmem:v60+s3+$0x0], $0xffff;
	_ =	sdelay $0x4  }
0xaa: {  	[tilespmem:$0xBB0] =	vst v1  }
0xab: {  	v1 =	vld.idx.msk [tilespmem:v61+s3+$0x0], $0xffff;
	_ =	sdelay $0x4  }
0xac: {  	[tilespmem:$0xBC0] =	vst v1  }
0xad: {  	v1 =	vld.idx.msk [tilespmem:v62+s3+$0x0], $0xffff;
	_ =	sdelay $0x3  }
0xae: {  	v27 =	vmov v0;
	v0 =	vld [tilespmem:$0x1FE00]  }
0xaf: {  	[tilespmem:$0xBD0] =	vst v1  }
0xb0: {  	v1 =	vld.idx.msk [tilespmem:v63+s3+$0x0], $0xffff;
	_ =	sdelay $0x4  }
0xb1: {  	[tilespmem:$0xBE0] =	vst v1  }
0xb2: {  	v1 =	vld.idx.msk [tilespmem:v0+s3+$0x0], $0xffff  }
0xb3: {  	v0 =	vor.u32 $0x40, v2;
	_ =	sdelay $0x3  }
0xb4: {  	[tilespmem:$0xBF0] =	vst v1  }
0xb5: {  	v1 =	vld.idx.msk [tilespmem:v0+s3+$0x0], $0xffff  }
0xb6: {  	[tilespmem:$0x1FA00] =	vst v0;
	v0 =	vor.u32 $0x41, v2;
	_ =	sdelay $0x3  }
0xb7: {  	[tilespmem:$0xC00] =	vst v1  }
0xb8: {  	v1 =	vld.idx.msk [tilespmem:v0+s3+$0x0], $0xffff  }
0xb9: {  	[tilespmem:$0x1FA10] =	vst v0;
	v0 =	vor.u32 $0x42, v2;
	_ =	sdelay $0x3  }
0xba: {  	[tilespmem:$0xC10] =	vst v1  }
0xbb: {  	v1 =	vld.idx.msk [tilespmem:v0+s3+$0x0], $0xffff  }
0xbc: {  	[tilespmem:$0x1FA20] =	vst v0;
	v0 =	vor.u32 $0x43, v2;
	_ =	sdelay $0x3  }
0xbd: {  	[tilespmem:$0xC20] =	vst v1  }
0xbe: {  	v1 =	vld.idx.msk [tilespmem:v0+s3+$0x0], $0xffff  }
0xbf: {  	[tilespmem:$0x1FA30] =	vst v0;
	v0 =	vor.u32 $0x44, v2;
	_ =	sdelay $0x3  }
0xc0: {  	[tilespmem:$0xC30] =	vst v1  }
0xc1: {  	v1 =	vld.idx.msk [tilespmem:v0+s3+$0x0], $0xffff  }
0xc2: {  	[tilespmem:$0x1FA40] =	vst v0;
	v0 =	vor.u32 $0x45, v2;
	_ =	sdelay $0x3  }
0xc3: {  	[tilespmem:$0xC40] =	vst v1  }
0xc4: {  	v1 =	vld.idx.msk [tilespmem:v0+s3+$0x0], $0xffff  }
0xc5: {  	[tilespmem:$0x1FA50] =	vst v0;
	v0 =	vor.u32 $0x46, v2;
	_ =	sdelay $0x3  }
0xc6: {  	[tilespmem:$0xC50] =	vst v1  }
0xc7: {  	v1 =	vld.idx.msk [tilespmem:v0+s3+$0x0], $0xffff  }
0xc8: {  	[tilespmem:$0x1FA60] =	vst v0;
	v0 =	vor.u32 $0x47, v2;
	_ =	sdelay $0x3  }
0xc9: {  	[tilespmem:$0xC60] =	vst v1  }
0xca: {  	v1 =	vld.idx.msk [tilespmem:v0+s3+$0x0], $0xffff  }
0xcb: {  	[tilespmem:$0x1FA70] =	vst v0;
	v0 =	vor.u32 $0x48, v2;
	_ =	sdelay $0x2  }
0xcc: {  	[tilespmem:$0x1FA80] =	vst v0  }
0xcd: {  	[tilespmem:$0xC70] =	vst v1  }
0xce: {  	v1 =	vld.idx.msk [tilespmem:v0+s3+$0x0], $0xffff  }
0xcf: {  	v0 =	vor.u32 $0x49, v2;
	_ =	sdelay $0x3  }
0xd0: {  	[tilespmem:$0xC80] =	vst v1  }
0xd1: {  	v1 =	vld.idx.msk [tilespmem:v0+s3+$0x0], $0xffff  }
0xd2: {  	[tilespmem:$0x1FA90] =	vst v0;
	v0 =	vor.u32 $0x4A, v2;
	_ =	sdelay $0x3  }
0xd3: {  	[tilespmem:$0xC90] =	vst v1  }
0xd4: {  	v1 =	vld.idx.msk [tilespmem:v0+s3+$0x0], $0xffff  }
0xd5: {  	[tilespmem:$0x1FAA0] =	vst v0;
	v0 =	vor.u32 $0x4B, v2;
	_ =	sdelay $0x3  }
0xd6: {  	[tilespmem:$0xCA0] =	vst v1  }
0xd7: {  	v1 =	vld.idx.msk [tilespmem:v0+s3+$0x0], $0xffff  }
0xd8: {  	[tilespmem:$0x1FAB0] =	vst v0;
	v0 =	vor.u32 $0x4C, v2;
	_ =	sdelay $0x3  }
0xd9: {  	[tilespmem:$0xCB0] =	vst v1  }
0xda: {  	v1 =	vld.idx.msk [tilespmem:v0+s3+$0x0], $0xffff  }
0xdb: {  	[tilespmem:$0x1FAC0] =	vst v0;
	v0 =	vor.u32 $0x4D, v2;
	_ =	sdelay $0x3  }
0xdc: {  	[tilespmem:$0xCC0] =	vst v1  }
0xdd: {  	v1 =	vld.idx.msk [tilespmem:v0+s3+$0x0], $0xffff  }
0xde: {  	[tilespmem:$0x1FAD0] =	vst v0;
	v0 =	vor.u32 $0x4E, v2;
	_ =	sdelay $0x3  }
0xdf: {  	[tilespmem:$0xCD0] =	vst v1  }
0xe0: {  	v1 =	vld.idx.msk [tilespmem:v0+s3+$0x0], $0xffff  }
0xe1: {  	[tilespmem:$0x1FAE0] =	vst v0;
	v0 =	vor.u32 $0x4F, v2;
	_ =	sdelay $0x3  }
0xe2: {  	[tilespmem:$0xCE0] =	vst v1  }
0xe3: {  	v1 =	vld.idx.msk [tilespmem:v0+s3+$0x0], $0xffff  }
0xe4: {  	[tilespmem:$0x1FAF0] =	vst v0;
	v0 =	vor.u32 $0x50, v2;
	_ =	sdelay $0x3  }
0xe5: {  	[tilespmem:$0xCF0] =	vst v1  }
0xe6: {  	v1 =	vld.idx.msk [tilespmem:v0+s3+$0x0], $0xffff  }
0xe7: {  	[tilespmem:$0x1FB00] =	vst v0;
	v0 =	vor.u32 $0x51, v2;
	_ =	sdelay $0x3  }
0xe8: {  	[tilespmem:$0xD00] =	vst v1  }
0xe9: {  	v1 =	vld.idx.msk [tilespmem:v0+s3+$0x0], $0xffff  }
0xea: {  	[tilespmem:$0x1FB10] =	vst v0;
	v0 =	vor.u32 $0x52, v2;
	_ =	sdelay $0x3  }
0xeb: {  	[tilespmem:$0xD10] =	vst v1  }
0xec: {  	v1 =	vld.idx.msk [tilespmem:v0+s3+$0x0], $0xffff  }
0xed: {  	[tilespmem:$0x1FB20] =	vst v0;
	v0 =	vor.u32 $0x53, v2;
	_ =	sdelay $0x3  }
0xee: {  	[tilespmem:$0xD20] =	vst v1  }
0xef: {  	v1 =	vld.idx.msk [tilespmem:v0+s3+$0x0], $0xffff  }
0xf0: {  	[tilespmem:$0x1FB30] =	vst v0;
	v0 =	vor.u32 $0x54, v2;
	_ =	sdelay $0x3  }
0xf1: {  	[tilespmem:$0xD30] =	vst v1  }
0xf2: {  	v1 =	vld.idx.msk [tilespmem:v0+s3+$0x0], $0xffff  }
0xf3: {  	[tilespmem:$0x1FB40] =	vst v0;
	v0 =	vor.u32 $0x55, v2;
	_ =	sdelay $0x3  }
0xf4: {  	[tilespmem:$0xD40] =	vst v1  }
0xf5: {  	v1 =	vld.idx.msk [tilespmem:v0+s3+$0x0], $0xffff  }
0xf6: {  	[tilespmem:$0x1FB50] =	vst v0;
	v0 =	vor.u32 $0x56, v2;
	_ =	sdelay $0x3  }
0xf7: {  	[tilespmem:$0xD50] =	vst v1  }
0xf8: {  	v1 =	vld.idx.msk [tilespmem:v0+s3+$0x0], $0xffff  }
0xf9: {  	[tilespmem:$0x1FB60] =	vst v0;
	v0 =	vor.u32 $0x57, v2;
	_ =	sdelay $0x3  }
0xfa: {  	[tilespmem:$0xD60] =	vst v1  }
0xfb: {  	v1 =	vld.idx.msk [tilespmem:v0+s3+$0x0], $0xffff  }
0xfc: {  	[tilespmem:$0x1FB70] =	vst v0;
	v0 =	vor.u32 $0x58, v2;
	_ =	sdelay $0x3  }
0xfd: {  	[tilespmem:$0xD70] =	vst v1  }
0xfe: {  	v1 =	vld.idx.msk [tilespmem:v0+s3+$0x0], $0xffff  }
0xff: {  	[tilespmem:$0x1FB80] =	vst v0;
	v0 =	vor.u32 $0x59, v2;
	_ =	sdelay $0x3  }
0x100: {  	[tilespmem:$0xD80] =	vst v1  }
0x101: {  	v1 =	vld.idx.msk [tilespmem:v0+s3+$0x0], $0xffff  }
0x102: {  	[tilespmem:$0x1FB90] =	vst v0;
	v0 =	vor.u32 $0x5A, v2;
	_ =	sdelay $0x3  }
0x103: {  	[tilespmem:$0xD90] =	vst v1  }
0x104: {  	v1 =	vld.idx.msk [tilespmem:v0+s3+$0x0], $0xffff  }
0x105: {  	[tilespmem:$0x1FBA0] =	vst v0;
	v0 =	vor.u32 $0x5B, v2;
	_ =	sdelay $0x3  }
0x106: {  	[tilespmem:$0xDA0] =	vst v1  }
0x107: {  	v1 =	vld.idx.msk [tilespmem:v0+s3+$0x0], $0xffff  }
0x108: {  	[tilespmem:$0x1FBB0] =	vst v0;
	v0 =	vor.u32 $0x5C, v2;
	_ =	sdelay $0x3  }
0x109: {  	[tilespmem:$0xDB0] =	vst v1  }
0x10a: {  	v1 =	vld.idx.msk [tilespmem:v0+s3+$0x0], $0xffff  }
0x10b: {  	[tilespmem:$0x1FBC0] =	vst v0;
	v0 =	vor.u32 $0x5D, v2;
	_ =	sdelay $0x3  }
0x10c: {  	[tilespmem:$0xDC0] =	vst v1  }
0x10d: {  	v1 =	vld.idx.msk [tilespmem:v0+s3+$0x0], $0xffff  }
0x10e: {  	[tilespmem:$0x1FBD0] =	vst v0;
	v0 =	vor.u32 $0x5E, v2;
	_ =	sdelay $0x3  }
0x10f: {  	[tilespmem:$0xDD0] =	vst v1  }
0x110: {  	v1 =	vld.idx.msk [tilespmem:v0+s3+$0x0], $0xffff  }
0x111: {  	[tilespmem:$0x1FBE0] =	vst v0;
	v0 =	vor.u32 $0x5F, v2;
	_ =	sdelay $0x3  }
0x112: {  	[tilespmem:$0xDE0] =	vst v1  }
0x113: {  	v1 =	vld.idx.msk [tilespmem:v0+s3+$0x0], $0xffff  }
0x114: {  	[tilespmem:$0x1FBF0] =	vst v0;
	v0 =	vor.u32 $0x60, v2;
	_ =	sdelay $0x3  }
0x115: {  	[tilespmem:$0xDF0] =	vst v1  }
0x116: {  	v1 =	vld.idx.msk [tilespmem:v0+s3+$0x0], $0xffff  }
0x117: {  	[tilespmem:$0x1FC00] =	vst v0;
	v0 =	vor.u32 $0x61, v2;
	_ =	sdelay $0x3  }
0x118: {  	[tilespmem:$0xE00] =	vst v1  }
0x119: {  	v1 =	vld.idx.msk [tilespmem:v0+s3+$0x0], $0xffff  }
0x11a: {  	[tilespmem:$0x1FC10] =	vst v0;
	v0 =	vor.u32 $0x62, v2;
	_ =	sdelay $0x3  }
0x11b: {  	[tilespmem:$0xE10] =	vst v1  }
0x11c: {  	v1 =	vld.idx.msk [tilespmem:v0+s3+$0x0], $0xffff  }
0x11d: {  	[tilespmem:$0x1FC20] =	vst v0;
	v0 =	vor.u32 $0x63, v2;
	_ =	sdelay $0x3  }
0x11e: {  	[tilespmem:$0xE20] =	vst v1  }
0x11f: {  	v1 =	vld.idx.msk [tilespmem:v0+s3+$0x0], $0xffff  }
0x120: {  	[tilespmem:$0x1FC30] =	vst v0;
	v0 =	vor.u32 $0x64, v2;
	_ =	sdelay $0x3  }
0x121: {  	[tilespmem:$0xE30] =	vst v1  }
0x122: {  	v1 =	vld.idx.msk [tilespmem:v0+s3+$0x0], $0xffff  }
0x123: {  	[tilespmem:$0x1FC40] =	vst v0;
	v0 =	vor.u32 $0x65, v2;
	_ =	sdelay $0x3  }
0x124: {  	[tilespmem:$0xE40] =	vst v1  }
0x125: {  	v1 =	vld.idx.msk [tilespmem:v0+s3+$0x0], $0xffff  }
0x126: {  	[tilespmem:$0x1FC50] =	vst v0;
	v0 =	vor.u32 $0x66, v2;
	_ =	sdelay $0x3  }
0x127: {  	[tilespmem:$0xE50] =	vst v1  }
0x128: {  	v1 =	vld.idx.msk [tilespmem:v0+s3+$0x0], $0xffff  }
0x129: {  	[tilespmem:$0x1FC60] =	vst v0;
	v0 =	vor.u32 $0x67, v2;
	_ =	sdelay $0x3  }
0x12a: {  	[tilespmem:$0xE60] =	vst v1  }
0x12b: {  	v1 =	vld.idx.msk [tilespmem:v0+s3+$0x0], $0xffff  }
0x12c: {  	[tilespmem:$0x1FC70] =	vst v0;
	v0 =	vor.u32 $0x68, v2;
	_ =	sdelay $0x3  }
0x12d: {  	[tilespmem:$0xE70] =	vst v1  }
0x12e: {  	v1 =	vld.idx.msk [tilespmem:v0+s3+$0x0], $0xffff  }
0x12f: {  	[tilespmem:$0x1FC80] =	vst v0;
	v0 =	vor.u32 $0x69, v2;
	_ =	sdelay $0x3  }
0x130: {  	[tilespmem:$0xE80] =	vst v1  }
0x131: {  	v1 =	vld.idx.msk [tilespmem:v0+s3+$0x0], $0xffff  }
0x132: {  	[tilespmem:$0x1FC90] =	vst v0;
	v0 =	vor.u32 $0x6A, v2;
	_ =	sdelay $0x3  }
0x133: {  	[tilespmem:$0xE90] =	vst v1  }
0x134: {  	v1 =	vld.idx.msk [tilespmem:v0+s3+$0x0], $0xffff  }
0x135: {  	[tilespmem:$0x1FCA0] =	vst v0;
	v0 =	vor.u32 $0x6B, v2;
	_ =	sdelay $0x3  }
0x136: {  	[tilespmem:$0xEA0] =	vst v1  }
0x137: {  	v1 =	vld.idx.msk [tilespmem:v0+s3+$0x0], $0xffff  }
0x138: {  	[tilespmem:$0x1FCB0] =	vst v0;
	v0 =	vor.u32 $0x6C, v2;
	_ =	sdelay $0x3  }
0x139: {  	[tilespmem:$0xEB0] =	vst v1  }
0x13a: {  	v1 =	vld.idx.msk [tilespmem:v0+s3+$0x0], $0xffff  }
0x13b: {  	[tilespmem:$0x1FCC0] =	vst v0;
	v0 =	vor.u32 $0x6D, v2;
	_ =	sdelay $0x3  }
0x13c: {  	[tilespmem:$0xEC0] =	vst v1  }
0x13d: {  	v1 =	vld.idx.msk [tilespmem:v0+s3+$0x0], $0xffff  }
0x13e: {  	[tilespmem:$0x1FCD0] =	vst v0;
	v0 =	vor.u32 $0x6E, v2;
	_ =	sdelay $0x3  }
0x13f: {  	[tilespmem:$0xED0] =	vst v1  }
0x140: {  	v1 =	vld.idx.msk [tilespmem:v0+s3+$0x0], $0xffff  }
0x141: {  	[tilespmem:$0x1FCE0] =	vst v0;
	v0 =	vor.u32 $0x6F, v2;
	_ =	sdelay $0x3  }
0x142: {  	[tilespmem:$0xEE0] =	vst v1  }
0x143: {  	v1 =	vld.idx.msk [tilespmem:v0+s3+$0x0], $0xffff  }
0x144: {  	[tilespmem:$0x1FCF0] =	vst v0;
	v0 =	vor.u32 $0x70, v2;
	_ =	sdelay $0x3  }
0x145: {  	[tilespmem:$0xEF0] =	vst v1  }
0x146: {  	v1 =	vld.idx.msk [tilespmem:v0+s3+$0x0], $0xffff  }
0x147: {  	[tilespmem:$0x1FD00] =	vst v0;
	v0 =	vor.u32 $0x71, v2;
	_ =	sdelay $0x3  }
0x148: {  	[tilespmem:$0xF00] =	vst v1  }
0x149: {  	v1 =	vld.idx.msk [tilespmem:v0+s3+$0x0], $0xffff  }
0x14a: {  	[tilespmem:$0x1FD10] =	vst v0;
	v0 =	vor.u32 $0x72, v2;
	_ =	sdelay $0x3  }
0x14b: {  	[tilespmem:$0xF10] =	vst v1  }
0x14c: {  	v1 =	vld.idx.msk [tilespmem:v0+s3+$0x0], $0xffff  }
0x14d: {  	[tilespmem:$0x1FD20] =	vst v0;
	v0 =	vor.u32 $0x73, v2;
	_ =	sdelay $0x3  }
0x14e: {  	[tilespmem:$0xF20] =	vst v1  }
0x14f: {  	v1 =	vld.idx.msk [tilespmem:v0+s3+$0x0], $0xffff  }
0x150: {  	[tilespmem:$0x1FD30] =	vst v0;
	v0 =	vor.u32 $0x74, v2;
	_ =	sdelay $0x3  }
0x151: {  	[tilespmem:$0xF30] =	vst v1  }
0x152: {  	v1 =	vld.idx.msk [tilespmem:v0+s3+$0x0], $0xffff  }
0x153: {  	[tilespmem:$0x1FD40] =	vst v0;
	v0 =	vor.u32 $0x75, v2;
	_ =	sdelay $0x3  }
0x154: {  	[tilespmem:$0xF40] =	vst v1  }
0x155: {  	v1 =	vld.idx.msk [tilespmem:v0+s3+$0x0], $0xffff  }
0x156: {  	[tilespmem:$0x1FD50] =	vst v0;
	v0 =	vor.u32 $0x76, v2;
	_ =	sdelay $0x3  }
0x157: {  	[tilespmem:$0xF50] =	vst v1  }
0x158: {  	v1 =	vld.idx.msk [tilespmem:v0+s3+$0x0], $0xffff  }
0x159: {  	[tilespmem:$0x1FD60] =	vst v0;
	v0 =	vor.u32 $0x77, v2;
	_ =	sdelay $0x3  }
0x15a: {  	[tilespmem:$0xF60] =	vst v1  }
0x15b: {  	v1 =	vld.idx.msk [tilespmem:v0+s3+$0x0], $0xffff  }
0x15c: {  	[tilespmem:$0x1FD70] =	vst v0;
	v0 =	vor.u32 $0x78, v2;
	_ =	sdelay $0x3  }
0x15d: {  	[tilespmem:$0xF70] =	vst v1  }
0x15e: {  	v1 =	vld.idx.msk [tilespmem:v0+s3+$0x0], $0xffff  }
0x15f: {  	[tilespmem:$0x1FD80] =	vst v0;
	v0 =	vor.u32 $0x79, v2;
	_ =	sdelay $0x3  }
0x160: {  	[tilespmem:$0xF80] =	vst v1  }
0x161: {  	v1 =	vld.idx.msk [tilespmem:v0+s3+$0x0], $0xffff  }
0x162: {  	[tilespmem:$0x1FD90] =	vst v0;
	v0 =	vor.u32 $0x7A, v2;
	_ =	sdelay $0x3  }
0x163: {  	[tilespmem:$0xF90] =	vst v1  }
0x164: {  	v1 =	vld.idx.msk [tilespmem:v0+s3+$0x0], $0xffff  }
0x165: {  	[tilespmem:$0x1FDA0] =	vst v0;
	v0 =	vor.u32 $0x7B, v2;
	_ =	sdelay $0x3  }
0x166: {  	[tilespmem:$0xFA0] =	vst v1  }
0x167: {  	v1 =	vld.idx.msk [tilespmem:v0+s3+$0x0], $0xffff  }
0x168: {  	[tilespmem:$0x1FDB0] =	vst v0;
	v0 =	vor.u32 $0x7C, v2;
	_ =	sdelay $0x3  }
0x169: {  	[tilespmem:$0xFB0] =	vst v1  }
0x16a: {  	v1 =	vld.idx.msk [tilespmem:v0+s3+$0x0], $0xffff  }
0x16b: {  	[tilespmem:$0x1FDC0] =	vst v0;
	v0 =	vor.u32 $0x7D, v2;
	_ =	sdelay $0x3  }
0x16c: {  	[tilespmem:$0xFC0] =	vst v1  }
0x16d: {  	v1 =	vld.idx.msk [tilespmem:v0+s3+$0x0], $0xffff  }
0x16e: {  	[tilespmem:$0x1FDD0] =	vst v0;
	v0 =	vor.u32 $0x7E, v2;
	_ =	sdelay $0x3  }
0x16f: {  	[tilespmem:$0xFD0] =	vst v1  }
0x170: {  	v1 =	vld.idx.msk [tilespmem:v0+s3+$0x0], $0xffff  }
0x171: {  	[tilespmem:$0x1FDE0] =	vst v0;
	v0 =	vor.u32 $0x7F, v2;
	_ =	sdelay $0x3  }
0x172: {  	[tilespmem:$0xFE0] =	vst v1  }
0x173: {  	v1 =	vld.idx.msk [tilespmem:v0+s3+$0x0], $0xffff;
	_ =	sdelay $0x3  }
0x174: {  	s20 =	sshll.u32 s20, $0x8;
	[tilespmem:$0x1FDF0] =	vst v0  }
0x175: {  	s30 =	sadd.s32 s5, s20;
	[tilespmem:$0xFF0] =	vst v1  }
0x176: {  	[hbm4b:s30+s3] =	stream.linear.scatter [tilespmem:s16], [sflag:$0x1], $0x800, $0x38;
	[tilespmem:$0x1000] =	vst v63  }
0x177: {  	_ =	swait.ge [sflag:s15], $0x800  }
0x178: {  	[sflag:s15] =	ssyncset.done $0x0  }
0x179: {  	s19 =	sadd.s32 s1, s19;
	[sflag:s15] =	ssyncadd.s32 $0xFFFFF800  }
0x17a: {  	[tilespmem:s3], [sflag:$0x1] =	stream.strided.gather [hbm4b:s19+s13], $0x800, s14, s13, $0x38;
	[tilespmem:$0x1000] =	vst v63  }
0x17b: {  	_ =	swait.ge [sflag:s15], $0x800  }
0x17c: {  	[sflag:s15] =	ssyncset.done $0x0;
	v0 =	vld [tilespmem:$0x1FE10]  }
0x17d: {  	[sflag:s15] =	ssyncadd.s32 $0xFFFFF800  }
0x17e: {  	v1 =	vld.idx.msk [tilespmem:v2+s3+$0x0], $0xffff;
	_ =	sdelay $0x4  }
0x17f: {  	[tilespmem:$0x800] =	vst v1  }
0x180: {  	v1 =	vld.idx.msk [tilespmem:v0+s3+$0x0], $0xffff;
	_ =	sdelay $0x4  }
0x181: {  	[tilespmem:$0x810] =	vst v1  }
0x182: {  	v1 =	vld.idx.msk [tilespmem:v3+s3+$0x0], $0xffff;
	_ =	sdelay $0x4  }
0x183: {  	[tilespmem:$0x820] =	vst v1  }
0x184: {  	v1 =	vld.idx.msk [tilespmem:v4+s3+$0x0], $0xffff;
	_ =	sdelay $0x4  }
0x185: {  	[tilespmem:$0x830] =	vst v1  }
0x186: {  	v1 =	vld.idx.msk [tilespmem:v5+s3+$0x0], $0xffff;
	_ =	sdelay $0x4  }
0x187: {  	[tilespmem:$0x840] =	vst v1  }
0x188: {  	v1 =	vld.idx.msk [tilespmem:v6+s3+$0x0], $0xffff;
	_ =	sdelay $0x4  }
0x189: {  	[tilespmem:$0x850] =	vst v1  }
0x18a: {  	v1 =	vld.idx.msk [tilespmem:v7+s3+$0x0], $0xffff;
	_ =	sdelay $0x4  }
0x18b: {  	[tilespmem:$0x860] =	vst v1  }
0x18c: {  	v1 =	vld.idx.msk [tilespmem:v8+s3+$0x0], $0xffff;
	_ =	sdelay $0x4  }
0x18d: {  	[tilespmem:$0x870] =	vst v1  }
0x18e: {  	v1 =	vld.idx.msk [tilespmem:v9+s3+$0x0], $0xffff;
	_ =	sdelay $0x4  }
0x18f: {  	[tilespmem:$0x880] =	vst v1  }
0x190: {  	v1 =	vld.idx.msk [tilespmem:v10+s3+$0x0], $0xffff;
	_ =	sdelay $0x4  }
0x191: {  	[tilespmem:$0x890] =	vst v1  }
0x192: {  	v1 =	vld.idx.msk [tilespmem:v11+s3+$0x0], $0xffff;
	_ =	sdelay $0x4  }
0x193: {  	[tilespmem:$0x8A0] =	vst v1  }
0x194: {  	v1 =	vld.idx.msk [tilespmem:v12+s3+$0x0], $0xffff;
	_ =	sdelay $0x4  }
0x195: {  	[tilespmem:$0x8B0] =	vst v1  }
0x196: {  	v1 =	vld.idx.msk [tilespmem:v13+s3+$0x0], $0xffff;
	_ =	sdelay $0x4  }
0x197: {  	[tilespmem:$0x8C0] =	vst v1  }
0x198: {  	v1 =	vld.idx.msk [tilespmem:v14+s3+$0x0], $0xffff;
	_ =	sdelay $0x4  }
0x199: {  	[tilespmem:$0x8D0] =	vst v1  }
0x19a: {  	v1 =	vld.idx.msk [tilespmem:v15+s3+$0x0], $0xffff;
	_ =	sdelay $0x4  }
0x19b: {  	[tilespmem:$0x8E0] =	vst v1  }
0x19c: {  	v1 =	vld.idx.msk [tilespmem:v16+s3+$0x0], $0xffff;
	_ =	sdelay $0x4  }
0x19d: {  	[tilespmem:$0x8F0] =	vst v1  }
0x19e: {  	v1 =	vld.idx.msk [tilespmem:v17+s3+$0x0], $0xffff;
	_ =	sdelay $0x4  }
0x19f: {  	[tilespmem:$0x900] =	vst v1  }
0x1a0: {  	v1 =	vld.idx.msk [tilespmem:v18+s3+$0x0], $0xffff;
	_ =	sdelay $0x4  }
0x1a1: {  	[tilespmem:$0x910] =	vst v1  }
0x1a2: {  	v1 =	vld.idx.msk [tilespmem:v19+s3+$0x0], $0xffff;
	_ =	sdelay $0x4  }
0x1a3: {  	[tilespmem:$0x920] =	vst v1  }
0x1a4: {  	v1 =	vld.idx.msk [tilespmem:v20+s3+$0x0], $0xffff;
	_ =	sdelay $0x4  }
0x1a5: {  	[tilespmem:$0x930] =	vst v1  }
0x1a6: {  	v1 =	vld.idx.msk [tilespmem:v21+s3+$0x0], $0xffff;
	_ =	sdelay $0x4  }
0x1a7: {  	[tilespmem:$0x940] =	vst v1  }
0x1a8: {  	v1 =	vld.idx.msk [tilespmem:v22+s3+$0x0], $0xffff;
	_ =	sdelay $0x4  }
0x1a9: {  	[tilespmem:$0x950] =	vst v1  }
0x1aa: {  	v1 =	vld.idx.msk [tilespmem:v23+s3+$0x0], $0xffff;
	_ =	sdelay $0x4  }
0x1ab: {  	[tilespmem:$0x960] =	vst v1  }
0x1ac: {  	v1 =	vld.idx.msk [tilespmem:v24+s3+$0x0], $0xffff;
	_ =	sdelay $0x4  }
0x1ad: {  	[tilespmem:$0x970] =	vst v1  }
0x1ae: {  	v1 =	vld.idx.msk [tilespmem:v25+s3+$0x0], $0xffff;
	_ =	sdelay $0x4  }
0x1af: {  	[tilespmem:$0x980] =	vst v1  }
0x1b0: {  	v1 =	vld.idx.msk [tilespmem:v26+s3+$0x0], $0xffff;
	_ =	sdelay $0x4  }
0x1b1: {  	[tilespmem:$0x990] =	vst v1  }
0x1b2: {  	v1 =	vld.idx.msk [tilespmem:v27+s3+$0x0], $0xffff;
	_ =	sdelay $0x4  }
0x1b3: {  	[tilespmem:$0x9A0] =	vst v1  }
0x1b4: {  	v1 =	vld.idx.msk [tilespmem:v28+s3+$0x0], $0xffff;
	_ =	sdelay $0x4  }
0x1b5: {  	[tilespmem:$0x9B0] =	vst v1  }
0x1b6: {  	v1 =	vld.idx.msk [tilespmem:v29+s3+$0x0], $0xffff;
	_ =	sdelay $0x4  }
0x1b7: {  	[tilespmem:$0x9C0] =	vst v1  }
0x1b8: {  	v1 =	vld.idx.msk [tilespmem:v30+s3+$0x0], $0xffff;
	_ =	sdelay $0x4  }
0x1b9: {  	[tilespmem:$0x9D0] =	vst v1  }
0x1ba: {  	v1 =	vld.idx.msk [tilespmem:v31+s3+$0x0], $0xffff;
	_ =	sdelay $0x4  }
0x1bb: {  	[tilespmem:$0x9E0] =	vst v1  }
0x1bc: {  	v1 =	vld.idx.msk [tilespmem:v32+s3+$0x0], $0xffff;
	_ =	sdelay $0x4  }
0x1bd: {  	[tilespmem:$0x9F0] =	vst v1  }
0x1be: {  	v1 =	vld.idx.msk [tilespmem:v33+s3+$0x0], $0xffff;
	_ =	sdelay $0x4  }
0x1bf: {  	[tilespmem:$0xA00] =	vst v1  }
0x1c0: {  	v1 =	vld.idx.msk [tilespmem:v34+s3+$0x0], $0xffff;
	_ =	sdelay $0x4  }
0x1c1: {  	[tilespmem:$0xA10] =	vst v1  }
0x1c2: {  	v1 =	vld.idx.msk [tilespmem:v35+s3+$0x0], $0xffff;
	_ =	sdelay $0x4  }
0x1c3: {  	[tilespmem:$0xA20] =	vst v1  }
0x1c4: {  	v1 =	vld.idx.msk [tilespmem:v36+s3+$0x0], $0xffff;
	_ =	sdelay $0x4  }
0x1c5: {  	[tilespmem:$0xA30] =	vst v1  }
0x1c6: {  	v1 =	vld.idx.msk [tilespmem:v37+s3+$0x0], $0xffff;
	_ =	sdelay $0x4  }
0x1c7: {  	[tilespmem:$0xA40] =	vst v1  }
0x1c8: {  	v1 =	vld.idx.msk [tilespmem:v38+s3+$0x0], $0xffff;
	_ =	sdelay $0x4  }
0x1c9: {  	[tilespmem:$0xA50] =	vst v1  }
0x1ca: {  	v1 =	vld.idx.msk [tilespmem:v39+s3+$0x0], $0xffff;
	_ =	sdelay $0x4  }
0x1cb: {  	[tilespmem:$0xA60] =	vst v1  }
0x1cc: {  	v1 =	vld.idx.msk [tilespmem:v40+s3+$0x0], $0xffff;
	_ =	sdelay $0x4  }
0x1cd: {  	[tilespmem:$0xA70] =	vst v1  }
0x1ce: {  	v1 =	vld.idx.msk [tilespmem:v41+s3+$0x0], $0xffff;
	_ =	sdelay $0x4  }
0x1cf: {  	[tilespmem:$0xA80] =	vst v1  }
0x1d0: {  	v1 =	vld.idx.msk [tilespmem:v42+s3+$0x0], $0xffff;
	_ =	sdelay $0x4  }
0x1d1: {  	[tilespmem:$0xA90] =	vst v1  }
0x1d2: {  	v1 =	vld.idx.msk [tilespmem:v43+s3+$0x0], $0xffff;
	_ =	sdelay $0x4  }
0x1d3: {  	[tilespmem:$0xAA0] =	vst v1  }
0x1d4: {  	v1 =	vld.idx.msk [tilespmem:v44+s3+$0x0], $0xffff;
	_ =	sdelay $0x4  }
0x1d5: {  	[tilespmem:$0xAB0] =	vst v1  }
0x1d6: {  	v1 =	vld.idx.msk [tilespmem:v45+s3+$0x0], $0xffff;
	_ =	sdelay $0x4  }
0x1d7: {  	[tilespmem:$0xAC0] =	vst v1  }
0x1d8: {  	v1 =	vld.idx.msk [tilespmem:v46+s3+$0x0], $0xffff;
	_ =	sdelay $0x4  }
0x1d9: {  	[tilespmem:$0xAD0] =	vst v1  }
0x1da: {  	v1 =	vld.idx.msk [tilespmem:v47+s3+$0x0], $0xffff;
	_ =	sdelay $0x4  }
0x1db: {  	[tilespmem:$0xAE0] =	vst v1  }
0x1dc: {  	v1 =	vld.idx.msk [tilespmem:v48+s3+$0x0], $0xffff;
	_ =	sdelay $0x4  }
0x1dd: {  	[tilespmem:$0xAF0] =	vst v1  }
0x1de: {  	v1 =	vld.idx.msk [tilespmem:v49+s3+$0x0], $0xffff;
	_ =	sdelay $0x4  }
0x1df: {  	[tilespmem:$0xB00] =	vst v1  }
0x1e0: {  	v1 =	vld.idx.msk [tilespmem:v50+s3+$0x0], $0xffff;
	_ =	sdelay $0x4  }
0x1e1: {  	[tilespmem:$0xB10] =	vst v1  }
0x1e2: {  	v1 =	vld.idx.msk [tilespmem:v51+s3+$0x0], $0xffff;
	_ =	sdelay $0x4  }
0x1e3: {  	[tilespmem:$0xB20] =	vst v1  }
0x1e4: {  	v1 =	vld.idx.msk [tilespmem:v52+s3+$0x0], $0xffff;
	_ =	sdelay $0x4  }
0x1e5: {  	[tilespmem:$0xB30] =	vst v1  }
0x1e6: {  	v1 =	vld.idx.msk [tilespmem:v53+s3+$0x0], $0xffff;
	_ =	sdelay $0x4  }
0x1e7: {  	[tilespmem:$0xB40] =	vst v1  }
0x1e8: {  	v1 =	vld.idx.msk [tilespmem:v54+s3+$0x0], $0xffff;
	_ =	sdelay $0x4  }
0x1e9: {  	[tilespmem:$0xB50] =	vst v1  }
0x1ea: {  	v1 =	vld.idx.msk [tilespmem:v55+s3+$0x0], $0xffff;
	_ =	sdelay $0x4  }
0x1eb: {  	[tilespmem:$0xB60] =	vst v1  }
0x1ec: {  	v1 =	vld.idx.msk [tilespmem:v56+s3+$0x0], $0xffff;
	_ =	sdelay $0x4  }
0x1ed: {  	[tilespmem:$0xB70] =	vst v1  }
0x1ee: {  	v1 =	vld.idx.msk [tilespmem:v57+s3+$0x0], $0xffff;
	_ =	sdelay $0x4  }
0x1ef: {  	[tilespmem:$0xB80] =	vst v1  }
0x1f0: {  	v1 =	vld.idx.msk [tilespmem:v58+s3+$0x0], $0xffff;
	_ =	sdelay $0x4  }
0x1f1: {  	[tilespmem:$0xB90] =	vst v1  }
0x1f2: {  	v1 =	vld.idx.msk [tilespmem:v59+s3+$0x0], $0xffff;
	_ =	sdelay $0x4  }
0x1f3: {  	[tilespmem:$0xBA0] =	vst v1  }
0x1f4: {  	v1 =	vld.idx.msk [tilespmem:v60+s3+$0x0], $0xffff;
	_ =	sdelay $0x4  }
0x1f5: {  	[tilespmem:$0xBB0] =	vst v1  }
0x1f6: {  	v1 =	vld.idx.msk [tilespmem:v61+s3+$0x0], $0xffff;
	_ =	sdelay $0x4  }
0x1f7: {  	[tilespmem:$0xBC0] =	vst v1  }
0x1f8: {  	v1 =	vld.idx.msk [tilespmem:v62+s3+$0x0], $0xffff;
	_ =	sdelay $0x3  }
0x1f9: {  	v0 =	vld [tilespmem:$0x1FE00]  }
0x1fa: {  	[tilespmem:$0xBD0] =	vst v1  }
0x1fb: {  	v1 =	vld.idx.msk [tilespmem:v63+s3+$0x0], $0xffff;
	_ =	sdelay $0x4  }
0x1fc: {  	[tilespmem:$0xBE0] =	vst v1  }
0x1fd: {  	v1 =	vld.idx.msk [tilespmem:v0+s3+$0x0], $0xffff  }
0x1fe: {  	v0 =	vld [tilespmem:$0x1FA00];
	_ =	sdelay $0x6  }
0x1ff: {  	[tilespmem:$0xBF0] =	vst v1  }
0x200: {  	v1 =	vld.idx.msk [tilespmem:v0+s3+$0x0], $0xffff  }
0x201: {  	v0 =	vld [tilespmem:$0x1FA10];
	_ =	sdelay $0x6  }
0x202: {  	[tilespmem:$0xC00] =	vst v1  }
0x203: {  	v1 =	vld.idx.msk [tilespmem:v0+s3+$0x0], $0xffff  }
0x204: {  	v0 =	vld [tilespmem:$0x1FA20];
	_ =	sdelay $0x6  }
0x205: {  	[tilespmem:$0xC10] =	vst v1  }
0x206: {  	v1 =	vld.idx.msk [tilespmem:v0+s3+$0x0], $0xffff  }
0x207: {  	v0 =	vld [tilespmem:$0x1FA30];
	_ =	sdelay $0x6  }
0x208: {  	[tilespmem:$0xC20] =	vst v1  }
0x209: {  	v1 =	vld.idx.msk [tilespmem:v0+s3+$0x0], $0xffff  }
0x20a: {  	v0 =	vld [tilespmem:$0x1FA40];
	_ =	sdelay $0x6  }
0x20b: {  	[tilespmem:$0xC30] =	vst v1  }
0x20c: {  	v1 =	vld.idx.msk [tilespmem:v0+s3+$0x0], $0xffff  }
0x20d: {  	v0 =	vld [tilespmem:$0x1FA50];
	_ =	sdelay $0x6  }
0x20e: {  	[tilespmem:$0xC40] =	vst v1  }
0x20f: {  	v1 =	vld.idx.msk [tilespmem:v0+s3+$0x0], $0xffff  }
0x210: {  	v0 =	vld [tilespmem:$0x1FA60];
	_ =	sdelay $0x6  }
0x211: {  	[tilespmem:$0xC50] =	vst v1  }
0x212: {  	v1 =	vld.idx.msk [tilespmem:v0+s3+$0x0], $0xffff  }
0x213: {  	v0 =	vld [tilespmem:$0x1FA70];
	_ =	sdelay $0x6  }
0x214: {  	[tilespmem:$0xC60] =	vst v1  }
0x215: {  	v1 =	vld.idx.msk [tilespmem:v0+s3+$0x0], $0xffff  }
0x216: {  	v0 =	vld [tilespmem:$0x1FA80];
	_ =	sdelay $0x6  }
0x217: {  	[tilespmem:$0xC70] =	vst v1  }
0x218: {  	v1 =	vld.idx.msk [tilespmem:v0+s3+$0x0], $0xffff  }
0x219: {  	v0 =	vld [tilespmem:$0x1FA90];
	_ =	sdelay $0x6  }
0x21a: {  	[tilespmem:$0xC80] =	vst v1  }
0x21b: {  	v1 =	vld.idx.msk [tilespmem:v0+s3+$0x0], $0xffff  }
0x21c: {  	v0 =	vld [tilespmem:$0x1FAA0];
	_ =	sdelay $0x6  }
0x21d: {  	[tilespmem:$0xC90] =	vst v1  }
0x21e: {  	v1 =	vld.idx.msk [tilespmem:v0+s3+$0x0], $0xffff  }
0x21f: {  	v0 =	vld [tilespmem:$0x1FAB0];
	_ =	sdelay $0x6  }
0x220: {  	[tilespmem:$0xCA0] =	vst v1  }
0x221: {  	v1 =	vld.idx.msk [tilespmem:v0+s3+$0x0], $0xffff  }
0x222: {  	v0 =	vld [tilespmem:$0x1FAC0];
	_ =	sdelay $0x6  }
0x223: {  	[tilespmem:$0xCB0] =	vst v1  }
0x224: {  	v1 =	vld.idx.msk [tilespmem:v0+s3+$0x0], $0xffff  }
0x225: {  	v0 =	vld [tilespmem:$0x1FAD0];
	_ =	sdelay $0x6  }
0x226: {  	[tilespmem:$0xCC0] =	vst v1  }
0x227: {  	v1 =	vld.idx.msk [tilespmem:v0+s3+$0x0], $0xffff  }
0x228: {  	v0 =	vld [tilespmem:$0x1FAE0];
	_ =	sdelay $0x6  }
0x229: {  	[tilespmem:$0xCD0] =	vst v1  }
0x22a: {  	v1 =	vld.idx.msk [tilespmem:v0+s3+$0x0], $0xffff  }
0x22b: {  	v0 =	vld [tilespmem:$0x1FAF0];
	_ =	sdelay $0x6  }
0x22c: {  	[tilespmem:$0xCE0] =	vst v1  }
0x22d: {  	v1 =	vld.idx.msk [tilespmem:v0+s3+$0x0], $0xffff  }
0x22e: {  	v0 =	vld [tilespmem:$0x1FB00];
	_ =	sdelay $0x6  }
0x22f: {  	[tilespmem:$0xCF0] =	vst v1  }
0x230: {  	v1 =	vld.idx.msk [tilespmem:v0+s3+$0x0], $0xffff  }
0x231: {  	v0 =	vld [tilespmem:$0x1FB10];
	_ =	sdelay $0x6  }
0x232: {  	[tilespmem:$0xD00] =	vst v1  }
0x233: {  	v1 =	vld.idx.msk [tilespmem:v0+s3+$0x0], $0xffff  }
0x234: {  	v0 =	vld [tilespmem:$0x1FB20];
	_ =	sdelay $0x6  }
0x235: {  	[tilespmem:$0xD10] =	vst v1  }
0x236: {  	v1 =	vld.idx.msk [tilespmem:v0+s3+$0x0], $0xffff  }
0x237: {  	v0 =	vld [tilespmem:$0x1FB30];
	_ =	sdelay $0x6  }
0x238: {  	[tilespmem:$0xD20] =	vst v1  }
0x239: {  	v1 =	vld.idx.msk [tilespmem:v0+s3+$0x0], $0xffff  }
0x23a: {  	v0 =	vld [tilespmem:$0x1FB40];
	_ =	sdelay $0x6  }
0x23b: {  	[tilespmem:$0xD30] =	vst v1  }
0x23c: {  	v1 =	vld.idx.msk [tilespmem:v0+s3+$0x0], $0xffff  }
0x23d: {  	v0 =	vld [tilespmem:$0x1FB50];
	_ =	sdelay $0x6  }
0x23e: {  	[tilespmem:$0xD40] =	vst v1  }
0x23f: {  	v1 =	vld.idx.msk [tilespmem:v0+s3+$0x0], $0xffff  }
0x240: {  	v0 =	vld [tilespmem:$0x1FB60];
	_ =	sdelay $0x6  }
0x241: {  	[tilespmem:$0xD50] =	vst v1  }
0x242: {  	v1 =	vld.idx.msk [tilespmem:v0+s3+$0x0], $0xffff  }
0x243: {  	v0 =	vld [tilespmem:$0x1FB70];
	_ =	sdelay $0x6  }
0x244: {  	[tilespmem:$0xD60] =	vst v1  }
0x245: {  	v1 =	vld.idx.msk [tilespmem:v0+s3+$0x0], $0xffff  }
0x246: {  	v0 =	vld [tilespmem:$0x1FB80];
	_ =	sdelay $0x6  }
0x247: {  	[tilespmem:$0xD70] =	vst v1  }
0x248: {  	v1 =	vld.idx.msk [tilespmem:v0+s3+$0x0], $0xffff  }
0x249: {  	v0 =	vld [tilespmem:$0x1FB90];
	_ =	sdelay $0x6  }
0x24a: {  	[tilespmem:$0xD80] =	vst v1  }
0x24b: {  	v1 =	vld.idx.msk [tilespmem:v0+s3+$0x0], $0xffff  }
0x24c: {  	v0 =	vld [tilespmem:$0x1FBA0];
	_ =	sdelay $0x6  }
0x24d: {  	[tilespmem:$0xD90] =	vst v1  }
0x24e: {  	v1 =	vld.idx.msk [tilespmem:v0+s3+$0x0], $0xffff  }
0x24f: {  	v0 =	vld [tilespmem:$0x1FBB0];
	_ =	sdelay $0x6  }
0x250: {  	[tilespmem:$0xDA0] =	vst v1  }
0x251: {  	v1 =	vld.idx.msk [tilespmem:v0+s3+$0x0], $0xffff  }
0x252: {  	v0 =	vld [tilespmem:$0x1FBC0];
	_ =	sdelay $0x6  }
0x253: {  	[tilespmem:$0xDB0] =	vst v1  }
0x254: {  	v1 =	vld.idx.msk [tilespmem:v0+s3+$0x0], $0xffff  }
0x255: {  	v0 =	vld [tilespmem:$0x1FBD0];
	_ =	sdelay $0x6  }
0x256: {  	[tilespmem:$0xDC0] =	vst v1  }
0x257: {  	v1 =	vld.idx.msk [tilespmem:v0+s3+$0x0], $0xffff  }
0x258: {  	v0 =	vld [tilespmem:$0x1FBE0];
	_ =	sdelay $0x6  }
0x259: {  	[tilespmem:$0xDD0] =	vst v1  }
0x25a: {  	v1 =	vld.idx.msk [tilespmem:v0+s3+$0x0], $0xffff  }
0x25b: {  	v0 =	vld [tilespmem:$0x1FBF0];
	_ =	sdelay $0x6  }
0x25c: {  	[tilespmem:$0xDE0] =	vst v1  }
0x25d: {  	v1 =	vld.idx.msk [tilespmem:v0+s3+$0x0], $0xffff  }
0x25e: {  	v0 =	vld [tilespmem:$0x1FC00];
	_ =	sdelay $0x6  }
0x25f: {  	[tilespmem:$0xDF0] =	vst v1  }
0x260: {  	v1 =	vld.idx.msk [tilespmem:v0+s3+$0x0], $0xffff  }
0x261: {  	v0 =	vld [tilespmem:$0x1FC10];
	_ =	sdelay $0x6  }
0x262: {  	[tilespmem:$0xE00] =	vst v1  }
0x263: {  	v1 =	vld.idx.msk [tilespmem:v0+s3+$0x0], $0xffff  }
0x264: {  	v0 =	vld [tilespmem:$0x1FC20];
	_ =	sdelay $0x6  }
0x265: {  	[tilespmem:$0xE10] =	vst v1  }
0x266: {  	v1 =	vld.idx.msk [tilespmem:v0+s3+$0x0], $0xffff  }
0x267: {  	v0 =	vld [tilespmem:$0x1FC30];
	_ =	sdelay $0x6  }
0x268: {  	[tilespmem:$0xE20] =	vst v1  }
0x269: {  	v1 =	vld.idx.msk [tilespmem:v0+s3+$0x0], $0xffff  }
0x26a: {  	v0 =	vld [tilespmem:$0x1FC40];
	_ =	sdelay $0x6  }
0x26b: {  	[tilespmem:$0xE30] =	vst v1  }
0x26c: {  	v1 =	vld.idx.msk [tilespmem:v0+s3+$0x0], $0xffff  }
0x26d: {  	v0 =	vld [tilespmem:$0x1FC50];
	_ =	sdelay $0x6  }
0x26e: {  	[tilespmem:$0xE40] =	vst v1  }
0x26f: {  	v1 =	vld.idx.msk [tilespmem:v0+s3+$0x0], $0xffff  }
0x270: {  	v0 =	vld [tilespmem:$0x1FC60];
	_ =	sdelay $0x6  }
0x271: {  	[tilespmem:$0xE50] =	vst v1  }
0x272: {  	v1 =	vld.idx.msk [tilespmem:v0+s3+$0x0], $0xffff  }
0x273: {  	v0 =	vld [tilespmem:$0x1FC70];
	_ =	sdelay $0x6  }
0x274: {  	[tilespmem:$0xE60] =	vst v1  }
0x275: {  	v1 =	vld.idx.msk [tilespmem:v0+s3+$0x0], $0xffff  }
0x276: {  	v0 =	vld [tilespmem:$0x1FC80];
	_ =	sdelay $0x6  }
0x277: {  	[tilespmem:$0xE70] =	vst v1  }
0x278: {  	v1 =	vld.idx.msk [tilespmem:v0+s3+$0x0], $0xffff  }
0x279: {  	v0 =	vld [tilespmem:$0x1FC90];
	_ =	sdelay $0x6  }
0x27a: {  	[tilespmem:$0xE80] =	vst v1  }
0x27b: {  	v1 =	vld.idx.msk [tilespmem:v0+s3+$0x0], $0xffff  }
0x27c: {  	v0 =	vld [tilespmem:$0x1FCA0];
	_ =	sdelay $0x6  }
0x27d: {  	[tilespmem:$0xE90] =	vst v1  }
0x27e: {  	v1 =	vld.idx.msk [tilespmem:v0+s3+$0x0], $0xffff  }
0x27f: {  	v0 =	vld [tilespmem:$0x1FCB0];
	_ =	sdelay $0x6  }
0x280: {  	[tilespmem:$0xEA0] =	vst v1  }
0x281: {  	v1 =	vld.idx.msk [tilespmem:v0+s3+$0x0], $0xffff  }
0x282: {  	v0 =	vld [tilespmem:$0x1FCC0];
	_ =	sdelay $0x6  }
0x283: {  	[tilespmem:$0xEB0] =	vst v1  }
0x284: {  	v1 =	vld.idx.msk [tilespmem:v0+s3+$0x0], $0xffff  }
0x285: {  	v0 =	vld [tilespmem:$0x1FCD0];
	_ =	sdelay $0x6  }
0x286: {  	[tilespmem:$0xEC0] =	vst v1  }
0x287: {  	v1 =	vld.idx.msk [tilespmem:v0+s3+$0x0], $0xffff  }
0x288: {  	v0 =	vld [tilespmem:$0x1FCE0];
	_ =	sdelay $0x6  }
0x289: {  	[tilespmem:$0xED0] =	vst v1  }
0x28a: {  	v1 =	vld.idx.msk [tilespmem:v0+s3+$0x0], $0xffff  }
0x28b: {  	v0 =	vld [tilespmem:$0x1FCF0];
	_ =	sdelay $0x6  }
0x28c: {  	[tilespmem:$0xEE0] =	vst v1  }
0x28d: {  	v1 =	vld.idx.msk [tilespmem:v0+s3+$0x0], $0xffff  }
0x28e: {  	v0 =	vld [tilespmem:$0x1FD00];
	_ =	sdelay $0x6  }
0x28f: {  	[tilespmem:$0xEF0] =	vst v1  }
0x290: {  	v1 =	vld.idx.msk [tilespmem:v0+s3+$0x0], $0xffff  }
0x291: {  	v0 =	vld [tilespmem:$0x1FD10];
	_ =	sdelay $0x6  }
0x292: {  	[tilespmem:$0xF00] =	vst v1  }
0x293: {  	v1 =	vld.idx.msk [tilespmem:v0+s3+$0x0], $0xffff  }
0x294: {  	v0 =	vld [tilespmem:$0x1FD20];
	_ =	sdelay $0x6  }
0x295: {  	[tilespmem:$0xF10] =	vst v1  }
0x296: {  	v1 =	vld.idx.msk [tilespmem:v0+s3+$0x0], $0xffff  }
0x297: {  	v0 =	vld [tilespmem:$0x1FD30];
	_ =	sdelay $0x6  }
0x298: {  	[tilespmem:$0xF20] =	vst v1  }
0x299: {  	v1 =	vld.idx.msk [tilespmem:v0+s3+$0x0], $0xffff  }
0x29a: {  	v0 =	vld [tilespmem:$0x1FD40];
	_ =	sdelay $0x6  }
0x29b: {  	[tilespmem:$0xF30] =	vst v1  }
0x29c: {  	v1 =	vld.idx.msk [tilespmem:v0+s3+$0x0], $0xffff  }
0x29d: {  	v0 =	vld [tilespmem:$0x1FD50];
	_ =	sdelay $0x6  }
0x29e: {  	[tilespmem:$0xF40] =	vst v1  }
0x29f: {  	v1 =	vld.idx.msk [tilespmem:v0+s3+$0x0], $0xffff  }
0x2a0: {  	v0 =	vld [tilespmem:$0x1FD60];
	_ =	sdelay $0x6  }
0x2a1: {  	[tilespmem:$0xF50] =	vst v1  }
0x2a2: {  	v1 =	vld.idx.msk [tilespmem:v0+s3+$0x0], $0xffff  }
0x2a3: {  	v0 =	vld [tilespmem:$0x1FD70];
	_ =	sdelay $0x6  }
0x2a4: {  	[tilespmem:$0xF60] =	vst v1  }
0x2a5: {  	v1 =	vld.idx.msk [tilespmem:v0+s3+$0x0], $0xffff  }
0x2a6: {  	v0 =	vld [tilespmem:$0x1FD80];
	_ =	sdelay $0x6  }
0x2a7: {  	[tilespmem:$0xF70] =	vst v1  }
0x2a8: {  	v1 =	vld.idx.msk [tilespmem:v0+s3+$0x0], $0xffff  }
0x2a9: {  	v0 =	vld [tilespmem:$0x1FD90];
	_ =	sdelay $0x6  }
0x2aa: {  	[tilespmem:$0xF80] =	vst v1  }
0x2ab: {  	v1 =	vld.idx.msk [tilespmem:v0+s3+$0x0], $0xffff  }
0x2ac: {  	v0 =	vld [tilespmem:$0x1FDA0];
	_ =	sdelay $0x6  }
0x2ad: {  	[tilespmem:$0xF90] =	vst v1  }
0x2ae: {  	v1 =	vld.idx.msk [tilespmem:v0+s3+$0x0], $0xffff  }
0x2af: {  	v0 =	vld [tilespmem:$0x1FDB0];
	_ =	sdelay $0x6  }
0x2b0: {  	[tilespmem:$0xFA0] =	vst v1  }
0x2b1: {  	v1 =	vld.idx.msk [tilespmem:v0+s3+$0x0], $0xffff  }
0x2b2: {  	v0 =	vld [tilespmem:$0x1FDC0];
	_ =	sdelay $0x6  }
0x2b3: {  	[tilespmem:$0xFB0] =	vst v1  }
0x2b4: {  	v1 =	vld.idx.msk [tilespmem:v0+s3+$0x0], $0xffff  }
0x2b5: {  	v0 =	vld [tilespmem:$0x1FDD0];
	_ =	sdelay $0x6  }
0x2b6: {  	[tilespmem:$0xFC0] =	vst v1  }
0x2b7: {  	v1 =	vld.idx.msk [tilespmem:v0+s3+$0x0], $0xffff  }
0x2b8: {  	v0 =	vld [tilespmem:$0x1FDE0];
	_ =	sdelay $0x6  }
0x2b9: {  	[tilespmem:$0xFD0] =	vst v1  }
0x2ba: {  	v1 =	vld.idx.msk [tilespmem:v0+s3+$0x0], $0xffff  }
0x2bb: {  	v0 =	vld [tilespmem:$0x1FDF0];
	_ =	sdelay $0x6  }
0x2bc: {  	[tilespmem:$0xFE0] =	vst v1  }
0x2bd: {  	v1 =	vld.idx.msk [tilespmem:v0+s3+$0x0], $0xffff;
	_ =	sdelay $0x3  }
0x2be: {  	p1 =	sne.s32 s18, $0x300  }
.Ltmp2:
0x2bf: {  	s31 =	sadd.s32 s6, s20;
	[tilespmem:$0xFF0] =	vst v1;
	(pc) =	sbr.rel @p1 .LBB2_2-.Ltmp2, $4  }
0x2c0: {  	[hbm4b:s31+s3] =	stream.linear.scatter [tilespmem:s16], [sflag:$0x1], $0x800, $0x38;
	[tilespmem:$0x1000] =	vst v63  }
0x2c1: {  	v0 =	vmov v27;
	v27 =	vld [tilespmem:$0x1FE10];
	_ =	swait.ge [sflag:s15], $0x800  }
0x2c2: {  	[sflag:s15] =	ssyncset.done $0x0  }
0x2c3: {  	s18 =	sadd.s32 $0x20, s18;
	[sflag:s15] =	ssyncadd.s32 $0xFFFFF800  }
.Ltmp3:
0x2c4: {  	(pc) =	sbr.rel @p0 .LBB2_5-.Ltmp3, $1  }
0x2c5: {  	_ =	sdelay $0x3  }
0x2c6: {  	[tilespmem:s3], [sflag:$0x1] =	stream.strided.gather [hbm4b:s8+s13], $0x800, s14, s13, $0x38;
	[tilespmem:$0x1000] =	vst v63  }
0x2c7: {  	_ =	swait.ge [sflag:s15], $0x800  }
0x2c8: {  	[sflag:s15] =	ssyncset.done $0x0  }
0x2c9: {  	[sflag:s15] =	ssyncadd.s32 $0xFFFFF800  }
0x2ca: {  	v1 =	vld.idx.msk [tilespmem:v2+s3+$0x0], $0xffff;
	_ =	sdelay $0x4  }
0x2cb: {  	[tilespmem:$0x800] =	vst v1;
	v1 =	vld [tilespmem:$0x1FE10];
	_ =	sdelay $0x7  }
0x2cc: {  	v1 =	vld.idx.msk [tilespmem:v1+s3+$0x0], $0xffff;
	_ =	sdelay $0x4  }
0x2cd: {  	[tilespmem:$0x810] =	vst v1;
	v1 =	vld [tilespmem:$0x1FFF0];
	_ =	sdelay $0x7  }
0x2ce: {  	v1 =	vld.idx.msk [tilespmem:v1+s3+$0x0], $0xffff;
	_ =	sdelay $0x4  }
0x2cf: {  	[tilespmem:$0x820] =	vst v1;
	v1 =	vld [tilespmem:$0x1FFE0];
	_ =	sdelay $0x7  }
0x2d0: {  	v1 =	vld.idx.msk [tilespmem:v1+s3+$0x0], $0xffff;
	_ =	sdelay $0x4  }
0x2d1: {  	[tilespmem:$0x830] =	vst v1;
	v1 =	vld [tilespmem:$0x1FFD0];
	_ =	sdelay $0x7  }
0x2d2: {  	v1 =	vld.idx.msk [tilespmem:v1+s3+$0x0], $0xffff;
	_ =	sdelay $0x4  }
0x2d3: {  	[tilespmem:$0x840] =	vst v1;
	v1 =	vld [tilespmem:$0x1FFC0];
	_ =	sdelay $0x7  }
0x2d4: {  	v1 =	vld.idx.msk [tilespmem:v1+s3+$0x0], $0xffff;
	_ =	sdelay $0x4  }
0x2d5: {  	[tilespmem:$0x850] =	vst v1;
	v1 =	vld [tilespmem:$0x1FFB0];
	_ =	sdelay $0x7  }
0x2d6: {  	v1 =	vld.idx.msk [tilespmem:v1+s3+$0x0], $0xffff;
	_ =	sdelay $0x4  }
0x2d7: {  	[tilespmem:$0x860] =	vst v1;
	v1 =	vld [tilespmem:$0x1FFA0];
	_ =	sdelay $0x7  }
0x2d8: {  	v1 =	vld.idx.msk [tilespmem:v1+s3+$0x0], $0xffff;
	_ =	sdelay $0x4  }
0x2d9: {  	[tilespmem:$0x870] =	vst v1;
	v1 =	vld [tilespmem:$0x1FF90];
	_ =	sdelay $0x7  }
0x2da: {  	v1 =	vld.idx.msk [tilespmem:v1+s3+$0x0], $0xffff;
	_ =	sdelay $0x4  }
0x2db: {  	[tilespmem:$0x880] =	vst v1;
	v1 =	vld [tilespmem:$0x1FF80];
	_ =	sdelay $0x7  }
0x2dc: {  	v1 =	vld.idx.msk [tilespmem:v1+s3+$0x0], $0xffff;
	_ =	sdelay $0x4  }
0x2dd: {  	[tilespmem:$0x890] =	vst v1;
	v1 =	vld [tilespmem:$0x1FF70];
	_ =	sdelay $0x7  }
0x2de: {  	v1 =	vld.idx.msk [tilespmem:v1+s3+$0x0], $0xffff;
	_ =	sdelay $0x4  }
0x2df: {  	[tilespmem:$0x8A0] =	vst v1;
	v1 =	vld [tilespmem:$0x1FF60];
	_ =	sdelay $0x7  }
0x2e0: {  	v1 =	vld.idx.msk [tilespmem:v1+s3+$0x0], $0xffff;
	_ =	sdelay $0x4  }
0x2e1: {  	[tilespmem:$0x8B0] =	vst v1;
	v1 =	vld [tilespmem:$0x1FF50];
	_ =	sdelay $0x7  }
0x2e2: {  	v1 =	vld.idx.msk [tilespmem:v1+s3+$0x0], $0xffff;
	_ =	sdelay $0x4  }
0x2e3: {  	[tilespmem:$0x8C0] =	vst v1;
	v1 =	vld [tilespmem:$0x1FF40];
	_ =	sdelay $0x7  }
0x2e4: {  	v1 =	vld.idx.msk [tilespmem:v1+s3+$0x0], $0xffff;
	_ =	sdelay $0x4  }
0x2e5: {  	[tilespmem:$0x8D0] =	vst v1;
	v1 =	vld [tilespmem:$0x1FF30];
	_ =	sdelay $0x7  }
0x2e6: {  	v1 =	vld.idx.msk [tilespmem:v1+s3+$0x0], $0xffff;
	_ =	sdelay $0x4  }
0x2e7: {  	[tilespmem:$0x8E0] =	vst v1;
	v1 =	vld [tilespmem:$0x1FF20];
	_ =	sdelay $0x7  }
0x2e8: {  	v1 =	vld.idx.msk [tilespmem:v1+s3+$0x0], $0xffff;
	_ =	sdelay $0x4  }
0x2e9: {  	[tilespmem:$0x8F0] =	vst v1;
	v1 =	vld [tilespmem:$0x1FF10];
	_ =	sdelay $0x7  }
0x2ea: {  	v1 =	vld.idx.msk [tilespmem:v1+s3+$0x0], $0xffff;
	_ =	sdelay $0x4  }
0x2eb: {  	[tilespmem:$0x900] =	vst v1;
	v1 =	vld [tilespmem:$0x1FF00];
	_ =	sdelay $0x7  }
0x2ec: {  	v1 =	vld.idx.msk [tilespmem:v1+s3+$0x0], $0xffff;
	_ =	sdelay $0x4  }
0x2ed: {  	[tilespmem:$0x910] =	vst v1;
	v1 =	vld [tilespmem:$0x1FEF0];
	_ =	sdelay $0x7  }
0x2ee: {  	v1 =	vld.idx.msk [tilespmem:v1+s3+$0x0], $0xffff;
	_ =	sdelay $0x4  }
0x2ef: {  	[tilespmem:$0x920] =	vst v1;
	v1 =	vld [tilespmem:$0x1FEE0];
	_ =	sdelay $0x7  }
0x2f0: {  	v1 =	vld.idx.msk [tilespmem:v1+s3+$0x0], $0xffff;
	_ =	sdelay $0x4  }
0x2f1: {  	[tilespmem:$0x930] =	vst v1;
	v1 =	vld [tilespmem:$0x1FED0];
	_ =	sdelay $0x7  }
0x2f2: {  	v1 =	vld.idx.msk [tilespmem:v1+s3+$0x0], $0xffff;
	_ =	sdelay $0x4  }
0x2f3: {  	[tilespmem:$0x940] =	vst v1;
	v1 =	vld [tilespmem:$0x1FEC0];
	_ =	sdelay $0x7  }
0x2f4: {  	v1 =	vld.idx.msk [tilespmem:v1+s3+$0x0], $0xffff;
	_ =	sdelay $0x4  }
0x2f5: {  	[tilespmem:$0x950] =	vst v1;
	v1 =	vld [tilespmem:$0x1FE20];
	_ =	sdelay $0x7  }
0x2f6: {  	v1 =	vld.idx.msk [tilespmem:v1+s3+$0x0], $0xffff;
	_ =	sdelay $0x4  }
0x2f7: {  	[tilespmem:$0x960] =	vst v1;
	v1 =	vld [tilespmem:$0x1FE30];
	_ =	sdelay $0x7  }
0x2f8: {  	v1 =	vld.idx.msk [tilespmem:v1+s3+$0x0], $0xffff;
	_ =	sdelay $0x4  }
0x2f9: {  	[tilespmem:$0x970] =	vst v1;
	v1 =	vld [tilespmem:$0x1FE40];
	_ =	sdelay $0x7  }
0x2fa: {  	v1 =	vld.idx.msk [tilespmem:v1+s3+$0x0], $0xffff;
	_ =	sdelay $0x4  }
0x2fb: {  	[tilespmem:$0x980] =	vst v1;
	v1 =	vld [tilespmem:$0x1FE50];
	_ =	sdelay $0x7  }
0x2fc: {  	v1 =	vld.idx.msk [tilespmem:v1+s3+$0x0], $0xffff;
	_ =	sdelay $0x4  }
0x2fd: {  	[tilespmem:$0x990] =	vst v1;
	v1 =	vld [tilespmem:$0x1FE60];
	_ =	sdelay $0x7  }
0x2fe: {  	v1 =	vld.idx.msk [tilespmem:v1+s3+$0x0], $0xffff;
	_ =	sdelay $0x4  }
0x2ff: {  	[tilespmem:$0x9A0] =	vst v1;
	v1 =	vld [tilespmem:$0x1FE70];
	_ =	sdelay $0x7  }
0x300: {  	v1 =	vld.idx.msk [tilespmem:v1+s3+$0x0], $0xffff;
	_ =	sdelay $0x4  }
0x301: {  	[tilespmem:$0x9B0] =	vst v1;
	v1 =	vld [tilespmem:$0x1FE80];
	_ =	sdelay $0x7  }
0x302: {  	v1 =	vld.idx.msk [tilespmem:v1+s3+$0x0], $0xffff;
	_ =	sdelay $0x4  }
0x303: {  	[tilespmem:$0x9C0] =	vst v1;
	v1 =	vld [tilespmem:$0x1FE90];
	_ =	sdelay $0x7  }
0x304: {  	v1 =	vld.idx.msk [tilespmem:v1+s3+$0x0], $0xffff;
	_ =	sdelay $0x4  }
0x305: {  	[tilespmem:$0x9D0] =	vst v1;
	v1 =	vld [tilespmem:$0x1FEA0];
	_ =	sdelay $0x7  }
0x306: {  	v1 =	vld.idx.msk [tilespmem:v1+s3+$0x0], $0xffff;
	_ =	sdelay $0x4  }
0x307: {  	[tilespmem:$0x9E0] =	vst v1;
	v1 =	vld [tilespmem:$0x1FEB0];
	_ =	sdelay $0x7  }
0x308: {  	v1 =	vld.idx.msk [tilespmem:v1+s3+$0x0], $0xffff;
	_ =	sdelay $0x4  }
0x309: {  	[tilespmem:$0x9F0] =	vst v1  }
0x30a: {  	[hbm4b:s9+s3] =	stream.linear.scatter [tilespmem:s16], [sflag:$0x1], $0x200, $0x38;
	[tilespmem:$0x1000] =	vst v63  }
0x30b: {  	_ =	swait.ge [sflag:s15], $0x200  }
0x30c: {  	[sflag:s15] =	ssyncset.done $0x0  }
0x30d: {  	[sflag:s15] =	ssyncadd.s32 $0xFFFFFE00  }
0x30e: {  	[tilespmem:s3], [sflag:$0x1] =	stream.strided.gather [hbm4b:s10+s13], $0x800, s14, s13, $0x38;
	[tilespmem:$0x1000] =	vst v63  }
0x30f: {  	_ =	swait.ge [sflag:s15], $0x800  }
0x310: {  	[sflag:s15] =	ssyncset.done $0x0  }
0x311: {  	[sflag:s15] =	ssyncadd.s32 $0xFFFFF800  }
0x312: {  	v1 =	vld.idx.msk [tilespmem:v2+s3+$0x0], $0xffff;
	_ =	sdelay $0x4  }
0x313: {  	[tilespmem:$0x800] =	vst v1;
	v1 =	vld [tilespmem:$0x1FE10];
	_ =	sdelay $0x7  }
0x314: {  	v1 =	vld.idx.msk [tilespmem:v1+s3+$0x0], $0xffff;
	_ =	sdelay $0x4  }
0x315: {  	[tilespmem:$0x810] =	vst v1;
	v1 =	vld [tilespmem:$0x1FFF0];
	_ =	sdelay $0x7  }
0x316: {  	v1 =	vld.idx.msk [tilespmem:v1+s3+$0x0], $0xffff;
	_ =	sdelay $0x4  }
0x317: {  	[tilespmem:$0x820] =	vst v1;
	v1 =	vld [tilespmem:$0x1FFE0];
	_ =	sdelay $0x7  }
0x318: {  	v1 =	vld.idx.msk [tilespmem:v1+s3+$0x0], $0xffff;
	_ =	sdelay $0x4  }
0x319: {  	[tilespmem:$0x830] =	vst v1;
	v1 =	vld [tilespmem:$0x1FFD0];
	_ =	sdelay $0x7  }
0x31a: {  	v1 =	vld.idx.msk [tilespmem:v1+s3+$0x0], $0xffff;
	_ =	sdelay $0x4  }
0x31b: {  	[tilespmem:$0x840] =	vst v1;
	v1 =	vld [tilespmem:$0x1FFC0];
	_ =	sdelay $0x7  }
0x31c: {  	v1 =	vld.idx.msk [tilespmem:v1+s3+$0x0], $0xffff;
	_ =	sdelay $0x4  }
0x31d: {  	[tilespmem:$0x850] =	vst v1;
	v1 =	vld [tilespmem:$0x1FFB0];
	_ =	sdelay $0x7  }
0x31e: {  	v1 =	vld.idx.msk [tilespmem:v1+s3+$0x0], $0xffff;
	_ =	sdelay $0x4  }
0x31f: {  	[tilespmem:$0x860] =	vst v1;
	v1 =	vld [tilespmem:$0x1FFA0];
	_ =	sdelay $0x7  }
0x320: {  	v1 =	vld.idx.msk [tilespmem:v1+s3+$0x0], $0xffff;
	_ =	sdelay $0x4  }
0x321: {  	[tilespmem:$0x870] =	vst v1;
	v1 =	vld [tilespmem:$0x1FF90];
	_ =	sdelay $0x7  }
0x322: {  	v1 =	vld.idx.msk [tilespmem:v1+s3+$0x0], $0xffff;
	_ =	sdelay $0x4  }
0x323: {  	[tilespmem:$0x880] =	vst v1;
	v1 =	vld [tilespmem:$0x1FF80];
	_ =	sdelay $0x7  }
0x324: {  	v1 =	vld.idx.msk [tilespmem:v1+s3+$0x0], $0xffff;
	_ =	sdelay $0x4  }
0x325: {  	[tilespmem:$0x890] =	vst v1;
	v1 =	vld [tilespmem:$0x1FF70];
	_ =	sdelay $0x7  }
0x326: {  	v1 =	vld.idx.msk [tilespmem:v1+s3+$0x0], $0xffff;
	_ =	sdelay $0x4  }
0x327: {  	[tilespmem:$0x8A0] =	vst v1;
	v1 =	vld [tilespmem:$0x1FF60];
	_ =	sdelay $0x7  }
0x328: {  	v1 =	vld.idx.msk [tilespmem:v1+s3+$0x0], $0xffff;
	_ =	sdelay $0x4  }
0x329: {  	[tilespmem:$0x8B0] =	vst v1;
	v1 =	vld [tilespmem:$0x1FF50];
	_ =	sdelay $0x7  }
0x32a: {  	v1 =	vld.idx.msk [tilespmem:v1+s3+$0x0], $0xffff;
	_ =	sdelay $0x4  }
0x32b: {  	[tilespmem:$0x8C0] =	vst v1;
	v1 =	vld [tilespmem:$0x1FF40];
	_ =	sdelay $0x7  }
0x32c: {  	v1 =	vld.idx.msk [tilespmem:v1+s3+$0x0], $0xffff;
	_ =	sdelay $0x4  }
0x32d: {  	[tilespmem:$0x8D0] =	vst v1;
	v1 =	vld [tilespmem:$0x1FF30];
	_ =	sdelay $0x7  }
0x32e: {  	v1 =	vld.idx.msk [tilespmem:v1+s3+$0x0], $0xffff;
	_ =	sdelay $0x4  }
0x32f: {  	[tilespmem:$0x8E0] =	vst v1;
	v1 =	vld [tilespmem:$0x1FF20];
	_ =	sdelay $0x7  }
0x330: {  	v1 =	vld.idx.msk [tilespmem:v1+s3+$0x0], $0xffff;
	_ =	sdelay $0x4  }
0x331: {  	[tilespmem:$0x8F0] =	vst v1;
	v1 =	vld [tilespmem:$0x1FF10];
	_ =	sdelay $0x7  }
0x332: {  	v1 =	vld.idx.msk [tilespmem:v1+s3+$0x0], $0xffff;
	_ =	sdelay $0x4  }
0x333: {  	[tilespmem:$0x900] =	vst v1;
	v1 =	vld [tilespmem:$0x1FF00];
	_ =	sdelay $0x7  }
0x334: {  	v1 =	vld.idx.msk [tilespmem:v1+s3+$0x0], $0xffff;
	_ =	sdelay $0x4  }
0x335: {  	[tilespmem:$0x910] =	vst v1;
	v1 =	vld [tilespmem:$0x1FEF0];
	_ =	sdelay $0x7  }
0x336: {  	v1 =	vld.idx.msk [tilespmem:v1+s3+$0x0], $0xffff;
	_ =	sdelay $0x4  }
0x337: {  	[tilespmem:$0x920] =	vst v1;
	v1 =	vld [tilespmem:$0x1FEE0];
	_ =	sdelay $0x7  }
0x338: {  	v1 =	vld.idx.msk [tilespmem:v1+s3+$0x0], $0xffff;
	_ =	sdelay $0x4  }
0x339: {  	[tilespmem:$0x930] =	vst v1;
	v1 =	vld [tilespmem:$0x1FED0];
	_ =	sdelay $0x7  }
0x33a: {  	v1 =	vld.idx.msk [tilespmem:v1+s3+$0x0], $0xffff;
	_ =	sdelay $0x4  }
0x33b: {  	[tilespmem:$0x940] =	vst v1;
	v1 =	vld [tilespmem:$0x1FEC0];
	_ =	sdelay $0x7  }
0x33c: {  	v1 =	vld.idx.msk [tilespmem:v1+s3+$0x0], $0xffff;
	_ =	sdelay $0x4  }
0x33d: {  	[tilespmem:$0x950] =	vst v1;
	v1 =	vld [tilespmem:$0x1FE20];
	_ =	sdelay $0x7  }
0x33e: {  	v1 =	vld.idx.msk [tilespmem:v1+s3+$0x0], $0xffff;
	_ =	sdelay $0x4  }
0x33f: {  	[tilespmem:$0x960] =	vst v1;
	v1 =	vld [tilespmem:$0x1FE30];
	_ =	sdelay $0x7  }
0x340: {  	v1 =	vld.idx.msk [tilespmem:v1+s3+$0x0], $0xffff;
	_ =	sdelay $0x4  }
0x341: {  	[tilespmem:$0x970] =	vst v1;
	v1 =	vld [tilespmem:$0x1FE40];
	_ =	sdelay $0x7  }
0x342: {  	v1 =	vld.idx.msk [tilespmem:v1+s3+$0x0], $0xffff;
	_ =	sdelay $0x4  }
0x343: {  	[tilespmem:$0x980] =	vst v1;
	v1 =	vld [tilespmem:$0x1FE50];
	_ =	sdelay $0x7  }
0x344: {  	v1 =	vld.idx.msk [tilespmem:v1+s3+$0x0], $0xffff;
	_ =	sdelay $0x4  }
0x345: {  	[tilespmem:$0x990] =	vst v1;
	v1 =	vld [tilespmem:$0x1FE60];
	_ =	sdelay $0x7  }
0x346: {  	v1 =	vld.idx.msk [tilespmem:v1+s3+$0x0], $0xffff;
	_ =	sdelay $0x4  }
0x347: {  	[tilespmem:$0x9A0] =	vst v1;
	v1 =	vld [tilespmem:$0x1FE70];
	_ =	sdelay $0x7  }
0x348: {  	v1 =	vld.idx.msk [tilespmem:v1+s3+$0x0], $0xffff;
	_ =	sdelay $0x4  }
0x349: {  	[tilespmem:$0x9B0] =	vst v1;
	v1 =	vld [tilespmem:$0x1FE80];
	_ =	sdelay $0x7  }
0x34a: {  	v1 =	vld.idx.msk [tilespmem:v1+s3+$0x0], $0xffff;
	_ =	sdelay $0x4  }
0x34b: {  	[tilespmem:$0x9C0] =	vst v1;
	v1 =	vld [tilespmem:$0x1FE90];
	_ =	sdelay $0x7  }
0x34c: {  	v1 =	vld.idx.msk [tilespmem:v1+s3+$0x0], $0xffff;
	_ =	sdelay $0x4  }
0x34d: {  	[tilespmem:$0x9D0] =	vst v1;
	v1 =	vld [tilespmem:$0x1FEA0];
	_ =	sdelay $0x7  }
0x34e: {  	v1 =	vld.idx.msk [tilespmem:v1+s3+$0x0], $0xffff;
	_ =	sdelay $0x4  }
0x34f: {  	[tilespmem:$0x9E0] =	vst v1;
	v1 =	vld [tilespmem:$0x1FEB0];
	_ =	sdelay $0x7  }
0x350: {  	v1 =	vld.idx.msk [tilespmem:v1+s3+$0x0], $0xffff;
	_ =	sdelay $0x4  }
.Ltmp4:
0x351: {  	[tilespmem:$0x9F0] =	vst v1;
	(pc) =	sbr.rel .LBB2_5-.Ltmp4, $4  }
0x352: {  	[hbm4b:s11+s3] =	stream.linear.scatter [tilespmem:s16], [sflag:$0x1], $0x200, $0x38;
	[tilespmem:$0x1000] =	vst v63  }
0x353: {  	_ =	swait.ge [sflag:s15], $0x200  }
0x354: {  	[sflag:s15] =	ssyncset.done $0x0  }
0x355: {  	[sflag:s15] =	ssyncadd.s32 $0xFFFFFE00  }
.LBB2_6:
0x356: {  	_ =	sfence.sel $0x180000  }
0x357: {  	[bflag:$0x0] =	sbarrier.arrive $0xFFFF  }
0x358: {  	p0 =	sne.s32 s4, $0x0;
	_ =	strace $0x90000047  }
0x359: {  	s0 =	sadd.s32 @!p0 $0x100000, s2;
	[bflag:$0x2] =	sbarrier.arrive $0xFFFF  }
0x35a: {  	[sflag:s0] =	ssyncadd.tile.s32 @!p0 $0x1;
	_ =	shalt  }
.Lfunc_end2:
_tile_overlayer_lowered:
.L_overlay_start_2:
0x35b: {  	(tag) =	ssettag $0x2  }
0x35c: {  	s0 =	rddreg [dreg:$0x0];
	s2 =	stileid.u32  }
0x35d: {  	s1 =	rddreg [dreg:$0x1];
	p0 =	sne.s32 s2, $0x0  }
0x35e: {  	s3 =	rddreg [dreg:$0x2];
	[bflag:$0x3] =	sbarrier.arrive $0xFFFF;
	s2 =	simm.s32 @!p0 $0x1C01  }
0x35f: {  	[timem:s3], [sflag:s2] =	dma.local @!p0 [hbm:s0], s1  }
0x360: {  	s0 =	simm.s32 @!p0 $0x1  }
0x361: {  	_ =	swait.ge @!p0 [sflag:s0], s1  }
0x362: {  	s1 =	ssub.s32 @!p0 $0x0, s1;
	[sflag:s0] =	ssyncset.done @!p0 $0x0  }
0x363: {  	[sflag:s0] =	ssyncadd.s32 @!p0 s1  }
0x364: {  	[bflag:$0x3] =	sbarrier.arrive $0xFFFF  }
0x365: {  	_ =	shalt  }

// kernel: kernel.7.cloned.1.call-start
scs
__scs_entry_jumppad:
0x0: {  	(pc) =	sbr.rel $0x88, $3  }
0x1: {  	(tag) =	ssettag $0x0;
	lr =	simm.s32 $0x1  }
0x2: {  	[smem:$0x3F9B] =	sst lr;
	_ =	strace $0xD0000000  }
0x3: {  	_ = 	snop  }
0x4: {  	_ = 	snop  }
0x5: {  	_ = 	snop  }
0x6: {  	_ = 	snop  }
0x7: {  	_ = 	snop  }
__scs_overlays_trampoline_lowered:
0x8: {  	[smem:$0x3FAA] =	sst s0  }
0x9: {  	[smem:$0x3FAB] =	sst s1  }
0xa: {  	[smem:$0x3FAC] =	sst s2  }
0xb: {  	[smem:$0x3FAD] =	sst s3  }
0xc: {  	[smem:$0x3FAE] =	sst s4  }
0xd: {  	[smem:$0x3FAF] =	sst s5  }
0xe: {  	[smem:$0x3FB0] =	sst s6  }
0xf: {  	[smem:$0x3FB1] =	sst s7  }
0x10: {  	[smem:$0x3FB2] =	sst s8  }
0x11: {  	[smem:$0x3FB3] =	sst s9;
	s0 =	simm.s32 @!p0 $0x0  }
0x12: {  	s1 =	sld [smem:$0x3F99];
	s0 =	simm.s32 @p0 $0x1  }
0x13: {  	[smem:$0x3FB4] =	sst s0;
	s0 =	simm.s32 @!p1 $0x0  }
0x14: {  	s2 =	sld [smem:$0x3F98];
	s0 =	simm.s32 @p1 $0x1  }
0x15: {  	[smem:$0x3FB5] =	sst s0;
	s0 =	simm.s32 @!p2 $0x0  }
0x16: {  	s3 =	sld [smem:$0x3FDB];
	s0 =	simm.s32 @p2 $0x1  }
0x17: {  	s4 =	simm.s32 $0x1BF5;
	[smem:$0x3FB7] =	sst s0  }
0x18: {  	s0 =	sld [smem:$0x3F9A];
	_ =	swait.ge [sflag:s4], $0x0  }
0x19: {  	s7 =	sld [smem:$0x3F9B]  }
0x1a: {  	s8 =	sadd.s32 $0xFFFFE003, lr  }
0x1b: {  	s9 =	sadd.s32 $0xFFFFFEF7, lr;
	s5 =	simm.s32 $0xFFFFFFFF;
	p2 =	slt.u32 s8, $0xFFFFF086  }
0x1c: {  	p1 =	slt.u32 s9, $0xF7A;
	s5 =	simm.s32 @!p2 $0x0  }
0x1d: {  	s5 =	simm.s32 @p1 $0x1;
	p0 =	seq.s32 s7, s2  }
0x1e: {  	s7 =	smul.u32 @!p0 $0xF7A, s2;
	p2 =	seq.s32 @!p0 s5, $0x0  }
0x1f: {  	s9 =	smul.u32 $0xF7A, s1;
	s8 =	simm.s32 @!p0 $0x1BF5;
	p2 =	por !p2, p0  }
0x20: {  	[sflag:s8] =	ssyncset.s32 @!p0 $0xFFFFF086;
	s6 =	sadd.s32 @!p0 s3, s7;
	s7 =	simm.s32 @!p0 $0x108  }
0x21: {  	s3 =	sadd.s32 s3, s9;
	s6 =	sadd.s32 @!p0 $0x88, s6;
	s7 =	simm.s32 @p2 $0x1082  }
0x22: {  	[simem:s7], [sflag:s8] =	dma.local @!p0 [hbm:s6], $0xF7A  }
0x23: {  	s9 =	sor.u32 $0xD0000000, s2;
	s6 =	simm.s32 $0x108;
	_ =	swait.ge @!p0 [sflag:s8], $0x0  }
0x24: {  	s3 =	sadd.s32 $0x88, s3;
	s6 =	simm.s32 @!p1 $0x1082;
	[sflag:s4] =	ssyncset.s32 $0xFFFFF086  }
0x25: {  	[simem:s6], [sflag:s4] =	dma.local [hbm:s3], $0xF7A  }
0x26: {  	[smem:$0x3F9B] =	sst s1;
	(tag) =	ssettag s2;
	_ =	strace s9  }
0x27: {  	s1 =	sld [smem:$0x3FAB]  }
0x28: {  	s2 =	sld [smem:$0x3FAC]  }
0x29: {  	s4 =	sld [smem:$0x3FAE]  }
0x2a: {  	p0 =	seq.s32 s5, $0x0;
	s5 =	sld [smem:$0x3FAF]  }
0x2b: {  	s6 =	sld [smem:$0x3FB0]  }
0x2c: {  	s7 =	sld [smem:$0x3FB1]  }
0x2d: {  	s3 =	simm.s32 $0x108;
	s8 =	sld [smem:$0x3FB2]  }
0x2e: {  	s3 =	simm.s32 @!p0 $0x1082;
	s9 =	sld [smem:$0x3FB3]  }
0x2f: {  	lr =	sadd.s32 s0, s3;
	s0 =	sld [smem:$0x3FAA]  }
0x30: {  	s3 =	sld [smem:$0x3FAD]  }
0x31: {  	[smem:$0x3FB6] =	sst s10  }
0x32: {  	s10 =	sld [smem:$0x3FB4];
	_ =	sdelay $0x3  }
0x33: {  	p0 =	seq.s32 s10, $0x1;
	s10 =	sld [smem:$0x3FB6];
	_ =	sdelay $0x3  }
0x34: {  	[smem:$0x3FB6] =	sst s10  }
0x35: {  	s10 =	sld [smem:$0x3FB5];
	_ =	sdelay $0x3  }
0x36: {  	p1 =	seq.s32 s10, $0x1;
	s10 =	sld [smem:$0x3FB6];
	_ =	sdelay $0x3  }
0x37: {  	[smem:$0x3FB6] =	sst s10  }
0x38: {  	s10 =	sld [smem:$0x3FB7]  }
0x39: {  	_ = 	snop;
	(pc) =	sbr.ind lr, $3  }
0x3a: {  	_ = 	snop  }
0x3b: {  	_ = 	snop  }
0x3c: {  	p2 =	seq.s32 s10, $0x1;
	s10 =	sld [smem:$0x3FB6]  }
0x3d: {  	_ =	shalt  }
0x3e: {  	_ =	shalt  }
0x3f: {  	_ =	shalt  }
0x40: {  	_ =	shalt  }
0x41: {  	_ =	shalt  }
0x42: {  	_ =	shalt  }
0x43: {  	_ =	shalt  }
0x44: {  	_ =	shalt  }
0x45: {  	_ =	shalt  }
0x46: {  	_ =	shalt  }
0x47: {  	_ =	shalt  }
0x48: {  	_ =	shalt  }
0x49: {  	_ =	shalt  }
0x4a: {  	_ =	shalt  }
0x4b: {  	_ =	shalt  }
0x4c: {  	_ =	shalt  }
0x4d: {  	_ =	shalt  }
0x4e: {  	_ =	shalt  }
0x4f: {  	_ =	shalt  }
0x50: {  	_ =	shalt  }
0x51: {  	_ =	shalt  }
0x52: {  	_ =	shalt  }
0x53: {  	_ =	shalt  }
0x54: {  	_ =	shalt  }
0x55: {  	_ =	shalt  }
0x56: {  	_ =	shalt  }
0x57: {  	_ =	shalt  }
0x58: {  	_ =	shalt  }
0x59: {  	_ =	shalt  }
0x5a: {  	_ =	shalt  }
0x5b: {  	_ =	shalt  }
0x5c: {  	_ =	shalt  }
0x5d: {  	_ =	shalt  }
0x5e: {  	_ =	shalt  }
0x5f: {  	_ =	shalt  }
0x60: {  	_ =	shalt  }
0x61: {  	_ =	shalt  }
0x62: {  	_ =	shalt  }
0x63: {  	_ =	shalt  }
0x64: {  	_ =	shalt  }
0x65: {  	_ =	shalt  }
0x66: {  	_ =	shalt  }
0x67: {  	_ =	shalt  }
0x68: {  	_ =	shalt  }
0x69: {  	_ =	shalt  }
0x6a: {  	_ =	shalt  }
0x6b: {  	_ =	shalt  }
0x6c: {  	_ =	shalt  }
0x6d: {  	_ =	shalt  }
0x6e: {  	_ =	shalt  }
0x6f: {  	_ =	shalt  }
0x70: {  	_ =	shalt  }
0x71: {  	_ =	shalt  }
0x72: {  	_ =	shalt  }
0x73: {  	_ =	shalt  }
0x74: {  	_ =	shalt  }
0x75: {  	_ =	shalt  }
0x76: {  	_ =	shalt  }
0x77: {  	_ =	shalt  }
0x78: {  	_ =	shalt  }
0x79: {  	_ =	shalt  }
0x7a: {  	_ =	shalt  }
0x7b: {  	_ =	shalt  }
0x7c: {  	_ =	shalt  }
0x7d: {  	_ =	shalt  }
0x7e: {  	_ =	shalt  }
0x7f: {  	_ =	shalt  }
0x80: {  	_ =	shalt  }
0x81: {  	_ =	shalt  }
0x82: {  	_ =	shalt  }
0x83: {  	_ =	shalt  }
0x84: {  	_ =	shalt  }
0x85: {  	_ =	shalt  }
0x86: {  	_ =	shalt  }
0x87: {  	_ =	shalt  }
.Lfunc_end0:
.L_simem_size_0:
called_computation.1_lowered:
.L_overlay_start_0:
0x88: {  	s2 =	sld [smem:$0x3FD9]  }
0x89: {  	s3 =	sld [smem:$0x3FFE];
	_ =	sdelay $0x1  }
0x8a: {  	s1 =	srdreg.scid  }
0x8b: {  	s0 =	sand.u32 $0x1, s1  }
0x8c: {  	s17 =	sshll.u32 s0, $0xA;
	s2 =	sadd.s32 s3, s2  }
0x8d: {  	s2 =	sadd.s32 s2, s17  }
0x8e: {  	[smem:$0x3FC2] =	sst s2  }
0x8f: {  	_ = 	snop  }
0x90: {  	s2 =	sld [smem:$0x3FC9]  }
0x91: {  	s18 =	sld [smem:$0x3FC8]  }
0x92: {  	s4 =	sld [smem:$0x3FD0];
	(tm) =	ssettm $0x1  }
0x93: {  	s5 =	sld [smem:$0x3FFB];
	_ =	sdelay $0x3  }
0x94: {  	_ =	strace s5  }
0x95: {  	s5 =	sld [smem:$0x3FFC];
	_ =	sdelay $0x3  }
0x96: {  	_ =	strace s5  }
0x97: {  	s5 =	sld [smem:$0x3FFD];
	_ =	sdelay $0x3  }
0x98: {  	_ =	strace s5  }
0x99: {  	_ =	strace $0x8FFFFFFF  }
0x9a: {  	s19 =	sld [smem:$0x3FDB];
	_ =	sdelay $0x1  }
0x9b: {  	s6 =	simm.s32 $_scs_section_size  }
0x9c: {  	s7 =	simm.s32 $_size__tile_overlayer_lowered;
	s8 =	simm.s32 $_tile_overlayer_lowered  }
0x9d: {  	s22 =	simm.s32 $0x1BFF;
	s21 =	sshll.u32 s8, $0x1;
	s5 =	sadd.s32 s6, s19  }
0x9e: {  	s9 =	simm.s32 $0x0;
	s20 =	sshll.u32 s7, $0x1;
	s7 =	sadd.s32 s21, s5  }
0x9f: {  	[timem:s9], [sflag:s22] =	dma.local [hbm:s7], s20  }
0xa0: {  	_ =	swait.ge [sflag:s22], s20  }
0xa1: {  	s6 =	ssub.s32 $0x0, s20;
	[sflag:s22] =	ssyncset.done $0x0  }
0xa2: {  	[sflag:s22] =	ssyncadd.s32 s6;
	_ =	sdelay $0x1  }
0xa3: {  	s23 =	simm.s32 $0x1B8B  }
0xa4: {  	_ =	swait.ge [sflag:s23], $0x1  }
0xa5: {  	[sflag:s23] =	ssyncset.done $0x0  }
0xa6: {  	s25 =	simm.s32 $0x1B8E;
	s24 =	sld [smem:$0x3FFE];
	[sflag:s23] =	ssyncadd.s32 $0xFFFFFFFF  }
0xa7: {  	s26 =	simm.s32 $execute0_lowered;
	[smem:$0x3FD2] =	sst s25  }
0xa8: {  	s7 =	sshll.u32 s26, $0x1;
	_ =	strace $0x80000049;
	[dreg:$0x1] =	wrdreg $0xFFFFFFFF  }
0xa9: {  	s28 =	simm.s32 $_size_execute0_lowered;
	s5 =	sadd.s32 s5, s7;
	[dreg:$0x0] =	wrdreg $0x0  }
0xaa: {  	s7 =	sshll.u32 s28, $0x1;
	[dreg:$0x2] =	wrdreg s5  }
0xab: {  	[dreg:$0x3] =	wrdreg s7  }
0xac: {  	[dreg:$0x4] =	wrdreg $0xC0  }
0xad: {  	_ =	task [dreg:s9], $0x5FFFF  }
0xae: {  	[dreg:$0x1] =	wrdreg $0xFFFFFFFF  }
0xaf: {  	[dreg:$0x0] =	wrdreg $0x60  }
0xb0: {  	[dreg:$0x2] =	wrdreg s2  }
0xb1: {  	[dreg:$0x3] =	wrdreg s18  }
0xb2: {  	[dreg:$0x4] =	wrdreg s24  }
0xb3: {  	[dreg:$0x5] =	wrdreg s4  }
0xb4: {  	[dreg:$0x6] =	wrdreg $0x9  }
0xb5: {  	_ =	task.clear_ibuf [dreg:s9], $0x7FFFF;
	_ =	strace $0x90000049  }
0xb6: {  	s29 =	simm.s32 $0x9;
	_ =	strace $0x8000004B  }
0xb7: {  	_ =	swait.ge [sflag:s29], $0x1  }
0xb8: {  	[sflag:s29] =	ssyncadd.s32 $0xFFFFFFFF  }
0xb9: {  	_ =	strace $0x9000004B  }
0xba: {  	_ =	sfence  }
0xbb: {  	s30 =	sld [smem:$0x0];
	_ =	sdelay $0x2  }
0xbc: {  	s31 =	sshll.u32 s1, $0xD;
	s1 =	sshrl.u32 s1, $0x2  }
0xbd: {  	s3 =	sand.u32 $0x4000, s31;
	s1 =	sadd.s32 s1, s30  }
0xbe: {  	s0 =	sor.u32 s3, s0;
	s1 =	sshll.u32 s1, $0x11  }
0xbf: {  	s0 =	sor.u32 s1, s0  }
0xc0: {  	s0 =	sadd.s32 $0x8F2B, s0  }
0xc1: {  	[sflag:s0] =	ssyncadd.remote.s32 $0x1  }
0xc2: {  	_ =	sfence.sel $0xFFFF  }
0xc3: {  	[dreg:$0x0] =	wrdreg $0xFFFFFFFF;
	(pc) =	sbr.abs _section_cstart, $3  }
0xc4: {  	[dreg:$0x1] =	wrdreg $0xFFFFFFFF  }
0xc5: {  	_ =	task.clear_ibuf [dreg:s9], $0x2FFFF;
	_ =	strace $0x9FFFFFFF  }
0xc6: {  	(tm) =	ssettm $0x7FFFFFFF  }
0xc7: {  	_ =	shalt  }
tec
execute0_lowered:
.L_overlay_start_1:
0x0: {  	(tag) =	ssettag $0x1  }
0x1: {  	s0 =	rddreg [dreg:$0x0]  }
0x2: {  	s2 =	rddreg [dreg:$0x1]  }
0x3: {  	s6 =	rddreg [dreg:$0x2]  }
0x4: {  	s9 =	rddreg [dreg:$0x3];
	s1 =	simm.s32 $0x0  }
0x5: {  	s5 =	srdreg.scid;
	s8 =	stileid.u32;
	s15 =	simm.s32 $0x80  }
0x6: {  	s17 =	simm.s32 $0x800;
	s18 =	simm.s32 $0x600;
	s19 =	simm.s32 $0x8800  }
0x7: {  	s20 =	simm.s32 $0x480;
	s21 =	simm.s32 $0x4800;
	s22 =	simm.s32 $0x680  }
0x8: {  	s23 =	simm.s32 $0xC800;
	s24 =	simm.s32 $0x1;
	s25 =	simm.s32 $0x500  }
0x9: {  	s26 =	simm.s32 $0x700;
	s28 =	simm.s32 $0x2;
	s29 =	simm.s32 $0x580  }
0xa: {  	s30 =	simm.s32 $0x780;
	s31 =	simm.s32 $0x10800;
	[smem:$0x7FF] =	sst s1  }
0xb: {  	s3 =	sadd.s32 $0xC00, s6;
	s4 =	sadd.s32 $0x31A00, s6;
	s5 =	sand.u32 $0x1, s5  }
0xc: {  	s8 =	sshll.u32 s8, $0x7;
	_ =	strace $0x8000004A;
	s7 =	ssub.s32 $0x2, s5  }
0xd: {  	s10 =	sshll.u32 s5, $0x6;
	s5 =	sadd.s32 $0x62A00, s6;
	s11 =	sshrl.u32 s7, $0x1  }
0xe: {  	s6 =	sadd.s32 $0x62C00, s6;
	s10 =	sor.u32 s10, s8;
	s11 =	ssub.s32 s7, s11  }
0xf: {  	v0 =	vlaneseq.u32;
	s7 =	sadd.s32 s0, s10;
	s8 =	sadd.s32 s2, s10;
	s9 =	sadd.s32 s9, s10  }
0x10: {  	v0 =	vmul.u32 $0x80, v0;
	s0 =	simm.s32 $0x0;
	s10 =	smax.u32 s11, $0x1;
	s11 =	simm.s32 $0x3  }
.LBB2_1:
0x11: {  	[tilespmem:s1], [sflag:$0x3] =	stream.linear.gather [hbm4b:s7+s1], $0x200, $0x38;
	[tilespmem:$0x10B00] =	vst v63  }
0x12: {  	_ =	swait.ge [sflag:s11], $0x200  }
0x13: {  	[sflag:s11] =	ssyncset.done $0x0  }
0x14: {  	s2 =	simm.s32 $0x200;
	[sflag:s11] =	ssyncadd.s32 $0xFFFFFE00  }
0x15: {  	[tilespmem:s2], [sflag:$0x3] =	stream.linear.gather [hbm4b:s8+s1], $0x200, $0x38;
	[tilespmem:$0x10B00] =	vst v63  }
0x16: {  	_ =	swait.ge [sflag:s11], $0x200  }
0x17: {  	[sflag:s11] =	ssyncset.done $0x0  }
0x18: {  	s14 =	simm.s32 $0x10A00;
	[sflag:s11] =	ssyncadd.s32 $0xFFFFFE00  }
0x19: {  	[tilespmem:s14], [sflag:$0x3] =	stream.linear.gather [hbm4b:s5+s1], $0x80, $0x38;
	[tilespmem:$0x10B00] =	vst v63  }
0x1a: {  	_ =	swait.ge [sflag:s11], $0x80  }
0x1b: {  	[sflag:s11] =	ssyncset.done $0x0  }
0x1c: {  	s16 =	simm.s32 $0x10A80;
	[sflag:s11] =	ssyncadd.s32 $0xFFFFFF80  }
0x1d: {  	[tilespmem:s16], [sflag:$0x3] =	stream.linear.gather [hbm4b:s6+s1], $0x80, $0x38;
	[tilespmem:$0x10B00] =	vst v63  }
0x1e: {  	_ =	swait.ge [sflag:s11], $0x80  }
0x1f: {  	[sflag:s11] =	ssyncset.done $0x0  }
0x20: {  	s2 =	simm.s32 $0x0;
	[sflag:s11] =	ssyncadd.s32 $0xFFFFFF80  }
0x21: {  	v1 =	vld [tilespmem:s2+$0x200]  }
0x22: {  	s12 =	simm.s32 $0x40;
	v2 =	vld [tilespmem:s2+$0x0]  }
.LBB2_2:
0x23: {  	p0 =	sne.s32 s12, $0x7C0  }
.Ltmp0:
0x24: {  	_ = 	snop;
	(pc) =	sbr.rel @p0 .LBB2_2-.Ltmp0, $4  }
0x25: {  	_ = 	snop  }
0x26: {  	s13 =	sshra.s32 s12, $0x2;
	s12 =	sadd.s32 $0x40, s12;
	v3 =	vshrl.u32 v1, $0x3  }
0x27: {  	v1 =	vld [tilespmem:s13+$0x200];
	v4 =	vshrl.u32 v2, $0x3;
	[tilespmem:s2+$0x600] =	vst v3  }
0x28: {  	v2 =	vld [tilespmem:s13+$0x0];
	[tilespmem:s2+$0x400] =	vst v4;
	s2 =	smov.u32 s13  }
0x29: {  	_ =	sdelay $0x2  }
0x2a: {  	v1 =	vshrl.u32 v1, $0x3  }
0x2b: {  	v2 =	vshrl.u32 v2, $0x3;
	[tilespmem:s2+$0x600] =	vst v1  }
0x2c: {  	[tilespmem:s2+$0x400] =	vst v2  }
0x2d: {  	s14 =	simm.s32 $0x400;
	v1 =	vld [tilespmem:$0x10A00]  }
0x2e: {  	v2 =	vld [tilespmem:$0x10A80];
	[tilespmem:s17], [sflag:$0x1] =	stream.indirect.gather [hbm4b:s3+s15], $0x80, s14, s15, $0xb8  }
0x2f: {  	_ = 	snop  }
0x30: {  	[tilespmem:s19], [sflag:$0x1] =	stream.indirect.gather [hbm4b:s4+s15], $0x80, s18, s15, $0xb8;
	[tilespmem:$0x10B00] =	vst v63  }
0x31: {  	_ = 	snop  }
0x32: {  	[tilespmem:s21], [sflag:$0x2] =	stream.indirect.gather [hbm4b:s3+s15], $0x80, s20, s15, $0xb8;
	[tilespmem:$0x10B00] =	vst v63  }
0x33: {  	_ = 	snop  }
0x34: {  	[tilespmem:s23], [sflag:$0x2] =	stream.indirect.gather [hbm4b:s4+s15], $0x80, s22, s15, $0xb8;
	[tilespmem:$0x10B00] =	vst v63  }
0x35: {  	_ =	swait.ge [sflag:s24], $0x4000  }
0x36: {  	[sflag:s24] =	ssyncset.done $0x0  }
0x37: {  	[sflag:s24] =	ssyncadd.s32 $0xFFFFC000  }
0x38: {  	_ =	swait.ge [sflag:s24], $0x4000  }
0x39: {  	[sflag:s24] =	ssyncset.done $0x0  }
0x3a: {  	s16 =	simm.s32 $0x0;
	[sflag:s24] =	ssyncadd.s32 $0xFFFFC000  }
0x3b: {  	s12 =	simm.s32 $0x200;
	v3 =	vld [tilespmem:s16+$0x0]  }
0x3c: {  	v4 =	vld [tilespmem:s12+$0x0];
	_ =	sdelay $0x2  }
0x3d: {  	v5 =	vmov s16  }
0x3e: {  	v5 =	vshll.u32 v5, $0x7;
	v3 =	vshll.u32 v3, $0x4  }
0x3f: {  	v5 =	vor.u32 v0, v5;
	v4 =	vshll.u32 v4, $0x4;
	v3 =	vand.u32 $0x70, v3  }
0x40: {  	v4 =	vand.u32 $0x70, v4;
	v3 =	vor.u32 v5, v3  }
0x41: {  	v4 =	vor.u32 v5, v4  }
0x42: {  	v5 =	vor.u32 $0x1, v3  }
0x43: {  	v6 =	vor.u32 $0x1, v4  }
0x44: {  	v7 =	vor.u32 $0x2, v3  }
0x45: {  	v9 =	vor.u32 $0x2, v4;
	v8 =	vld.idx.msk [tilespmem:v3+s17+$0x0], $0xffff  }
0x46: {  	v11 =	vor.u32 $0x3, v3;
	v10 =	vld.idx.msk [tilespmem:v4+s19+$0x0], $0xffff  }
0x47: {  	v12 =	vor.u32 $0x3, v4;
	v5 =	vld.idx.msk [tilespmem:v5+s17+$0x0], $0xffff  }
0x48: {  	v13 =	vor.u32 $0x4, v3;
	v6 =	vld.idx.msk [tilespmem:v6+s19+$0x0], $0xffff  }
0x49: {  	v14 =	vor.u32 $0x4, v4;
	v7 =	vld.idx.msk [tilespmem:v7+s17+$0x0], $0xffff  }
0x4a: {  	v15 =	vor.u32 $0x5, v3;
	v9 =	vld.idx.msk [tilespmem:v9+s19+$0x0], $0xffff  }
0x4b: {  	v16 =	vor.u32 $0x5, v4;
	v11 =	vld.idx.msk [tilespmem:v11+s17+$0x0], $0xffff;
	v8 =	vmul.f32 v10, v8  }
0x4c: {  	v40 =	vor.u32 $0x6, v3;
	v39 =	vld.idx.msk [tilespmem:v12+s19+$0x0], $0xffff  }
0x4d: {  	v17 =	vor.u32 $0x6, v4;
	v13 =	vld.idx.msk [tilespmem:v13+s17+$0x0], $0xffff;
	v5 =	vmul.f32 v6, v5;
	v8 =	vadd.f32 $0.0e+00, v8  }
0x4e: {  	v41 =	vor.u32 $0x7, v3;
	v6 =	vld.idx.msk [tilespmem:v14+s19+$0x0], $0xffff  }
0x4f: {  	v18 =	vor.u32 $0x7, v4;
	v15 =	vld.idx.msk [tilespmem:v15+s17+$0x0], $0xffff;
	v7 =	vmul.f32 v9, v7;
	v5 =	vadd.f32 v5, v8  }
0x50: {  	v44 =	vor.u32 $0x8, v4;
	v42 =	vld.idx.msk [tilespmem:v16+s19+$0x0], $0xffff  }
0x51: {  	v43 =	vor.u32 $0x8, v3;
	v12 =	vld.idx.msk [tilespmem:v40+s17+$0x0], $0xffff;
	v5 =	vadd.f32 v7, v5;
	v7 =	vmul.f32 v39, v11  }
0x52: {  	v47 =	vor.u32 $0x9, v4;
	v45 =	vld.idx.msk [tilespmem:v17+s19+$0x0], $0xffff  }
0x53: {  	v46 =	vor.u32 $0x9, v3;
	v14 =	vld.idx.msk [tilespmem:v41+s17+$0x0], $0xffff;
	v6 =	vmul.f32 v6, v13;
	v5 =	vadd.f32 v7, v5  }
0x54: {  	v48 =	vor.u32 $0xA, v3;
	v7 =	vld.idx.msk [tilespmem:v18+s19+$0x0], $0xffff  }
0x55: {  	v49 =	vor.u32 $0xA, v4;
	v50 =	vld.idx.msk [tilespmem:v44+s19+$0x0], $0xffff;
	v5 =	vadd.f32 v6, v5;
	v6 =	vmul.f32 v42, v15  }
0x56: {  	v52 =	vor.u32 $0xB, v4;
	v9 =	vld.idx.msk [tilespmem:v43+s17+$0x0], $0xffff  }
0x57: {  	v51 =	vor.u32 $0xB, v3;
	v53 =	vld.idx.msk [tilespmem:v47+s19+$0x0], $0xffff;
	v5 =	vadd.f32 v6, v5;
	v6 =	vmul.f32 v45, v12  }
0x58: {  	v55 =	vor.u32 $0xC, v4;
	v11 =	vld.idx.msk [tilespmem:v46+s17+$0x0], $0xffff  }
0x59: {  	v54 =	vor.u32 $0xC, v3;
	v13 =	vld.idx.msk [tilespmem:v48+s17+$0x0], $0xffff;
	v5 =	vadd.f32 v6, v5;
	v6 =	vmul.f32 v7, v14  }
0x5a: {  	v56 =	vor.u32 $0xD, v3;
	v7 =	vld.idx.msk [tilespmem:v49+s19+$0x0], $0xffff  }
0x5b: {  	v57 =	vor.u32 $0xD, v4;
	v58 =	vld.idx.msk [tilespmem:v52+s19+$0x0], $0xffff;
	v5 =	vadd.f32 v6, v5;
	v6 =	vmul.f32 v50, v9  }
0x5c: {  	v60 =	vor.u32 $0xE, v4;
	v15 =	vld.idx.msk [tilespmem:v51+s17+$0x0], $0xffff  }
0x5d: {  	v59 =	vor.u32 $0xE, v3;
	v61 =	vld.idx.msk [tilespmem:v55+s19+$0x0], $0xffff;
	v5 =	vadd.f32 v6, v5;
	v6 =	vmul.f32 v53, v11  }
0x5e: {  	v3 =	vor.u32 $0xF, v3;
	v12 =	vld.idx.msk [tilespmem:v54+s17+$0x0], $0xffff  }
0x5f: {  	v4 =	vor.u32 $0xF, v4;
	v62 =	vld.idx.msk [tilespmem:v56+s17+$0x0], $0xffff;
	v5 =	vadd.f32 v6, v5;
	v6 =	vmul.f32 v7, v13  }
0x60: {  	v7 =	vld.idx.msk [tilespmem:v57+s19+$0x0], $0xffff  }
0x61: {  	v63 =	vld.idx.msk [tilespmem:v60+s19+$0x0], $0xffff;
	v5 =	vadd.f32 v6, v5;
	v6 =	vmul.f32 v58, v15  }
0x62: {  	v9 =	vld.idx.msk [tilespmem:v59+s17+$0x0], $0xffff  }
0x63: {  	v3 =	vld.idx.msk [tilespmem:v3+s17+$0x0], $0xffff;
	v5 =	vadd.f32 v6, v5;
	v6 =	vmul.f32 v61, v12  }
0x64: {  	v4 =	vld.idx.msk [tilespmem:v4+s19+$0x0], $0xffff  }
0x65: {  	v5 =	vadd.f32 v6, v5;
	v6 =	vmul.f32 v7, v62;
	_ =	sdelay $0x1  }
0x66: {  	v5 =	vadd.f32 v6, v5;
	v6 =	vmul.f32 v63, v9;
	_ =	sdelay $0x1  }
0x67: {  	v3 =	vmul.f32 v4, v3;
	v5 =	vadd.f32 v6, v5;
	_ =	sdelay $0x1  }
0x68: {  	v3 =	vadd.f32 v3, v5;
	_ =	sdelay $0x1  }
0x69: {  	v3 =	vmul.f32 v3, v1;
	_ =	sdelay $0x1  }
0x6a: {  	v3 =	vadd.f32 v3, v2;
	_ =	sdelay $0x1  }
0x6b: {  	v3 =	vsub.f32 $0.0e+00, v3;
	_ =	sdelay $0x1  }
0x6c: {  	v3 =	vmul.f32 $1.442695020e+00, v3;
	_ =	sdelay $0x1  }
0x6d: {  	(erf) = vpow2.f32 v3;
	_ =	sdelay $0x8  }
0x6e: {  	v3 =	vpop (erf)  }
0x6f: {  	v3 =	vadd.f32 $1.000000000e+00, v3;
	_ =	sdelay $0x1  }
0x70: {  	(erf) = vrcp.f32 v3;
	_ =	sdelay $0x8  }
0x71: {  	s2 =	simm.s32 $0x10800;
	v3 =	vpop (erf)  }
0x72: {  	s12 =	simm.s32 $0x10;
	[tilespmem:s2+$0x0] =	vst v3  }
0x73: {  	s13 =	simm.s32 $0x210;
	v3 =	vld [tilespmem:s12+$0x0]  }
0x74: {  	s14 =	simm.s32 $0x20;
	s16 =	simm.s32 $0x10;
	v4 =	vld [tilespmem:s13+$0x0]  }
.LBB2_4:
0x75: {  	p0 =	sne.s32 s14, $0x70;
	_ =	sdelay $0x1  }
0x76: {  	v5 =	vmov s12;
	s12 =	smov.u32 s14  }
0x77: {  	v5 =	vshll.u32 v5, $0x7;
	v3 =	vshll.u32 v3, $0x4  }
0x78: {  	v5 =	vor.u32 v0, v5;
	v3 =	vand.u32 $0x70, v3;
	v4 =	vshll.u32 v4, $0x4  }
0x79: {  	v4 =	vand.u32 $0x70, v4;
	v3 =	vor.u32 v5, v3  }
0x7a: {  	v4 =	vor.u32 v5, v4  }
0x7b: {  	v5 =	vor.u32 $0x1, v3  }
0x7c: {  	v6 =	vor.u32 $0x1, v4  }
0x7d: {  	v7 =	vor.u32 $0x2, v3  }
0x7e: {  	v9 =	vor.u32 $0x2, v4;
	v8 =	vld.idx.msk [tilespmem:v3+s17+$0x0], $0xffff  }
0x7f: {  	v11 =	vor.u32 $0x3, v3;
	v10 =	vld.idx.msk [tilespmem:v4+s19+$0x0], $0xffff  }
0x80: {  	v12 =	vor.u32 $0x3, v4;
	v5 =	vld.idx.msk [tilespmem:v5+s17+$0x0], $0xffff  }
0x81: {  	v13 =	vor.u32 $0x4, v3;
	v6 =	vld.idx.msk [tilespmem:v6+s19+$0x0], $0xffff  }
0x82: {  	v14 =	vor.u32 $0x4, v4;
	v7 =	vld.idx.msk [tilespmem:v7+s17+$0x0], $0xffff  }
0x83: {  	v15 =	vor.u32 $0x5, v3;
	v9 =	vld.idx.msk [tilespmem:v9+s19+$0x0], $0xffff  }
0x84: {  	v16 =	vor.u32 $0x5, v4;
	v11 =	vld.idx.msk [tilespmem:v11+s17+$0x0], $0xffff  }
0x85: {  	v8 =	vmul.f32 v10, v8;
	v10 =	vld.idx.msk [tilespmem:v12+s19+$0x0], $0xffff;
	v12 =	vor.u32 $0x6, v3  }
0x86: {  	v17 =	vor.u32 $0x6, v4;
	v13 =	vld.idx.msk [tilespmem:v13+s17+$0x0], $0xffff  }
0x87: {  	v8 =	vadd.f32 $0.0e+00, v8;
	v5 =	vmul.f32 v6, v5;
	v6 =	vld.idx.msk [tilespmem:v14+s19+$0x0], $0xffff;
	v14 =	vor.u32 $0x7, v3  }
0x88: {  	v18 =	vor.u32 $0x7, v4;
	v15 =	vld.idx.msk [tilespmem:v15+s17+$0x0], $0xffff  }
0x89: {  	v5 =	vadd.f32 v5, v8;
	v7 =	vmul.f32 v9, v7;
	v9 =	vor.u32 $0x8, v3;
	v8 =	vld.idx.msk [tilespmem:v16+s19+$0x0], $0xffff  }
0x8a: {  	v16 =	vor.u32 $0x8, v4;
	v12 =	vld.idx.msk [tilespmem:v12+s17+$0x0], $0xffff  }
0x8b: {  	v5 =	vadd.f32 v7, v5;
	v7 =	vmul.f32 v10, v11;
	v11 =	vor.u32 $0x9, v3;
	v10 =	vld.idx.msk [tilespmem:v17+s19+$0x0], $0xffff  }
0x8c: {  	v17 =	vor.u32 $0x9, v4;
	v14 =	vld.idx.msk [tilespmem:v14+s17+$0x0], $0xffff  }
0x8d: {  	v5 =	vadd.f32 v7, v5;
	v6 =	vmul.f32 v6, v13;
	v13 =	vor.u32 $0xA, v3;
	v7 =	vld.idx.msk [tilespmem:v18+s19+$0x0], $0xffff  }
0x8e: {  	v18 =	vor.u32 $0xA, v4;
	v9 =	vld.idx.msk [tilespmem:v9+s17+$0x0], $0xffff  }
0x8f: {  	v5 =	vadd.f32 v6, v5;
	v6 =	vmul.f32 v8, v15;
	v15 =	vor.u32 $0xB, v3;
	v8 =	vld.idx.msk [tilespmem:v16+s19+$0x0], $0xffff  }
0x90: {  	v16 =	vor.u32 $0xB, v4;
	v11 =	vld.idx.msk [tilespmem:v11+s17+$0x0], $0xffff  }
0x91: {  	v5 =	vadd.f32 v6, v5;
	v6 =	vmul.f32 v10, v12;
	v12 =	vor.u32 $0xC, v3;
	v10 =	vld.idx.msk [tilespmem:v17+s19+$0x0], $0xffff  }
0x92: {  	v17 =	vor.u32 $0xC, v4;
	v13 =	vld.idx.msk [tilespmem:v13+s17+$0x0], $0xffff  }
0x93: {  	v5 =	vadd.f32 v6, v5;
	v6 =	vmul.f32 v7, v14;
	v14 =	vor.u32 $0xD, v3;
	v7 =	vld.idx.msk [tilespmem:v18+s19+$0x0], $0xffff  }
0x94: {  	v18 =	vor.u32 $0xD, v4;
	v15 =	vld.idx.msk [tilespmem:v15+s17+$0x0], $0xffff  }
0x95: {  	v5 =	vadd.f32 v6, v5;
	v6 =	vmul.f32 v8, v9;
	v9 =	vor.u32 $0xE, v3;
	v8 =	vld.idx.msk [tilespmem:v16+s19+$0x0], $0xffff  }
0x96: {  	v16 =	vor.u32 $0xE, v4;
	v12 =	vld.idx.msk [tilespmem:v12+s17+$0x0], $0xffff  }
0x97: {  	v3 =	vor.u32 $0xF, v3;
	v5 =	vadd.f32 v6, v5;
	v6 =	vmul.f32 v10, v11;
	v10 =	vld.idx.msk [tilespmem:v17+s19+$0x0], $0xffff  }
0x98: {  	v4 =	vor.u32 $0xF, v4;
	v11 =	vld.idx.msk [tilespmem:v14+s17+$0x0], $0xffff  }
0x99: {  	v5 =	vadd.f32 v6, v5;
	v6 =	vmul.f32 v7, v13;
	v7 =	vld.idx.msk [tilespmem:v18+s19+$0x0], $0xffff  }
0x9a: {  	v9 =	vld.idx.msk [tilespmem:v9+s17+$0x0], $0xffff  }
0x9b: {  	v5 =	vadd.f32 v6, v5;
	v6 =	vmul.f32 v8, v15;
	v8 =	vld.idx.msk [tilespmem:v16+s19+$0x0], $0xffff  }
0x9c: {  	v3 =	vld.idx.msk [tilespmem:v3+s17+$0x0], $0xffff  }
0x9d: {  	v5 =	vadd.f32 v6, v5;
	v6 =	vmul.f32 v10, v12;
	v4 =	vld.idx.msk [tilespmem:v4+s19+$0x0], $0xffff;
	_ =	sdelay $0x1  }
0x9e: {  	v5 =	vadd.f32 v6, v5;
	v6 =	vmul.f32 v7, v11;
	_ =	sdelay $0x1  }
0x9f: {  	v5 =	vadd.f32 v6, v5;
	v6 =	vmul.f32 v8, v9;
	_ =	sdelay $0x1  }
0xa0: {  	v5 =	vadd.f32 v6, v5;
	v3 =	vmul.f32 v4, v3;
	_ =	sdelay $0x1  }
0xa1: {  	v3 =	vadd.f32 v3, v5;
	_ =	sdelay $0x1  }
0xa2: {  	v3 =	vmul.f32 v3, v1;
	_ =	sdelay $0x1  }
0xa3: {  	v3 =	vadd.f32 v3, v2;
	_ =	sdelay $0x1  }
0xa4: {  	v3 =	vsub.f32 $0.0e+00, v3;
	_ =	sdelay $0x1  }
0xa5: {  	v3 =	vmul.f32 $1.442695020e+00, v3;
	_ =	sdelay $0x1  }
0xa6: {  	(erf) = vpow2.f32 v3;
	_ =	sdelay $0x8  }
0xa7: {  	v3 =	vpop (erf)  }
0xa8: {  	v3 =	vadd.f32 $1.000000000e+00, v3;
	_ =	sdelay $0x1  }
0xa9: {  	(erf) = vrcp.f32 v3;
	_ =	sdelay $0x7  }
.Ltmp1:
0xaa: {  	(pc) =	sbr.rel @p0 .LBB2_4-.Ltmp1, $4  }
0xab: {  	s2 =	sadd.s32 $0x10, s2;
	v3 =	vpop (erf)  }
0xac: {  	s16 =	sadd.s32 $0x10, s16;
	[tilespmem:s2+$0x0] =	vst v3  }
0xad: {  	s13 =	sadd.s32 $0x10, s13;
	v3 =	vld [tilespmem:s16+$0x0]  }
0xae: {  	s14 =	sadd.s32 $0x10, s14;
	v4 =	vld [tilespmem:s13+$0x0]  }
0xaf: {  	_ =	sdelay $0x1  }
0xb0: {  	v5 =	vmov s12  }
0xb1: {  	v5 =	vshll.u32 v5, $0x7;
	v3 =	vshll.u32 v3, $0x4  }
0xb2: {  	v5 =	vor.u32 v0, v5;
	v3 =	vand.u32 $0x70, v3;
	v4 =	vshll.u32 v4, $0x4  }
0xb3: {  	v4 =	vand.u32 $0x70, v4;
	v3 =	vor.u32 v5, v3  }
0xb4: {  	v4 =	vor.u32 v5, v4  }
0xb5: {  	v5 =	vor.u32 $0x1, v3  }
0xb6: {  	v6 =	vor.u32 $0x1, v4  }
0xb7: {  	v7 =	vor.u32 $0x2, v3  }
0xb8: {  	v9 =	vor.u32 $0x2, v4;
	v8 =	vld.idx.msk [tilespmem:v3+s17+$0x0], $0xffff  }
0xb9: {  	v11 =	vor.u32 $0x3, v3;
	v10 =	vld.idx.msk [tilespmem:v4+s19+$0x0], $0xffff  }
0xba: {  	v12 =	vor.u32 $0x3, v4;
	v5 =	vld.idx.msk [tilespmem:v5+s17+$0x0], $0xffff  }
0xbb: {  	v13 =	vor.u32 $0x4, v3;
	v6 =	vld.idx.msk [tilespmem:v6+s19+$0x0], $0xffff  }
0xbc: {  	v14 =	vor.u32 $0x4, v4;
	v7 =	vld.idx.msk [tilespmem:v7+s17+$0x0], $0xffff  }
0xbd: {  	v15 =	vor.u32 $0x5, v3;
	v9 =	vld.idx.msk [tilespmem:v9+s19+$0x0], $0xffff  }
0xbe: {  	v16 =	vor.u32 $0x5, v4;
	v11 =	vld.idx.msk [tilespmem:v11+s17+$0x0], $0xffff;
	v8 =	vmul.f32 v10, v8  }
0xbf: {  	v47 =	vor.u32 $0x6, v3;
	v46 =	vld.idx.msk [tilespmem:v12+s19+$0x0], $0xffff  }
0xc0: {  	v17 =	vor.u32 $0x6, v4;
	v13 =	vld.idx.msk [tilespmem:v13+s17+$0x0], $0xffff;
	v5 =	vmul.f32 v6, v5;
	v8 =	vadd.f32 $0.0e+00, v8  }
0xc1: {  	v48 =	vor.u32 $0x7, v3;
	v6 =	vld.idx.msk [tilespmem:v14+s19+$0x0], $0xffff  }
0xc2: {  	v18 =	vor.u32 $0x7, v4;
	v15 =	vld.idx.msk [tilespmem:v15+s17+$0x0], $0xffff;
	v7 =	vmul.f32 v9, v7;
	v5 =	vadd.f32 v5, v8  }
0xc3: {  	v51 =	vor.u32 $0x8, v4;
	v49 =	vld.idx.msk [tilespmem:v16+s19+$0x0], $0xffff  }
0xc4: {  	v50 =	vor.u32 $0x8, v3;
	v12 =	vld.idx.msk [tilespmem:v47+s17+$0x0], $0xffff;
	v5 =	vadd.f32 v7, v5;
	v7 =	vmul.f32 v46, v11  }
0xc5: {  	v54 =	vor.u32 $0x9, v4;
	v52 =	vld.idx.msk [tilespmem:v17+s19+$0x0], $0xffff  }
0xc6: {  	v53 =	vor.u32 $0x9, v3;
	v14 =	vld.idx.msk [tilespmem:v48+s17+$0x0], $0xffff;
	v6 =	vmul.f32 v6, v13;
	v5 =	vadd.f32 v7, v5  }
0xc7: {  	v55 =	vor.u32 $0xA, v3;
	v7 =	vld.idx.msk [tilespmem:v18+s19+$0x0], $0xffff  }
0xc8: {  	v56 =	vor.u32 $0xA, v4;
	v57 =	vld.idx.msk [tilespmem:v51+s19+$0x0], $0xffff;
	v5 =	vadd.f32 v6, v5;
	v6 =	vmul.f32 v49, v15  }
0xc9: {  	v59 =	vor.u32 $0xB, v4;
	v9 =	vld.idx.msk [tilespmem:v50+s17+$0x0], $0xffff  }
0xca: {  	v58 =	vor.u32 $0xB, v3;
	v60 =	vld.idx.msk [tilespmem:v54+s19+$0x0], $0xffff;
	v5 =	vadd.f32 v6, v5;
	v6 =	vmul.f32 v52, v12  }
0xcb: {  	v62 =	vor.u32 $0xC, v4;
	v11 =	vld.idx.msk [tilespmem:v53+s17+$0x0], $0xffff  }
0xcc: {  	v61 =	vor.u32 $0xC, v3;
	v13 =	vld.idx.msk [tilespmem:v55+s17+$0x0], $0xffff;
	v5 =	vadd.f32 v6, v5;
	v6 =	vmul.f32 v7, v14  }
0xcd: {  	v63 =	vor.u32 $0xD, v3;
	v7 =	vld.idx.msk [tilespmem:v56+s19+$0x0], $0xffff  }
0xce: {  	v21 =	vor.u32 $0xD, v4;
	v22 =	vld.idx.msk [tilespmem:v59+s19+$0x0], $0xffff;
	v5 =	vadd.f32 v6, v5;
	v6 =	vmul.f32 v57, v9  }
0xcf: {  	v24 =	vor.u32 $0xE, v4;
	v15 =	vld.idx.msk [tilespmem:v58+s17+$0x0], $0xffff  }
0xd0: {  	v23 =	vor.u32 $0xE, v3;
	v25 =	vld.idx.msk [tilespmem:v62+s19+$0x0], $0xffff;
	v5 =	vadd.f32 v6, v5;
	v6 =	vmul.f32 v60, v11  }
0xd1: {  	v3 =	vor.u32 $0xF, v3;
	v12 =	vld.idx.msk [tilespmem:v61+s17+$0x0], $0xffff  }
0xd2: {  	v26 =	vld.idx.msk [tilespmem:v63+s17+$0x0], $0xffff;
	v4 =	vor.u32 $0xF, v4;
	v5 =	vadd.f32 v6, v5;
	v6 =	vmul.f32 v7, v13  }
0xd3: {  	v7 =	vld.idx.msk [tilespmem:v21+s19+$0x0], $0xffff  }
0xd4: {  	v27 =	vld.idx.msk [tilespmem:v24+s19+$0x0], $0xffff;
	v5 =	vadd.f32 v6, v5;
	v6 =	vmul.f32 v22, v15  }
0xd5: {  	v9 =	vld.idx.msk [tilespmem:v23+s17+$0x0], $0xffff  }
0xd6: {  	v3 =	vld.idx.msk [tilespmem:v3+s17+$0x0], $0xffff;
	v5 =	vadd.f32 v6, v5;
	v6 =	vmul.f32 v25, v12  }
0xd7: {  	v4 =	vld.idx.msk [tilespmem:v4+s19+$0x0], $0xffff  }
0xd8: {  	v5 =	vadd.f32 v6, v5;
	v6 =	vmul.f32 v7, v26;
	_ =	sdelay $0x1  }
0xd9: {  	v5 =	vadd.f32 v6, v5;
	v6 =	vmul.f32 v27, v9;
	_ =	sdelay $0x1  }
0xda: {  	v3 =	vmul.f32 v4, v3;
	v5 =	vadd.f32 v6, v5;
	_ =	sdelay $0x1  }
0xdb: {  	v3 =	vadd.f32 v3, v5;
	_ =	sdelay $0x1  }
0xdc: {  	v3 =	vmul.f32 v3, v1;
	_ =	sdelay $0x1  }
0xdd: {  	v3 =	vadd.f32 v3, v2;
	_ =	sdelay $0x1  }
0xde: {  	v3 =	vsub.f32 $0.0e+00, v3;
	_ =	sdelay $0x1  }
0xdf: {  	v3 =	vmul.f32 $1.442695020e+00, v3;
	_ =	sdelay $0x1  }
0xe0: {  	(erf) = vpow2.f32 v3;
	_ =	sdelay $0x8  }
0xe1: {  	v3 =	vpop (erf)  }
0xe2: {  	v3 =	vadd.f32 $1.000000000e+00, v3;
	_ =	sdelay $0x1  }
0xe3: {  	(erf) = vrcp.f32 v3;
	_ =	sdelay $0x8  }
0xe4: {  	s2 =	sadd.s32 $0x10, s2;
	v3 =	vpop (erf)  }
0xe5: {  	s13 =	simm.s32 $0x80;
	[tilespmem:s2+$0x0] =	vst v3  }
0xe6: {  	[tilespmem:s17], [sflag:$0x1] =	stream.indirect.gather [hbm4b:s3+s13], $0x80, s25, s13, $0xb8;
	[tilespmem:$0x10B00] =	vst v63  }
0xe7: {  	_ = 	snop  }
0xe8: {  	[tilespmem:s19], [sflag:$0x1] =	stream.indirect.gather [hbm4b:s4+s13], $0x80, s26, s13, $0xb8;
	[tilespmem:$0x10B00] =	vst v63  }
0xe9: {  	_ =	swait.ge [sflag:s28], $0x4000  }
0xea: {  	[sflag:s28] =	ssyncset.done $0x0  }
0xeb: {  	[sflag:s28] =	ssyncadd.s32 $0xFFFFC000  }
0xec: {  	_ =	swait.ge [sflag:s28], $0x4000  }
0xed: {  	[sflag:s28] =	ssyncset.done $0x0  }
0xee: {  	[sflag:s28] =	ssyncadd.s32 $0xFFFFC000  }
0xef: {  	s14 =	simm.s32 $0x280;
	v3 =	vld [tilespmem:s13+$0x0]  }
0xf0: {  	v4 =	vld [tilespmem:s14+$0x0];
	_ =	sdelay $0x1  }
0xf1: {  	s16 =	simm.s32 $0x0  }
0xf2: {  	v5 =	vmov s16  }
0xf3: {  	v5 =	vshll.u32 v5, $0x7;
	v3 =	vshll.u32 v3, $0x4  }
0xf4: {  	v5 =	vor.u32 v0, v5;
	v4 =	vshll.u32 v4, $0x4;
	v3 =	vand.u32 $0x70, v3  }
0xf5: {  	v4 =	vand.u32 $0x70, v4;
	v3 =	vor.u32 v5, v3  }
0xf6: {  	v4 =	vor.u32 v5, v4  }
0xf7: {  	v5 =	vor.u32 $0x1, v3  }
0xf8: {  	v6 =	vor.u32 $0x1, v4  }
0xf9: {  	v7 =	vor.u32 $0x2, v3  }
0xfa: {  	v29 =	vor.u32 $0x2, v4;
	v28 =	vld.idx.msk [tilespmem:v3+s21+$0x0], $0xffff  }
0xfb: {  	v31 =	vor.u32 $0x3, v3;
	v30 =	vld.idx.msk [tilespmem:v4+s23+$0x0], $0xffff  }
0xfc: {  	v32 =	vor.u32 $0x3, v4;
	v5 =	vld.idx.msk [tilespmem:v5+s21+$0x0], $0xffff  }
0xfd: {  	v33 =	vor.u32 $0x4, v3;
	v6 =	vld.idx.msk [tilespmem:v6+s23+$0x0], $0xffff  }
0xfe: {  	v34 =	vor.u32 $0x4, v4;
	v7 =	vld.idx.msk [tilespmem:v7+s21+$0x0], $0xffff  }
0xff: {  	v35 =	vor.u32 $0x5, v3;
	v9 =	vld.idx.msk [tilespmem:v29+s23+$0x0], $0xffff  }
0x100: {  	v36 =	vor.u32 $0x5, v4;
	v11 =	vld.idx.msk [tilespmem:v31+s21+$0x0], $0xffff;
	v8 =	vmul.f32 v30, v28  }
0x101: {  	v38 =	vor.u32 $0x6, v3;
	v37 =	vld.idx.msk [tilespmem:v32+s23+$0x0], $0xffff  }
0x102: {  	v39 =	vor.u32 $0x6, v4;
	v13 =	vld.idx.msk [tilespmem:v33+s21+$0x0], $0xffff;
	v5 =	vmul.f32 v6, v5;
	v8 =	vadd.f32 $0.0e+00, v8  }
0x103: {  	v40 =	vor.u32 $0x7, v3;
	v6 =	vld.idx.msk [tilespmem:v34+s23+$0x0], $0xffff  }
0x104: {  	v41 =	vor.u32 $0x7, v4;
	v15 =	vld.idx.msk [tilespmem:v35+s21+$0x0], $0xffff;
	v7 =	vmul.f32 v9, v7;
	v5 =	vadd.f32 v5, v8  }
0x105: {  	v44 =	vor.u32 $0x8, v4;
	v42 =	vld.idx.msk [tilespmem:v36+s23+$0x0], $0xffff  }
0x106: {  	v43 =	vor.u32 $0x8, v3;
	v12 =	vld.idx.msk [tilespmem:v38+s21+$0x0], $0xffff;
	v5 =	vadd.f32 v7, v5;
	v7 =	vmul.f32 v37, v11  }
0x107: {  	v47 =	vor.u32 $0x9, v4;
	v45 =	vld.idx.msk [tilespmem:v39+s23+$0x0], $0xffff  }
0x108: {  	v46 =	vor.u32 $0x9, v3;
	v14 =	vld.idx.msk [tilespmem:v40+s21+$0x0], $0xffff;
	v6 =	vmul.f32 v6, v13;
	v5 =	vadd.f32 v7, v5  }
0x109: {  	v48 =	vor.u32 $0xA, v3;
	v7 =	vld.idx.msk [tilespmem:v41+s23+$0x0], $0xffff  }
0x10a: {  	v49 =	vor.u32 $0xA, v4;
	v50 =	vld.idx.msk [tilespmem:v44+s23+$0x0], $0xffff;
	v5 =	vadd.f32 v6, v5;
	v6 =	vmul.f32 v42, v15  }
0x10b: {  	v52 =	vor.u32 $0xB, v4;
	v9 =	vld.idx.msk [tilespmem:v43+s21+$0x0], $0xffff  }
0x10c: {  	v51 =	vor.u32 $0xB, v3;
	v53 =	vld.idx.msk [tilespmem:v47+s23+$0x0], $0xffff;
	v5 =	vadd.f32 v6, v5;
	v6 =	vmul.f32 v45, v12  }
0x10d: {  	v55 =	vor.u32 $0xC, v4;
	v11 =	vld.idx.msk [tilespmem:v46+s21+$0x0], $0xffff  }
0x10e: {  	v54 =	vor.u32 $0xC, v3;
	v13 =	vld.idx.msk [tilespmem:v48+s21+$0x0], $0xffff;
	v5 =	vadd.f32 v6, v5;
	v6 =	vmul.f32 v7, v14  }
0x10f: {  	v56 =	vor.u32 $0xD, v3;
	v7 =	vld.idx.msk [tilespmem:v49+s23+$0x0], $0xffff  }
0x110: {  	v57 =	vor.u32 $0xD, v4;
	v58 =	vld.idx.msk [tilespmem:v52+s23+$0x0], $0xffff;
	v5 =	vadd.f32 v6, v5;
	v6 =	vmul.f32 v50, v9  }
0x111: {  	v60 =	vor.u32 $0xE, v4;
	v15 =	vld.idx.msk [tilespmem:v51+s21+$0x0], $0xffff  }
0x112: {  	v59 =	vor.u32 $0xE, v3;
	v61 =	vld.idx.msk [tilespmem:v55+s23+$0x0], $0xffff;
	v5 =	vadd.f32 v6, v5;
	v6 =	vmul.f32 v53, v11  }
0x113: {  	v3 =	vor.u32 $0xF, v3;
	v12 =	vld.idx.msk [tilespmem:v54+s21+$0x0], $0xffff  }
0x114: {  	v4 =	vor.u32 $0xF, v4;
	v62 =	vld.idx.msk [tilespmem:v56+s21+$0x0], $0xffff;
	v5 =	vadd.f32 v6, v5;
	v6 =	vmul.f32 v7, v13  }
0x115: {  	v7 =	vld.idx.msk [tilespmem:v57+s23+$0x0], $0xffff  }
0x116: {  	v63 =	vld.idx.msk [tilespmem:v60+s23+$0x0], $0xffff;
	v5 =	vadd.f32 v6, v5;
	v6 =	vmul.f32 v58, v15  }
0x117: {  	v9 =	vld.idx.msk [tilespmem:v59+s21+$0x0], $0xffff  }
0x118: {  	v3 =	vld.idx.msk [tilespmem:v3+s21+$0x0], $0xffff;
	v5 =	vadd.f32 v6, v5;
	v6 =	vmul.f32 v61, v12  }
0x119: {  	v4 =	vld.idx.msk [tilespmem:v4+s23+$0x0], $0xffff  }
0x11a: {  	v5 =	vadd.f32 v6, v5;
	v6 =	vmul.f32 v7, v62;
	_ =	sdelay $0x1  }
0x11b: {  	v5 =	vadd.f32 v6, v5;
	v6 =	vmul.f32 v63, v9;
	_ =	sdelay $0x1  }
0x11c: {  	v3 =	vmul.f32 v4, v3;
	v5 =	vadd.f32 v6, v5;
	_ =	sdelay $0x1  }
0x11d: {  	v3 =	vadd.f32 v3, v5;
	_ =	sdelay $0x1  }
0x11e: {  	v3 =	vmul.f32 v3, v1;
	_ =	sdelay $0x1  }
0x11f: {  	v3 =	vadd.f32 v3, v2;
	_ =	sdelay $0x1  }
0x120: {  	v3 =	vsub.f32 $0.0e+00, v3;
	_ =	sdelay $0x1  }
0x121: {  	v3 =	vmul.f32 $1.442695020e+00, v3;
	_ =	sdelay $0x1  }
0x122: {  	(erf) = vpow2.f32 v3;
	_ =	sdelay $0x8  }
0x123: {  	v3 =	vpop (erf)  }
0x124: {  	v3 =	vadd.f32 $1.000000000e+00, v3;
	_ =	sdelay $0x1  }
0x125: {  	(erf) = vrcp.f32 v3;
	_ =	sdelay $0x8  }
0x126: {  	s2 =	simm.s32 $0x10880;
	v3 =	vpop (erf)  }
0x127: {  	s12 =	simm.s32 $0x90;
	[tilespmem:s2+$0x0] =	vst v3  }
0x128: {  	s13 =	simm.s32 $0x290;
	v3 =	vld [tilespmem:s12+$0x0]  }
0x129: {  	s16 =	simm.s32 $0x20;
	s14 =	simm.s32 $0x10;
	v4 =	vld [tilespmem:s13+$0x0]  }
.LBB2_6:
0x12a: {  	p0 =	sne.s32 s16, $0x70;
	_ =	sdelay $0x1  }
0x12b: {  	v5 =	vmov s14;
	s14 =	smov.u32 s16  }
0x12c: {  	v5 =	vshll.u32 v5, $0x7;
	v3 =	vshll.u32 v3, $0x4  }
0x12d: {  	v5 =	vor.u32 v0, v5;
	v3 =	vand.u32 $0x70, v3;
	v4 =	vshll.u32 v4, $0x4  }
0x12e: {  	v4 =	vand.u32 $0x70, v4;
	v3 =	vor.u32 v5, v3  }
0x12f: {  	v4 =	vor.u32 v5, v4  }
0x130: {  	v5 =	vor.u32 $0x1, v3  }
0x131: {  	v6 =	vor.u32 $0x1, v4  }
0x132: {  	v7 =	vor.u32 $0x2, v3  }
0x133: {  	v9 =	vor.u32 $0x2, v4;
	v8 =	vld.idx.msk [tilespmem:v3+s21+$0x0], $0xffff  }
0x134: {  	v11 =	vor.u32 $0x3, v3;
	v10 =	vld.idx.msk [tilespmem:v4+s23+$0x0], $0xffff  }
0x135: {  	v12 =	vor.u32 $0x3, v4;
	v5 =	vld.idx.msk [tilespmem:v5+s21+$0x0], $0xffff  }
0x136: {  	v13 =	vor.u32 $0x4, v3;
	v6 =	vld.idx.msk [tilespmem:v6+s23+$0x0], $0xffff  }
0x137: {  	v14 =	vor.u32 $0x4, v4;
	v7 =	vld.idx.msk [tilespmem:v7+s21+$0x0], $0xffff  }
0x138: {  	v15 =	vor.u32 $0x5, v3;
	v9 =	vld.idx.msk [tilespmem:v9+s23+$0x0], $0xffff  }
0x139: {  	v16 =	vor.u32 $0x5, v4;
	v11 =	vld.idx.msk [tilespmem:v11+s21+$0x0], $0xffff  }
0x13a: {  	v8 =	vmul.f32 v10, v8;
	v10 =	vld.idx.msk [tilespmem:v12+s23+$0x0], $0xffff;
	v12 =	vor.u32 $0x6, v3  }
0x13b: {  	v17 =	vor.u32 $0x6, v4;
	v13 =	vld.idx.msk [tilespmem:v13+s21+$0x0], $0xffff  }
0x13c: {  	v8 =	vadd.f32 $0.0e+00, v8;
	v5 =	vmul.f32 v6, v5;
	v6 =	vld.idx.msk [tilespmem:v14+s23+$0x0], $0xffff;
	v14 =	vor.u32 $0x7, v3  }
0x13d: {  	v18 =	vor.u32 $0x7, v4;
	v15 =	vld.idx.msk [tilespmem:v15+s21+$0x0], $0xffff  }
0x13e: {  	v5 =	vadd.f32 v5, v8;
	v7 =	vmul.f32 v9, v7;
	v9 =	vor.u32 $0x8, v3;
	v8 =	vld.idx.msk [tilespmem:v16+s23+$0x0], $0xffff  }
0x13f: {  	v16 =	vor.u32 $0x8, v4;
	v12 =	vld.idx.msk [tilespmem:v12+s21+$0x0], $0xffff  }
0x140: {  	v5 =	vadd.f32 v7, v5;
	v7 =	vmul.f32 v10, v11;
	v11 =	vor.u32 $0x9, v3;
	v10 =	vld.idx.msk [tilespmem:v17+s23+$0x0], $0xffff  }
0x141: {  	v17 =	vor.u32 $0x9, v4;
	v14 =	vld.idx.msk [tilespmem:v14+s21+$0x0], $0xffff  }
0x142: {  	v5 =	vadd.f32 v7, v5;
	v6 =	vmul.f32 v6, v13;
	v13 =	vor.u32 $0xA, v3;
	v7 =	vld.idx.msk [tilespmem:v18+s23+$0x0], $0xffff  }
0x143: {  	v18 =	vor.u32 $0xA, v4;
	v9 =	vld.idx.msk [tilespmem:v9+s21+$0x0], $0xffff  }
0x144: {  	v5 =	vadd.f32 v6, v5;
	v6 =	vmul.f32 v8, v15;
	v15 =	vor.u32 $0xB, v3;
	v8 =	vld.idx.msk [tilespmem:v16+s23+$0x0], $0xffff  }
0x145: {  	v16 =	vor.u32 $0xB, v4;
	v11 =	vld.idx.msk [tilespmem:v11+s21+$0x0], $0xffff  }
0x146: {  	v5 =	vadd.f32 v6, v5;
	v6 =	vmul.f32 v10, v12;
	v12 =	vor.u32 $0xC, v3;
	v10 =	vld.idx.msk [tilespmem:v17+s23+$0x0], $0xffff  }
0x147: {  	v17 =	vor.u32 $0xC, v4;
	v13 =	vld.idx.msk [tilespmem:v13+s21+$0x0], $0xffff  }
0x148: {  	v5 =	vadd.f32 v6, v5;
	v6 =	vmul.f32 v7, v14;
	v14 =	vor.u32 $0xD, v3;
	v7 =	vld.idx.msk [tilespmem:v18+s23+$0x0], $0xffff  }
0x149: {  	v18 =	vor.u32 $0xD, v4;
	v15 =	vld.idx.msk [tilespmem:v15+s21+$0x0], $0xffff  }
0x14a: {  	v5 =	vadd.f32 v6, v5;
	v6 =	vmul.f32 v8, v9;
	v9 =	vor.u32 $0xE, v3;
	v8 =	vld.idx.msk [tilespmem:v16+s23+$0x0], $0xffff  }
0x14b: {  	v16 =	vor.u32 $0xE, v4;
	v12 =	vld.idx.msk [tilespmem:v12+s21+$0x0], $0xffff  }
0x14c: {  	v3 =	vor.u32 $0xF, v3;
	v5 =	vadd.f32 v6, v5;
	v6 =	vmul.f32 v10, v11;
	v10 =	vld.idx.msk [tilespmem:v17+s23+$0x0], $0xffff  }
0x14d: {  	v4 =	vor.u32 $0xF, v4;
	v11 =	vld.idx.msk [tilespmem:v14+s21+$0x0], $0xffff  }
0x14e: {  	v5 =	vadd.f32 v6, v5;
	v6 =	vmul.f32 v7, v13;
	v7 =	vld.idx.msk [tilespmem:v18+s23+$0x0], $0xffff  }
0x14f: {  	v9 =	vld.idx.msk [tilespmem:v9+s21+$0x0], $0xffff  }
0x150: {  	v5 =	vadd.f32 v6, v5;
	v6 =	vmul.f32 v8, v15;
	v8 =	vld.idx.msk [tilespmem:v16+s23+$0x0], $0xffff  }
0x151: {  	v3 =	vld.idx.msk [tilespmem:v3+s21+$0x0], $0xffff  }
0x152: {  	v5 =	vadd.f32 v6, v5;
	v6 =	vmul.f32 v10, v12;
	v4 =	vld.idx.msk [tilespmem:v4+s23+$0x0], $0xffff;
	_ =	sdelay $0x1  }
0x153: {  	v5 =	vadd.f32 v6, v5;
	v6 =	vmul.f32 v7, v11;
	_ =	sdelay $0x1  }
0x154: {  	v5 =	vadd.f32 v6, v5;
	v6 =	vmul.f32 v8, v9;
	_ =	sdelay $0x1  }
0x155: {  	v5 =	vadd.f32 v6, v5;
	v3 =	vmul.f32 v4, v3;
	_ =	sdelay $0x1  }
0x156: {  	v3 =	vadd.f32 v3, v5;
	_ =	sdelay $0x1  }
0x157: {  	v3 =	vmul.f32 v3, v1;
	_ =	sdelay $0x1  }
0x158: {  	v3 =	vadd.f32 v3, v2;
	_ =	sdelay $0x1  }
0x159: {  	v3 =	vsub.f32 $0.0e+00, v3;
	_ =	sdelay $0x1  }
0x15a: {  	v3 =	vmul.f32 $1.442695020e+00, v3;
	_ =	sdelay $0x1  }
0x15b: {  	(erf) = vpow2.f32 v3;
	_ =	sdelay $0x8  }
0x15c: {  	v3 =	vpop (erf)  }
0x15d: {  	v3 =	vadd.f32 $1.000000000e+00, v3;
	_ =	sdelay $0x1  }
0x15e: {  	(erf) = vrcp.f32 v3;
	_ =	sdelay $0x7  }
.Ltmp2:
0x15f: {  	(pc) =	sbr.rel @p0 .LBB2_6-.Ltmp2, $4  }
0x160: {  	s2 =	sadd.s32 $0x10, s2;
	v3 =	vpop (erf)  }
0x161: {  	s12 =	sadd.s32 $0x10, s12;
	[tilespmem:s2+$0x0] =	vst v3  }
0x162: {  	s13 =	sadd.s32 $0x10, s13;
	v3 =	vld [tilespmem:s12+$0x0]  }
0x163: {  	s16 =	sadd.s32 $0x10, s16;
	v4 =	vld [tilespmem:s13+$0x0]  }
0x164: {  	_ =	sdelay $0x1  }
0x165: {  	v5 =	vmov s14  }
0x166: {  	v5 =	vshll.u32 v5, $0x7;
	v3 =	vshll.u32 v3, $0x4  }
0x167: {  	v5 =	vor.u32 v0, v5;
	v3 =	vand.u32 $0x70, v3;
	v4 =	vshll.u32 v4, $0x4  }
0x168: {  	v4 =	vand.u32 $0x70, v4;
	v3 =	vor.u32 v5, v3  }
0x169: {  	v4 =	vor.u32 v5, v4  }
0x16a: {  	v5 =	vor.u32 $0x1, v3  }
0x16b: {  	v6 =	vor.u32 $0x1, v4  }
0x16c: {  	v7 =	vor.u32 $0x2, v3  }
0x16d: {  	v9 =	vor.u32 $0x2, v4;
	v8 =	vld.idx.msk [tilespmem:v3+s21+$0x0], $0xffff  }
0x16e: {  	v11 =	vor.u32 $0x3, v3;
	v10 =	vld.idx.msk [tilespmem:v4+s23+$0x0], $0xffff  }
0x16f: {  	v12 =	vor.u32 $0x3, v4;
	v5 =	vld.idx.msk [tilespmem:v5+s21+$0x0], $0xffff  }
0x170: {  	v13 =	vor.u32 $0x4, v3;
	v6 =	vld.idx.msk [tilespmem:v6+s23+$0x0], $0xffff  }
0x171: {  	v14 =	vor.u32 $0x4, v4;
	v7 =	vld.idx.msk [tilespmem:v7+s21+$0x0], $0xffff  }
0x172: {  	v15 =	vor.u32 $0x5, v3;
	v9 =	vld.idx.msk [tilespmem:v9+s23+$0x0], $0xffff  }
0x173: {  	v16 =	vor.u32 $0x5, v4;
	v11 =	vld.idx.msk [tilespmem:v11+s21+$0x0], $0xffff;
	v8 =	vmul.f32 v10, v8  }
0x174: {  	v47 =	vor.u32 $0x6, v3;
	v46 =	vld.idx.msk [tilespmem:v12+s23+$0x0], $0xffff  }
0x175: {  	v17 =	vor.u32 $0x6, v4;
	v13 =	vld.idx.msk [tilespmem:v13+s21+$0x0], $0xffff;
	v5 =	vmul.f32 v6, v5;
	v8 =	vadd.f32 $0.0e+00, v8  }
0x176: {  	v48 =	vor.u32 $0x7, v3;
	v6 =	vld.idx.msk [tilespmem:v14+s23+$0x0], $0xffff  }
0x177: {  	v18 =	vor.u32 $0x7, v4;
	v15 =	vld.idx.msk [tilespmem:v15+s21+$0x0], $0xffff;
	v7 =	vmul.f32 v9, v7;
	v5 =	vadd.f32 v5, v8  }
0x178: {  	v51 =	vor.u32 $0x8, v4;
	v49 =	vld.idx.msk [tilespmem:v16+s23+$0x0], $0xffff  }
0x179: {  	v50 =	vor.u32 $0x8, v3;
	v12 =	vld.idx.msk [tilespmem:v47+s21+$0x0], $0xffff;
	v5 =	vadd.f32 v7, v5;
	v7 =	vmul.f32 v46, v11  }
0x17a: {  	v54 =	vor.u32 $0x9, v4;
	v52 =	vld.idx.msk [tilespmem:v17+s23+$0x0], $0xffff  }
0x17b: {  	v53 =	vor.u32 $0x9, v3;
	v14 =	vld.idx.msk [tilespmem:v48+s21+$0x0], $0xffff;
	v6 =	vmul.f32 v6, v13;
	v5 =	vadd.f32 v7, v5  }
0x17c: {  	v55 =	vor.u32 $0xA, v3;
	v7 =	vld.idx.msk [tilespmem:v18+s23+$0x0], $0xffff  }
0x17d: {  	v56 =	vor.u32 $0xA, v4;
	v57 =	vld.idx.msk [tilespmem:v51+s23+$0x0], $0xffff;
	v5 =	vadd.f32 v6, v5;
	v6 =	vmul.f32 v49, v15  }
0x17e: {  	v59 =	vor.u32 $0xB, v4;
	v9 =	vld.idx.msk [tilespmem:v50+s21+$0x0], $0xffff  }
0x17f: {  	v58 =	vor.u32 $0xB, v3;
	v60 =	vld.idx.msk [tilespmem:v54+s23+$0x0], $0xffff;
	v5 =	vadd.f32 v6, v5;
	v6 =	vmul.f32 v52, v12  }
0x180: {  	v62 =	vor.u32 $0xC, v4;
	v11 =	vld.idx.msk [tilespmem:v53+s21+$0x0], $0xffff  }
0x181: {  	v61 =	vor.u32 $0xC, v3;
	v13 =	vld.idx.msk [tilespmem:v55+s21+$0x0], $0xffff;
	v5 =	vadd.f32 v6, v5;
	v6 =	vmul.f32 v7, v14  }
0x182: {  	v63 =	vor.u32 $0xD, v3;
	v7 =	vld.idx.msk [tilespmem:v56+s23+$0x0], $0xffff  }
0x183: {  	v21 =	vor.u32 $0xD, v4;
	v22 =	vld.idx.msk [tilespmem:v59+s23+$0x0], $0xffff;
	v5 =	vadd.f32 v6, v5;
	v6 =	vmul.f32 v57, v9  }
0x184: {  	v24 =	vor.u32 $0xE, v4;
	v15 =	vld.idx.msk [tilespmem:v58+s21+$0x0], $0xffff  }
0x185: {  	v23 =	vor.u32 $0xE, v3;
	v25 =	vld.idx.msk [tilespmem:v62+s23+$0x0], $0xffff;
	v5 =	vadd.f32 v6, v5;
	v6 =	vmul.f32 v60, v11  }
0x186: {  	v3 =	vor.u32 $0xF, v3;
	v12 =	vld.idx.msk [tilespmem:v61+s21+$0x0], $0xffff  }
0x187: {  	v26 =	vld.idx.msk [tilespmem:v63+s21+$0x0], $0xffff;
	v4 =	vor.u32 $0xF, v4;
	v5 =	vadd.f32 v6, v5;
	v6 =	vmul.f32 v7, v13  }
0x188: {  	v7 =	vld.idx.msk [tilespmem:v21+s23+$0x0], $0xffff  }
0x189: {  	v27 =	vld.idx.msk [tilespmem:v24+s23+$0x0], $0xffff;
	v5 =	vadd.f32 v6, v5;
	v6 =	vmul.f32 v22, v15  }
0x18a: {  	v9 =	vld.idx.msk [tilespmem:v23+s21+$0x0], $0xffff  }
0x18b: {  	v3 =	vld.idx.msk [tilespmem:v3+s21+$0x0], $0xffff;
	v5 =	vadd.f32 v6, v5;
	v6 =	vmul.f32 v25, v12  }
0x18c: {  	v4 =	vld.idx.msk [tilespmem:v4+s23+$0x0], $0xffff  }
0x18d: {  	v5 =	vadd.f32 v6, v5;
	v6 =	vmul.f32 v7, v26;
	_ =	sdelay $0x1  }
0x18e: {  	v5 =	vadd.f32 v6, v5;
	v6 =	vmul.f32 v27, v9;
	_ =	sdelay $0x1  }
0x18f: {  	v3 =	vmul.f32 v4, v3;
	v5 =	vadd.f32 v6, v5;
	_ =	sdelay $0x1  }
0x190: {  	v3 =	vadd.f32 v3, v5;
	_ =	sdelay $0x1  }
0x191: {  	v3 =	vmul.f32 v3, v1;
	_ =	sdelay $0x1  }
0x192: {  	v3 =	vadd.f32 v3, v2;
	_ =	sdelay $0x1  }
0x193: {  	v3 =	vsub.f32 $0.0e+00, v3;
	_ =	sdelay $0x1  }
0x194: {  	v3 =	vmul.f32 $1.442695020e+00, v3;
	_ =	sdelay $0x1  }
0x195: {  	(erf) = vpow2.f32 v3;
	_ =	sdelay $0x8  }
0x196: {  	v3 =	vpop (erf)  }
0x197: {  	v3 =	vadd.f32 $1.000000000e+00, v3;
	_ =	sdelay $0x1  }
0x198: {  	(erf) = vrcp.f32 v3;
	_ =	sdelay $0x8  }
0x199: {  	s2 =	sadd.s32 $0x10, s2;
	v3 =	vpop (erf)  }
0x19a: {  	[tilespmem:s2+$0x0] =	vst v3  }
0x19b: {  	[tilespmem:s21], [sflag:$0x2] =	stream.indirect.gather [hbm4b:s3+s15], $0x80, s29, s15, $0xb8;
	[tilespmem:$0x10B00] =	vst v63  }
0x19c: {  	_ = 	snop  }
0x19d: {  	[tilespmem:s23], [sflag:$0x2] =	stream.indirect.gather [hbm4b:s4+s15], $0x80, s30, s15, $0xb8;
	[tilespmem:$0x10B00] =	vst v63  }
0x19e: {  	_ =	swait.ge [sflag:s24], $0x4000  }
0x19f: {  	[sflag:s24] =	ssyncset.done $0x0  }
0x1a0: {  	[sflag:s24] =	ssyncadd.s32 $0xFFFFC000  }
0x1a1: {  	_ =	swait.ge [sflag:s24], $0x4000  }
0x1a2: {  	[sflag:s24] =	ssyncset.done $0x0  }
0x1a3: {  	s14 =	simm.s32 $0x100;
	[sflag:s24] =	ssyncadd.s32 $0xFFFFC000  }
0x1a4: {  	s12 =	simm.s32 $0x300;
	v3 =	vld [tilespmem:s14+$0x0]  }
0x1a5: {  	v4 =	vld [tilespmem:s12+$0x0];
	_ =	sdelay $0x1  }
0x1a6: {  	s16 =	simm.s32 $0x0  }
0x1a7: {  	v5 =	vmov s16  }
0x1a8: {  	v5 =	vshll.u32 v5, $0x7;
	v3 =	vshll.u32 v3, $0x4  }
0x1a9: {  	v5 =	vor.u32 v0, v5;
	v4 =	vshll.u32 v4, $0x4;
	v3 =	vand.u32 $0x70, v3  }
0x1aa: {  	v4 =	vand.u32 $0x70, v4;
	v3 =	vor.u32 v5, v3  }
0x1ab: {  	v4 =	vor.u32 v5, v4  }
0x1ac: {  	v5 =	vor.u32 $0x1, v3  }
0x1ad: {  	v6 =	vor.u32 $0x1, v4  }
0x1ae: {  	v7 =	vor.u32 $0x2, v3  }
0x1af: {  	v29 =	vor.u32 $0x2, v4;
	v28 =	vld.idx.msk [tilespmem:v3+s17+$0x0], $0xffff  }
0x1b0: {  	v31 =	vor.u32 $0x3, v3;
	v30 =	vld.idx.msk [tilespmem:v4+s19+$0x0], $0xffff  }
0x1b1: {  	v32 =	vor.u32 $0x3, v4;
	v5 =	vld.idx.msk [tilespmem:v5+s17+$0x0], $0xffff  }
0x1b2: {  	v33 =	vor.u32 $0x4, v3;
	v6 =	vld.idx.msk [tilespmem:v6+s19+$0x0], $0xffff  }
0x1b3: {  	v34 =	vor.u32 $0x4, v4;
	v7 =	vld.idx.msk [tilespmem:v7+s17+$0x0], $0xffff  }
0x1b4: {  	v35 =	vor.u32 $0x5, v3;
	v9 =	vld.idx.msk [tilespmem:v29+s19+$0x0], $0xffff  }
0x1b5: {  	v36 =	vor.u32 $0x5, v4;
	v11 =	vld.idx.msk [tilespmem:v31+s17+$0x0], $0xffff;
	v8 =	vmul.f32 v30, v28  }
0x1b6: {  	v38 =	vor.u32 $0x6, v3;
	v37 =	vld.idx.msk [tilespmem:v32+s19+$0x0], $0xffff  }
0x1b7: {  	v39 =	vor.u32 $0x6, v4;
	v13 =	vld.idx.msk [tilespmem:v33+s17+$0x0], $0xffff;
	v5 =	vmul.f32 v6, v5;
	v8 =	vadd.f32 $0.0e+00, v8  }
0x1b8: {  	v40 =	vor.u32 $0x7, v3;
	v6 =	vld.idx.msk [tilespmem:v34+s19+$0x0], $0xffff  }
0x1b9: {  	v41 =	vor.u32 $0x7, v4;
	v15 =	vld.idx.msk [tilespmem:v35+s17+$0x0], $0xffff;
	v7 =	vmul.f32 v9, v7;
	v5 =	vadd.f32 v5, v8  }
0x1ba: {  	v44 =	vor.u32 $0x8, v4;
	v42 =	vld.idx.msk [tilespmem:v36+s19+$0x0], $0xffff  }
0x1bb: {  	v43 =	vor.u32 $0x8, v3;
	v12 =	vld.idx.msk [tilespmem:v38+s17+$0x0], $0xffff;
	v5 =	vadd.f32 v7, v5;
	v7 =	vmul.f32 v37, v11  }
0x1bc: {  	v47 =	vor.u32 $0x9, v4;
	v45 =	vld.idx.msk [tilespmem:v39+s19+$0x0], $0xffff  }
0x1bd: {  	v46 =	vor.u32 $0x9, v3;
	v14 =	vld.idx.msk [tilespmem:v40+s17+$0x0], $0xffff;
	v6 =	vmul.f32 v6, v13;
	v5 =	vadd.f32 v7, v5  }
0x1be: {  	v48 =	vor.u32 $0xA, v3;
	v7 =	vld.idx.msk [tilespmem:v41+s19+$0x0], $0xffff  }
0x1bf: {  	v49 =	vor.u32 $0xA, v4;
	v50 =	vld.idx.msk [tilespmem:v44+s19+$0x0], $0xffff;
	v5 =	vadd.f32 v6, v5;
	v6 =	vmul.f32 v42, v15  }
0x1c0: {  	v52 =	vor.u32 $0xB, v4;
	v9 =	vld.idx.msk [tilespmem:v43+s17+$0x0], $0xffff  }
0x1c1: {  	v51 =	vor.u32 $0xB, v3;
	v53 =	vld.idx.msk [tilespmem:v47+s19+$0x0], $0xffff;
	v5 =	vadd.f32 v6, v5;
	v6 =	vmul.f32 v45, v12  }
0x1c2: {  	v55 =	vor.u32 $0xC, v4;
	v11 =	vld.idx.msk [tilespmem:v46+s17+$0x0], $0xffff  }
0x1c3: {  	v54 =	vor.u32 $0xC, v3;
	v13 =	vld.idx.msk [tilespmem:v48+s17+$0x0], $0xffff;
	v5 =	vadd.f32 v6, v5;
	v6 =	vmul.f32 v7, v14  }
0x1c4: {  	v56 =	vor.u32 $0xD, v3;
	v7 =	vld.idx.msk [tilespmem:v49+s19+$0x0], $0xffff  }
0x1c5: {  	v57 =	vor.u32 $0xD, v4;
	v58 =	vld.idx.msk [tilespmem:v52+s19+$0x0], $0xffff;
	v5 =	vadd.f32 v6, v5;
	v6 =	vmul.f32 v50, v9  }
0x1c6: {  	v60 =	vor.u32 $0xE, v4;
	v15 =	vld.idx.msk [tilespmem:v51+s17+$0x0], $0xffff  }
0x1c7: {  	v59 =	vor.u32 $0xE, v3;
	v61 =	vld.idx.msk [tilespmem:v55+s19+$0x0], $0xffff;
	v5 =	vadd.f32 v6, v5;
	v6 =	vmul.f32 v53, v11  }
0x1c8: {  	v3 =	vor.u32 $0xF, v3;
	v12 =	vld.idx.msk [tilespmem:v54+s17+$0x0], $0xffff  }
0x1c9: {  	v4 =	vor.u32 $0xF, v4;
	v62 =	vld.idx.msk [tilespmem:v56+s17+$0x0], $0xffff;
	v5 =	vadd.f32 v6, v5;
	v6 =	vmul.f32 v7, v13  }
0x1ca: {  	v7 =	vld.idx.msk [tilespmem:v57+s19+$0x0], $0xffff  }
0x1cb: {  	v63 =	vld.idx.msk [tilespmem:v60+s19+$0x0], $0xffff;
	v5 =	vadd.f32 v6, v5;
	v6 =	vmul.f32 v58, v15  }
0x1cc: {  	v9 =	vld.idx.msk [tilespmem:v59+s17+$0x0], $0xffff  }
0x1cd: {  	v3 =	vld.idx.msk [tilespmem:v3+s17+$0x0], $0xffff;
	v5 =	vadd.f32 v6, v5;
	v6 =	vmul.f32 v61, v12  }
0x1ce: {  	v4 =	vld.idx.msk [tilespmem:v4+s19+$0x0], $0xffff  }
0x1cf: {  	v5 =	vadd.f32 v6, v5;
	v6 =	vmul.f32 v7, v62;
	_ =	sdelay $0x1  }
0x1d0: {  	v5 =	vadd.f32 v6, v5;
	v6 =	vmul.f32 v63, v9;
	_ =	sdelay $0x1  }
0x1d1: {  	v3 =	vmul.f32 v4, v3;
	v5 =	vadd.f32 v6, v5;
	_ =	sdelay $0x1  }
0x1d2: {  	v3 =	vadd.f32 v3, v5;
	_ =	sdelay $0x1  }
0x1d3: {  	v3 =	vmul.f32 v3, v1;
	_ =	sdelay $0x1  }
0x1d4: {  	v3 =	vadd.f32 v3, v2;
	_ =	sdelay $0x1  }
0x1d5: {  	v3 =	vsub.f32 $0.0e+00, v3;
	_ =	sdelay $0x1  }
0x1d6: {  	v3 =	vmul.f32 $1.442695020e+00, v3;
	_ =	sdelay $0x1  }
0x1d7: {  	(erf) = vpow2.f32 v3;
	_ =	sdelay $0x8  }
0x1d8: {  	v3 =	vpop (erf)  }
0x1d9: {  	v3 =	vadd.f32 $1.000000000e+00, v3;
	_ =	sdelay $0x1  }
0x1da: {  	(erf) = vrcp.f32 v3;
	_ =	sdelay $0x8  }
0x1db: {  	s2 =	simm.s32 $0x10900;
	v3 =	vpop (erf)  }
0x1dc: {  	s12 =	simm.s32 $0x110;
	[tilespmem:s2+$0x0] =	vst v3  }
0x1dd: {  	s13 =	simm.s32 $0x310;
	v3 =	vld [tilespmem:s12+$0x0]  }
0x1de: {  	s16 =	simm.s32 $0x20;
	s14 =	simm.s32 $0x10;
	v4 =	vld [tilespmem:s13+$0x0]  }
.LBB2_8:
0x1df: {  	p0 =	sne.s32 s16, $0x70;
	_ =	sdelay $0x1  }
0x1e0: {  	v5 =	vmov s14;
	s14 =	smov.u32 s16  }
0x1e1: {  	v5 =	vshll.u32 v5, $0x7;
	v3 =	vshll.u32 v3, $0x4  }
0x1e2: {  	v5 =	vor.u32 v0, v5;
	v3 =	vand.u32 $0x70, v3;
	v4 =	vshll.u32 v4, $0x4  }
0x1e3: {  	v4 =	vand.u32 $0x70, v4;
	v3 =	vor.u32 v5, v3  }
0x1e4: {  	v4 =	vor.u32 v5, v4  }
0x1e5: {  	v5 =	vor.u32 $0x1, v3  }
0x1e6: {  	v6 =	vor.u32 $0x1, v4  }
0x1e7: {  	v7 =	vor.u32 $0x2, v3  }
0x1e8: {  	v9 =	vor.u32 $0x2, v4;
	v8 =	vld.idx.msk [tilespmem:v3+s17+$0x0], $0xffff  }
0x1e9: {  	v11 =	vor.u32 $0x3, v3;
	v10 =	vld.idx.msk [tilespmem:v4+s19+$0x0], $0xffff  }
0x1ea: {  	v12 =	vor.u32 $0x3, v4;
	v5 =	vld.idx.msk [tilespmem:v5+s17+$0x0], $0xffff  }
0x1eb: {  	v13 =	vor.u32 $0x4, v3;
	v6 =	vld.idx.msk [tilespmem:v6+s19+$0x0], $0xffff  }
0x1ec: {  	v14 =	vor.u32 $0x4, v4;
	v7 =	vld.idx.msk [tilespmem:v7+s17+$0x0], $0xffff  }
0x1ed: {  	v15 =	vor.u32 $0x5, v3;
	v9 =	vld.idx.msk [tilespmem:v9+s19+$0x0], $0xffff  }
0x1ee: {  	v16 =	vor.u32 $0x5, v4;
	v11 =	vld.idx.msk [tilespmem:v11+s17+$0x0], $0xffff  }
0x1ef: {  	v8 =	vmul.f32 v10, v8;
	v10 =	vld.idx.msk [tilespmem:v12+s19+$0x0], $0xffff;
	v12 =	vor.u32 $0x6, v3  }
0x1f0: {  	v17 =	vor.u32 $0x6, v4;
	v13 =	vld.idx.msk [tilespmem:v13+s17+$0x0], $0xffff  }
0x1f1: {  	v8 =	vadd.f32 $0.0e+00, v8;
	v5 =	vmul.f32 v6, v5;
	v6 =	vld.idx.msk [tilespmem:v14+s19+$0x0], $0xffff;
	v14 =	vor.u32 $0x7, v3  }
0x1f2: {  	v18 =	vor.u32 $0x7, v4;
	v15 =	vld.idx.msk [tilespmem:v15+s17+$0x0], $0xffff  }
0x1f3: {  	v5 =	vadd.f32 v5, v8;
	v7 =	vmul.f32 v9, v7;
	v9 =	vor.u32 $0x8, v3;
	v8 =	vld.idx.msk [tilespmem:v16+s19+$0x0], $0xffff  }
0x1f4: {  	v16 =	vor.u32 $0x8, v4;
	v12 =	vld.idx.msk [tilespmem:v12+s17+$0x0], $0xffff  }
0x1f5: {  	v5 =	vadd.f32 v7, v5;
	v7 =	vmul.f32 v10, v11;
	v11 =	vor.u32 $0x9, v3;
	v10 =	vld.idx.msk [tilespmem:v17+s19+$0x0], $0xffff  }
0x1f6: {  	v17 =	vor.u32 $0x9, v4;
	v14 =	vld.idx.msk [tilespmem:v14+s17+$0x0], $0xffff  }
0x1f7: {  	v5 =	vadd.f32 v7, v5;
	v6 =	vmul.f32 v6, v13;
	v13 =	vor.u32 $0xA, v3;
	v7 =	vld.idx.msk [tilespmem:v18+s19+$0x0], $0xffff  }
0x1f8: {  	v18 =	vor.u32 $0xA, v4;
	v9 =	vld.idx.msk [tilespmem:v9+s17+$0x0], $0xffff  }
0x1f9: {  	v5 =	vadd.f32 v6, v5;
	v6 =	vmul.f32 v8, v15;
	v15 =	vor.u32 $0xB, v3;
	v8 =	vld.idx.msk [tilespmem:v16+s19+$0x0], $0xffff  }
0x1fa: {  	v16 =	vor.u32 $0xB, v4;
	v11 =	vld.idx.msk [tilespmem:v11+s17+$0x0], $0xffff  }
0x1fb: {  	v5 =	vadd.f32 v6, v5;
	v6 =	vmul.f32 v10, v12;
	v12 =	vor.u32 $0xC, v3;
	v10 =	vld.idx.msk [tilespmem:v17+s19+$0x0], $0xffff  }
0x1fc: {  	v17 =	vor.u32 $0xC, v4;
	v13 =	vld.idx.msk [tilespmem:v13+s17+$0x0], $0xffff  }
0x1fd: {  	v5 =	vadd.f32 v6, v5;
	v6 =	vmul.f32 v7, v14;
	v14 =	vor.u32 $0xD, v3;
	v7 =	vld.idx.msk [tilespmem:v18+s19+$0x0], $0xffff  }
0x1fe: {  	v18 =	vor.u32 $0xD, v4;
	v15 =	vld.idx.msk [tilespmem:v15+s17+$0x0], $0xffff  }
0x1ff: {  	v5 =	vadd.f32 v6, v5;
	v6 =	vmul.f32 v8, v9;
	v9 =	vor.u32 $0xE, v3;
	v8 =	vld.idx.msk [tilespmem:v16+s19+$0x0], $0xffff  }
0x200: {  	v16 =	vor.u32 $0xE, v4;
	v12 =	vld.idx.msk [tilespmem:v12+s17+$0x0], $0xffff  }
0x201: {  	v3 =	vor.u32 $0xF, v3;
	v5 =	vadd.f32 v6, v5;
	v6 =	vmul.f32 v10, v11;
	v10 =	vld.idx.msk [tilespmem:v17+s19+$0x0], $0xffff  }
0x202: {  	v4 =	vor.u32 $0xF, v4;
	v11 =	vld.idx.msk [tilespmem:v14+s17+$0x0], $0xffff  }
0x203: {  	v5 =	vadd.f32 v6, v5;
	v6 =	vmul.f32 v7, v13;
	v7 =	vld.idx.msk [tilespmem:v18+s19+$0x0], $0xffff  }
0x204: {  	v9 =	vld.idx.msk [tilespmem:v9+s17+$0x0], $0xffff  }
0x205: {  	v5 =	vadd.f32 v6, v5;
	v6 =	vmul.f32 v8, v15;
	v8 =	vld.idx.msk [tilespmem:v16+s19+$0x0], $0xffff  }
0x206: {  	v3 =	vld.idx.msk [tilespmem:v3+s17+$0x0], $0xffff  }
0x207: {  	v5 =	vadd.f32 v6, v5;
	v6 =	vmul.f32 v10, v12;
	v4 =	vld.idx.msk [tilespmem:v4+s19+$0x0], $0xffff;
	_ =	sdelay $0x1  }
0x208: {  	v5 =	vadd.f32 v6, v5;
	v6 =	vmul.f32 v7, v11;
	_ =	sdelay $0x1  }
0x209: {  	v5 =	vadd.f32 v6, v5;
	v6 =	vmul.f32 v8, v9;
	_ =	sdelay $0x1  }
0x20a: {  	v5 =	vadd.f32 v6, v5;
	v3 =	vmul.f32 v4, v3;
	_ =	sdelay $0x1  }
0x20b: {  	v3 =	vadd.f32 v3, v5;
	_ =	sdelay $0x1  }
0x20c: {  	v3 =	vmul.f32 v3, v1;
	_ =	sdelay $0x1  }
0x20d: {  	v3 =	vadd.f32 v3, v2;
	_ =	sdelay $0x1  }
0x20e: {  	v3 =	vsub.f32 $0.0e+00, v3;
	_ =	sdelay $0x1  }
0x20f: {  	v3 =	vmul.f32 $1.442695020e+00, v3;
	_ =	sdelay $0x1  }
0x210: {  	(erf) = vpow2.f32 v3;
	_ =	sdelay $0x8  }
0x211: {  	v3 =	vpop (erf)  }
0x212: {  	v3 =	vadd.f32 $1.000000000e+00, v3;
	_ =	sdelay $0x1  }
0x213: {  	(erf) = vrcp.f32 v3;
	_ =	sdelay $0x7  }
.Ltmp3:
0x214: {  	(pc) =	sbr.rel @p0 .LBB2_8-.Ltmp3, $4  }
0x215: {  	s2 =	sadd.s32 $0x10, s2;
	v3 =	vpop (erf)  }
0x216: {  	s12 =	sadd.s32 $0x10, s12;
	[tilespmem:s2+$0x0] =	vst v3  }
0x217: {  	s13 =	sadd.s32 $0x10, s13;
	v3 =	vld [tilespmem:s12+$0x0]  }
0x218: {  	s16 =	sadd.s32 $0x10, s16;
	v4 =	vld [tilespmem:s13+$0x0]  }
0x219: {  	_ =	sdelay $0x1  }
0x21a: {  	v5 =	vmov s14  }
0x21b: {  	v5 =	vshll.u32 v5, $0x7;
	v3 =	vshll.u32 v3, $0x4  }
0x21c: {  	v5 =	vor.u32 v0, v5;
	v3 =	vand.u32 $0x70, v3;
	v4 =	vshll.u32 v4, $0x4  }
0x21d: {  	v4 =	vand.u32 $0x70, v4;
	v3 =	vor.u32 v5, v3  }
0x21e: {  	v4 =	vor.u32 v5, v4  }
0x21f: {  	v5 =	vor.u32 $0x1, v3  }
0x220: {  	v6 =	vor.u32 $0x1, v4  }
0x221: {  	v7 =	vor.u32 $0x2, v3  }
0x222: {  	v9 =	vor.u32 $0x2, v4;
	v8 =	vld.idx.msk [tilespmem:v3+s17+$0x0], $0xffff  }
0x223: {  	v11 =	vor.u32 $0x3, v3;
	v10 =	vld.idx.msk [tilespmem:v4+s19+$0x0], $0xffff  }
0x224: {  	v12 =	vor.u32 $0x3, v4;
	v5 =	vld.idx.msk [tilespmem:v5+s17+$0x0], $0xffff  }
0x225: {  	v13 =	vor.u32 $0x4, v3;
	v6 =	vld.idx.msk [tilespmem:v6+s19+$0x0], $0xffff  }
0x226: {  	v14 =	vor.u32 $0x4, v4;
	v7 =	vld.idx.msk [tilespmem:v7+s17+$0x0], $0xffff  }
0x227: {  	v15 =	vor.u32 $0x5, v3;
	v9 =	vld.idx.msk [tilespmem:v9+s19+$0x0], $0xffff  }
0x228: {  	v16 =	vor.u32 $0x5, v4;
	v11 =	vld.idx.msk [tilespmem:v11+s17+$0x0], $0xffff;
	v8 =	vmul.f32 v10, v8  }
0x229: {  	v47 =	vor.u32 $0x6, v3;
	v46 =	vld.idx.msk [tilespmem:v12+s19+$0x0], $0xffff  }
0x22a: {  	v17 =	vor.u32 $0x6, v4;
	v13 =	vld.idx.msk [tilespmem:v13+s17+$0x0], $0xffff;
	v5 =	vmul.f32 v6, v5;
	v8 =	vadd.f32 $0.0e+00, v8  }
0x22b: {  	v48 =	vor.u32 $0x7, v3;
	v6 =	vld.idx.msk [tilespmem:v14+s19+$0x0], $0xffff  }
0x22c: {  	v18 =	vor.u32 $0x7, v4;
	v15 =	vld.idx.msk [tilespmem:v15+s17+$0x0], $0xffff;
	v7 =	vmul.f32 v9, v7;
	v5 =	vadd.f32 v5, v8  }
0x22d: {  	v51 =	vor.u32 $0x8, v4;
	v49 =	vld.idx.msk [tilespmem:v16+s19+$0x0], $0xffff  }
0x22e: {  	v50 =	vor.u32 $0x8, v3;
	v12 =	vld.idx.msk [tilespmem:v47+s17+$0x0], $0xffff;
	v5 =	vadd.f32 v7, v5;
	v7 =	vmul.f32 v46, v11  }
0x22f: {  	v54 =	vor.u32 $0x9, v4;
	v52 =	vld.idx.msk [tilespmem:v17+s19+$0x0], $0xffff  }
0x230: {  	v53 =	vor.u32 $0x9, v3;
	v14 =	vld.idx.msk [tilespmem:v48+s17+$0x0], $0xffff;
	v6 =	vmul.f32 v6, v13;
	v5 =	vadd.f32 v7, v5  }
0x231: {  	v55 =	vor.u32 $0xA, v3;
	v7 =	vld.idx.msk [tilespmem:v18+s19+$0x0], $0xffff  }
0x232: {  	v56 =	vor.u32 $0xA, v4;
	v57 =	vld.idx.msk [tilespmem:v51+s19+$0x0], $0xffff;
	v5 =	vadd.f32 v6, v5;
	v6 =	vmul.f32 v49, v15  }
0x233: {  	v59 =	vor.u32 $0xB, v4;
	v9 =	vld.idx.msk [tilespmem:v50+s17+$0x0], $0xffff  }
0x234: {  	v58 =	vor.u32 $0xB, v3;
	v60 =	vld.idx.msk [tilespmem:v54+s19+$0x0], $0xffff;
	v5 =	vadd.f32 v6, v5;
	v6 =	vmul.f32 v52, v12  }
0x235: {  	v62 =	vor.u32 $0xC, v4;
	v11 =	vld.idx.msk [tilespmem:v53+s17+$0x0], $0xffff  }
0x236: {  	v61 =	vor.u32 $0xC, v3;
	v13 =	vld.idx.msk [tilespmem:v55+s17+$0x0], $0xffff;
	v5 =	vadd.f32 v6, v5;
	v6 =	vmul.f32 v7, v14  }
0x237: {  	v63 =	vor.u32 $0xD, v3;
	v7 =	vld.idx.msk [tilespmem:v56+s19+$0x0], $0xffff  }
0x238: {  	v21 =	vor.u32 $0xD, v4;
	v22 =	vld.idx.msk [tilespmem:v59+s19+$0x0], $0xffff;
	v5 =	vadd.f32 v6, v5;
	v6 =	vmul.f32 v57, v9  }
0x239: {  	v24 =	vor.u32 $0xE, v4;
	v15 =	vld.idx.msk [tilespmem:v58+s17+$0x0], $0xffff  }
0x23a: {  	v23 =	vor.u32 $0xE, v3;
	v25 =	vld.idx.msk [tilespmem:v62+s19+$0x0], $0xffff;
	v5 =	vadd.f32 v6, v5;
	v6 =	vmul.f32 v60, v11  }
0x23b: {  	v3 =	vor.u32 $0xF, v3;
	v12 =	vld.idx.msk [tilespmem:v61+s17+$0x0], $0xffff  }
0x23c: {  	v26 =	vld.idx.msk [tilespmem:v63+s17+$0x0], $0xffff;
	v4 =	vor.u32 $0xF, v4;
	v5 =	vadd.f32 v6, v5;
	v6 =	vmul.f32 v7, v13  }
0x23d: {  	v7 =	vld.idx.msk [tilespmem:v21+s19+$0x0], $0xffff  }
0x23e: {  	v27 =	vld.idx.msk [tilespmem:v24+s19+$0x0], $0xffff;
	v5 =	vadd.f32 v6, v5;
	v6 =	vmul.f32 v22, v15  }
0x23f: {  	v9 =	vld.idx.msk [tilespmem:v23+s17+$0x0], $0xffff  }
0x240: {  	v3 =	vld.idx.msk [tilespmem:v3+s17+$0x0], $0xffff;
	v5 =	vadd.f32 v6, v5;
	v6 =	vmul.f32 v25, v12  }
0x241: {  	v4 =	vld.idx.msk [tilespmem:v4+s19+$0x0], $0xffff  }
0x242: {  	v5 =	vadd.f32 v6, v5;
	v6 =	vmul.f32 v7, v26;
	_ =	sdelay $0x1  }
0x243: {  	v5 =	vadd.f32 v6, v5;
	v6 =	vmul.f32 v27, v9;
	_ =	sdelay $0x1  }
0x244: {  	v3 =	vmul.f32 v4, v3;
	v5 =	vadd.f32 v6, v5;
	_ =	sdelay $0x1  }
0x245: {  	v3 =	vadd.f32 v3, v5;
	_ =	sdelay $0x1  }
0x246: {  	v3 =	vmul.f32 v3, v1;
	_ =	sdelay $0x1  }
0x247: {  	v3 =	vadd.f32 v3, v2;
	_ =	sdelay $0x1  }
0x248: {  	v3 =	vsub.f32 $0.0e+00, v3;
	_ =	sdelay $0x1  }
0x249: {  	v3 =	vmul.f32 $1.442695020e+00, v3;
	_ =	sdelay $0x1  }
0x24a: {  	(erf) = vpow2.f32 v3;
	_ =	sdelay $0x8  }
0x24b: {  	v3 =	vpop (erf)  }
0x24c: {  	v3 =	vadd.f32 $1.000000000e+00, v3;
	_ =	sdelay $0x1  }
0x24d: {  	(erf) = vrcp.f32 v3;
	_ =	sdelay $0x8  }
0x24e: {  	s2 =	sadd.s32 $0x10, s2;
	v3 =	vpop (erf)  }
0x24f: {  	[tilespmem:s2+$0x0] =	vst v3  }
0x250: {  	_ =	swait.ge [sflag:s28], $0x4000  }
0x251: {  	[sflag:s28] =	ssyncset.done $0x0  }
0x252: {  	[sflag:s28] =	ssyncadd.s32 $0xFFFFC000  }
0x253: {  	_ =	swait.ge [sflag:s28], $0x4000  }
0x254: {  	[sflag:s28] =	ssyncset.done $0x0  }
0x255: {  	s14 =	simm.s32 $0x180;
	[sflag:s28] =	ssyncadd.s32 $0xFFFFC000  }
0x256: {  	s12 =	simm.s32 $0x380;
	v3 =	vld [tilespmem:s14+$0x0]  }
0x257: {  	v4 =	vld [tilespmem:s12+$0x0];
	_ =	sdelay $0x1  }
0x258: {  	s16 =	simm.s32 $0x0  }
0x259: {  	v5 =	vmov s16  }
0x25a: {  	v5 =	vshll.u32 v5, $0x7;
	v3 =	vshll.u32 v3, $0x4  }
0x25b: {  	v5 =	vor.u32 v0, v5;
	v4 =	vshll.u32 v4, $0x4;
	v3 =	vand.u32 $0x70, v3  }
0x25c: {  	v4 =	vand.u32 $0x70, v4;
	v3 =	vor.u32 v5, v3  }
0x25d: {  	v4 =	vor.u32 v5, v4  }
0x25e: {  	v5 =	vor.u32 $0x1, v3  }
0x25f: {  	v6 =	vor.u32 $0x1, v4  }
0x260: {  	v7 =	vor.u32 $0x2, v3  }
0x261: {  	v29 =	vor.u32 $0x2, v4;
	v28 =	vld.idx.msk [tilespmem:v3+s21+$0x0], $0xffff  }
0x262: {  	v31 =	vor.u32 $0x3, v3;
	v30 =	vld.idx.msk [tilespmem:v4+s23+$0x0], $0xffff  }
0x263: {  	v32 =	vor.u32 $0x3, v4;
	v5 =	vld.idx.msk [tilespmem:v5+s21+$0x0], $0xffff  }
0x264: {  	v33 =	vor.u32 $0x4, v3;
	v6 =	vld.idx.msk [tilespmem:v6+s23+$0x0], $0xffff  }
0x265: {  	v34 =	vor.u32 $0x4, v4;
	v7 =	vld.idx.msk [tilespmem:v7+s21+$0x0], $0xffff  }
0x266: {  	v35 =	vor.u32 $0x5, v3;
	v9 =	vld.idx.msk [tilespmem:v29+s23+$0x0], $0xffff  }
0x267: {  	v36 =	vor.u32 $0x5, v4;
	v11 =	vld.idx.msk [tilespmem:v31+s21+$0x0], $0xffff;
	v8 =	vmul.f32 v30, v28  }
0x268: {  	v38 =	vor.u32 $0x6, v3;
	v37 =	vld.idx.msk [tilespmem:v32+s23+$0x0], $0xffff  }
0x269: {  	v39 =	vor.u32 $0x6, v4;
	v13 =	vld.idx.msk [tilespmem:v33+s21+$0x0], $0xffff;
	v5 =	vmul.f32 v6, v5;
	v8 =	vadd.f32 $0.0e+00, v8  }
0x26a: {  	v40 =	vor.u32 $0x7, v3;
	v6 =	vld.idx.msk [tilespmem:v34+s23+$0x0], $0xffff  }
0x26b: {  	v41 =	vor.u32 $0x7, v4;
	v15 =	vld.idx.msk [tilespmem:v35+s21+$0x0], $0xffff;
	v7 =	vmul.f32 v9, v7;
	v5 =	vadd.f32 v5, v8  }
0x26c: {  	v44 =	vor.u32 $0x8, v4;
	v42 =	vld.idx.msk [tilespmem:v36+s23+$0x0], $0xffff  }
0x26d: {  	v43 =	vor.u32 $0x8, v3;
	v12 =	vld.idx.msk [tilespmem:v38+s21+$0x0], $0xffff;
	v5 =	vadd.f32 v7, v5;
	v7 =	vmul.f32 v37, v11  }
0x26e: {  	v47 =	vor.u32 $0x9, v4;
	v45 =	vld.idx.msk [tilespmem:v39+s23+$0x0], $0xffff  }
0x26f: {  	v46 =	vor.u32 $0x9, v3;
	v14 =	vld.idx.msk [tilespmem:v40+s21+$0x0], $0xffff;
	v6 =	vmul.f32 v6, v13;
	v5 =	vadd.f32 v7, v5  }
0x270: {  	v48 =	vor.u32 $0xA, v3;
	v7 =	vld.idx.msk [tilespmem:v41+s23+$0x0], $0xffff  }
0x271: {  	v49 =	vor.u32 $0xA, v4;
	v50 =	vld.idx.msk [tilespmem:v44+s23+$0x0], $0xffff;
	v5 =	vadd.f32 v6, v5;
	v6 =	vmul.f32 v42, v15  }
0x272: {  	v52 =	vor.u32 $0xB, v4;
	v9 =	vld.idx.msk [tilespmem:v43+s21+$0x0], $0xffff  }
0x273: {  	v51 =	vor.u32 $0xB, v3;
	v53 =	vld.idx.msk [tilespmem:v47+s23+$0x0], $0xffff;
	v5 =	vadd.f32 v6, v5;
	v6 =	vmul.f32 v45, v12  }
0x274: {  	v55 =	vor.u32 $0xC, v4;
	v11 =	vld.idx.msk [tilespmem:v46+s21+$0x0], $0xffff  }
0x275: {  	v54 =	vor.u32 $0xC, v3;
	v13 =	vld.idx.msk [tilespmem:v48+s21+$0x0], $0xffff;
	v5 =	vadd.f32 v6, v5;
	v6 =	vmul.f32 v7, v14  }
0x276: {  	v56 =	vor.u32 $0xD, v3;
	v7 =	vld.idx.msk [tilespmem:v49+s23+$0x0], $0xffff  }
0x277: {  	v57 =	vor.u32 $0xD, v4;
	v58 =	vld.idx.msk [tilespmem:v52+s23+$0x0], $0xffff;
	v5 =	vadd.f32 v6, v5;
	v6 =	vmul.f32 v50, v9  }
0x278: {  	v60 =	vor.u32 $0xE, v4;
	v15 =	vld.idx.msk [tilespmem:v51+s21+$0x0], $0xffff  }
0x279: {  	v59 =	vor.u32 $0xE, v3;
	v61 =	vld.idx.msk [tilespmem:v55+s23+$0x0], $0xffff;
	v5 =	vadd.f32 v6, v5;
	v6 =	vmul.f32 v53, v11  }
0x27a: {  	v3 =	vor.u32 $0xF, v3;
	v12 =	vld.idx.msk [tilespmem:v54+s21+$0x0], $0xffff  }
0x27b: {  	v4 =	vor.u32 $0xF, v4;
	v62 =	vld.idx.msk [tilespmem:v56+s21+$0x0], $0xffff;
	v5 =	vadd.f32 v6, v5;
	v6 =	vmul.f32 v7, v13  }
0x27c: {  	v7 =	vld.idx.msk [tilespmem:v57+s23+$0x0], $0xffff  }
0x27d: {  	v63 =	vld.idx.msk [tilespmem:v60+s23+$0x0], $0xffff;
	v5 =	vadd.f32 v6, v5;
	v6 =	vmul.f32 v58, v15  }
0x27e: {  	v9 =	vld.idx.msk [tilespmem:v59+s21+$0x0], $0xffff  }
0x27f: {  	v3 =	vld.idx.msk [tilespmem:v3+s21+$0x0], $0xffff;
	v5 =	vadd.f32 v6, v5;
	v6 =	vmul.f32 v61, v12  }
0x280: {  	v4 =	vld.idx.msk [tilespmem:v4+s23+$0x0], $0xffff  }
0x281: {  	v5 =	vadd.f32 v6, v5;
	v6 =	vmul.f32 v7, v62;
	_ =	sdelay $0x1  }
0x282: {  	v5 =	vadd.f32 v6, v5;
	v6 =	vmul.f32 v63, v9;
	_ =	sdelay $0x1  }
0x283: {  	v3 =	vmul.f32 v4, v3;
	v5 =	vadd.f32 v6, v5;
	_ =	sdelay $0x1  }
0x284: {  	v3 =	vadd.f32 v3, v5;
	_ =	sdelay $0x1  }
0x285: {  	v3 =	vmul.f32 v3, v1;
	_ =	sdelay $0x1  }
0x286: {  	v3 =	vadd.f32 v3, v2;
	_ =	sdelay $0x1  }
0x287: {  	v3 =	vsub.f32 $0.0e+00, v3;
	_ =	sdelay $0x1  }
0x288: {  	v3 =	vmul.f32 $1.442695020e+00, v3;
	_ =	sdelay $0x1  }
0x289: {  	(erf) = vpow2.f32 v3;
	_ =	sdelay $0x8  }
0x28a: {  	v3 =	vpop (erf)  }
0x28b: {  	v3 =	vadd.f32 $1.000000000e+00, v3;
	_ =	sdelay $0x1  }
0x28c: {  	(erf) = vrcp.f32 v3;
	_ =	sdelay $0x8  }
0x28d: {  	s2 =	simm.s32 $0x10980;
	v3 =	vpop (erf)  }
0x28e: {  	s12 =	simm.s32 $0x190;
	[tilespmem:s2+$0x0] =	vst v3  }
0x28f: {  	s13 =	simm.s32 $0x390;
	v3 =	vld [tilespmem:s12+$0x0]  }
0x290: {  	s16 =	simm.s32 $0x20;
	s14 =	simm.s32 $0x10;
	v4 =	vld [tilespmem:s13+$0x0]  }
.LBB2_10:
0x291: {  	p0 =	sne.s32 s16, $0x70;
	_ =	sdelay $0x1  }
0x292: {  	v5 =	vmov s14;
	s14 =	smov.u32 s16  }
0x293: {  	v5 =	vshll.u32 v5, $0x7;
	v3 =	vshll.u32 v3, $0x4  }
0x294: {  	v5 =	vor.u32 v0, v5;
	v3 =	vand.u32 $0x70, v3;
	v4 =	vshll.u32 v4, $0x4  }
0x295: {  	v4 =	vand.u32 $0x70, v4;
	v3 =	vor.u32 v5, v3  }
0x296: {  	v4 =	vor.u32 v5, v4  }
0x297: {  	v5 =	vor.u32 $0x1, v3  }
0x298: {  	v6 =	vor.u32 $0x1, v4  }
0x299: {  	v7 =	vor.u32 $0x2, v3  }
0x29a: {  	v9 =	vor.u32 $0x2, v4;
	v8 =	vld.idx.msk [tilespmem:v3+s21+$0x0], $0xffff  }
0x29b: {  	v11 =	vor.u32 $0x3, v3;
	v10 =	vld.idx.msk [tilespmem:v4+s23+$0x0], $0xffff  }
0x29c: {  	v12 =	vor.u32 $0x3, v4;
	v5 =	vld.idx.msk [tilespmem:v5+s21+$0x0], $0xffff  }
0x29d: {  	v13 =	vor.u32 $0x4, v3;
	v6 =	vld.idx.msk [tilespmem:v6+s23+$0x0], $0xffff  }
0x29e: {  	v14 =	vor.u32 $0x4, v4;
	v7 =	vld.idx.msk [tilespmem:v7+s21+$0x0], $0xffff  }
0x29f: {  	v15 =	vor.u32 $0x5, v3;
	v9 =	vld.idx.msk [tilespmem:v9+s23+$0x0], $0xffff  }
0x2a0: {  	v16 =	vor.u32 $0x5, v4;
	v11 =	vld.idx.msk [tilespmem:v11+s21+$0x0], $0xffff  }
0x2a1: {  	v8 =	vmul.f32 v10, v8;
	v10 =	vld.idx.msk [tilespmem:v12+s23+$0x0], $0xffff;
	v12 =	vor.u32 $0x6, v3  }
0x2a2: {  	v17 =	vor.u32 $0x6, v4;
	v13 =	vld.idx.msk [tilespmem:v13+s21+$0x0], $0xffff  }
0x2a3: {  	v8 =	vadd.f32 $0.0e+00, v8;
	v5 =	vmul.f32 v6, v5;
	v6 =	vld.idx.msk [tilespmem:v14+s23+$0x0], $0xffff;
	v14 =	vor.u32 $0x7, v3  }
0x2a4: {  	v18 =	vor.u32 $0x7, v4;
	v15 =	vld.idx.msk [tilespmem:v15+s21+$0x0], $0xffff  }
0x2a5: {  	v5 =	vadd.f32 v5, v8;
	v7 =	vmul.f32 v9, v7;
	v9 =	vor.u32 $0x8, v3;
	v8 =	vld.idx.msk [tilespmem:v16+s23+$0x0], $0xffff  }
0x2a6: {  	v16 =	vor.u32 $0x8, v4;
	v12 =	vld.idx.msk [tilespmem:v12+s21+$0x0], $0xffff  }
0x2a7: {  	v5 =	vadd.f32 v7, v5;
	v7 =	vmul.f32 v10, v11;
	v11 =	vor.u32 $0x9, v3;
	v10 =	vld.idx.msk [tilespmem:v17+s23+$0x0], $0xffff  }
0x2a8: {  	v17 =	vor.u32 $0x9, v4;
	v14 =	vld.idx.msk [tilespmem:v14+s21+$0x0], $0xffff  }
0x2a9: {  	v5 =	vadd.f32 v7, v5;
	v6 =	vmul.f32 v6, v13;
	v13 =	vor.u32 $0xA, v3;
	v7 =	vld.idx.msk [tilespmem:v18+s23+$0x0], $0xffff  }
0x2aa: {  	v18 =	vor.u32 $0xA, v4;
	v9 =	vld.idx.msk [tilespmem:v9+s21+$0x0], $0xffff  }
0x2ab: {  	v5 =	vadd.f32 v6, v5;
	v6 =	vmul.f32 v8, v15;
	v15 =	vor.u32 $0xB, v3;
	v8 =	vld.idx.msk [tilespmem:v16+s23+$0x0], $0xffff  }
0x2ac: {  	v16 =	vor.u32 $0xB, v4;
	v11 =	vld.idx.msk [tilespmem:v11+s21+$0x0], $0xffff  }
0x2ad: {  	v5 =	vadd.f32 v6, v5;
	v6 =	vmul.f32 v10, v12;
	v12 =	vor.u32 $0xC, v3;
	v10 =	vld.idx.msk [tilespmem:v17+s23+$0x0], $0xffff  }
0x2ae: {  	v17 =	vor.u32 $0xC, v4;
	v13 =	vld.idx.msk [tilespmem:v13+s21+$0x0], $0xffff  }
0x2af: {  	v5 =	vadd.f32 v6, v5;
	v6 =	vmul.f32 v7, v14;
	v14 =	vor.u32 $0xD, v3;
	v7 =	vld.idx.msk [tilespmem:v18+s23+$0x0], $0xffff  }
0x2b0: {  	v18 =	vor.u32 $0xD, v4;
	v15 =	vld.idx.msk [tilespmem:v15+s21+$0x0], $0xffff  }
0x2b1: {  	v5 =	vadd.f32 v6, v5;
	v6 =	vmul.f32 v8, v9;
	v9 =	vor.u32 $0xE, v3;
	v8 =	vld.idx.msk [tilespmem:v16+s23+$0x0], $0xffff  }
0x2b2: {  	v16 =	vor.u32 $0xE, v4;
	v12 =	vld.idx.msk [tilespmem:v12+s21+$0x0], $0xffff  }
0x2b3: {  	v3 =	vor.u32 $0xF, v3;
	v5 =	vadd.f32 v6, v5;
	v6 =	vmul.f32 v10, v11;
	v10 =	vld.idx.msk [tilespmem:v17+s23+$0x0], $0xffff  }
0x2b4: {  	v4 =	vor.u32 $0xF, v4;
	v11 =	vld.idx.msk [tilespmem:v14+s21+$0x0], $0xffff  }
0x2b5: {  	v5 =	vadd.f32 v6, v5;
	v6 =	vmul.f32 v7, v13;
	v7 =	vld.idx.msk [tilespmem:v18+s23+$0x0], $0xffff  }
0x2b6: {  	v9 =	vld.idx.msk [tilespmem:v9+s21+$0x0], $0xffff  }
0x2b7: {  	v5 =	vadd.f32 v6, v5;
	v6 =	vmul.f32 v8, v15;
	v8 =	vld.idx.msk [tilespmem:v16+s23+$0x0], $0xffff  }
0x2b8: {  	v3 =	vld.idx.msk [tilespmem:v3+s21+$0x0], $0xffff  }
0x2b9: {  	v5 =	vadd.f32 v6, v5;
	v6 =	vmul.f32 v10, v12;
	v4 =	vld.idx.msk [tilespmem:v4+s23+$0x0], $0xffff;
	_ =	sdelay $0x1  }
0x2ba: {  	v5 =	vadd.f32 v6, v5;
	v6 =	vmul.f32 v7, v11;
	_ =	sdelay $0x1  }
0x2bb: {  	v5 =	vadd.f32 v6, v5;
	v6 =	vmul.f32 v8, v9;
	_ =	sdelay $0x1  }
0x2bc: {  	v5 =	vadd.f32 v6, v5;
	v3 =	vmul.f32 v4, v3;
	_ =	sdelay $0x1  }
0x2bd: {  	v3 =	vadd.f32 v3, v5;
	_ =	sdelay $0x1  }
0x2be: {  	v3 =	vmul.f32 v3, v1;
	_ =	sdelay $0x1  }
0x2bf: {  	v3 =	vadd.f32 v3, v2;
	_ =	sdelay $0x1  }
0x2c0: {  	v3 =	vsub.f32 $0.0e+00, v3;
	_ =	sdelay $0x1  }
0x2c1: {  	v3 =	vmul.f32 $1.442695020e+00, v3;
	_ =	sdelay $0x1  }
0x2c2: {  	(erf) = vpow2.f32 v3;
	_ =	sdelay $0x8  }
0x2c3: {  	v3 =	vpop (erf)  }
0x2c4: {  	v3 =	vadd.f32 $1.000000000e+00, v3;
	_ =	sdelay $0x1  }
0x2c5: {  	(erf) = vrcp.f32 v3;
	_ =	sdelay $0x7  }
.Ltmp4:
0x2c6: {  	(pc) =	sbr.rel @p0 .LBB2_10-.Ltmp4, $4  }
0x2c7: {  	s2 =	sadd.s32 $0x10, s2;
	v3 =	vpop (erf)  }
0x2c8: {  	s12 =	sadd.s32 $0x10, s12;
	[tilespmem:s2+$0x0] =	vst v3  }
0x2c9: {  	s13 =	sadd.s32 $0x10, s13;
	v3 =	vld [tilespmem:s12+$0x0]  }
0x2ca: {  	s16 =	sadd.s32 $0x10, s16;
	v4 =	vld [tilespmem:s13+$0x0]  }
0x2cb: {  	_ =	sdelay $0x1  }
0x2cc: {  	v5 =	vmov s14  }
0x2cd: {  	v5 =	vshll.u32 v5, $0x7;
	v3 =	vshll.u32 v3, $0x4  }
0x2ce: {  	v5 =	vor.u32 v0, v5;
	v3 =	vand.u32 $0x70, v3;
	v4 =	vshll.u32 v4, $0x4  }
0x2cf: {  	v4 =	vand.u32 $0x70, v4;
	v3 =	vor.u32 v5, v3  }
0x2d0: {  	v4 =	vor.u32 v5, v4  }
0x2d1: {  	v23 =	vor.u32 $0x1, v3  }
0x2d2: {  	v6 =	vor.u32 $0x1, v4  }
0x2d3: {  	v7 =	vor.u32 $0x2, v3  }
0x2d4: {  	v9 =	vor.u32 $0x2, v4;
	v8 =	vld.idx.msk [tilespmem:v3+s21+$0x0], $0xffff  }
0x2d5: {  	v11 =	vor.u32 $0x3, v3;
	v10 =	vld.idx.msk [tilespmem:v4+s23+$0x0], $0xffff  }
0x2d6: {  	v12 =	vor.u32 $0x3, v4;
	v5 =	vld.idx.msk [tilespmem:v23+s21+$0x0], $0xffff  }
0x2d7: {  	v13 =	vor.u32 $0x4, v3;
	v6 =	vld.idx.msk [tilespmem:v6+s23+$0x0], $0xffff  }
0x2d8: {  	v14 =	vor.u32 $0x4, v4;
	v7 =	vld.idx.msk [tilespmem:v7+s21+$0x0], $0xffff  }
0x2d9: {  	v15 =	vor.u32 $0x5, v3;
	v9 =	vld.idx.msk [tilespmem:v9+s23+$0x0], $0xffff  }
0x2da: {  	v16 =	vor.u32 $0x5, v4;
	v11 =	vld.idx.msk [tilespmem:v11+s21+$0x0], $0xffff;
	v8 =	vmul.f32 v10, v8  }
0x2db: {  	v25 =	vor.u32 $0x6, v3;
	v24 =	vld.idx.msk [tilespmem:v12+s23+$0x0], $0xffff  }
0x2dc: {  	v17 =	vor.u32 $0x6, v4;
	v13 =	vld.idx.msk [tilespmem:v13+s21+$0x0], $0xffff;
	v5 =	vmul.f32 v6, v5;
	v8 =	vadd.f32 $0.0e+00, v8  }
0x2dd: {  	v27 =	vor.u32 $0x7, v3;
	v26 =	vld.idx.msk [tilespmem:v14+s23+$0x0], $0xffff  }
0x2de: {  	v18 =	vor.u32 $0x7, v4;
	v15 =	vld.idx.msk [tilespmem:v15+s21+$0x0], $0xffff;
	v7 =	vmul.f32 v9, v7;
	v5 =	vadd.f32 v5, v8  }
0x2df: {  	v30 =	vor.u32 $0x8, v4;
	v28 =	vld.idx.msk [tilespmem:v16+s23+$0x0], $0xffff  }
0x2e0: {  	v29 =	vor.u32 $0x8, v3;
	v12 =	vld.idx.msk [tilespmem:v25+s21+$0x0], $0xffff;
	v31 =	vmul.f32 v24, v11;
	v5 =	vadd.f32 v7, v5  }
0x2e1: {  	v34 =	vor.u32 $0x9, v4;
	v32 =	vld.idx.msk [tilespmem:v17+s23+$0x0], $0xffff  }
0x2e2: {  	v33 =	vor.u32 $0x9, v3;
	v14 =	vld.idx.msk [tilespmem:v27+s21+$0x0], $0xffff;
	v6 =	vmul.f32 v26, v13;
	v5 =	vadd.f32 v31, v5  }
0x2e3: {  	v37 =	vor.u32 $0xA, v4;
	v35 =	vld.idx.msk [tilespmem:v18+s23+$0x0], $0xffff  }
0x2e4: {  	v36 =	vor.u32 $0xA, v3;
	v39 =	vld.idx.msk [tilespmem:v30+s23+$0x0], $0xffff;
	v38 =	vmul.f32 v28, v15;
	v5 =	vadd.f32 v6, v5  }
0x2e5: {  	v41 =	vor.u32 $0xB, v4;
	v9 =	vld.idx.msk [tilespmem:v29+s21+$0x0], $0xffff  }
0x2e6: {  	v40 =	vor.u32 $0xB, v3;
	v43 =	vld.idx.msk [tilespmem:v34+s23+$0x0], $0xffff;
	v42 =	vmul.f32 v32, v12;
	v5 =	vadd.f32 v38, v5  }
0x2e7: {  	v45 =	vor.u32 $0xC, v4;
	v11 =	vld.idx.msk [tilespmem:v33+s21+$0x0], $0xffff  }
0x2e8: {  	v44 =	vor.u32 $0xC, v3;
	v47 =	vld.idx.msk [tilespmem:v37+s23+$0x0], $0xffff;
	v46 =	vmul.f32 v35, v14;
	v5 =	vadd.f32 v42, v5  }
0x2e9: {  	v48 =	vor.u32 $0xD, v3;
	v13 =	vld.idx.msk [tilespmem:v36+s21+$0x0], $0xffff  }
0x2ea: {  	v49 =	vor.u32 $0xD, v4;
	v51 =	vld.idx.msk [tilespmem:v41+s23+$0x0], $0xffff;
	v50 =	vmul.f32 v39, v9;
	v5 =	vadd.f32 v46, v5  }
0x2eb: {  	v53 =	vor.u32 $0xE, v4;
	v15 =	vld.idx.msk [tilespmem:v40+s21+$0x0], $0xffff  }
0x2ec: {  	v52 =	vor.u32 $0xE, v3;
	v55 =	vld.idx.msk [tilespmem:v45+s23+$0x0], $0xffff;
	v54 =	vmul.f32 v43, v11;
	v5 =	vadd.f32 v50, v5  }
0x2ed: {  	v3 =	vor.u32 $0xF, v3;
	v12 =	vld.idx.msk [tilespmem:v44+s21+$0x0], $0xffff  }
0x2ee: {  	v56 =	vld.idx.msk [tilespmem:v48+s21+$0x0], $0xffff;
	v4 =	vor.u32 $0xF, v4;
	v57 =	vmul.f32 v47, v13;
	v5 =	vadd.f32 v54, v5  }
0x2ef: {  	v58 =	vld.idx.msk [tilespmem:v49+s23+$0x0], $0xffff  }
0x2f0: {  	v60 =	vld.idx.msk [tilespmem:v53+s23+$0x0], $0xffff;
	v59 =	vmul.f32 v51, v15;
	v5 =	vadd.f32 v57, v5  }
0x2f1: {  	v9 =	vld.idx.msk [tilespmem:v52+s21+$0x0], $0xffff  }
0x2f2: {  	v3 =	vld.idx.msk [tilespmem:v3+s21+$0x0], $0xffff;
	v61 =	vmul.f32 v55, v12;
	v5 =	vadd.f32 v59, v5  }
0x2f3: {  	v4 =	vld.idx.msk [tilespmem:v4+s23+$0x0], $0xffff  }
0x2f4: {  	v62 =	vmul.f32 v58, v56;
	v5 =	vadd.f32 v61, v5;
	_ =	sdelay $0x1  }
0x2f5: {  	v63 =	vmul.f32 v60, v9;
	v5 =	vadd.f32 v62, v5;
	_ =	sdelay $0x1  }
0x2f6: {  	v3 =	vmul.f32 v4, v3;
	v5 =	vadd.f32 v63, v5;
	_ =	sdelay $0x1  }
0x2f7: {  	v3 =	vadd.f32 v3, v5;
	_ =	sdelay $0x1  }
0x2f8: {  	v1 =	vmul.f32 v3, v1;
	_ =	sdelay $0x1  }
0x2f9: {  	v1 =	vadd.f32 v1, v2;
	_ =	sdelay $0x1  }
0x2fa: {  	v1 =	vsub.f32 $0.0e+00, v1;
	_ =	sdelay $0x1  }
0x2fb: {  	v1 =	vmul.f32 $1.442695020e+00, v1;
	_ =	sdelay $0x1  }
0x2fc: {  	(erf) = vpow2.f32 v1;
	_ =	sdelay $0x8  }
0x2fd: {  	v1 =	vpop (erf)  }
0x2fe: {  	v1 =	vadd.f32 $1.000000000e+00, v1;
	_ =	sdelay $0x1  }
0x2ff: {  	(erf) = vrcp.f32 v1;
	_ =	sdelay $0x7  }
0x300: {  	s0 =	sadd.s32 $0x1, s0  }
0x301: {  	s2 =	sadd.s32 $0x10, s2;
	p0 =	sne.s32 s0, s10;
	v1 =	vpop (erf)  }
.Ltmp5:
0x302: {  	[tilespmem:s2+$0x0] =	vst v1;
	(pc) =	sbr.rel @p0 .LBB2_1-.Ltmp5, $4  }
0x303: {  	[hbm4b:s9+s1] =	stream.linear.scatter [tilespmem:s31], [sflag:$0x3], $0x200, $0x38;
	[tilespmem:$0x10B00] =	vst v63  }
0x304: {  	_ =	swait.ge [sflag:s11], $0x200  }
0x305: {  	[sflag:s11] =	ssyncset.done $0x0  }
0x306: {  	[sflag:s11] =	ssyncadd.s32 $0xFFFFFE00  }
0x307: {  	_ =	sfence.sel $0x180000  }
0x308: {  	[bflag:$0x0] =	sbarrier.arrive $0xFFFF  }
0x309: {  	_ =	strace $0x9000004A  }
0x30a: {  	s0 =	stileid.u32;
	[bflag:$0x2] =	sbarrier.arrive $0xFFFF  }
0x30b: {  	p0 =	sne.s32 s0, $0x0;
	s0 =	rddreg [dreg:$0x4]  }
0x30c: {  	s0 =	sadd.s32 @!p0 $0x100000, s0  }
0x30d: {  	[sflag:s0] =	ssyncadd.tile.s32 @!p0 $0x1;
	_ =	shalt  }
.Lfunc_end2:
_tile_overlayer_lowered:
.L_overlay_start_2:
0x30e: {  	(tag) =	ssettag $0x2  }
0x30f: {  	s0 =	rddreg [dreg:$0x0];
	s2 =	stileid.u32  }
0x310: {  	s1 =	rddreg [dreg:$0x1];
	p0 =	sne.s32 s2, $0x0  }
0x311: {  	s3 =	rddreg [dreg:$0x2];
	[bflag:$0x3] =	sbarrier.arrive $0xFFFF;
	s2 =	simm.s32 @!p0 $0x1C03  }
0x312: {  	[timem:s3], [sflag:s2] =	dma.local @!p0 [hbm:s0], s1  }
0x313: {  	s0 =	simm.s32 @!p0 $0x3  }
0x314: {  	_ =	swait.ge @!p0 [sflag:s0], s1  }
0x315: {  	s1 =	ssub.s32 @!p0 $0x0, s1;
	[sflag:s0] =	ssyncset.done @!p0 $0x0  }
0x316: {  	[sflag:s0] =	ssyncadd.s32 @!p0 s1  }
0x317: {  	[bflag:$0x3] =	sbarrier.arrive $0xFFFF  }
0x318: {  	_ =	shalt  }

</sc_bundles>
